<compile_context>
chip_gen: v7x
topology: tpu7x:2x2x1
jax: 0.10.2.dev20260603
libtpu: 0.0.44.dev20260713+nightly
codegen_flags: <defaults>
</compile_context>

<pallas_src>
import functools
import math

import jax
import jax.numpy as jnp
from jax import lax
from jax.experimental import pallas as pl
from jax.experimental.pallas import tpu as pltpu
from jax.experimental.pallas import tpu_sc as plsc

L = 16
NC = 2
NS = 16
K = 128



def _mm_body(x_ref, w_ref, b_ref, o_ref):
    o_ref[...] = lax.dot_general(
        x_ref[...], w_ref[...], (((1,), (1,)), ((), ())),
        preferred_element_type=jnp.float32) + b_ref[0]


def _linear_halves(x, W, b2, n_blk):
    n, d_in = x.shape
    d_out = W.shape[0]
    h = d_out // 2
    nb = n // n_blk
    return pl.pallas_call(
        _mm_body,
        grid=(nb, 2),
        in_specs=[
            pl.BlockSpec((n_blk, d_in), lambda i, c: (i, 0)),
            pl.BlockSpec((h, d_in), lambda i, c: (c, 0)),
            pl.BlockSpec((1, 1, h), lambda i, c: (c, 0, 0)),
        ],
        out_specs=pl.BlockSpec((n_blk, h), lambda i, c: (c * nb + i, 0)),
        out_shape=jax.ShapeDtypeStruct((2 * n, h), jnp.float32),
    )(x, W, b2)



def _make_scatter(n, h, nch, rpw):
    nq = n // rpw
    zpt = math.ceil(nq / NS)
    mesh = plsc.VectorSubcoreMesh(core_axis_name="c", subcore_axis_name="s",
                                  num_cores=NC, num_subcores=NS)

    @functools.partial(
        pl.kernel,
        out_type=jax.ShapeDtypeStruct((n, 2 * h), jnp.float32),
        mesh=mesh,
        scratch_types=[
            pltpu.VMEM_SHARED((n, h), jnp.float32),
            pltpu.VMEM((nch, K), jnp.int32),
            pltpu.VMEM((nch, K), jnp.int32),
            pltpu.VMEM((nch, K), jnp.float32),
            pltpu.VMEM((K, h), jnp.float32),
            pltpu.SemaphoreType.DMA,
        ],
    )
    def scatter(sup_hbm, cols_hbm, rows_hbm, w_hbm, out_hbm,
                acc, col_v, row_v, w_v, msg, sem):
        stg = msg.at[pl.ds(0, rpw)]
        c = lax.axis_index("c")
        s = lax.axis_index("s")

        pltpu.sync_copy(cols_hbm.at[c, s], col_v)
        pltpu.sync_copy(rows_hbm.at[s], row_v)
        pltpu.sync_copy(w_hbm.at[s], w_v)

        def zrow(i, _):
            for u in range(h // L):
                stg[i, pl.ds(u * L, L)] = jnp.zeros((L,), jnp.float32)
            return 0
        lax.fori_loop(0, rpw, zrow, 0)
        for z in range(zpt):
            q = z * NS + s

            @pl.when(q < nq)
            def _():
                pltpu.sync_copy(stg, acc.at[pl.ds(q * rpw, rpw)])
        plsc.subcore_barrier()

        def edge_chunk(j, _):
            pltpu.async_copy(sup_hbm.at[col_v.at[j]], msg, sem).wait()

            def scale16(g, _):
                wv = w_v[j, pl.ds(g * L, L)]
                for kk in range(L):
                    w = wv[kk]
                    k = g * L + kk
                    for u in range(h // L):
                        sl = pl.ds(u * L, L)
                        msg[k, sl] = w * msg[k, sl]
                return 0
            lax.fori_loop(0, K // L, scale16, 0)
            pltpu.sync_copy(msg, acc.at[row_v.at[j]], add=True)
            return 0
        lax.fori_loop(0, nch, edge_chunk, 0)
        plsc.subcore_barrier()

        for z in range(zpt):
            q = z * NS + s

            @pl.when(q < nq)
            def _():
                r0 = q * rpw
                pltpu.sync_copy(acc.at[pl.ds(r0, rpw)], stg)

                def relu_row(i, _):
                    for u in range(h // L):
                        sl = pl.ds(u * L, L)
                        stg[i, sl] = jnp.maximum(stg[i, sl], 0.0)
                    return 0
                lax.fori_loop(0, rpw, relu_row, 0)
                pltpu.sync_copy(stg, out_hbm.at[pl.ds(r0, rpw),
                                                pl.ds(c * h, h)])

    return scatter



def kernel(x, edge_index, edge_weight, W, b):
    n, d_in = x.shape
    d_out = W.shape[0]
    h = d_out // 2
    e = edge_index.shape[1]

    ept = math.ceil(e / (NS * K)) * K
    nch = ept // K
    e_pad = NS * ept
    pad = e_pad - e

    row = jnp.pad(edge_index[0], (0, pad))
    col = jnp.pad(edge_index[1], (0, pad))
    w = jnp.pad(edge_weight, (0, pad))

    cols2 = jnp.stack([col, col + n]).reshape(NC, NS, nch, K)
    rows3 = row.reshape(NS, nch, K)
    w3 = w.reshape(NS, nch, K)

    support = _linear_halves(x, W, b.reshape(2, 1, h), n_blk=1000)
    scatter = _make_scatter(n, h, nch, rpw=80)
    return scatter(support, cols2, rows3, w3)

# --- scband reference (transcript-rebuilt; emitter-appended) ---
"""Pipeline reference for scband-gcnlayer-st-51986284151429 (READ-ONLY COPY).

The authoritative reference and input builder live on the scoring server;
editing this copy changes nothing except your own understanding.
"""

import jax, jax.numpy as jnp
import numpy as np
import math

N = 10000
E = 160000
D_IN = 256
D_OUT = 256

def setup_inputs(seed: int = 0) -> dict:
    key = jax.random.key(seed)
    k1, k2, k3, k4, k5 = jax.random.split(key, 5)
    x = jax.random.normal(k1, (N, D_IN), dtype=jnp.float32)
    edge_index = jax.random.randint(k2, (2, E), 0, N, dtype=jnp.int32)
    edge_weight = jax.random.uniform(k3, (E,), dtype=jnp.float32)
    stdv = 1.0 / math.sqrt(D_OUT)
    W = jax.random.uniform(k4, (D_OUT, D_IN), dtype=jnp.float32, minval=-stdv, maxval=stdv)
    b_bound = 1.0 / math.sqrt(D_IN)
    b = jax.random.uniform(k5, (D_OUT,), dtype=jnp.float32, minval=-b_bound, maxval=b_bound)
    return {"x": x, "edge_index": edge_index, "edge_weight": edge_weight, "W": W, "b": b}

def reference(x, edge_index, edge_weight, W, b):
    # support = self.linear(x)
    support = x @ W.T + b
    # spmm_scatter: out[row] += edge_weight * support[col]
    row = edge_index[0]
    col = edge_index[1]
    msg = edge_weight[:, None] * jnp.take(support, col, axis=0)
    out = jnp.zeros((x.shape[0], W.shape[0]), dtype=support.dtype).at[row].add(msg)
    # norm=None, activation='relu', residual=None, dropout=None
    out = jax.nn.relu(out)
    return out

if __name__ == "__main__":
    import jax
    _d = setup_inputs()
    print(jax.jit(kernel)(*tuple(_d.values())))

</pallas_src>

<mosaic_0001>
#map = affine_map<(d0, d1) -> (0, 0)>
#map1 = affine_map<(d0, d1) -> (0, 0, 0, 0)>
#map2 = affine_map<(d0, d1) -> (0, 0, 0)>
module attributes {stable_mosaic.version = 14 : i64} {
  func.func @scatter(%arg0: i32, %arg1: i32, %arg2: memref<20000x128xf32, #tpu.memory_space<hbm>>, %arg3: memref<2x16x79x128xi32, #tpu.memory_space<hbm>>, %arg4: memref<16x79x128xi32, #tpu.memory_space<hbm>>, %arg5: memref<16x79x128xf32, #tpu.memory_space<hbm>>, %arg6: memref<10000x256xf32, #tpu.memory_space<hbm>>, %arg7: memref<10000x128xf32, #tpu.memory_space<vmem_shared>>, %arg8: memref<79x128xi32, #tpu.memory_space<vmem>>, %arg9: memref<79x128xi32, #tpu.memory_space<vmem>>, %arg10: memref<79x128xf32, #tpu.memory_space<vmem>>, %arg11: memref<128x128xf32, #tpu.memory_space<vmem>>, %arg12: memref<!tpu.dma_semaphore, #tpu.memory_space<semaphore_mem>>) attributes {dimension_semantics = [#tpu.dimension_semantics<core_parallel>, #tpu.dimension_semantics<subcore_parallel>], iteration_bounds = array<i64: 2, 16>, scalar_prefetch = 0 : i64, scratch_operands = 6 : i64, tpu.core_type = #tpu.core_type<sc_vector_subcore>, window_params = [{transform_indices = #map}, {transform_indices = #map1}, {transform_indices = #map2}, {transform_indices = #map2}, {transform_indices = #map}]} {
    "tpu.region"() ({
      %run_scoped3A = tpu.sem_alloc : memref<!tpu.dma_semaphore, #tpu.memory_space<semaphore_mem>>
      %dma_start3A = arith.constant 0 : i32
      %dma_start3A_122 = arith.constant 0 : i32
      %dma_start3A_123 = tpu.memref_slice %arg3[%arg0, %arg1, %dma_start3A, %dma_start3A_122] : memref<2x16x79x128xi32, #tpu.memory_space<hbm>> -> memref<1x1x79x128xi32, #tpu.memory_space<hbm>>
      %dma_start3A_124 = tpu.memref_squeeze %dma_start3A_123 : memref<1x1x79x128xi32, #tpu.memory_space<hbm>> -> memref<79x128xi32, #tpu.memory_space<hbm>>
      %dma_start3A_125 = arith.constant 0 : i32
      %dma_start3A_126 = arith.constant 0 : i32
      %dma_start3A_127 = tpu.memref_slice %arg3[%arg0, %arg1, %dma_start3A_125, %dma_start3A_126] : memref<2x16x79x128xi32, #tpu.memory_space<hbm>> -> memref<1x1x79x128xi32, #tpu.memory_space<hbm>>
      %dma_start3A_128 = tpu.memref_squeeze %dma_start3A_127 : memref<1x1x79x128xi32, #tpu.memory_space<hbm>> -> memref<79x128xi32, #tpu.memory_space<hbm>>
      tpu.enqueue_dma source(%dma_start3A_128 : memref<79x128xi32, #tpu.memory_space<hbm>>) target(%arg8 : memref<79x128xi32, #tpu.memory_space<vmem>>) target_semaphore(%run_scoped3A : memref<!tpu.dma_semaphore, #tpu.memory_space<semaphore_mem>>)
      %dma_wait3A = arith.constant 0 : i32
      %dma_wait3A_129 = arith.constant 0 : i32
      %dma_wait3A_130 = tpu.memref_slice %arg3[%arg0, %arg1, %dma_wait3A, %dma_wait3A_129] : memref<2x16x79x128xi32, #tpu.memory_space<hbm>> -> memref<1x1x79x128xi32, #tpu.memory_space<hbm>>
      %dma_wait3A_131 = tpu.memref_squeeze %dma_wait3A_130 : memref<1x1x79x128xi32, #tpu.memory_space<hbm>> -> memref<79x128xi32, #tpu.memory_space<hbm>>
      %dma_wait3A_132 = arith.constant 0 : i32
      %dma_wait3A_133 = arith.constant 0 : i32
      %dma_wait3A_134 = tpu.memref_slice %arg3[%arg0, %arg1, %dma_wait3A_132, %dma_wait3A_133] : memref<2x16x79x128xi32, #tpu.memory_space<hbm>> -> memref<1x1x79x128xi32, #tpu.memory_space<hbm>>
      %dma_wait3A_135 = tpu.memref_squeeze %dma_wait3A_134 : memref<1x1x79x128xi32, #tpu.memory_space<hbm>> -> memref<79x128xi32, #tpu.memory_space<hbm>>
      tpu.wait_dma2 semaphore(%run_scoped3A : memref<!tpu.dma_semaphore, #tpu.memory_space<semaphore_mem>>) src(%dma_wait3A_135 : memref<79x128xi32, #tpu.memory_space<hbm>>) dst(%arg8 : memref<79x128xi32, #tpu.memory_space<vmem>>)
      tpu.yield
    }) : () -> ()
    "tpu.region"() ({
      %run_scoped3A = tpu.sem_alloc : memref<!tpu.dma_semaphore, #tpu.memory_space<semaphore_mem>>
      %dma_start3A = arith.constant 0 : i32
      %dma_start3A_122 = arith.constant 0 : i32
      %dma_start3A_123 = tpu.memref_slice %arg4[%arg1, %dma_start3A, %dma_start3A_122] : memref<16x79x128xi32, #tpu.memory_space<hbm>> -> memref<1x79x128xi32, #tpu.memory_space<hbm>>
      %dma_start3A_124 = tpu.memref_squeeze %dma_start3A_123 : memref<1x79x128xi32, #tpu.memory_space<hbm>> -> memref<79x128xi32, #tpu.memory_space<hbm>>
      %dma_start3A_125 = arith.constant 0 : i32
      %dma_start3A_126 = arith.constant 0 : i32
      %dma_start3A_127 = tpu.memref_slice %arg4[%arg1, %dma_start3A_125, %dma_start3A_126] : memref<16x79x128xi32, #tpu.memory_space<hbm>> -> memref<1x79x128xi32, #tpu.memory_space<hbm>>
      %dma_start3A_128 = tpu.memref_squeeze %dma_start3A_127 : memref<1x79x128xi32, #tpu.memory_space<hbm>> -> memref<79x128xi32, #tpu.memory_space<hbm>>
      tpu.enqueue_dma source(%dma_start3A_128 : memref<79x128xi32, #tpu.memory_space<hbm>>) target(%arg9 : memref<79x128xi32, #tpu.memory_space<vmem>>) target_semaphore(%run_scoped3A : memref<!tpu.dma_semaphore, #tpu.memory_space<semaphore_mem>>)
      %dma_wait3A = arith.constant 0 : i32
      %dma_wait3A_129 = arith.constant 0 : i32
      %dma_wait3A_130 = tpu.memref_slice %arg4[%arg1, %dma_wait3A, %dma_wait3A_129] : memref<16x79x128xi32, #tpu.memory_space<hbm>> -> memref<1x79x128xi32, #tpu.memory_space<hbm>>
      %dma_wait3A_131 = tpu.memref_squeeze %dma_wait3A_130 : memref<1x79x128xi32, #tpu.memory_space<hbm>> -> memref<79x128xi32, #tpu.memory_space<hbm>>
      %dma_wait3A_132 = arith.constant 0 : i32
      %dma_wait3A_133 = arith.constant 0 : i32
      %dma_wait3A_134 = tpu.memref_slice %arg4[%arg1, %dma_wait3A_132, %dma_wait3A_133] : memref<16x79x128xi32, #tpu.memory_space<hbm>> -> memref<1x79x128xi32, #tpu.memory_space<hbm>>
      %dma_wait3A_135 = tpu.memref_squeeze %dma_wait3A_134 : memref<1x79x128xi32, #tpu.memory_space<hbm>> -> memref<79x128xi32, #tpu.memory_space<hbm>>
      tpu.wait_dma2 semaphore(%run_scoped3A : memref<!tpu.dma_semaphore, #tpu.memory_space<semaphore_mem>>) src(%dma_wait3A_135 : memref<79x128xi32, #tpu.memory_space<hbm>>) dst(%arg9 : memref<79x128xi32, #tpu.memory_space<vmem>>)
      tpu.yield
    }) : () -> ()
    "tpu.region"() ({
      %run_scoped3A = tpu.sem_alloc : memref<!tpu.dma_semaphore, #tpu.memory_space<semaphore_mem>>
      %dma_start3A = arith.constant 0 : i32
      %dma_start3A_122 = arith.constant 0 : i32
      %dma_start3A_123 = tpu.memref_slice %arg5[%arg1, %dma_start3A, %dma_start3A_122] : memref<16x79x128xf32, #tpu.memory_space<hbm>> -> memref<1x79x128xf32, #tpu.memory_space<hbm>>
      %dma_start3A_124 = tpu.memref_squeeze %dma_start3A_123 : memref<1x79x128xf32, #tpu.memory_space<hbm>> -> memref<79x128xf32, #tpu.memory_space<hbm>>
      %dma_start3A_125 = arith.constant 0 : i32
      %dma_start3A_126 = arith.constant 0 : i32
      %dma_start3A_127 = tpu.memref_slice %arg5[%arg1, %dma_start3A_125, %dma_start3A_126] : memref<16x79x128xf32, #tpu.memory_space<hbm>> -> memref<1x79x128xf32, #tpu.memory_space<hbm>>
      %dma_start3A_128 = tpu.memref_squeeze %dma_start3A_127 : memref<1x79x128xf32, #tpu.memory_space<hbm>> -> memref<79x128xf32, #tpu.memory_space<hbm>>
      tpu.enqueue_dma source(%dma_start3A_128 : memref<79x128xf32, #tpu.memory_space<hbm>>) target(%arg10 : memref<79x128xf32, #tpu.memory_space<vmem>>) target_semaphore(%run_scoped3A : memref<!tpu.dma_semaphore, #tpu.memory_space<semaphore_mem>>)
      %dma_wait3A = arith.constant 0 : i32
      %dma_wait3A_129 = arith.constant 0 : i32
      %dma_wait3A_130 = tpu.memref_slice %arg5[%arg1, %dma_wait3A, %dma_wait3A_129] : memref<16x79x128xf32, #tpu.memory_space<hbm>> -> memref<1x79x128xf32, #tpu.memory_space<hbm>>
      %dma_wait3A_131 = tpu.memref_squeeze %dma_wait3A_130 : memref<1x79x128xf32, #tpu.memory_space<hbm>> -> memref<79x128xf32, #tpu.memory_space<hbm>>
      %dma_wait3A_132 = arith.constant 0 : i32
      %dma_wait3A_133 = arith.constant 0 : i32
      %dma_wait3A_134 = tpu.memref_slice %arg5[%arg1, %dma_wait3A_132, %dma_wait3A_133] : memref<16x79x128xf32, #tpu.memory_space<hbm>> -> memref<1x79x128xf32, #tpu.memory_space<hbm>>
      %dma_wait3A_135 = tpu.memref_squeeze %dma_wait3A_134 : memref<1x79x128xf32, #tpu.memory_space<hbm>> -> memref<79x128xf32, #tpu.memory_space<hbm>>
      tpu.wait_dma2 semaphore(%run_scoped3A : memref<!tpu.dma_semaphore, #tpu.memory_space<semaphore_mem>>) src(%dma_wait3A_135 : memref<79x128xf32, #tpu.memory_space<hbm>>) dst(%arg10 : memref<79x128xf32, #tpu.memory_space<vmem>>)
      tpu.yield
    }) : () -> ()
    %scan3A = arith.constant 0 : i32
    %scan3A_0 = arith.constant 0 : i32
    %scan3A_1 = arith.constant 80 : i32
    %scan3A_2 = arith.addi %scan3A_0, %scan3A_1 : i32
    %scan3A_3 = arith.constant 1 : i32
    %scan3A_4 = scf.for %scan3A_122 = %scan3A_0 to %scan3A_2 step %scan3A_3 iter_args(%scan3A_123 = %scan3A) -> (i32)  : i32 {
      %broadcast_in_dim3A = arith.constant 0.000000e+00 : f32
      %broadcast_in_dim3A_124 = vector.broadcast %broadcast_in_dim3A : f32 to vector<16xf32>
      %swap3A = arith.constant 0 : i32
      %swap3A_125 = arith.constant 0 : i32
      %swap3A_126 = tpu.memref_slice %arg11[%swap3A, %swap3A_125] : memref<128x128xf32, #tpu.memory_space<vmem>> -> memref<80x128xf32, #tpu.memory_space<vmem>>
      %swap3A_127 = arith.index_cast %scan3A_122 : i32 to index
      %swap3A_128 = arith.constant 0 : index
      %swap3A_129 = tpu.vector_load %swap3A_126[%swap3A_127, %swap3A_128] {strides = array<i32>} : memref<80x128xf32, #tpu.memory_space<vmem>>, vector<1x16xf32>,
      %swap3A_130 = vector.shape_cast %swap3A_129 : vector<1x16xf32> to vector<16xf32>
      %swap3A_131 = vector.shape_cast %broadcast_in_dim3A_124 : vector<16xf32> to vector<1x16xf32>
      tpu.vector_store %swap3A_126[%swap3A_127, %swap3A_128], %swap3A_131 {strides = array<i32>} : memref<80x128xf32, #tpu.memory_space<vmem>>, vector<1x16xf32>,
      %broadcast_in_dim3A_132 = arith.constant 0.000000e+00 : f32
      %broadcast_in_dim3A_133 = vector.broadcast %broadcast_in_dim3A_132 : f32 to vector<16xf32>
      %swap3A_134 = arith.constant 0 : i32
      %swap3A_135 = arith.constant 0 : i32
      %swap3A_136 = tpu.memref_slice %arg11[%swap3A_134, %swap3A_135] : memref<128x128xf32, #tpu.memory_space<vmem>> -> memref<80x128xf32, #tpu.memory_space<vmem>>
      %swap3A_137 = arith.index_cast %scan3A_122 : i32 to index
      %swap3A_138 = arith.constant 16 : index
      %swap3A_139 = tpu.vector_load %swap3A_136[%swap3A_137, %swap3A_138] {strides = array<i32>} : memref<80x128xf32, #tpu.memory_space<vmem>>, vector<1x16xf32>,
      %swap3A_140 = vector.shape_cast %swap3A_139 : vector<1x16xf32> to vector<16xf32>
      %swap3A_141 = vector.shape_cast %broadcast_in_dim3A_133 : vector<16xf32> to vector<1x16xf32>
      tpu.vector_store %swap3A_136[%swap3A_137, %swap3A_138], %swap3A_141 {strides = array<i32>} : memref<80x128xf32, #tpu.memory_space<vmem>>, vector<1x16xf32>,
      %broadcast_in_dim3A_142 = arith.constant 0.000000e+00 : f32
      %broadcast_in_dim3A_143 = vector.broadcast %broadcast_in_dim3A_142 : f32 to vector<16xf32>
      %swap3A_144 = arith.constant 0 : i32
      %swap3A_145 = arith.constant 0 : i32
      %swap3A_146 = tpu.memref_slice %arg11[%swap3A_144, %swap3A_145] : memref<128x128xf32, #tpu.memory_space<vmem>> -> memref<80x128xf32, #tpu.memory_space<vmem>>
      %swap3A_147 = arith.index_cast %scan3A_122 : i32 to index
      %swap3A_148 = arith.constant 32 : index
      %swap3A_149 = tpu.vector_load %swap3A_146[%swap3A_147, %swap3A_148] {strides = array<i32>} : memref<80x128xf32, #tpu.memory_space<vmem>>, vector<1x16xf32>,
      %swap3A_150 = vector.shape_cast %swap3A_149 : vector<1x16xf32> to vector<16xf32>
      %swap3A_151 = vector.shape_cast %broadcast_in_dim3A_143 : vector<16xf32> to vector<1x16xf32>
      tpu.vector_store %swap3A_146[%swap3A_147, %swap3A_148], %swap3A_151 {strides = array<i32>} : memref<80x128xf32, #tpu.memory_space<vmem>>, vector<1x16xf32>,
      %broadcast_in_dim3A_152 = arith.constant 0.000000e+00 : f32
      %broadcast_in_dim3A_153 = vector.broadcast %broadcast_in_dim3A_152 : f32 to vector<16xf32>
      %swap3A_154 = arith.constant 0 : i32
      %swap3A_155 = arith.constant 0 : i32
      %swap3A_156 = tpu.memref_slice %arg11[%swap3A_154, %swap3A_155] : memref<128x128xf32, #tpu.memory_space<vmem>> -> memref<80x128xf32, #tpu.memory_space<vmem>>
      %swap3A_157 = arith.index_cast %scan3A_122 : i32 to index
      %swap3A_158 = arith.constant 48 : index
      %swap3A_159 = tpu.vector_load %swap3A_156[%swap3A_157, %swap3A_158] {strides = array<i32>} : memref<80x128xf32, #tpu.memory_space<vmem>>, vector<1x16xf32>,
      %swap3A_160 = vector.shape_cast %swap3A_159 : vector<1x16xf32> to vector<16xf32>
      %swap3A_161 = vector.shape_cast %broadcast_in_dim3A_153 : vector<16xf32> to vector<1x16xf32>
      tpu.vector_store %swap3A_156[%swap3A_157, %swap3A_158], %swap3A_161 {strides = array<i32>} : memref<80x128xf32, #tpu.memory_space<vmem>>, vector<1x16xf32>,
      %broadcast_in_dim3A_162 = arith.constant 0.000000e+00 : f32
      %broadcast_in_dim3A_163 = vector.broadcast %broadcast_in_dim3A_162 : f32 to vector<16xf32>
      %swap3A_164 = arith.constant 0 : i32
      %swap3A_165 = arith.constant 0 : i32
      %swap3A_166 = tpu.memref_slice %arg11[%swap3A_164, %swap3A_165] : memref<128x128xf32, #tpu.memory_space<vmem>> -> memref<80x128xf32, #tpu.memory_space<vmem>>
      %swap3A_167 = arith.index_cast %scan3A_122 : i32 to index
      %swap3A_168 = arith.constant 64 : index
      %swap3A_169 = tpu.vector_load %swap3A_166[%swap3A_167, %swap3A_168] {strides = array<i32>} : memref<80x128xf32, #tpu.memory_space<vmem>>, vector<1x16xf32>,
      %swap3A_170 = vector.shape_cast %swap3A_169 : vector<1x16xf32> to vector<16xf32>
      %swap3A_171 = vector.shape_cast %broadcast_in_dim3A_163 : vector<16xf32> to vector<1x16xf32>
      tpu.vector_store %swap3A_166[%swap3A_167, %swap3A_168], %swap3A_171 {strides = array<i32>} : memref<80x128xf32, #tpu.memory_space<vmem>>, vector<1x16xf32>,
      %broadcast_in_dim3A_172 = arith.constant 0.000000e+00 : f32
      %broadcast_in_dim3A_173 = vector.broadcast %broadcast_in_dim3A_172 : f32 to vector<16xf32>
      %swap3A_174 = arith.constant 0 : i32
      %swap3A_175 = arith.constant 0 : i32
      %swap3A_176 = tpu.memref_slice %arg11[%swap3A_174, %swap3A_175] : memref<128x128xf32, #tpu.memory_space<vmem>> -> memref<80x128xf32, #tpu.memory_space<vmem>>
      %swap3A_177 = arith.index_cast %scan3A_122 : i32 to index
      %swap3A_178 = arith.constant 80 : index
      %swap3A_179 = tpu.vector_load %swap3A_176[%swap3A_177, %swap3A_178] {strides = array<i32>} : memref<80x128xf32, #tpu.memory_space<vmem>>, vector<1x16xf32>,
      %swap3A_180 = vector.shape_cast %swap3A_179 : vector<1x16xf32> to vector<16xf32>
      %swap3A_181 = vector.shape_cast %broadcast_in_dim3A_173 : vector<16xf32> to vector<1x16xf32>
      tpu.vector_store %swap3A_176[%swap3A_177, %swap3A_178], %swap3A_181 {strides = array<i32>} : memref<80x128xf32, #tpu.memory_space<vmem>>, vector<1x16xf32>,
      %broadcast_in_dim3A_182 = arith.constant 0.000000e+00 : f32
      %broadcast_in_dim3A_183 = vector.broadcast %broadcast_in_dim3A_182 : f32 to vector<16xf32>
      %swap3A_184 = arith.constant 0 : i32
      %swap3A_185 = arith.constant 0 : i32
      %swap3A_186 = tpu.memref_slice %arg11[%swap3A_184, %swap3A_185] : memref<128x128xf32, #tpu.memory_space<vmem>> -> memref<80x128xf32, #tpu.memory_space<vmem>>
      %swap3A_187 = arith.index_cast %scan3A_122 : i32 to index
      %swap3A_188 = arith.constant 96 : index
      %swap3A_189 = tpu.vector_load %swap3A_186[%swap3A_187, %swap3A_188] {strides = array<i32>} : memref<80x128xf32, #tpu.memory_space<vmem>>, vector<1x16xf32>,
      %swap3A_190 = vector.shape_cast %swap3A_189 : vector<1x16xf32> to vector<16xf32>
      %swap3A_191 = vector.shape_cast %broadcast_in_dim3A_183 : vector<16xf32> to vector<1x16xf32>
      tpu.vector_store %swap3A_186[%swap3A_187, %swap3A_188], %swap3A_191 {strides = array<i32>} : memref<80x128xf32, #tpu.memory_space<vmem>>, vector<1x16xf32>,
      %broadcast_in_dim3A_192 = arith.constant 0.000000e+00 : f32
      %broadcast_in_dim3A_193 = vector.broadcast %broadcast_in_dim3A_192 : f32 to vector<16xf32>
      %swap3A_194 = arith.constant 0 : i32
      %swap3A_195 = arith.constant 0 : i32
      %swap3A_196 = tpu.memref_slice %arg11[%swap3A_194, %swap3A_195] : memref<128x128xf32, #tpu.memory_space<vmem>> -> memref<80x128xf32, #tpu.memory_space<vmem>>
      %swap3A_197 = arith.index_cast %scan3A_122 : i32 to index
      %swap3A_198 = arith.constant 112 : index
      %swap3A_199 = tpu.vector_load %swap3A_196[%swap3A_197, %swap3A_198] {strides = array<i32>} : memref<80x128xf32, #tpu.memory_space<vmem>>, vector<1x16xf32>,
      %swap3A_200 = vector.shape_cast %swap3A_199 : vector<1x16xf32> to vector<16xf32>
      %swap3A_201 = vector.shape_cast %broadcast_in_dim3A_193 : vector<16xf32> to vector<1x16xf32>
      tpu.vector_store %swap3A_196[%swap3A_197, %swap3A_198], %swap3A_201 {strides = array<i32>} : memref<80x128xf32, #tpu.memory_space<vmem>>, vector<1x16xf32>,
      %scan3A_202 = arith.constant 0 : i32
      scf.yield %scan3A_202 : i32
    }
    %scan3A_5 = arith.constant 80 : i32
    %add3A = arith.constant 0 : i32
    %add3A_6 = arith.addi %add3A, %arg1 : i32
    %lt3A = arith.constant 125 : i32
    %lt3A_7 = arith.cmpi slt, %add3A_6, %lt3A : i32
    %convert_element_type3A = arith.extui %lt3A_7 : i1 to i32
    %cond3A = arith.constant 0 : i32
    %cond3A_8 = arith.cmpi ne, %convert_element_type3A, %cond3A : i32
    scf.if %cond3A_8 {
      %mul3A = arith.constant 80 : i32
      %mul3A_122 = arith.muli %add3A_6, %mul3A : i32
      "tpu.region"() ({
        %run_scoped3A = tpu.sem_alloc : memref<!tpu.dma_semaphore, #tpu.memory_space<semaphore_mem>>
        %dma_start3A = arith.constant 0 : i32
        %dma_start3A_123 = arith.constant 0 : i32
        %dma_start3A_124 = tpu.memref_slice %arg11[%dma_start3A, %dma_start3A_123] : memref<128x128xf32, #tpu.memory_space<vmem>> -> memref<80x128xf32, #tpu.memory_space<vmem>>
        %dma_start3A_125 = arith.constant 0 : i32
        %dma_start3A_126 = tpu.memref_slice %arg7[%mul3A_122, %dma_start3A_125] : memref<10000x128xf32, #tpu.memory_space<vmem_shared>> -> memref<80x128xf32, #tpu.memory_space<vmem_shared>>
        %dma_start3A_127 = arith.constant 0 : i32
        %dma_start3A_128 = tpu.memref_slice %arg7[%mul3A_122, %dma_start3A_127] : memref<10000x128xf32, #tpu.memory_space<vmem_shared>> -> memref<80x128xf32, #tpu.memory_space<vmem_shared>>
        %dma_start3A_129 = arith.constant 0 : i32
        %dma_start3A_130 = arith.constant 0 : i32
        %dma_start3A_131 = tpu.memref_slice %arg11[%dma_start3A_129, %dma_start3A_130] : memref<128x128xf32, #tpu.memory_space<vmem>> -> memref<80x128xf32, #tpu.memory_space<vmem>>
        tpu.enqueue_dma source(%dma_start3A_131 : memref<80x128xf32, #tpu.memory_space<vmem>>) target(%dma_start3A_128 : memref<80x128xf32, #tpu.memory_space<vmem_shared>>) target_semaphore(%run_scoped3A : memref<!tpu.dma_semaphore, #tpu.memory_space<semaphore_mem>>)
        %dma_wait3A = arith.constant 0 : i32
        %dma_wait3A_132 = arith.constant 0 : i32
        %dma_wait3A_133 = tpu.memref_slice %arg11[%dma_wait3A, %dma_wait3A_132] : memref<128x128xf32, #tpu.memory_space<vmem>> -> memref<80x128xf32, #tpu.memory_space<vmem>>
        %dma_wait3A_134 = arith.constant 0 : i32
        %dma_wait3A_135 = tpu.memref_slice %arg7[%mul3A_122, %dma_wait3A_134] : memref<10000x128xf32, #tpu.memory_space<vmem_shared>> -> memref<80x128xf32, #tpu.memory_space<vmem_shared>>
        %dma_wait3A_136 = arith.constant 0 : i32
        %dma_wait3A_137 = tpu.memref_slice %arg7[%mul3A_122, %dma_wait3A_136] : memref<10000x128xf32, #tpu.memory_space<vmem_shared>> -> memref<80x128xf32, #tpu.memory_space<vmem_shared>>
        %dma_wait3A_138 = arith.constant 0 : i32
        %dma_wait3A_139 = arith.constant 0 : i32
        %dma_wait3A_140 = tpu.memref_slice %arg11[%dma_wait3A_138, %dma_wait3A_139] : memref<128x128xf32, #tpu.memory_space<vmem>> -> memref<80x128xf32, #tpu.memory_space<vmem>>
        tpu.wait_dma2 semaphore(%run_scoped3A : memref<!tpu.dma_semaphore, #tpu.memory_space<semaphore_mem>>) src(%dma_wait3A_140 : memref<80x128xf32, #tpu.memory_space<vmem>>) dst(%dma_wait3A_137 : memref<80x128xf32, #tpu.memory_space<vmem_shared>>)
        tpu.yield
      }) : () -> ()
    } else {
    }
    %add3A_9 = arith.constant 16 : i32
    %add3A_10 = arith.addi %add3A_9, %arg1 : i32
    %lt3A_11 = arith.constant 125 : i32
    %lt3A_12 = arith.cmpi slt, %add3A_10, %lt3A_11 : i32
    %convert_element_type3A_13 = arith.extui %lt3A_12 : i1 to i32
    %cond3A_14 = arith.constant 0 : i32
    %cond3A_15 = arith.cmpi ne, %convert_element_type3A_13, %cond3A_14 : i32
    scf.if %cond3A_15 {
      %mul3A = arith.constant 80 : i32
      %mul3A_122 = arith.muli %add3A_10, %mul3A : i32
      "tpu.region"() ({
        %run_scoped3A = tpu.sem_alloc : memref<!tpu.dma_semaphore, #tpu.memory_space<semaphore_mem>>
        %dma_start3A = arith.constant 0 : i32
        %dma_start3A_123 = arith.constant 0 : i32
        %dma_start3A_124 = tpu.memref_slice %arg11[%dma_start3A, %dma_start3A_123] : memref<128x128xf32, #tpu.memory_space<vmem>> -> memref<80x128xf32, #tpu.memory_space<vmem>>
        %dma_start3A_125 = arith.constant 0 : i32
        %dma_start3A_126 = tpu.memref_slice %arg7[%mul3A_122, %dma_start3A_125] : memref<10000x128xf32, #tpu.memory_space<vmem_shared>> -> memref<80x128xf32, #tpu.memory_space<vmem_shared>>
        %dma_start3A_127 = arith.constant 0 : i32
        %dma_start3A_128 = tpu.memref_slice %arg7[%mul3A_122, %dma_start3A_127] : memref<10000x128xf32, #tpu.memory_space<vmem_shared>> -> memref<80x128xf32, #tpu.memory_space<vmem_shared>>
        %dma_start3A_129 = arith.constant 0 : i32
        %dma_start3A_130 = arith.constant 0 : i32
        %dma_start3A_131 = tpu.memref_slice %arg11[%dma_start3A_129, %dma_start3A_130] : memref<128x128xf32, #tpu.memory_space<vmem>> -> memref<80x128xf32, #tpu.memory_space<vmem>>
        tpu.enqueue_dma source(%dma_start3A_131 : memref<80x128xf32, #tpu.memory_space<vmem>>) target(%dma_start3A_128 : memref<80x128xf32, #tpu.memory_space<vmem_shared>>) target_semaphore(%run_scoped3A : memref<!tpu.dma_semaphore, #tpu.memory_space<semaphore_mem>>)
        %dma_wait3A = arith.constant 0 : i32
        %dma_wait3A_132 = arith.constant 0 : i32
        %dma_wait3A_133 = tpu.memref_slice %arg11[%dma_wait3A, %dma_wait3A_132] : memref<128x128xf32, #tpu.memory_space<vmem>> -> memref<80x128xf32, #tpu.memory_space<vmem>>
        %dma_wait3A_134 = arith.constant 0 : i32
        %dma_wait3A_135 = tpu.memref_slice %arg7[%mul3A_122, %dma_wait3A_134] : memref<10000x128xf32, #tpu.memory_space<vmem_shared>> -> memref<80x128xf32, #tpu.memory_space<vmem_shared>>
        %dma_wait3A_136 = arith.constant 0 : i32
        %dma_wait3A_137 = tpu.memref_slice %arg7[%mul3A_122, %dma_wait3A_136] : memref<10000x128xf32, #tpu.memory_space<vmem_shared>> -> memref<80x128xf32, #tpu.memory_space<vmem_shared>>
        %dma_wait3A_138 = arith.constant 0 : i32
        %dma_wait3A_139 = arith.constant 0 : i32
        %dma_wait3A_140 = tpu.memref_slice %arg11[%dma_wait3A_138, %dma_wait3A_139] : memref<128x128xf32, #tpu.memory_space<vmem>> -> memref<80x128xf32, #tpu.memory_space<vmem>>
        tpu.wait_dma2 semaphore(%run_scoped3A : memref<!tpu.dma_semaphore, #tpu.memory_space<semaphore_mem>>) src(%dma_wait3A_140 : memref<80x128xf32, #tpu.memory_space<vmem>>) dst(%dma_wait3A_137 : memref<80x128xf32, #tpu.memory_space<vmem_shared>>)
        tpu.yield
      }) : () -> ()
    } else {
    }
    %add3A_16 = arith.constant 32 : i32
    %add3A_17 = arith.addi %add3A_16, %arg1 : i32
    %lt3A_18 = arith.constant 125 : i32
    %lt3A_19 = arith.cmpi slt, %add3A_17, %lt3A_18 : i32
    %convert_element_type3A_20 = arith.extui %lt3A_19 : i1 to i32
    %cond3A_21 = arith.constant 0 : i32
    %cond3A_22 = arith.cmpi ne, %convert_element_type3A_20, %cond3A_21 : i32
    scf.if %cond3A_22 {
      %mul3A = arith.constant 80 : i32
      %mul3A_122 = arith.muli %add3A_17, %mul3A : i32
      "tpu.region"() ({
        %run_scoped3A = tpu.sem_alloc : memref<!tpu.dma_semaphore, #tpu.memory_space<semaphore_mem>>
        %dma_start3A = arith.constant 0 : i32
        %dma_start3A_123 = arith.constant 0 : i32
        %dma_start3A_124 = tpu.memref_slice %arg11[%dma_start3A, %dma_start3A_123] : memref<128x128xf32, #tpu.memory_space<vmem>> -> memref<80x128xf32, #tpu.memory_space<vmem>>
        %dma_start3A_125 = arith.constant 0 : i32
        %dma_start3A_126 = tpu.memref_slice %arg7[%mul3A_122, %dma_start3A_125] : memref<10000x128xf32, #tpu.memory_space<vmem_shared>> -> memref<80x128xf32, #tpu.memory_space<vmem_shared>>
        %dma_start3A_127 = arith.constant 0 : i32
        %dma_start3A_128 = tpu.memref_slice %arg7[%mul3A_122, %dma_start3A_127] : memref<10000x128xf32, #tpu.memory_space<vmem_shared>> -> memref<80x128xf32, #tpu.memory_space<vmem_shared>>
        %dma_start3A_129 = arith.constant 0 : i32
        %dma_start3A_130 = arith.constant 0 : i32
        %dma_start3A_131 = tpu.memref_slice %arg11[%dma_start3A_129, %dma_start3A_130] : memref<128x128xf32, #tpu.memory_space<vmem>> -> memref<80x128xf32, #tpu.memory_space<vmem>>
        tpu.enqueue_dma source(%dma_start3A_131 : memref<80x128xf32, #tpu.memory_space<vmem>>) target(%dma_start3A_128 : memref<80x128xf32, #tpu.memory_space<vmem_shared>>) target_semaphore(%run_scoped3A : memref<!tpu.dma_semaphore, #tpu.memory_space<semaphore_mem>>)
        %dma_wait3A = arith.constant 0 : i32
        %dma_wait3A_132 = arith.constant 0 : i32
        %dma_wait3A_133 = tpu.memref_slice %arg11[%dma_wait3A, %dma_wait3A_132] : memref<128x128xf32, #tpu.memory_space<vmem>> -> memref<80x128xf32, #tpu.memory_space<vmem>>
        %dma_wait3A_134 = arith.constant 0 : i32
        %dma_wait3A_135 = tpu.memref_slice %arg7[%mul3A_122, %dma_wait3A_134] : memref<10000x128xf32, #tpu.memory_space<vmem_shared>> -> memref<80x128xf32, #tpu.memory_space<vmem_shared>>
        %dma_wait3A_136 = arith.constant 0 : i32
        %dma_wait3A_137 = tpu.memref_slice %arg7[%mul3A_122, %dma_wait3A_136] : memref<10000x128xf32, #tpu.memory_space<vmem_shared>> -> memref<80x128xf32, #tpu.memory_space<vmem_shared>>
        %dma_wait3A_138 = arith.constant 0 : i32
        %dma_wait3A_139 = arith.constant 0 : i32
        %dma_wait3A_140 = tpu.memref_slice %arg11[%dma_wait3A_138, %dma_wait3A_139] : memref<128x128xf32, #tpu.memory_space<vmem>> -> memref<80x128xf32, #tpu.memory_space<vmem>>
        tpu.wait_dma2 semaphore(%run_scoped3A : memref<!tpu.dma_semaphore, #tpu.memory_space<semaphore_mem>>) src(%dma_wait3A_140 : memref<80x128xf32, #tpu.memory_space<vmem>>) dst(%dma_wait3A_137 : memref<80x128xf32, #tpu.memory_space<vmem_shared>>)
        tpu.yield
      }) : () -> ()
    } else {
    }
    %add3A_23 = arith.constant 48 : i32
    %add3A_24 = arith.addi %add3A_23, %arg1 : i32
    %lt3A_25 = arith.constant 125 : i32
    %lt3A_26 = arith.cmpi slt, %add3A_24, %lt3A_25 : i32
    %convert_element_type3A_27 = arith.extui %lt3A_26 : i1 to i32
    %cond3A_28 = arith.constant 0 : i32
    %cond3A_29 = arith.cmpi ne, %convert_element_type3A_27, %cond3A_28 : i32
    scf.if %cond3A_29 {
      %mul3A = arith.constant 80 : i32
      %mul3A_122 = arith.muli %add3A_24, %mul3A : i32
      "tpu.region"() ({
        %run_scoped3A = tpu.sem_alloc : memref<!tpu.dma_semaphore, #tpu.memory_space<semaphore_mem>>
        %dma_start3A = arith.constant 0 : i32
        %dma_start3A_123 = arith.constant 0 : i32
        %dma_start3A_124 = tpu.memref_slice %arg11[%dma_start3A, %dma_start3A_123] : memref<128x128xf32, #tpu.memory_space<vmem>> -> memref<80x128xf32, #tpu.memory_space<vmem>>
        %dma_start3A_125 = arith.constant 0 : i32
        %dma_start3A_126 = tpu.memref_slice %arg7[%mul3A_122, %dma_start3A_125] : memref<10000x128xf32, #tpu.memory_space<vmem_shared>> -> memref<80x128xf32, #tpu.memory_space<vmem_shared>>
        %dma_start3A_127 = arith.constant 0 : i32
        %dma_start3A_128 = tpu.memref_slice %arg7[%mul3A_122, %dma_start3A_127] : memref<10000x128xf32, #tpu.memory_space<vmem_shared>> -> memref<80x128xf32, #tpu.memory_space<vmem_shared>>
        %dma_start3A_129 = arith.constant 0 : i32
        %dma_start3A_130 = arith.constant 0 : i32
        %dma_start3A_131 = tpu.memref_slice %arg11[%dma_start3A_129, %dma_start3A_130] : memref<128x128xf32, #tpu.memory_space<vmem>> -> memref<80x128xf32, #tpu.memory_space<vmem>>
        tpu.enqueue_dma source(%dma_start3A_131 : memref<80x128xf32, #tpu.memory_space<vmem>>) target(%dma_start3A_128 : memref<80x128xf32, #tpu.memory_space<vmem_shared>>) target_semaphore(%run_scoped3A : memref<!tpu.dma_semaphore, #tpu.memory_space<semaphore_mem>>)
        %dma_wait3A = arith.constant 0 : i32
        %dma_wait3A_132 = arith.constant 0 : i32
        %dma_wait3A_133 = tpu.memref_slice %arg11[%dma_wait3A, %dma_wait3A_132] : memref<128x128xf32, #tpu.memory_space<vmem>> -> memref<80x128xf32, #tpu.memory_space<vmem>>
        %dma_wait3A_134 = arith.constant 0 : i32
        %dma_wait3A_135 = tpu.memref_slice %arg7[%mul3A_122, %dma_wait3A_134] : memref<10000x128xf32, #tpu.memory_space<vmem_shared>> -> memref<80x128xf32, #tpu.memory_space<vmem_shared>>
        %dma_wait3A_136 = arith.constant 0 : i32
        %dma_wait3A_137 = tpu.memref_slice %arg7[%mul3A_122, %dma_wait3A_136] : memref<10000x128xf32, #tpu.memory_space<vmem_shared>> -> memref<80x128xf32, #tpu.memory_space<vmem_shared>>
        %dma_wait3A_138 = arith.constant 0 : i32
        %dma_wait3A_139 = arith.constant 0 : i32
        %dma_wait3A_140 = tpu.memref_slice %arg11[%dma_wait3A_138, %dma_wait3A_139] : memref<128x128xf32, #tpu.memory_space<vmem>> -> memref<80x128xf32, #tpu.memory_space<vmem>>
        tpu.wait_dma2 semaphore(%run_scoped3A : memref<!tpu.dma_semaphore, #tpu.memory_space<semaphore_mem>>) src(%dma_wait3A_140 : memref<80x128xf32, #tpu.memory_space<vmem>>) dst(%dma_wait3A_137 : memref<80x128xf32, #tpu.memory_space<vmem_shared>>)
        tpu.yield
      }) : () -> ()
    } else {
    }
    %add3A_30 = arith.constant 64 : i32
    %add3A_31 = arith.addi %add3A_30, %arg1 : i32
    %lt3A_32 = arith.constant 125 : i32
    %lt3A_33 = arith.cmpi slt, %add3A_31, %lt3A_32 : i32
    %convert_element_type3A_34 = arith.extui %lt3A_33 : i1 to i32
    %cond3A_35 = arith.constant 0 : i32
    %cond3A_36 = arith.cmpi ne, %convert_element_type3A_34, %cond3A_35 : i32
    scf.if %cond3A_36 {
      %mul3A = arith.constant 80 : i32
      %mul3A_122 = arith.muli %add3A_31, %mul3A : i32
      "tpu.region"() ({
        %run_scoped3A = tpu.sem_alloc : memref<!tpu.dma_semaphore, #tpu.memory_space<semaphore_mem>>
        %dma_start3A = arith.constant 0 : i32
        %dma_start3A_123 = arith.constant 0 : i32
        %dma_start3A_124 = tpu.memref_slice %arg11[%dma_start3A, %dma_start3A_123] : memref<128x128xf32, #tpu.memory_space<vmem>> -> memref<80x128xf32, #tpu.memory_space<vmem>>
        %dma_start3A_125 = arith.constant 0 : i32
        %dma_start3A_126 = tpu.memref_slice %arg7[%mul3A_122, %dma_start3A_125] : memref<10000x128xf32, #tpu.memory_space<vmem_shared>> -> memref<80x128xf32, #tpu.memory_space<vmem_shared>>
        %dma_start3A_127 = arith.constant 0 : i32
        %dma_start3A_128 = tpu.memref_slice %arg7[%mul3A_122, %dma_start3A_127] : memref<10000x128xf32, #tpu.memory_space<vmem_shared>> -> memref<80x128xf32, #tpu.memory_space<vmem_shared>>
        %dma_start3A_129 = arith.constant 0 : i32
        %dma_start3A_130 = arith.constant 0 : i32
        %dma_start3A_131 = tpu.memref_slice %arg11[%dma_start3A_129, %dma_start3A_130] : memref<128x128xf32, #tpu.memory_space<vmem>> -> memref<80x128xf32, #tpu.memory_space<vmem>>
        tpu.enqueue_dma source(%dma_start3A_131 : memref<80x128xf32, #tpu.memory_space<vmem>>) target(%dma_start3A_128 : memref<80x128xf32, #tpu.memory_space<vmem_shared>>) target_semaphore(%run_scoped3A : memref<!tpu.dma_semaphore, #tpu.memory_space<semaphore_mem>>)
        %dma_wait3A = arith.constant 0 : i32
        %dma_wait3A_132 = arith.constant 0 : i32
        %dma_wait3A_133 = tpu.memref_slice %arg11[%dma_wait3A, %dma_wait3A_132] : memref<128x128xf32, #tpu.memory_space<vmem>> -> memref<80x128xf32, #tpu.memory_space<vmem>>
        %dma_wait3A_134 = arith.constant 0 : i32
        %dma_wait3A_135 = tpu.memref_slice %arg7[%mul3A_122, %dma_wait3A_134] : memref<10000x128xf32, #tpu.memory_space<vmem_shared>> -> memref<80x128xf32, #tpu.memory_space<vmem_shared>>
        %dma_wait3A_136 = arith.constant 0 : i32
        %dma_wait3A_137 = tpu.memref_slice %arg7[%mul3A_122, %dma_wait3A_136] : memref<10000x128xf32, #tpu.memory_space<vmem_shared>> -> memref<80x128xf32, #tpu.memory_space<vmem_shared>>
        %dma_wait3A_138 = arith.constant 0 : i32
        %dma_wait3A_139 = arith.constant 0 : i32
        %dma_wait3A_140 = tpu.memref_slice %arg11[%dma_wait3A_138, %dma_wait3A_139] : memref<128x128xf32, #tpu.memory_space<vmem>> -> memref<80x128xf32, #tpu.memory_space<vmem>>
        tpu.wait_dma2 semaphore(%run_scoped3A : memref<!tpu.dma_semaphore, #tpu.memory_space<semaphore_mem>>) src(%dma_wait3A_140 : memref<80x128xf32, #tpu.memory_space<vmem>>) dst(%dma_wait3A_137 : memref<80x128xf32, #tpu.memory_space<vmem_shared>>)
        tpu.yield
      }) : () -> ()
    } else {
    }
    %add3A_37 = arith.constant 80 : i32
    %add3A_38 = arith.addi %add3A_37, %arg1 : i32
    %lt3A_39 = arith.constant 125 : i32
    %lt3A_40 = arith.cmpi slt, %add3A_38, %lt3A_39 : i32
    %convert_element_type3A_41 = arith.extui %lt3A_40 : i1 to i32
    %cond3A_42 = arith.constant 0 : i32
    %cond3A_43 = arith.cmpi ne, %convert_element_type3A_41, %cond3A_42 : i32
    scf.if %cond3A_43 {
      %mul3A = arith.constant 80 : i32
      %mul3A_122 = arith.muli %add3A_38, %mul3A : i32
      "tpu.region"() ({
        %run_scoped3A = tpu.sem_alloc : memref<!tpu.dma_semaphore, #tpu.memory_space<semaphore_mem>>
        %dma_start3A = arith.constant 0 : i32
        %dma_start3A_123 = arith.constant 0 : i32
        %dma_start3A_124 = tpu.memref_slice %arg11[%dma_start3A, %dma_start3A_123] : memref<128x128xf32, #tpu.memory_space<vmem>> -> memref<80x128xf32, #tpu.memory_space<vmem>>
        %dma_start3A_125 = arith.constant 0 : i32
        %dma_start3A_126 = tpu.memref_slice %arg7[%mul3A_122, %dma_start3A_125] : memref<10000x128xf32, #tpu.memory_space<vmem_shared>> -> memref<80x128xf32, #tpu.memory_space<vmem_shared>>
        %dma_start3A_127 = arith.constant 0 : i32
        %dma_start3A_128 = tpu.memref_slice %arg7[%mul3A_122, %dma_start3A_127] : memref<10000x128xf32, #tpu.memory_space<vmem_shared>> -> memref<80x128xf32, #tpu.memory_space<vmem_shared>>
        %dma_start3A_129 = arith.constant 0 : i32
        %dma_start3A_130 = arith.constant 0 : i32
        %dma_start3A_131 = tpu.memref_slice %arg11[%dma_start3A_129, %dma_start3A_130] : memref<128x128xf32, #tpu.memory_space<vmem>> -> memref<80x128xf32, #tpu.memory_space<vmem>>
        tpu.enqueue_dma source(%dma_start3A_131 : memref<80x128xf32, #tpu.memory_space<vmem>>) target(%dma_start3A_128 : memref<80x128xf32, #tpu.memory_space<vmem_shared>>) target_semaphore(%run_scoped3A : memref<!tpu.dma_semaphore, #tpu.memory_space<semaphore_mem>>)
        %dma_wait3A = arith.constant 0 : i32
        %dma_wait3A_132 = arith.constant 0 : i32
        %dma_wait3A_133 = tpu.memref_slice %arg11[%dma_wait3A, %dma_wait3A_132] : memref<128x128xf32, #tpu.memory_space<vmem>> -> memref<80x128xf32, #tpu.memory_space<vmem>>
        %dma_wait3A_134 = arith.constant 0 : i32
        %dma_wait3A_135 = tpu.memref_slice %arg7[%mul3A_122, %dma_wait3A_134] : memref<10000x128xf32, #tpu.memory_space<vmem_shared>> -> memref<80x128xf32, #tpu.memory_space<vmem_shared>>
        %dma_wait3A_136 = arith.constant 0 : i32
        %dma_wait3A_137 = tpu.memref_slice %arg7[%mul3A_122, %dma_wait3A_136] : memref<10000x128xf32, #tpu.memory_space<vmem_shared>> -> memref<80x128xf32, #tpu.memory_space<vmem_shared>>
        %dma_wait3A_138 = arith.constant 0 : i32
        %dma_wait3A_139 = arith.constant 0 : i32
        %dma_wait3A_140 = tpu.memref_slice %arg11[%dma_wait3A_138, %dma_wait3A_139] : memref<128x128xf32, #tpu.memory_space<vmem>> -> memref<80x128xf32, #tpu.memory_space<vmem>>
        tpu.wait_dma2 semaphore(%run_scoped3A : memref<!tpu.dma_semaphore, #tpu.memory_space<semaphore_mem>>) src(%dma_wait3A_140 : memref<80x128xf32, #tpu.memory_space<vmem>>) dst(%dma_wait3A_137 : memref<80x128xf32, #tpu.memory_space<vmem_shared>>)
        tpu.yield
      }) : () -> ()
    } else {
    }
    %add3A_44 = arith.constant 96 : i32
    %add3A_45 = arith.addi %add3A_44, %arg1 : i32
    %lt3A_46 = arith.constant 125 : i32
    %lt3A_47 = arith.cmpi slt, %add3A_45, %lt3A_46 : i32
    %convert_element_type3A_48 = arith.extui %lt3A_47 : i1 to i32
    %cond3A_49 = arith.constant 0 : i32
    %cond3A_50 = arith.cmpi ne, %convert_element_type3A_48, %cond3A_49 : i32
    scf.if %cond3A_50 {
      %mul3A = arith.constant 80 : i32
      %mul3A_122 = arith.muli %add3A_45, %mul3A : i32
      "tpu.region"() ({
        %run_scoped3A = tpu.sem_alloc : memref<!tpu.dma_semaphore, #tpu.memory_space<semaphore_mem>>
        %dma_start3A = arith.constant 0 : i32
        %dma_start3A_123 = arith.constant 0 : i32
        %dma_start3A_124 = tpu.memref_slice %arg11[%dma_start3A, %dma_start3A_123] : memref<128x128xf32, #tpu.memory_space<vmem>> -> memref<80x128xf32, #tpu.memory_space<vmem>>
        %dma_start3A_125 = arith.constant 0 : i32
        %dma_start3A_126 = tpu.memref_slice %arg7[%mul3A_122, %dma_start3A_125] : memref<10000x128xf32, #tpu.memory_space<vmem_shared>> -> memref<80x128xf32, #tpu.memory_space<vmem_shared>>
        %dma_start3A_127 = arith.constant 0 : i32
        %dma_start3A_128 = tpu.memref_slice %arg7[%mul3A_122, %dma_start3A_127] : memref<10000x128xf32, #tpu.memory_space<vmem_shared>> -> memref<80x128xf32, #tpu.memory_space<vmem_shared>>
        %dma_start3A_129 = arith.constant 0 : i32
        %dma_start3A_130 = arith.constant 0 : i32
        %dma_start3A_131 = tpu.memref_slice %arg11[%dma_start3A_129, %dma_start3A_130] : memref<128x128xf32, #tpu.memory_space<vmem>> -> memref<80x128xf32, #tpu.memory_space<vmem>>
        tpu.enqueue_dma source(%dma_start3A_131 : memref<80x128xf32, #tpu.memory_space<vmem>>) target(%dma_start3A_128 : memref<80x128xf32, #tpu.memory_space<vmem_shared>>) target_semaphore(%run_scoped3A : memref<!tpu.dma_semaphore, #tpu.memory_space<semaphore_mem>>)
        %dma_wait3A = arith.constant 0 : i32
        %dma_wait3A_132 = arith.constant 0 : i32
        %dma_wait3A_133 = tpu.memref_slice %arg11[%dma_wait3A, %dma_wait3A_132] : memref<128x128xf32, #tpu.memory_space<vmem>> -> memref<80x128xf32, #tpu.memory_space<vmem>>
        %dma_wait3A_134 = arith.constant 0 : i32
        %dma_wait3A_135 = tpu.memref_slice %arg7[%mul3A_122, %dma_wait3A_134] : memref<10000x128xf32, #tpu.memory_space<vmem_shared>> -> memref<80x128xf32, #tpu.memory_space<vmem_shared>>
        %dma_wait3A_136 = arith.constant 0 : i32
        %dma_wait3A_137 = tpu.memref_slice %arg7[%mul3A_122, %dma_wait3A_136] : memref<10000x128xf32, #tpu.memory_space<vmem_shared>> -> memref<80x128xf32, #tpu.memory_space<vmem_shared>>
        %dma_wait3A_138 = arith.constant 0 : i32
        %dma_wait3A_139 = arith.constant 0 : i32
        %dma_wait3A_140 = tpu.memref_slice %arg11[%dma_wait3A_138, %dma_wait3A_139] : memref<128x128xf32, #tpu.memory_space<vmem>> -> memref<80x128xf32, #tpu.memory_space<vmem>>
        tpu.wait_dma2 semaphore(%run_scoped3A : memref<!tpu.dma_semaphore, #tpu.memory_space<semaphore_mem>>) src(%dma_wait3A_140 : memref<80x128xf32, #tpu.memory_space<vmem>>) dst(%dma_wait3A_137 : memref<80x128xf32, #tpu.memory_space<vmem_shared>>)
        tpu.yield
      }) : () -> ()
    } else {
    }
    %add3A_51 = arith.constant 112 : i32
    %add3A_52 = arith.addi %add3A_51, %arg1 : i32
    %lt3A_53 = arith.constant 125 : i32
    %lt3A_54 = arith.cmpi slt, %add3A_52, %lt3A_53 : i32
    %convert_element_type3A_55 = arith.extui %lt3A_54 : i1 to i32
    %cond3A_56 = arith.constant 0 : i32
    %cond3A_57 = arith.cmpi ne, %convert_element_type3A_55, %cond3A_56 : i32
    scf.if %cond3A_57 {
      %mul3A = arith.constant 80 : i32
      %mul3A_122 = arith.muli %add3A_52, %mul3A : i32
      "tpu.region"() ({
        %run_scoped3A = tpu.sem_alloc : memref<!tpu.dma_semaphore, #tpu.memory_space<semaphore_mem>>
        %dma_start3A = arith.constant 0 : i32
        %dma_start3A_123 = arith.constant 0 : i32
        %dma_start3A_124 = tpu.memref_slice %arg11[%dma_start3A, %dma_start3A_123] : memref<128x128xf32, #tpu.memory_space<vmem>> -> memref<80x128xf32, #tpu.memory_space<vmem>>
        %dma_start3A_125 = arith.constant 0 : i32
        %dma_start3A_126 = tpu.memref_slice %arg7[%mul3A_122, %dma_start3A_125] : memref<10000x128xf32, #tpu.memory_space<vmem_shared>> -> memref<80x128xf32, #tpu.memory_space<vmem_shared>>
        %dma_start3A_127 = arith.constant 0 : i32
        %dma_start3A_128 = tpu.memref_slice %arg7[%mul3A_122, %dma_start3A_127] : memref<10000x128xf32, #tpu.memory_space<vmem_shared>> -> memref<80x128xf32, #tpu.memory_space<vmem_shared>>
        %dma_start3A_129 = arith.constant 0 : i32
        %dma_start3A_130 = arith.constant 0 : i32
        %dma_start3A_131 = tpu.memref_slice %arg11[%dma_start3A_129, %dma_start3A_130] : memref<128x128xf32, #tpu.memory_space<vmem>> -> memref<80x128xf32, #tpu.memory_space<vmem>>
        tpu.enqueue_dma source(%dma_start3A_131 : memref<80x128xf32, #tpu.memory_space<vmem>>) target(%dma_start3A_128 : memref<80x128xf32, #tpu.memory_space<vmem_shared>>) target_semaphore(%run_scoped3A : memref<!tpu.dma_semaphore, #tpu.memory_space<semaphore_mem>>)
        %dma_wait3A = arith.constant 0 : i32
        %dma_wait3A_132 = arith.constant 0 : i32
        %dma_wait3A_133 = tpu.memref_slice %arg11[%dma_wait3A, %dma_wait3A_132] : memref<128x128xf32, #tpu.memory_space<vmem>> -> memref<80x128xf32, #tpu.memory_space<vmem>>
        %dma_wait3A_134 = arith.constant 0 : i32
        %dma_wait3A_135 = tpu.memref_slice %arg7[%mul3A_122, %dma_wait3A_134] : memref<10000x128xf32, #tpu.memory_space<vmem_shared>> -> memref<80x128xf32, #tpu.memory_space<vmem_shared>>
        %dma_wait3A_136 = arith.constant 0 : i32
        %dma_wait3A_137 = tpu.memref_slice %arg7[%mul3A_122, %dma_wait3A_136] : memref<10000x128xf32, #tpu.memory_space<vmem_shared>> -> memref<80x128xf32, #tpu.memory_space<vmem_shared>>
        %dma_wait3A_138 = arith.constant 0 : i32
        %dma_wait3A_139 = arith.constant 0 : i32
        %dma_wait3A_140 = tpu.memref_slice %arg11[%dma_wait3A_138, %dma_wait3A_139] : memref<128x128xf32, #tpu.memory_space<vmem>> -> memref<80x128xf32, #tpu.memory_space<vmem>>
        tpu.wait_dma2 semaphore(%run_scoped3A : memref<!tpu.dma_semaphore, #tpu.memory_space<semaphore_mem>>) src(%dma_wait3A_140 : memref<80x128xf32, #tpu.memory_space<vmem>>) dst(%dma_wait3A_137 : memref<80x128xf32, #tpu.memory_space<vmem_shared>>)
        tpu.yield
      }) : () -> ()
    } else {
    }
    %barrier3A = arith.constant 0 : index
    tpu.barrier barrier_id(%barrier3A)
    %scan3A_58 = arith.constant 0 : i32
    %scan3A_59 = arith.constant 0 : i32
    %scan3A_60 = arith.constant 79 : i32
    %scan3A_61 = arith.addi %scan3A_59, %scan3A_60 : i32
    %scan3A_62 = arith.constant 1 : i32
    %scan3A_63 = scf.for %scan3A_122 = %scan3A_59 to %scan3A_61 step %scan3A_62 iter_args(%scan3A_123 = %scan3A_58) -> (i32)  : i32 {
      %dma_start3A = arith.constant 0 : i32
      %dma_start3A_124 = tpu.memref_slice %arg8[%scan3A_122, %dma_start3A] : memref<79x128xi32, #tpu.memory_space<vmem>> -> memref<1x128xi32, #tpu.memory_space<vmem>>
      %dma_start3A_125 = tpu.memref_squeeze %dma_start3A_124 : memref<1x128xi32, #tpu.memory_space<vmem>> -> memref<128xi32, #tpu.memory_space<vmem>>
      %dma_start3A_126 = arith.constant 0 : i32
      %dma_start3A_127 = arith.constant 0 : i32
      %dma_start3A_128 = tpu.memref_slice %arg2[%dma_start3A_126, %dma_start3A_127] : memref<20000x128xf32, #tpu.memory_space<hbm>> -> memref<20000x128xf32, #tpu.memory_space<hbm>>
      tpu.enqueue_indirect_dma source(%dma_start3A_128 : memref<20000x128xf32, #tpu.memory_space<hbm>>) target(%arg11 : memref<128x128xf32, #tpu.memory_space<vmem>>) offsets(%dma_start3A_125 : memref<128xi32, #tpu.memory_space<vmem>>) semaphore(%arg12 : memref<!tpu.dma_semaphore, #tpu.memory_space<semaphore_mem>>)
      %dma_wait3A = arith.constant 0 : i32
      %dma_wait3A_129 = tpu.memref_slice %arg8[%scan3A_122, %dma_wait3A] : memref<79x128xi32, #tpu.memory_space<vmem>> -> memref<1x128xi32, #tpu.memory_space<vmem>>
      %dma_wait3A_130 = tpu.memref_squeeze %dma_wait3A_129 : memref<1x128xi32, #tpu.memory_space<vmem>> -> memref<128xi32, #tpu.memory_space<vmem>>
      %dma_wait3A_131 = arith.constant 0 : i32
      %dma_wait3A_132 = arith.constant 0 : i32
      %dma_wait3A_133 = tpu.memref_slice %arg2[%dma_wait3A_131, %dma_wait3A_132] : memref<20000x128xf32, #tpu.memory_space<hbm>> -> memref<20000x128xf32, #tpu.memory_space<hbm>>
      tpu.wait_indirect_dma semaphore(%arg12 : memref<!tpu.dma_semaphore, #tpu.memory_space<semaphore_mem>>) src(%dma_wait3A_133 : memref<20000x128xf32, #tpu.memory_space<hbm>>) dst(%arg11 : memref<128x128xf32, #tpu.memory_space<vmem>>)
      %scan3A_134 = arith.constant 0 : i32
      %scan3A_135 = arith.constant 0 : i32
      %scan3A_136 = arith.constant 8 : i32
      %scan3A_137 = arith.addi %scan3A_135, %scan3A_136 : i32
      %scan3A_138 = arith.constant 1 : i32
      %scan3A_139 = scf.for %scan3A_142 = %scan3A_135 to %scan3A_137 step %scan3A_138 iter_args(%scan3A_143 = %scan3A_134) -> (i32)  : i32 {
        %mul3A = arith.constant 16 : i32
        %mul3A_144 = arith.muli %scan3A_142, %mul3A : i32
        %get3A = arith.index_cast %scan3A_122 : i32 to index
        %get3A_145 = arith.index_cast %mul3A_144 : i32 to index
        %get3A_146 = tpu.vector_load %arg10[%get3A, %get3A_145] {strides = array<i32>} : memref<79x128xf32, #tpu.memory_space<vmem>>, vector<1x16xf32>,
        %get3A_147 = vector.shape_cast %get3A_146 : vector<1x16xf32> to vector<16xf32>
        %slice3A = vector.extract_strided_slice %get3A_147 {offsets = [0], sizes = [1], strides = [1]} : vector<16xf32> to vector<1xf32>
        %squeeze3A = vector.extract %slice3A[0] : f32 from vector<1xf32>
        %mul3A_148 = arith.constant 16 : i32
        %mul3A_149 = arith.muli %scan3A_142, %mul3A_148 : i32
        %add3A_150 = arith.constant 0 : i32
        %add3A_151 = arith.addi %mul3A_149, %add3A_150 : i32
        %get3A_152 = arith.index_cast %add3A_151 : i32 to index
        %get3A_153 = arith.constant 0 : index
        %get3A_154 = tpu.vector_load %arg11[%get3A_152, %get3A_153] {strides = array<i32>} : memref<128x128xf32, #tpu.memory_space<vmem>>, vector<1x16xf32>,
        %get3A_155 = vector.shape_cast %get3A_154 : vector<1x16xf32> to vector<16xf32>
        %mul3A_156 = vector.broadcast %squeeze3A : f32 to vector<16xf32>
        %mul3A_157 = arith.mulf %mul3A_156, %get3A_155 : vector<16xf32>
        %swap3A = arith.index_cast %add3A_151 : i32 to index
        %swap3A_158 = arith.constant 0 : index
        %swap3A_159 = tpu.vector_load %arg11[%swap3A, %swap3A_158] {strides = array<i32>} : memref<128x128xf32, #tpu.memory_space<vmem>>, vector<1x16xf32>,
        %swap3A_160 = vector.shape_cast %swap3A_159 : vector<1x16xf32> to vector<16xf32>
        %swap3A_161 = vector.shape_cast %mul3A_157 : vector<16xf32> to vector<1x16xf32>
        tpu.vector_store %arg11[%swap3A, %swap3A_158], %swap3A_161 {strides = array<i32>} : memref<128x128xf32, #tpu.memory_space<vmem>>, vector<1x16xf32>,
        %get3A_162 = arith.index_cast %add3A_151 : i32 to index
        %get3A_163 = arith.constant 16 : index
        %get3A_164 = tpu.vector_load %arg11[%get3A_162, %get3A_163] {strides = array<i32>} : memref<128x128xf32, #tpu.memory_space<vmem>>, vector<1x16xf32>,
        %get3A_165 = vector.shape_cast %get3A_164 : vector<1x16xf32> to vector<16xf32>
        %mul3A_166 = vector.broadcast %squeeze3A : f32 to vector<16xf32>
        %mul3A_167 = arith.mulf %mul3A_166, %get3A_165 : vector<16xf32>
        %swap3A_168 = arith.index_cast %add3A_151 : i32 to index
        %swap3A_169 = arith.constant 16 : index
        %swap3A_170 = tpu.vector_load %arg11[%swap3A_168, %swap3A_169] {strides = array<i32>} : memref<128x128xf32, #tpu.memory_space<vmem>>, vector<1x16xf32>,
        %swap3A_171 = vector.shape_cast %swap3A_170 : vector<1x16xf32> to vector<16xf32>
        %swap3A_172 = vector.shape_cast %mul3A_167 : vector<16xf32> to vector<1x16xf32>
        tpu.vector_store %arg11[%swap3A_168, %swap3A_169], %swap3A_172 {strides = array<i32>} : memref<128x128xf32, #tpu.memory_space<vmem>>, vector<1x16xf32>,
        %get3A_173 = arith.index_cast %add3A_151 : i32 to index
        %get3A_174 = arith.constant 32 : index
        %get3A_175 = tpu.vector_load %arg11[%get3A_173, %get3A_174] {strides = array<i32>} : memref<128x128xf32, #tpu.memory_space<vmem>>, vector<1x16xf32>,
        %get3A_176 = vector.shape_cast %get3A_175 : vector<1x16xf32> to vector<16xf32>
        %mul3A_177 = vector.broadcast %squeeze3A : f32 to vector<16xf32>
        %mul3A_178 = arith.mulf %mul3A_177, %get3A_176 : vector<16xf32>
        %swap3A_179 = arith.index_cast %add3A_151 : i32 to index
        %swap3A_180 = arith.constant 32 : index
        %swap3A_181 = tpu.vector_load %arg11[%swap3A_179, %swap3A_180] {strides = array<i32>} : memref<128x128xf32, #tpu.memory_space<vmem>>, vector<1x16xf32>,
        %swap3A_182 = vector.shape_cast %swap3A_181 : vector<1x16xf32> to vector<16xf32>
        %swap3A_183 = vector.shape_cast %mul3A_178 : vector<16xf32> to vector<1x16xf32>
        tpu.vector_store %arg11[%swap3A_179, %swap3A_180], %swap3A_183 {strides = array<i32>} : memref<128x128xf32, #tpu.memory_space<vmem>>, vector<1x16xf32>,
        %get3A_184 = arith.index_cast %add3A_151 : i32 to index
        %get3A_185 = arith.constant 48 : index
        %get3A_186 = tpu.vector_load %arg11[%get3A_184, %get3A_185] {strides = array<i32>} : memref<128x128xf32, #tpu.memory_space<vmem>>, vector<1x16xf32>,
        %get3A_187 = vector.shape_cast %get3A_186 : vector<1x16xf32> to vector<16xf32>
        %mul3A_188 = vector.broadcast %squeeze3A : f32 to vector<16xf32>
        %mul3A_189 = arith.mulf %mul3A_188, %get3A_187 : vector<16xf32>
        %swap3A_190 = arith.index_cast %add3A_151 : i32 to index
        %swap3A_191 = arith.constant 48 : index
        %swap3A_192 = tpu.vector_load %arg11[%swap3A_190, %swap3A_191] {strides = array<i32>} : memref<128x128xf32, #tpu.memory_space<vmem>>, vector<1x16xf32>,
        %swap3A_193 = vector.shape_cast %swap3A_192 : vector<1x16xf32> to vector<16xf32>
        %swap3A_194 = vector.shape_cast %mul3A_189 : vector<16xf32> to vector<1x16xf32>
        tpu.vector_store %arg11[%swap3A_190, %swap3A_191], %swap3A_194 {strides = array<i32>} : memref<128x128xf32, #tpu.memory_space<vmem>>, vector<1x16xf32>,
        %get3A_195 = arith.index_cast %add3A_151 : i32 to index
        %get3A_196 = arith.constant 64 : index
        %get3A_197 = tpu.vector_load %arg11[%get3A_195, %get3A_196] {strides = array<i32>} : memref<128x128xf32, #tpu.memory_space<vmem>>, vector<1x16xf32>,
        %get3A_198 = vector.shape_cast %get3A_197 : vector<1x16xf32> to vector<16xf32>
        %mul3A_199 = vector.broadcast %squeeze3A : f32 to vector<16xf32>
        %mul3A_200 = arith.mulf %mul3A_199, %get3A_198 : vector<16xf32>
        %swap3A_201 = arith.index_cast %add3A_151 : i32 to index
        %swap3A_202 = arith.constant 64 : index
        %swap3A_203 = tpu.vector_load %arg11[%swap3A_201, %swap3A_202] {strides = array<i32>} : memref<128x128xf32, #tpu.memory_space<vmem>>, vector<1x16xf32>,
        %swap3A_204 = vector.shape_cast %swap3A_203 : vector<1x16xf32> to vector<16xf32>
        %swap3A_205 = vector.shape_cast %mul3A_200 : vector<16xf32> to vector<1x16xf32>
        tpu.vector_store %arg11[%swap3A_201, %swap3A_202], %swap3A_205 {strides = array<i32>} : memref<128x128xf32, #tpu.memory_space<vmem>>, vector<1x16xf32>,
        %get3A_206 = arith.index_cast %add3A_151 : i32 to index
        %get3A_207 = arith.constant 80 : index
        %get3A_208 = tpu.vector_load %arg11[%get3A_206, %get3A_207] {strides = array<i32>} : memref<128x128xf32, #tpu.memory_space<vmem>>, vector<1x16xf32>,
        %get3A_209 = vector.shape_cast %get3A_208 : vector<1x16xf32> to vector<16xf32>
        %mul3A_210 = vector.broadcast %squeeze3A : f32 to vector<16xf32>
        %mul3A_211 = arith.mulf %mul3A_210, %get3A_209 : vector<16xf32>
        %swap3A_212 = arith.index_cast %add3A_151 : i32 to index
        %swap3A_213 = arith.constant 80 : index
        %swap3A_214 = tpu.vector_load %arg11[%swap3A_212, %swap3A_213] {strides = array<i32>} : memref<128x128xf32, #tpu.memory_space<vmem>>, vector<1x16xf32>,
        %swap3A_215 = vector.shape_cast %swap3A_214 : vector<1x16xf32> to vector<16xf32>
        %swap3A_216 = vector.shape_cast %mul3A_211 : vector<16xf32> to vector<1x16xf32>
        tpu.vector_store %arg11[%swap3A_212, %swap3A_213], %swap3A_216 {strides = array<i32>} : memref<128x128xf32, #tpu.memory_space<vmem>>, vector<1x16xf32>,
        %get3A_217 = arith.index_cast %add3A_151 : i32 to index
        %get3A_218 = arith.constant 96 : index
        %get3A_219 = tpu.vector_load %arg11[%get3A_217, %get3A_218] {strides = array<i32>} : memref<128x128xf32, #tpu.memory_space<vmem>>, vector<1x16xf32>,
        %get3A_220 = vector.shape_cast %get3A_219 : vector<1x16xf32> to vector<16xf32>
        %mul3A_221 = vector.broadcast %squeeze3A : f32 to vector<16xf32>
        %mul3A_222 = arith.mulf %mul3A_221, %get3A_220 : vector<16xf32>
        %swap3A_223 = arith.index_cast %add3A_151 : i32 to index
        %swap3A_224 = arith.constant 96 : index
        %swap3A_225 = tpu.vector_load %arg11[%swap3A_223, %swap3A_224] {strides = array<i32>} : memref<128x128xf32, #tpu.memory_space<vmem>>, vector<1x16xf32>,
        %swap3A_226 = vector.shape_cast %swap3A_225 : vector<1x16xf32> to vector<16xf32>
        %swap3A_227 = vector.shape_cast %mul3A_222 : vector<16xf32> to vector<1x16xf32>
        tpu.vector_store %arg11[%swap3A_223, %swap3A_224], %swap3A_227 {strides = array<i32>} : memref<128x128xf32, #tpu.memory_space<vmem>>, vector<1x16xf32>,
        %get3A_228 = arith.index_cast %add3A_151 : i32 to index
        %get3A_229 = arith.constant 112 : index
        %get3A_230 = tpu.vector_load %arg11[%get3A_228, %get3A_229] {strides = array<i32>} : memref<128x128xf32, #tpu.memory_space<vmem>>, vector<1x16xf32>,
        %get3A_231 = vector.shape_cast %get3A_230 : vector<1x16xf32> to vector<16xf32>
        %mul3A_232 = vector.broadcast %squeeze3A : f32 to vector<16xf32>
        %mul3A_233 = arith.mulf %mul3A_232, %get3A_231 : vector<16xf32>
        %swap3A_234 = arith.index_cast %add3A_151 : i32 to index
        %swap3A_235 = arith.constant 112 : index
        %swap3A_236 = tpu.vector_load %arg11[%swap3A_234, %swap3A_235] {strides = array<i32>} : memref<128x128xf32, #tpu.memory_space<vmem>>, vector<1x16xf32>,
        %swap3A_237 = vector.shape_cast %swap3A_236 : vector<1x16xf32> to vector<16xf32>
        %swap3A_238 = vector.shape_cast %mul3A_233 : vector<16xf32> to vector<1x16xf32>
        tpu.vector_store %arg11[%swap3A_234, %swap3A_235], %swap3A_238 {strides = array<i32>} : memref<128x128xf32, #tpu.memory_space<vmem>>, vector<1x16xf32>,
        %slice3A_239 = vector.extract_strided_slice %get3A_147 {offsets = [1], sizes = [1], strides = [1]} : vector<16xf32> to vector<1xf32>
        %squeeze3A_240 = vector.extract %slice3A_239[0] : f32 from vector<1xf32>
        %mul3A_241 = arith.constant 16 : i32
        %mul3A_242 = arith.muli %scan3A_142, %mul3A_241 : i32
        %add3A_243 = arith.constant 1 : i32
        %add3A_244 = arith.addi %mul3A_242, %add3A_243 : i32
        %get3A_245 = arith.index_cast %add3A_244 : i32 to index
        %get3A_246 = arith.constant 0 : index
        %get3A_247 = tpu.vector_load %arg11[%get3A_245, %get3A_246] {strides = array<i32>} : memref<128x128xf32, #tpu.memory_space<vmem>>, vector<1x16xf32>,
        %get3A_248 = vector.shape_cast %get3A_247 : vector<1x16xf32> to vector<16xf32>
        %mul3A_249 = vector.broadcast %squeeze3A_240 : f32 to vector<16xf32>
        %mul3A_250 = arith.mulf %mul3A_249, %get3A_248 : vector<16xf32>
        %swap3A_251 = arith.index_cast %add3A_244 : i32 to index
        %swap3A_252 = arith.constant 0 : index
        %swap3A_253 = tpu.vector_load %arg11[%swap3A_251, %swap3A_252] {strides = array<i32>} : memref<128x128xf32, #tpu.memory_space<vmem>>, vector<1x16xf32>,
        %swap3A_254 = vector.shape_cast %swap3A_253 : vector<1x16xf32> to vector<16xf32>
        %swap3A_255 = vector.shape_cast %mul3A_250 : vector<16xf32> to vector<1x16xf32>
        tpu.vector_store %arg11[%swap3A_251, %swap3A_252], %swap3A_255 {strides = array<i32>} : memref<128x128xf32, #tpu.memory_space<vmem>>, vector<1x16xf32>,
        %get3A_256 = arith.index_cast %add3A_244 : i32 to index
        %get3A_257 = arith.constant 16 : index
        %get3A_258 = tpu.vector_load %arg11[%get3A_256, %get3A_257] {strides = array<i32>} : memref<128x128xf32, #tpu.memory_space<vmem>>, vector<1x16xf32>,
        %get3A_259 = vector.shape_cast %get3A_258 : vector<1x16xf32> to vector<16xf32>
        %mul3A_260 = vector.broadcast %squeeze3A_240 : f32 to vector<16xf32>
        %mul3A_261 = arith.mulf %mul3A_260, %get3A_259 : vector<16xf32>
        %swap3A_262 = arith.index_cast %add3A_244 : i32 to index
        %swap3A_263 = arith.constant 16 : index
        %swap3A_264 = tpu.vector_load %arg11[%swap3A_262, %swap3A_263] {strides = array<i32>} : memref<128x128xf32, #tpu.memory_space<vmem>>, vector<1x16xf32>,
        %swap3A_265 = vector.shape_cast %swap3A_264 : vector<1x16xf32> to vector<16xf32>
        %swap3A_266 = vector.shape_cast %mul3A_261 : vector<16xf32> to vector<1x16xf32>
        tpu.vector_store %arg11[%swap3A_262, %swap3A_263], %swap3A_266 {strides = array<i32>} : memref<128x128xf32, #tpu.memory_space<vmem>>, vector<1x16xf32>,
        %get3A_267 = arith.index_cast %add3A_244 : i32 to index
        %get3A_268 = arith.constant 32 : index
        %get3A_269 = tpu.vector_load %arg11[%get3A_267, %get3A_268] {strides = array<i32>} : memref<128x128xf32, #tpu.memory_space<vmem>>, vector<1x16xf32>,
        %get3A_270 = vector.shape_cast %get3A_269 : vector<1x16xf32> to vector<16xf32>
        %mul3A_271 = vector.broadcast %squeeze3A_240 : f32 to vector<16xf32>
        %mul3A_272 = arith.mulf %mul3A_271, %get3A_270 : vector<16xf32>
        %swap3A_273 = arith.index_cast %add3A_244 : i32 to index
        %swap3A_274 = arith.constant 32 : index
        %swap3A_275 = tpu.vector_load %arg11[%swap3A_273, %swap3A_274] {strides = array<i32>} : memref<128x128xf32, #tpu.memory_space<vmem>>, vector<1x16xf32>,
        %swap3A_276 = vector.shape_cast %swap3A_275 : vector<1x16xf32> to vector<16xf32>
        %swap3A_277 = vector.shape_cast %mul3A_272 : vector<16xf32> to vector<1x16xf32>
        tpu.vector_store %arg11[%swap3A_273, %swap3A_274], %swap3A_277 {strides = array<i32>} : memref<128x128xf32, #tpu.memory_space<vmem>>, vector<1x16xf32>,
        %get3A_278 = arith.index_cast %add3A_244 : i32 to index
        %get3A_279 = arith.constant 48 : index
        %get3A_280 = tpu.vector_load %arg11[%get3A_278, %get3A_279] {strides = array<i32>} : memref<128x128xf32, #tpu.memory_space<vmem>>, vector<1x16xf32>,
        %get3A_281 = vector.shape_cast %get3A_280 : vector<1x16xf32> to vector<16xf32>
        %mul3A_282 = vector.broadcast %squeeze3A_240 : f32 to vector<16xf32>
        %mul3A_283 = arith.mulf %mul3A_282, %get3A_281 : vector<16xf32>
        %swap3A_284 = arith.index_cast %add3A_244 : i32 to index
        %swap3A_285 = arith.constant 48 : index
        %swap3A_286 = tpu.vector_load %arg11[%swap3A_284, %swap3A_285] {strides = array<i32>} : memref<128x128xf32, #tpu.memory_space<vmem>>, vector<1x16xf32>,
        %swap3A_287 = vector.shape_cast %swap3A_286 : vector<1x16xf32> to vector<16xf32>
        %swap3A_288 = vector.shape_cast %mul3A_283 : vector<16xf32> to vector<1x16xf32>
        tpu.vector_store %arg11[%swap3A_284, %swap3A_285], %swap3A_288 {strides = array<i32>} : memref<128x128xf32, #tpu.memory_space<vmem>>, vector<1x16xf32>,
        %get3A_289 = arith.index_cast %add3A_244 : i32 to index
        %get3A_290 = arith.constant 64 : index
        %get3A_291 = tpu.vector_load %arg11[%get3A_289, %get3A_290] {strides = array<i32>} : memref<128x128xf32, #tpu.memory_space<vmem>>, vector<1x16xf32>,
        %get3A_292 = vector.shape_cast %get3A_291 : vector<1x16xf32> to vector<16xf32>
        %mul3A_293 = vector.broadcast %squeeze3A_240 : f32 to vector<16xf32>
        %mul3A_294 = arith.mulf %mul3A_293, %get3A_292 : vector<16xf32>
        %swap3A_295 = arith.index_cast %add3A_244 : i32 to index
        %swap3A_296 = arith.constant 64 : index
        %swap3A_297 = tpu.vector_load %arg11[%swap3A_295, %swap3A_296] {strides = array<i32>} : memref<128x128xf32, #tpu.memory_space<vmem>>, vector<1x16xf32>,
        %swap3A_298 = vector.shape_cast %swap3A_297 : vector<1x16xf32> to vector<16xf32>
        %swap3A_299 = vector.shape_cast %mul3A_294 : vector<16xf32> to vector<1x16xf32>
        tpu.vector_store %arg11[%swap3A_295, %swap3A_296], %swap3A_299 {strides = array<i32>} : memref<128x128xf32, #tpu.memory_space<vmem>>, vector<1x16xf32>,
        %get3A_300 = arith.index_cast %add3A_244 : i32 to index
        %get3A_301 = arith.constant 80 : index
        %get3A_302 = tpu.vector_load %arg11[%get3A_300, %get3A_301] {strides = array<i32>} : memref<128x128xf32, #tpu.memory_space<vmem>>, vector<1x16xf32>,
        %get3A_303 = vector.shape_cast %get3A_302 : vector<1x16xf32> to vector<16xf32>
        %mul3A_304 = vector.broadcast %squeeze3A_240 : f32 to vector<16xf32>
        %mul3A_305 = arith.mulf %mul3A_304, %get3A_303 : vector<16xf32>
        %swap3A_306 = arith.index_cast %add3A_244 : i32 to index
        %swap3A_307 = arith.constant 80 : index
        %swap3A_308 = tpu.vector_load %arg11[%swap3A_306, %swap3A_307] {strides = array<i32>} : memref<128x128xf32, #tpu.memory_space<vmem>>, vector<1x16xf32>,
        %swap3A_309 = vector.shape_cast %swap3A_308 : vector<1x16xf32> to vector<16xf32>
        %swap3A_310 = vector.shape_cast %mul3A_305 : vector<16xf32> to vector<1x16xf32>
        tpu.vector_store %arg11[%swap3A_306, %swap3A_307], %swap3A_310 {strides = array<i32>} : memref<128x128xf32, #tpu.memory_space<vmem>>, vector<1x16xf32>,
        %get3A_311 = arith.index_cast %add3A_244 : i32 to index
        %get3A_312 = arith.constant 96 : index
        %get3A_313 = tpu.vector_load %arg11[%get3A_311, %get3A_312] {strides = array<i32>} : memref<128x128xf32, #tpu.memory_space<vmem>>, vector<1x16xf32>,
        %get3A_314 = vector.shape_cast %get3A_313 : vector<1x16xf32> to vector<16xf32>
        %mul3A_315 = vector.broadcast %squeeze3A_240 : f32 to vector<16xf32>
        %mul3A_316 = arith.mulf %mul3A_315, %get3A_314 : vector<16xf32>
        %swap3A_317 = arith.index_cast %add3A_244 : i32 to index
        %swap3A_318 = arith.constant 96 : index
        %swap3A_319 = tpu.vector_load %arg11[%swap3A_317, %swap3A_318] {strides = array<i32>} : memref<128x128xf32, #tpu.memory_space<vmem>>, vector<1x16xf32>,
        %swap3A_320 = vector.shape_cast %swap3A_319 : vector<1x16xf32> to vector<16xf32>
        %swap3A_321 = vector.shape_cast %mul3A_316 : vector<16xf32> to vector<1x16xf32>
        tpu.vector_store %arg11[%swap3A_317, %swap3A_318], %swap3A_321 {strides = array<i32>} : memref<128x128xf32, #tpu.memory_space<vmem>>, vector<1x16xf32>,
        %get3A_322 = arith.index_cast %add3A_244 : i32 to index
        %get3A_323 = arith.constant 112 : index
        %get3A_324 = tpu.vector_load %arg11[%get3A_322, %get3A_323] {strides = array<i32>} : memref<128x128xf32, #tpu.memory_space<vmem>>, vector<1x16xf32>,
        %get3A_325 = vector.shape_cast %get3A_324 : vector<1x16xf32> to vector<16xf32>
        %mul3A_326 = vector.broadcast %squeeze3A_240 : f32 to vector<16xf32>
        %mul3A_327 = arith.mulf %mul3A_326, %get3A_325 : vector<16xf32>
        %swap3A_328 = arith.index_cast %add3A_244 : i32 to index
        %swap3A_329 = arith.constant 112 : index
        %swap3A_330 = tpu.vector_load %arg11[%swap3A_328, %swap3A_329] {strides = array<i32>} : memref<128x128xf32, #tpu.memory_space<vmem>>, vector<1x16xf32>,
        %swap3A_331 = vector.shape_cast %swap3A_330 : vector<1x16xf32> to vector<16xf32>
        %swap3A_332 = vector.shape_cast %mul3A_327 : vector<16xf32> to vector<1x16xf32>
        tpu.vector_store %arg11[%swap3A_328, %swap3A_329], %swap3A_332 {strides = array<i32>} : memref<128x128xf32, #tpu.memory_space<vmem>>, vector<1x16xf32>,
        %slice3A_333 = vector.extract_strided_slice %get3A_147 {offsets = [2], sizes = [1], strides = [1]} : vector<16xf32> to vector<1xf32>
        %squeeze3A_334 = vector.extract %slice3A_333[0] : f32 from vector<1xf32>
        %mul3A_335 = arith.constant 16 : i32
        %mul3A_336 = arith.muli %scan3A_142, %mul3A_335 : i32
        %add3A_337 = arith.constant 2 : i32
        %add3A_338 = arith.addi %mul3A_336, %add3A_337 : i32
        %get3A_339 = arith.index_cast %add3A_338 : i32 to index
        %get3A_340 = arith.constant 0 : index
        %get3A_341 = tpu.vector_load %arg11[%get3A_339, %get3A_340] {strides = array<i32>} : memref<128x128xf32, #tpu.memory_space<vmem>>, vector<1x16xf32>,
        %get3A_342 = vector.shape_cast %get3A_341 : vector<1x16xf32> to vector<16xf32>
        %mul3A_343 = vector.broadcast %squeeze3A_334 : f32 to vector<16xf32>
        %mul3A_344 = arith.mulf %mul3A_343, %get3A_342 : vector<16xf32>
        %swap3A_345 = arith.index_cast %add3A_338 : i32 to index
        %swap3A_346 = arith.constant 0 : index
        %swap3A_347 = tpu.vector_load %arg11[%swap3A_345, %swap3A_346] {strides = array<i32>} : memref<128x128xf32, #tpu.memory_space<vmem>>, vector<1x16xf32>,
        %swap3A_348 = vector.shape_cast %swap3A_347 : vector<1x16xf32> to vector<16xf32>
        %swap3A_349 = vector.shape_cast %mul3A_344 : vector<16xf32> to vector<1x16xf32>
        tpu.vector_store %arg11[%swap3A_345, %swap3A_346], %swap3A_349 {strides = array<i32>} : memref<128x128xf32, #tpu.memory_space<vmem>>, vector<1x16xf32>,
        %get3A_350 = arith.index_cast %add3A_338 : i32 to index
        %get3A_351 = arith.constant 16 : index
        %get3A_352 = tpu.vector_load %arg11[%get3A_350, %get3A_351] {strides = array<i32>} : memref<128x128xf32, #tpu.memory_space<vmem>>, vector<1x16xf32>,
        %get3A_353 = vector.shape_cast %get3A_352 : vector<1x16xf32> to vector<16xf32>
        %mul3A_354 = vector.broadcast %squeeze3A_334 : f32 to vector<16xf32>
        %mul3A_355 = arith.mulf %mul3A_354, %get3A_353 : vector<16xf32>
        %swap3A_356 = arith.index_cast %add3A_338 : i32 to index
        %swap3A_357 = arith.constant 16 : index
        %swap3A_358 = tpu.vector_load %arg11[%swap3A_356, %swap3A_357] {strides = array<i32>} : memref<128x128xf32, #tpu.memory_space<vmem>>, vector<1x16xf32>,
        %swap3A_359 = vector.shape_cast %swap3A_358 : vector<1x16xf32> to vector<16xf32>
        %swap3A_360 = vector.shape_cast %mul3A_355 : vector<16xf32> to vector<1x16xf32>
        tpu.vector_store %arg11[%swap3A_356, %swap3A_357], %swap3A_360 {strides = array<i32>} : memref<128x128xf32, #tpu.memory_space<vmem>>, vector<1x16xf32>,
        %get3A_361 = arith.index_cast %add3A_338 : i32 to index
        %get3A_362 = arith.constant 32 : index
        %get3A_363 = tpu.vector_load %arg11[%get3A_361, %get3A_362] {strides = array<i32>} : memref<128x128xf32, #tpu.memory_space<vmem>>, vector<1x16xf32>,
        %get3A_364 = vector.shape_cast %get3A_363 : vector<1x16xf32> to vector<16xf32>
        %mul3A_365 = vector.broadcast %squeeze3A_334 : f32 to vector<16xf32>
        %mul3A_366 = arith.mulf %mul3A_365, %get3A_364 : vector<16xf32>
        %swap3A_367 = arith.index_cast %add3A_338 : i32 to index
        %swap3A_368 = arith.constant 32 : index
        %swap3A_369 = tpu.vector_load %arg11[%swap3A_367, %swap3A_368] {strides = array<i32>} : memref<128x128xf32, #tpu.memory_space<vmem>>, vector<1x16xf32>,
        %swap3A_370 = vector.shape_cast %swap3A_369 : vector<1x16xf32> to vector<16xf32>
        %swap3A_371 = vector.shape_cast %mul3A_366 : vector<16xf32> to vector<1x16xf32>
        tpu.vector_store %arg11[%swap3A_367, %swap3A_368], %swap3A_371 {strides = array<i32>} : memref<128x128xf32, #tpu.memory_space<vmem>>, vector<1x16xf32>,
        %get3A_372 = arith.index_cast %add3A_338 : i32 to index
        %get3A_373 = arith.constant 48 : index
        %get3A_374 = tpu.vector_load %arg11[%get3A_372, %get3A_373] {strides = array<i32>} : memref<128x128xf32, #tpu.memory_space<vmem>>, vector<1x16xf32>,
        %get3A_375 = vector.shape_cast %get3A_374 : vector<1x16xf32> to vector<16xf32>
        %mul3A_376 = vector.broadcast %squeeze3A_334 : f32 to vector<16xf32>
        %mul3A_377 = arith.mulf %mul3A_376, %get3A_375 : vector<16xf32>
        %swap3A_378 = arith.index_cast %add3A_338 : i32 to index
        %swap3A_379 = arith.constant 48 : index
        %swap3A_380 = tpu.vector_load %arg11[%swap3A_378, %swap3A_379] {strides = array<i32>} : memref<128x128xf32, #tpu.memory_space<vmem>>, vector<1x16xf32>,
        %swap3A_381 = vector.shape_cast %swap3A_380 : vector<1x16xf32> to vector<16xf32>
        %swap3A_382 = vector.shape_cast %mul3A_377 : vector<16xf32> to vector<1x16xf32>
        tpu.vector_store %arg11[%swap3A_378, %swap3A_379], %swap3A_382 {strides = array<i32>} : memref<128x128xf32, #tpu.memory_space<vmem>>, vector<1x16xf32>,
        %get3A_383 = arith.index_cast %add3A_338 : i32 to index
        %get3A_384 = arith.constant 64 : index
        %get3A_385 = tpu.vector_load %arg11[%get3A_383, %get3A_384] {strides = array<i32>} : memref<128x128xf32, #tpu.memory_space<vmem>>, vector<1x16xf32>,
        %get3A_386 = vector.shape_cast %get3A_385 : vector<1x16xf32> to vector<16xf32>
        %mul3A_387 = vector.broadcast %squeeze3A_334 : f32 to vector<16xf32>
        %mul3A_388 = arith.mulf %mul3A_387, %get3A_386 : vector<16xf32>
        %swap3A_389 = arith.index_cast %add3A_338 : i32 to index
        %swap3A_390 = arith.constant 64 : index
        %swap3A_391 = tpu.vector_load %arg11[%swap3A_389, %swap3A_390] {strides = array<i32>} : memref<128x128xf32, #tpu.memory_space<vmem>>, vector<1x16xf32>,
        %swap3A_392 = vector.shape_cast %swap3A_391 : vector<1x16xf32> to vector<16xf32>
        %swap3A_393 = vector.shape_cast %mul3A_388 : vector<16xf32> to vector<1x16xf32>
        tpu.vector_store %arg11[%swap3A_389, %swap3A_390], %swap3A_393 {strides = array<i32>} : memref<128x128xf32, #tpu.memory_space<vmem>>, vector<1x16xf32>,
        %get3A_394 = arith.index_cast %add3A_338 : i32 to index
        %get3A_395 = arith.constant 80 : index
        %get3A_396 = tpu.vector_load %arg11[%get3A_394, %get3A_395] {strides = array<i32>} : memref<128x128xf32, #tpu.memory_space<vmem>>, vector<1x16xf32>,
        %get3A_397 = vector.shape_cast %get3A_396 : vector<1x16xf32> to vector<16xf32>
        %mul3A_398 = vector.broadcast %squeeze3A_334 : f32 to vector<16xf32>
        %mul3A_399 = arith.mulf %mul3A_398, %get3A_397 : vector<16xf32>
        %swap3A_400 = arith.index_cast %add3A_338 : i32 to index
        %swap3A_401 = arith.constant 80 : index
        %swap3A_402 = tpu.vector_load %arg11[%swap3A_400, %swap3A_401] {strides = array<i32>} : memref<128x128xf32, #tpu.memory_space<vmem>>, vector<1x16xf32>,
        %swap3A_403 = vector.shape_cast %swap3A_402 : vector<1x16xf32> to vector<16xf32>
        %swap3A_404 = vector.shape_cast %mul3A_399 : vector<16xf32> to vector<1x16xf32>
        tpu.vector_store %arg11[%swap3A_400, %swap3A_401], %swap3A_404 {strides = array<i32>} : memref<128x128xf32, #tpu.memory_space<vmem>>, vector<1x16xf32>,
        %get3A_405 = arith.index_cast %add3A_338 : i32 to index
        %get3A_406 = arith.constant 96 : index
        %get3A_407 = tpu.vector_load %arg11[%get3A_405, %get3A_406] {strides = array<i32>} : memref<128x128xf32, #tpu.memory_space<vmem>>, vector<1x16xf32>,
        %get3A_408 = vector.shape_cast %get3A_407 : vector<1x16xf32> to vector<16xf32>
        %mul3A_409 = vector.broadcast %squeeze3A_334 : f32 to vector<16xf32>
        %mul3A_410 = arith.mulf %mul3A_409, %get3A_408 : vector<16xf32>
        %swap3A_411 = arith.index_cast %add3A_338 : i32 to index
        %swap3A_412 = arith.constant 96 : index
        %swap3A_413 = tpu.vector_load %arg11[%swap3A_411, %swap3A_412] {strides = array<i32>} : memref<128x128xf32, #tpu.memory_space<vmem>>, vector<1x16xf32>,
        %swap3A_414 = vector.shape_cast %swap3A_413 : vector<1x16xf32> to vector<16xf32>
        %swap3A_415 = vector.shape_cast %mul3A_410 : vector<16xf32> to vector<1x16xf32>
        tpu.vector_store %arg11[%swap3A_411, %swap3A_412], %swap3A_415 {strides = array<i32>} : memref<128x128xf32, #tpu.memory_space<vmem>>, vector<1x16xf32>,
        %get3A_416 = arith.index_cast %add3A_338 : i32 to index
        %get3A_417 = arith.constant 112 : index
        %get3A_418 = tpu.vector_load %arg11[%get3A_416, %get3A_417] {strides = array<i32>} : memref<128x128xf32, #tpu.memory_space<vmem>>, vector<1x16xf32>,
        %get3A_419 = vector.shape_cast %get3A_418 : vector<1x16xf32> to vector<16xf32>
        %mul3A_420 = vector.broadcast %squeeze3A_334 : f32 to vector<16xf32>
        %mul3A_421 = arith.mulf %mul3A_420, %get3A_419 : vector<16xf32>
        %swap3A_422 = arith.index_cast %add3A_338 : i32 to index
        %swap3A_423 = arith.constant 112 : index
        %swap3A_424 = tpu.vector_load %arg11[%swap3A_422, %swap3A_423] {strides = array<i32>} : memref<128x128xf32, #tpu.memory_space<vmem>>, vector<1x16xf32>,
        %swap3A_425 = vector.shape_cast %swap3A_424 : vector<1x16xf32> to vector<16xf32>
        %swap3A_426 = vector.shape_cast %mul3A_421 : vector<16xf32> to vector<1x16xf32>
        tpu.vector_store %arg11[%swap3A_422, %swap3A_423], %swap3A_426 {strides = array<i32>} : memref<128x128xf32, #tpu.memory_space<vmem>>, vector<1x16xf32>,
        %slice3A_427 = vector.extract_strided_slice %get3A_147 {offsets = [3], sizes = [1], strides = [1]} : vector<16xf32> to vector<1xf32>
        %squeeze3A_428 = vector.extract %slice3A_427[0] : f32 from vector<1xf32>
        %mul3A_429 = arith.constant 16 : i32
        %mul3A_430 = arith.muli %scan3A_142, %mul3A_429 : i32
        %add3A_431 = arith.constant 3 : i32
        %add3A_432 = arith.addi %mul3A_430, %add3A_431 : i32
        %get3A_433 = arith.index_cast %add3A_432 : i32 to index
        %get3A_434 = arith.constant 0 : index
        %get3A_435 = tpu.vector_load %arg11[%get3A_433, %get3A_434] {strides = array<i32>} : memref<128x128xf32, #tpu.memory_space<vmem>>, vector<1x16xf32>,
        %get3A_436 = vector.shape_cast %get3A_435 : vector<1x16xf32> to vector<16xf32>
        %mul3A_437 = vector.broadcast %squeeze3A_428 : f32 to vector<16xf32>
        %mul3A_438 = arith.mulf %mul3A_437, %get3A_436 : vector<16xf32>
        %swap3A_439 = arith.index_cast %add3A_432 : i32 to index
        %swap3A_440 = arith.constant 0 : index
        %swap3A_441 = tpu.vector_load %arg11[%swap3A_439, %swap3A_440] {strides = array<i32>} : memref<128x128xf32, #tpu.memory_space<vmem>>, vector<1x16xf32>,
        %swap3A_442 = vector.shape_cast %swap3A_441 : vector<1x16xf32> to vector<16xf32>
        %swap3A_443 = vector.shape_cast %mul3A_438 : vector<16xf32> to vector<1x16xf32>
        tpu.vector_store %arg11[%swap3A_439, %swap3A_440], %swap3A_443 {strides = array<i32>} : memref<128x128xf32, #tpu.memory_space<vmem>>, vector<1x16xf32>,
        %get3A_444 = arith.index_cast %add3A_432 : i32 to index
        %get3A_445 = arith.constant 16 : index
        %get3A_446 = tpu.vector_load %arg11[%get3A_444, %get3A_445] {strides = array<i32>} : memref<128x128xf32, #tpu.memory_space<vmem>>, vector<1x16xf32>,
        %get3A_447 = vector.shape_cast %get3A_446 : vector<1x16xf32> to vector<16xf32>
        %mul3A_448 = vector.broadcast %squeeze3A_428 : f32 to vector<16xf32>
        %mul3A_449 = arith.mulf %mul3A_448, %get3A_447 : vector<16xf32>
        %swap3A_450 = arith.index_cast %add3A_432 : i32 to index
        %swap3A_451 = arith.constant 16 : index
        %swap3A_452 = tpu.vector_load %arg11[%swap3A_450, %swap3A_451] {strides = array<i32>} : memref<128x128xf32, #tpu.memory_space<vmem>>, vector<1x16xf32>,
        %swap3A_453 = vector.shape_cast %swap3A_452 : vector<1x16xf32> to vector<16xf32>
        %swap3A_454 = vector.shape_cast %mul3A_449 : vector<16xf32> to vector<1x16xf32>
        tpu.vector_store %arg11[%swap3A_450, %swap3A_451], %swap3A_454 {strides = array<i32>} : memref<128x128xf32, #tpu.memory_space<vmem>>, vector<1x16xf32>,
        %get3A_455 = arith.index_cast %add3A_432 : i32 to index
        %get3A_456 = arith.constant 32 : index
        %get3A_457 = tpu.vector_load %arg11[%get3A_455, %get3A_456] {strides = array<i32>} : memref<128x128xf32, #tpu.memory_space<vmem>>, vector<1x16xf32>,
        %get3A_458 = vector.shape_cast %get3A_457 : vector<1x16xf32> to vector<16xf32>
        %mul3A_459 = vector.broadcast %squeeze3A_428 : f32 to vector<16xf32>
        %mul3A_460 = arith.mulf %mul3A_459, %get3A_458 : vector<16xf32>
        %swap3A_461 = arith.index_cast %add3A_432 : i32 to index
        %swap3A_462 = arith.constant 32 : index
        %swap3A_463 = tpu.vector_load %arg11[%swap3A_461, %swap3A_462] {strides = array<i32>} : memref<128x128xf32, #tpu.memory_space<vmem>>, vector<1x16xf32>,
        %swap3A_464 = vector.shape_cast %swap3A_463 : vector<1x16xf32> to vector<16xf32>
        %swap3A_465 = vector.shape_cast %mul3A_460 : vector<16xf32> to vector<1x16xf32>
        tpu.vector_store %arg11[%swap3A_461, %swap3A_462], %swap3A_465 {strides = array<i32>} : memref<128x128xf32, #tpu.memory_space<vmem>>, vector<1x16xf32>,
        %get3A_466 = arith.index_cast %add3A_432 : i32 to index
        %get3A_467 = arith.constant 48 : index
        %get3A_468 = tpu.vector_load %arg11[%get3A_466, %get3A_467] {strides = array<i32>} : memref<128x128xf32, #tpu.memory_space<vmem>>, vector<1x16xf32>,
        %get3A_469 = vector.shape_cast %get3A_468 : vector<1x16xf32> to vector<16xf32>
        %mul3A_470 = vector.broadcast %squeeze3A_428 : f32 to vector<16xf32>
        %mul3A_471 = arith.mulf %mul3A_470, %get3A_469 : vector<16xf32>
        %swap3A_472 = arith.index_cast %add3A_432 : i32 to index
        %swap3A_473 = arith.constant 48 : index
        %swap3A_474 = tpu.vector_load %arg11[%swap3A_472, %swap3A_473] {strides = array<i32>} : memref<128x128xf32, #tpu.memory_space<vmem>>, vector<1x16xf32>,
        %swap3A_475 = vector.shape_cast %swap3A_474 : vector<1x16xf32> to vector<16xf32>
        %swap3A_476 = vector.shape_cast %mul3A_471 : vector<16xf32> to vector<1x16xf32>
        tpu.vector_store %arg11[%swap3A_472, %swap3A_473], %swap3A_476 {strides = array<i32>} : memref<128x128xf32, #tpu.memory_space<vmem>>, vector<1x16xf32>,
        %get3A_477 = arith.index_cast %add3A_432 : i32 to index
        %get3A_478 = arith.constant 64 : index
        %get3A_479 = tpu.vector_load %arg11[%get3A_477, %get3A_478] {strides = array<i32>} : memref<128x128xf32, #tpu.memory_space<vmem>>, vector<1x16xf32>,
        %get3A_480 = vector.shape_cast %get3A_479 : vector<1x16xf32> to vector<16xf32>
        %mul3A_481 = vector.broadcast %squeeze3A_428 : f32 to vector<16xf32>
        %mul3A_482 = arith.mulf %mul3A_481, %get3A_480 : vector<16xf32>
        %swap3A_483 = arith.index_cast %add3A_432 : i32 to index
        %swap3A_484 = arith.constant 64 : index
        %swap3A_485 = tpu.vector_load %arg11[%swap3A_483, %swap3A_484] {strides = array<i32>} : memref<128x128xf32, #tpu.memory_space<vmem>>, vector<1x16xf32>,
        %swap3A_486 = vector.shape_cast %swap3A_485 : vector<1x16xf32> to vector<16xf32>
        %swap3A_487 = vector.shape_cast %mul3A_482 : vector<16xf32> to vector<1x16xf32>
        tpu.vector_store %arg11[%swap3A_483, %swap3A_484], %swap3A_487 {strides = array<i32>} : memref<128x128xf32, #tpu.memory_space<vmem>>, vector<1x16xf32>,
        %get3A_488 = arith.index_cast %add3A_432 : i32 to index
        %get3A_489 = arith.constant 80 : index
        %get3A_490 = tpu.vector_load %arg11[%get3A_488, %get3A_489] {strides = array<i32>} : memref<128x128xf32, #tpu.memory_space<vmem>>, vector<1x16xf32>,
        %get3A_491 = vector.shape_cast %get3A_490 : vector<1x16xf32> to vector<16xf32>
        %mul3A_492 = vector.broadcast %squeeze3A_428 : f32 to vector<16xf32>
        %mul3A_493 = arith.mulf %mul3A_492, %get3A_491 : vector<16xf32>
        %swap3A_494 = arith.index_cast %add3A_432 : i32 to index
        %swap3A_495 = arith.constant 80 : index
        %swap3A_496 = tpu.vector_load %arg11[%swap3A_494, %swap3A_495] {strides = array<i32>} : memref<128x128xf32, #tpu.memory_space<vmem>>, vector<1x16xf32>,
        %swap3A_497 = vector.shape_cast %swap3A_496 : vector<1x16xf32> to vector<16xf32>
        %swap3A_498 = vector.shape_cast %mul3A_493 : vector<16xf32> to vector<1x16xf32>
        tpu.vector_store %arg11[%swap3A_494, %swap3A_495], %swap3A_498 {strides = array<i32>} : memref<128x128xf32, #tpu.memory_space<vmem>>, vector<1x16xf32>,
        %get3A_499 = arith.index_cast %add3A_432 : i32 to index
        %get3A_500 = arith.constant 96 : index
        %get3A_501 = tpu.vector_load %arg11[%get3A_499, %get3A_500] {strides = array<i32>} : memref<128x128xf32, #tpu.memory_space<vmem>>, vector<1x16xf32>,
        %get3A_502 = vector.shape_cast %get3A_501 : vector<1x16xf32> to vector<16xf32>
        %mul3A_503 = vector.broadcast %squeeze3A_428 : f32 to vector<16xf32>
        %mul3A_504 = arith.mulf %mul3A_503, %get3A_502 : vector<16xf32>
        %swap3A_505 = arith.index_cast %add3A_432 : i32 to index
        %swap3A_506 = arith.constant 96 : index
        %swap3A_507 = tpu.vector_load %arg11[%swap3A_505, %swap3A_506] {strides = array<i32>} : memref<128x128xf32, #tpu.memory_space<vmem>>, vector<1x16xf32>,
        %swap3A_508 = vector.shape_cast %swap3A_507 : vector<1x16xf32> to vector<16xf32>
        %swap3A_509 = vector.shape_cast %mul3A_504 : vector<16xf32> to vector<1x16xf32>
        tpu.vector_store %arg11[%swap3A_505, %swap3A_506], %swap3A_509 {strides = array<i32>} : memref<128x128xf32, #tpu.memory_space<vmem>>, vector<1x16xf32>,
        %get3A_510 = arith.index_cast %add3A_432 : i32 to index
        %get3A_511 = arith.constant 112 : index
        %get3A_512 = tpu.vector_load %arg11[%get3A_510, %get3A_511] {strides = array<i32>} : memref<128x128xf32, #tpu.memory_space<vmem>>, vector<1x16xf32>,
        %get3A_513 = vector.shape_cast %get3A_512 : vector<1x16xf32> to vector<16xf32>
        %mul3A_514 = vector.broadcast %squeeze3A_428 : f32 to vector<16xf32>
        %mul3A_515 = arith.mulf %mul3A_514, %get3A_513 : vector<16xf32>
        %swap3A_516 = arith.index_cast %add3A_432 : i32 to index
        %swap3A_517 = arith.constant 112 : index
        %swap3A_518 = tpu.vector_load %arg11[%swap3A_516, %swap3A_517] {strides = array<i32>} : memref<128x128xf32, #tpu.memory_space<vmem>>, vector<1x16xf32>,
        %swap3A_519 = vector.shape_cast %swap3A_518 : vector<1x16xf32> to vector<16xf32>
        %swap3A_520 = vector.shape_cast %mul3A_515 : vector<16xf32> to vector<1x16xf32>
        tpu.vector_store %arg11[%swap3A_516, %swap3A_517], %swap3A_520 {strides = array<i32>} : memref<128x128xf32, #tpu.memory_space<vmem>>, vector<1x16xf32>,
        %slice3A_521 = vector.extract_strided_slice %get3A_147 {offsets = [4], sizes = [1], strides = [1]} : vector<16xf32> to vector<1xf32>
        %squeeze3A_522 = vector.extract %slice3A_521[0] : f32 from vector<1xf32>
        %mul3A_523 = arith.constant 16 : i32
        %mul3A_524 = arith.muli %scan3A_142, %mul3A_523 : i32
        %add3A_525 = arith.constant 4 : i32
        %add3A_526 = arith.addi %mul3A_524, %add3A_525 : i32
        %get3A_527 = arith.index_cast %add3A_526 : i32 to index
        %get3A_528 = arith.constant 0 : index
        %get3A_529 = tpu.vector_load %arg11[%get3A_527, %get3A_528] {strides = array<i32>} : memref<128x128xf32, #tpu.memory_space<vmem>>, vector<1x16xf32>,
        %get3A_530 = vector.shape_cast %get3A_529 : vector<1x16xf32> to vector<16xf32>
        %mul3A_531 = vector.broadcast %squeeze3A_522 : f32 to vector<16xf32>
        %mul3A_532 = arith.mulf %mul3A_531, %get3A_530 : vector<16xf32>
        %swap3A_533 = arith.index_cast %add3A_526 : i32 to index
        %swap3A_534 = arith.constant 0 : index
        %swap3A_535 = tpu.vector_load %arg11[%swap3A_533, %swap3A_534] {strides = array<i32>} : memref<128x128xf32, #tpu.memory_space<vmem>>, vector<1x16xf32>,
        %swap3A_536 = vector.shape_cast %swap3A_535 : vector<1x16xf32> to vector<16xf32>
        %swap3A_537 = vector.shape_cast %mul3A_532 : vector<16xf32> to vector<1x16xf32>
        tpu.vector_store %arg11[%swap3A_533, %swap3A_534], %swap3A_537 {strides = array<i32>} : memref<128x128xf32, #tpu.memory_space<vmem>>, vector<1x16xf32>,
        %get3A_538 = arith.index_cast %add3A_526 : i32 to index
        %get3A_539 = arith.constant 16 : index
        %get3A_540 = tpu.vector_load %arg11[%get3A_538, %get3A_539] {strides = array<i32>} : memref<128x128xf32, #tpu.memory_space<vmem>>, vector<1x16xf32>,
        %get3A_541 = vector.shape_cast %get3A_540 : vector<1x16xf32> to vector<16xf32>
        %mul3A_542 = vector.broadcast %squeeze3A_522 : f32 to vector<16xf32>
        %mul3A_543 = arith.mulf %mul3A_542, %get3A_541 : vector<16xf32>
        %swap3A_544 = arith.index_cast %add3A_526 : i32 to index
        %swap3A_545 = arith.constant 16 : index
        %swap3A_546 = tpu.vector_load %arg11[%swap3A_544, %swap3A_545] {strides = array<i32>} : memref<128x128xf32, #tpu.memory_space<vmem>>, vector<1x16xf32>,
        %swap3A_547 = vector.shape_cast %swap3A_546 : vector<1x16xf32> to vector<16xf32>
        %swap3A_548 = vector.shape_cast %mul3A_543 : vector<16xf32> to vector<1x16xf32>
        tpu.vector_store %arg11[%swap3A_544, %swap3A_545], %swap3A_548 {strides = array<i32>} : memref<128x128xf32, #tpu.memory_space<vmem>>, vector<1x16xf32>,
        %get3A_549 = arith.index_cast %add3A_526 : i32 to index
        %get3A_550 = arith.constant 32 : index
        %get3A_551 = tpu.vector_load %arg11[%get3A_549, %get3A_550] {strides = array<i32>} : memref<128x128xf32, #tpu.memory_space<vmem>>, vector<1x16xf32>,
        %get3A_552 = vector.shape_cast %get3A_551 : vector<1x16xf32> to vector<16xf32>
        %mul3A_553 = vector.broadcast %squeeze3A_522 : f32 to vector<16xf32>
        %mul3A_554 = arith.mulf %mul3A_553, %get3A_552 : vector<16xf32>
        %swap3A_555 = arith.index_cast %add3A_526 : i32 to index
        %swap3A_556 = arith.constant 32 : index
        %swap3A_557 = tpu.vector_load %arg11[%swap3A_555, %swap3A_556] {strides = array<i32>} : memref<128x128xf32, #tpu.memory_space<vmem>>, vector<1x16xf32>,
        %swap3A_558 = vector.shape_cast %swap3A_557 : vector<1x16xf32> to vector<16xf32>
        %swap3A_559 = vector.shape_cast %mul3A_554 : vector<16xf32> to vector<1x16xf32>
        tpu.vector_store %arg11[%swap3A_555, %swap3A_556], %swap3A_559 {strides = array<i32>} : memref<128x128xf32, #tpu.memory_space<vmem>>, vector<1x16xf32>,
        %get3A_560 = arith.index_cast %add3A_526 : i32 to index
        %get3A_561 = arith.constant 48 : index
        %get3A_562 = tpu.vector_load %arg11[%get3A_560, %get3A_561] {strides = array<i32>} : memref<128x128xf32, #tpu.memory_space<vmem>>, vector<1x16xf32>,
        %get3A_563 = vector.shape_cast %get3A_562 : vector<1x16xf32> to vector<16xf32>
        %mul3A_564 = vector.broadcast %squeeze3A_522 : f32 to vector<16xf32>
        %mul3A_565 = arith.mulf %mul3A_564, %get3A_563 : vector<16xf32>
        %swap3A_566 = arith.index_cast %add3A_526 : i32 to index
        %swap3A_567 = arith.constant 48 : index
        %swap3A_568 = tpu.vector_load %arg11[%swap3A_566, %swap3A_567] {strides = array<i32>} : memref<128x128xf32, #tpu.memory_space<vmem>>, vector<1x16xf32>,
        %swap3A_569 = vector.shape_cast %swap3A_568 : vector<1x16xf32> to vector<16xf32>
        %swap3A_570 = vector.shape_cast %mul3A_565 : vector<16xf32> to vector<1x16xf32>
        tpu.vector_store %arg11[%swap3A_566, %swap3A_567], %swap3A_570 {strides = array<i32>} : memref<128x128xf32, #tpu.memory_space<vmem>>, vector<1x16xf32>,
        %get3A_571 = arith.index_cast %add3A_526 : i32 to index
        %get3A_572 = arith.constant 64 : index
        %get3A_573 = tpu.vector_load %arg11[%get3A_571, %get3A_572] {strides = array<i32>} : memref<128x128xf32, #tpu.memory_space<vmem>>, vector<1x16xf32>,
        %get3A_574 = vector.shape_cast %get3A_573 : vector<1x16xf32> to vector<16xf32>
        %mul3A_575 = vector.broadcast %squeeze3A_522 : f32 to vector<16xf32>
        %mul3A_576 = arith.mulf %mul3A_575, %get3A_574 : vector<16xf32>
        %swap3A_577 = arith.index_cast %add3A_526 : i32 to index
        %swap3A_578 = arith.constant 64 : index
        %swap3A_579 = tpu.vector_load %arg11[%swap3A_577, %swap3A_578] {strides = array<i32>} : memref<128x128xf32, #tpu.memory_space<vmem>>, vector<1x16xf32>,
        %swap3A_580 = vector.shape_cast %swap3A_579 : vector<1x16xf32> to vector<16xf32>
        %swap3A_581 = vector.shape_cast %mul3A_576 : vector<16xf32> to vector<1x16xf32>
        tpu.vector_store %arg11[%swap3A_577, %swap3A_578], %swap3A_581 {strides = array<i32>} : memref<128x128xf32, #tpu.memory_space<vmem>>, vector<1x16xf32>,
        %get3A_582 = arith.index_cast %add3A_526 : i32 to index
        %get3A_583 = arith.constant 80 : index
        %get3A_584 = tpu.vector_load %arg11[%get3A_582, %get3A_583] {strides = array<i32>} : memref<128x128xf32, #tpu.memory_space<vmem>>, vector<1x16xf32>,
        %get3A_585 = vector.shape_cast %get3A_584 : vector<1x16xf32> to vector<16xf32>
        %mul3A_586 = vector.broadcast %squeeze3A_522 : f32 to vector<16xf32>
        %mul3A_587 = arith.mulf %mul3A_586, %get3A_585 : vector<16xf32>
        %swap3A_588 = arith.index_cast %add3A_526 : i32 to index
        %swap3A_589 = arith.constant 80 : index
        %swap3A_590 = tpu.vector_load %arg11[%swap3A_588, %swap3A_589] {strides = array<i32>} : memref<128x128xf32, #tpu.memory_space<vmem>>, vector<1x16xf32>,
        %swap3A_591 = vector.shape_cast %swap3A_590 : vector<1x16xf32> to vector<16xf32>
        %swap3A_592 = vector.shape_cast %mul3A_587 : vector<16xf32> to vector<1x16xf32>
        tpu.vector_store %arg11[%swap3A_588, %swap3A_589], %swap3A_592 {strides = array<i32>} : memref<128x128xf32, #tpu.memory_space<vmem>>, vector<1x16xf32>,
        %get3A_593 = arith.index_cast %add3A_526 : i32 to index
        %get3A_594 = arith.constant 96 : index
        %get3A_595 = tpu.vector_load %arg11[%get3A_593, %get3A_594] {strides = array<i32>} : memref<128x128xf32, #tpu.memory_space<vmem>>, vector<1x16xf32>,
        %get3A_596 = vector.shape_cast %get3A_595 : vector<1x16xf32> to vector<16xf32>
        %mul3A_597 = vector.broadcast %squeeze3A_522 : f32 to vector<16xf32>
        %mul3A_598 = arith.mulf %mul3A_597, %get3A_596 : vector<16xf32>
        %swap3A_599 = arith.index_cast %add3A_526 : i32 to index
        %swap3A_600 = arith.constant 96 : index
        %swap3A_601 = tpu.vector_load %arg11[%swap3A_599, %swap3A_600] {strides = array<i32>} : memref<128x128xf32, #tpu.memory_space<vmem>>, vector<1x16xf32>,
        %swap3A_602 = vector.shape_cast %swap3A_601 : vector<1x16xf32> to vector<16xf32>
        %swap3A_603 = vector.shape_cast %mul3A_598 : vector<16xf32> to vector<1x16xf32>
        tpu.vector_store %arg11[%swap3A_599, %swap3A_600], %swap3A_603 {strides = array<i32>} : memref<128x128xf32, #tpu.memory_space<vmem>>, vector<1x16xf32>,
        %get3A_604 = arith.index_cast %add3A_526 : i32 to index
        %get3A_605 = arith.constant 112 : index
        %get3A_606 = tpu.vector_load %arg11[%get3A_604, %get3A_605] {strides = array<i32>} : memref<128x128xf32, #tpu.memory_space<vmem>>, vector<1x16xf32>,
        %get3A_607 = vector.shape_cast %get3A_606 : vector<1x16xf32> to vector<16xf32>
        %mul3A_608 = vector.broadcast %squeeze3A_522 : f32 to vector<16xf32>
        %mul3A_609 = arith.mulf %mul3A_608, %get3A_607 : vector<16xf32>
        %swap3A_610 = arith.index_cast %add3A_526 : i32 to index
        %swap3A_611 = arith.constant 112 : index
        %swap3A_612 = tpu.vector_load %arg11[%swap3A_610, %swap3A_611] {strides = array<i32>} : memref<128x128xf32, #tpu.memory_space<vmem>>, vector<1x16xf32>,
        %swap3A_613 = vector.shape_cast %swap3A_612 : vector<1x16xf32> to vector<16xf32>
        %swap3A_614 = vector.shape_cast %mul3A_609 : vector<16xf32> to vector<1x16xf32>
        tpu.vector_store %arg11[%swap3A_610, %swap3A_611], %swap3A_614 {strides = array<i32>} : memref<128x128xf32, #tpu.memory_space<vmem>>, vector<1x16xf32>,
        %slice3A_615 = vector.extract_strided_slice %get3A_147 {offsets = [5], sizes = [1], strides = [1]} : vector<16xf32> to vector<1xf32>
        %squeeze3A_616 = vector.extract %slice3A_615[0] : f32 from vector<1xf32>
        %mul3A_617 = arith.constant 16 : i32
        %mul3A_618 = arith.muli %scan3A_142, %mul3A_617 : i32
        %add3A_619 = arith.constant 5 : i32
        %add3A_620 = arith.addi %mul3A_618, %add3A_619 : i32
        %get3A_621 = arith.index_cast %add3A_620 : i32 to index
        %get3A_622 = arith.constant 0 : index
        %get3A_623 = tpu.vector_load %arg11[%get3A_621, %get3A_622] {strides = array<i32>} : memref<128x128xf32, #tpu.memory_space<vmem>>, vector<1x16xf32>,
        %get3A_624 = vector.shape_cast %get3A_623 : vector<1x16xf32> to vector<16xf32>
        %mul3A_625 = vector.broadcast %squeeze3A_616 : f32 to vector<16xf32>
        %mul3A_626 = arith.mulf %mul3A_625, %get3A_624 : vector<16xf32>
        %swap3A_627 = arith.index_cast %add3A_620 : i32 to index
        %swap3A_628 = arith.constant 0 : index
        %swap3A_629 = tpu.vector_load %arg11[%swap3A_627, %swap3A_628] {strides = array<i32>} : memref<128x128xf32, #tpu.memory_space<vmem>>, vector<1x16xf32>,
        %swap3A_630 = vector.shape_cast %swap3A_629 : vector<1x16xf32> to vector<16xf32>
        %swap3A_631 = vector.shape_cast %mul3A_626 : vector<16xf32> to vector<1x16xf32>
        tpu.vector_store %arg11[%swap3A_627, %swap3A_628], %swap3A_631 {strides = array<i32>} : memref<128x128xf32, #tpu.memory_space<vmem>>, vector<1x16xf32>,
        %get3A_632 = arith.index_cast %add3A_620 : i32 to index
        %get3A_633 = arith.constant 16 : index
        %get3A_634 = tpu.vector_load %arg11[%get3A_632, %get3A_633] {strides = array<i32>} : memref<128x128xf32, #tpu.memory_space<vmem>>, vector<1x16xf32>,
        %get3A_635 = vector.shape_cast %get3A_634 : vector<1x16xf32> to vector<16xf32>
        %mul3A_636 = vector.broadcast %squeeze3A_616 : f32 to vector<16xf32>
        %mul3A_637 = arith.mulf %mul3A_636, %get3A_635 : vector<16xf32>
        %swap3A_638 = arith.index_cast %add3A_620 : i32 to index
        %swap3A_639 = arith.constant 16 : index
        %swap3A_640 = tpu.vector_load %arg11[%swap3A_638, %swap3A_639] {strides = array<i32>} : memref<128x128xf32, #tpu.memory_space<vmem>>, vector<1x16xf32>,
        %swap3A_641 = vector.shape_cast %swap3A_640 : vector<1x16xf32> to vector<16xf32>
        %swap3A_642 = vector.shape_cast %mul3A_637 : vector<16xf32> to vector<1x16xf32>
        tpu.vector_store %arg11[%swap3A_638, %swap3A_639], %swap3A_642 {strides = array<i32>} : memref<128x128xf32, #tpu.memory_space<vmem>>, vector<1x16xf32>,
        %get3A_643 = arith.index_cast %add3A_620 : i32 to index
        %get3A_644 = arith.constant 32 : index
        %get3A_645 = tpu.vector_load %arg11[%get3A_643, %get3A_644] {strides = array<i32>} : memref<128x128xf32, #tpu.memory_space<vmem>>, vector<1x16xf32>,
        %get3A_646 = vector.shape_cast %get3A_645 : vector<1x16xf32> to vector<16xf32>
        %mul3A_647 = vector.broadcast %squeeze3A_616 : f32 to vector<16xf32>
        %mul3A_648 = arith.mulf %mul3A_647, %get3A_646 : vector<16xf32>
        %swap3A_649 = arith.index_cast %add3A_620 : i32 to index
        %swap3A_650 = arith.constant 32 : index
        %swap3A_651 = tpu.vector_load %arg11[%swap3A_649, %swap3A_650] {strides = array<i32>} : memref<128x128xf32, #tpu.memory_space<vmem>>, vector<1x16xf32>,
        %swap3A_652 = vector.shape_cast %swap3A_651 : vector<1x16xf32> to vector<16xf32>
        %swap3A_653 = vector.shape_cast %mul3A_648 : vector<16xf32> to vector<1x16xf32>
        tpu.vector_store %arg11[%swap3A_649, %swap3A_650], %swap3A_653 {strides = array<i32>} : memref<128x128xf32, #tpu.memory_space<vmem>>, vector<1x16xf32>,
        %get3A_654 = arith.index_cast %add3A_620 : i32 to index
        %get3A_655 = arith.constant 48 : index
        %get3A_656 = tpu.vector_load %arg11[%get3A_654, %get3A_655] {strides = array<i32>} : memref<128x128xf32, #tpu.memory_space<vmem>>, vector<1x16xf32>,
        %get3A_657 = vector.shape_cast %get3A_656 : vector<1x16xf32> to vector<16xf32>
        %mul3A_658 = vector.broadcast %squeeze3A_616 : f32 to vector<16xf32>
        %mul3A_659 = arith.mulf %mul3A_658, %get3A_657 : vector<16xf32>
        %swap3A_660 = arith.index_cast %add3A_620 : i32 to index
        %swap3A_661 = arith.constant 48 : index
        %swap3A_662 = tpu.vector_load %arg11[%swap3A_660, %swap3A_661] {strides = array<i32>} : memref<128x128xf32, #tpu.memory_space<vmem>>, vector<1x16xf32>,
        %swap3A_663 = vector.shape_cast %swap3A_662 : vector<1x16xf32> to vector<16xf32>
        %swap3A_664 = vector.shape_cast %mul3A_659 : vector<16xf32> to vector<1x16xf32>
        tpu.vector_store %arg11[%swap3A_660, %swap3A_661], %swap3A_664 {strides = array<i32>} : memref<128x128xf32, #tpu.memory_space<vmem>>, vector<1x16xf32>,
        %get3A_665 = arith.index_cast %add3A_620 : i32 to index
        %get3A_666 = arith.constant 64 : index
        %get3A_667 = tpu.vector_load %arg11[%get3A_665, %get3A_666] {strides = array<i32>} : memref<128x128xf32, #tpu.memory_space<vmem>>, vector<1x16xf32>,
        %get3A_668 = vector.shape_cast %get3A_667 : vector<1x16xf32> to vector<16xf32>
        %mul3A_669 = vector.broadcast %squeeze3A_616 : f32 to vector<16xf32>
        %mul3A_670 = arith.mulf %mul3A_669, %get3A_668 : vector<16xf32>
        %swap3A_671 = arith.index_cast %add3A_620 : i32 to index
        %swap3A_672 = arith.constant 64 : index
        %swap3A_673 = tpu.vector_load %arg11[%swap3A_671, %swap3A_672] {strides = array<i32>} : memref<128x128xf32, #tpu.memory_space<vmem>>, vector<1x16xf32>,
        %swap3A_674 = vector.shape_cast %swap3A_673 : vector<1x16xf32> to vector<16xf32>
        %swap3A_675 = vector.shape_cast %mul3A_670 : vector<16xf32> to vector<1x16xf32>
        tpu.vector_store %arg11[%swap3A_671, %swap3A_672], %swap3A_675 {strides = array<i32>} : memref<128x128xf32, #tpu.memory_space<vmem>>, vector<1x16xf32>,
        %get3A_676 = arith.index_cast %add3A_620 : i32 to index
        %get3A_677 = arith.constant 80 : index
        %get3A_678 = tpu.vector_load %arg11[%get3A_676, %get3A_677] {strides = array<i32>} : memref<128x128xf32, #tpu.memory_space<vmem>>, vector<1x16xf32>,
        %get3A_679 = vector.shape_cast %get3A_678 : vector<1x16xf32> to vector<16xf32>
        %mul3A_680 = vector.broadcast %squeeze3A_616 : f32 to vector<16xf32>
        %mul3A_681 = arith.mulf %mul3A_680, %get3A_679 : vector<16xf32>
        %swap3A_682 = arith.index_cast %add3A_620 : i32 to index
        %swap3A_683 = arith.constant 80 : index
        %swap3A_684 = tpu.vector_load %arg11[%swap3A_682, %swap3A_683] {strides = array<i32>} : memref<128x128xf32, #tpu.memory_space<vmem>>, vector<1x16xf32>,
        %swap3A_685 = vector.shape_cast %swap3A_684 : vector<1x16xf32> to vector<16xf32>
        %swap3A_686 = vector.shape_cast %mul3A_681 : vector<16xf32> to vector<1x16xf32>
        tpu.vector_store %arg11[%swap3A_682, %swap3A_683], %swap3A_686 {strides = array<i32>} : memref<128x128xf32, #tpu.memory_space<vmem>>, vector<1x16xf32>,
        %get3A_687 = arith.index_cast %add3A_620 : i32 to index
        %get3A_688 = arith.constant 96 : index
        %get3A_689 = tpu.vector_load %arg11[%get3A_687, %get3A_688] {strides = array<i32>} : memref<128x128xf32, #tpu.memory_space<vmem>>, vector<1x16xf32>,
        %get3A_690 = vector.shape_cast %get3A_689 : vector<1x16xf32> to vector<16xf32>
        %mul3A_691 = vector.broadcast %squeeze3A_616 : f32 to vector<16xf32>
        %mul3A_692 = arith.mulf %mul3A_691, %get3A_690 : vector<16xf32>
        %swap3A_693 = arith.index_cast %add3A_620 : i32 to index
        %swap3A_694 = arith.constant 96 : index
        %swap3A_695 = tpu.vector_load %arg11[%swap3A_693, %swap3A_694] {strides = array<i32>} : memref<128x128xf32, #tpu.memory_space<vmem>>, vector<1x16xf32>,
        %swap3A_696 = vector.shape_cast %swap3A_695 : vector<1x16xf32> to vector<16xf32>
        %swap3A_697 = vector.shape_cast %mul3A_692 : vector<16xf32> to vector<1x16xf32>
        tpu.vector_store %arg11[%swap3A_693, %swap3A_694], %swap3A_697 {strides = array<i32>} : memref<128x128xf32, #tpu.memory_space<vmem>>, vector<1x16xf32>,
        %get3A_698 = arith.index_cast %add3A_620 : i32 to index
        %get3A_699 = arith.constant 112 : index
        %get3A_700 = tpu.vector_load %arg11[%get3A_698, %get3A_699] {strides = array<i32>} : memref<128x128xf32, #tpu.memory_space<vmem>>, vector<1x16xf32>,
        %get3A_701 = vector.shape_cast %get3A_700 : vector<1x16xf32> to vector<16xf32>
        %mul3A_702 = vector.broadcast %squeeze3A_616 : f32 to vector<16xf32>
        %mul3A_703 = arith.mulf %mul3A_702, %get3A_701 : vector<16xf32>
        %swap3A_704 = arith.index_cast %add3A_620 : i32 to index
        %swap3A_705 = arith.constant 112 : index
        %swap3A_706 = tpu.vector_load %arg11[%swap3A_704, %swap3A_705] {strides = array<i32>} : memref<128x128xf32, #tpu.memory_space<vmem>>, vector<1x16xf32>,
        %swap3A_707 = vector.shape_cast %swap3A_706 : vector<1x16xf32> to vector<16xf32>
        %swap3A_708 = vector.shape_cast %mul3A_703 : vector<16xf32> to vector<1x16xf32>
        tpu.vector_store %arg11[%swap3A_704, %swap3A_705], %swap3A_708 {strides = array<i32>} : memref<128x128xf32, #tpu.memory_space<vmem>>, vector<1x16xf32>,
        %slice3A_709 = vector.extract_strided_slice %get3A_147 {offsets = [6], sizes = [1], strides = [1]} : vector<16xf32> to vector<1xf32>
        %squeeze3A_710 = vector.extract %slice3A_709[0] : f32 from vector<1xf32>
        %mul3A_711 = arith.constant 16 : i32
        %mul3A_712 = arith.muli %scan3A_142, %mul3A_711 : i32
        %add3A_713 = arith.constant 6 : i32
        %add3A_714 = arith.addi %mul3A_712, %add3A_713 : i32
        %get3A_715 = arith.index_cast %add3A_714 : i32 to index
        %get3A_716 = arith.constant 0 : index
        %get3A_717 = tpu.vector_load %arg11[%get3A_715, %get3A_716] {strides = array<i32>} : memref<128x128xf32, #tpu.memory_space<vmem>>, vector<1x16xf32>,
        %get3A_718 = vector.shape_cast %get3A_717 : vector<1x16xf32> to vector<16xf32>
        %mul3A_719 = vector.broadcast %squeeze3A_710 : f32 to vector<16xf32>
        %mul3A_720 = arith.mulf %mul3A_719, %get3A_718 : vector<16xf32>
        %swap3A_721 = arith.index_cast %add3A_714 : i32 to index
        %swap3A_722 = arith.constant 0 : index
        %swap3A_723 = tpu.vector_load %arg11[%swap3A_721, %swap3A_722] {strides = array<i32>} : memref<128x128xf32, #tpu.memory_space<vmem>>, vector<1x16xf32>,
        %swap3A_724 = vector.shape_cast %swap3A_723 : vector<1x16xf32> to vector<16xf32>
        %swap3A_725 = vector.shape_cast %mul3A_720 : vector<16xf32> to vector<1x16xf32>
        tpu.vector_store %arg11[%swap3A_721, %swap3A_722], %swap3A_725 {strides = array<i32>} : memref<128x128xf32, #tpu.memory_space<vmem>>, vector<1x16xf32>,
        %get3A_726 = arith.index_cast %add3A_714 : i32 to index
        %get3A_727 = arith.constant 16 : index
        %get3A_728 = tpu.vector_load %arg11[%get3A_726, %get3A_727] {strides = array<i32>} : memref<128x128xf32, #tpu.memory_space<vmem>>, vector<1x16xf32>,
        %get3A_729 = vector.shape_cast %get3A_728 : vector<1x16xf32> to vector<16xf32>
        %mul3A_730 = vector.broadcast %squeeze3A_710 : f32 to vector<16xf32>
        %mul3A_731 = arith.mulf %mul3A_730, %get3A_729 : vector<16xf32>
        %swap3A_732 = arith.index_cast %add3A_714 : i32 to index
        %swap3A_733 = arith.constant 16 : index
        %swap3A_734 = tpu.vector_load %arg11[%swap3A_732, %swap3A_733] {strides = array<i32>} : memref<128x128xf32, #tpu.memory_space<vmem>>, vector<1x16xf32>,
        %swap3A_735 = vector.shape_cast %swap3A_734 : vector<1x16xf32> to vector<16xf32>
        %swap3A_736 = vector.shape_cast %mul3A_731 : vector<16xf32> to vector<1x16xf32>
        tpu.vector_store %arg11[%swap3A_732, %swap3A_733], %swap3A_736 {strides = array<i32>} : memref<128x128xf32, #tpu.memory_space<vmem>>, vector<1x16xf32>,
        %get3A_737 = arith.index_cast %add3A_714 : i32 to index
        %get3A_738 = arith.constant 32 : index
        %get3A_739 = tpu.vector_load %arg11[%get3A_737, %get3A_738] {strides = array<i32>} : memref<128x128xf32, #tpu.memory_space<vmem>>, vector<1x16xf32>,
        %get3A_740 = vector.shape_cast %get3A_739 : vector<1x16xf32> to vector<16xf32>
        %mul3A_741 = vector.broadcast %squeeze3A_710 : f32 to vector<16xf32>
        %mul3A_742 = arith.mulf %mul3A_741, %get3A_740 : vector<16xf32>
        %swap3A_743 = arith.index_cast %add3A_714 : i32 to index
        %swap3A_744 = arith.constant 32 : index
        %swap3A_745 = tpu.vector_load %arg11[%swap3A_743, %swap3A_744] {strides = array<i32>} : memref<128x128xf32, #tpu.memory_space<vmem>>, vector<1x16xf32>,
        %swap3A_746 = vector.shape_cast %swap3A_745 : vector<1x16xf32> to vector<16xf32>
        %swap3A_747 = vector.shape_cast %mul3A_742 : vector<16xf32> to vector<1x16xf32>
        tpu.vector_store %arg11[%swap3A_743, %swap3A_744], %swap3A_747 {strides = array<i32>} : memref<128x128xf32, #tpu.memory_space<vmem>>, vector<1x16xf32>,
        %get3A_748 = arith.index_cast %add3A_714 : i32 to index
        %get3A_749 = arith.constant 48 : index
        %get3A_750 = tpu.vector_load %arg11[%get3A_748, %get3A_749] {strides = array<i32>} : memref<128x128xf32, #tpu.memory_space<vmem>>, vector<1x16xf32>,
        %get3A_751 = vector.shape_cast %get3A_750 : vector<1x16xf32> to vector<16xf32>
        %mul3A_752 = vector.broadcast %squeeze3A_710 : f32 to vector<16xf32>
        %mul3A_753 = arith.mulf %mul3A_752, %get3A_751 : vector<16xf32>
        %swap3A_754 = arith.index_cast %add3A_714 : i32 to index
        %swap3A_755 = arith.constant 48 : index
        %swap3A_756 = tpu.vector_load %arg11[%swap3A_754, %swap3A_755] {strides = array<i32>} : memref<128x128xf32, #tpu.memory_space<vmem>>, vector<1x16xf32>,
        %swap3A_757 = vector.shape_cast %swap3A_756 : vector<1x16xf32> to vector<16xf32>
        %swap3A_758 = vector.shape_cast %mul3A_753 : vector<16xf32> to vector<1x16xf32>
        tpu.vector_store %arg11[%swap3A_754, %swap3A_755], %swap3A_758 {strides = array<i32>} : memref<128x128xf32, #tpu.memory_space<vmem>>, vector<1x16xf32>,
        %get3A_759 = arith.index_cast %add3A_714 : i32 to index
        %get3A_760 = arith.constant 64 : index
        %get3A_761 = tpu.vector_load %arg11[%get3A_759, %get3A_760] {strides = array<i32>} : memref<128x128xf32, #tpu.memory_space<vmem>>, vector<1x16xf32>,
        %get3A_762 = vector.shape_cast %get3A_761 : vector<1x16xf32> to vector<16xf32>
        %mul3A_763 = vector.broadcast %squeeze3A_710 : f32 to vector<16xf32>
        %mul3A_764 = arith.mulf %mul3A_763, %get3A_762 : vector<16xf32>
        %swap3A_765 = arith.index_cast %add3A_714 : i32 to index
        %swap3A_766 = arith.constant 64 : index
        %swap3A_767 = tpu.vector_load %arg11[%swap3A_765, %swap3A_766] {strides = array<i32>} : memref<128x128xf32, #tpu.memory_space<vmem>>, vector<1x16xf32>,
        %swap3A_768 = vector.shape_cast %swap3A_767 : vector<1x16xf32> to vector<16xf32>
        %swap3A_769 = vector.shape_cast %mul3A_764 : vector<16xf32> to vector<1x16xf32>
        tpu.vector_store %arg11[%swap3A_765, %swap3A_766], %swap3A_769 {strides = array<i32>} : memref<128x128xf32, #tpu.memory_space<vmem>>, vector<1x16xf32>,
        %get3A_770 = arith.index_cast %add3A_714 : i32 to index
        %get3A_771 = arith.constant 80 : index
        %get3A_772 = tpu.vector_load %arg11[%get3A_770, %get3A_771] {strides = array<i32>} : memref<128x128xf32, #tpu.memory_space<vmem>>, vector<1x16xf32>,
        %get3A_773 = vector.shape_cast %get3A_772 : vector<1x16xf32> to vector<16xf32>
        %mul3A_774 = vector.broadcast %squeeze3A_710 : f32 to vector<16xf32>
        %mul3A_775 = arith.mulf %mul3A_774, %get3A_773 : vector<16xf32>
        %swap3A_776 = arith.index_cast %add3A_714 : i32 to index
        %swap3A_777 = arith.constant 80 : index
        %swap3A_778 = tpu.vector_load %arg11[%swap3A_776, %swap3A_777] {strides = array<i32>} : memref<128x128xf32, #tpu.memory_space<vmem>>, vector<1x16xf32>,
        %swap3A_779 = vector.shape_cast %swap3A_778 : vector<1x16xf32> to vector<16xf32>
        %swap3A_780 = vector.shape_cast %mul3A_775 : vector<16xf32> to vector<1x16xf32>
        tpu.vector_store %arg11[%swap3A_776, %swap3A_777], %swap3A_780 {strides = array<i32>} : memref<128x128xf32, #tpu.memory_space<vmem>>, vector<1x16xf32>,
        %get3A_781 = arith.index_cast %add3A_714 : i32 to index
        %get3A_782 = arith.constant 96 : index
        %get3A_783 = tpu.vector_load %arg11[%get3A_781, %get3A_782] {strides = array<i32>} : memref<128x128xf32, #tpu.memory_space<vmem>>, vector<1x16xf32>,
        %get3A_784 = vector.shape_cast %get3A_783 : vector<1x16xf32> to vector<16xf32>
        %mul3A_785 = vector.broadcast %squeeze3A_710 : f32 to vector<16xf32>
        %mul3A_786 = arith.mulf %mul3A_785, %get3A_784 : vector<16xf32>
        %swap3A_787 = arith.index_cast %add3A_714 : i32 to index
        %swap3A_788 = arith.constant 96 : index
        %swap3A_789 = tpu.vector_load %arg11[%swap3A_787, %swap3A_788] {strides = array<i32>} : memref<128x128xf32, #tpu.memory_space<vmem>>, vector<1x16xf32>,
        %swap3A_790 = vector.shape_cast %swap3A_789 : vector<1x16xf32> to vector<16xf32>
        %swap3A_791 = vector.shape_cast %mul3A_786 : vector<16xf32> to vector<1x16xf32>
        tpu.vector_store %arg11[%swap3A_787, %swap3A_788], %swap3A_791 {strides = array<i32>} : memref<128x128xf32, #tpu.memory_space<vmem>>, vector<1x16xf32>,
        %get3A_792 = arith.index_cast %add3A_714 : i32 to index
        %get3A_793 = arith.constant 112 : index
        %get3A_794 = tpu.vector_load %arg11[%get3A_792, %get3A_793] {strides = array<i32>} : memref<128x128xf32, #tpu.memory_space<vmem>>, vector<1x16xf32>,
        %get3A_795 = vector.shape_cast %get3A_794 : vector<1x16xf32> to vector<16xf32>
        %mul3A_796 = vector.broadcast %squeeze3A_710 : f32 to vector<16xf32>
        %mul3A_797 = arith.mulf %mul3A_796, %get3A_795 : vector<16xf32>
        %swap3A_798 = arith.index_cast %add3A_714 : i32 to index
        %swap3A_799 = arith.constant 112 : index
        %swap3A_800 = tpu.vector_load %arg11[%swap3A_798, %swap3A_799] {strides = array<i32>} : memref<128x128xf32, #tpu.memory_space<vmem>>, vector<1x16xf32>,
        %swap3A_801 = vector.shape_cast %swap3A_800 : vector<1x16xf32> to vector<16xf32>
        %swap3A_802 = vector.shape_cast %mul3A_797 : vector<16xf32> to vector<1x16xf32>
        tpu.vector_store %arg11[%swap3A_798, %swap3A_799], %swap3A_802 {strides = array<i32>} : memref<128x128xf32, #tpu.memory_space<vmem>>, vector<1x16xf32>,
        %slice3A_803 = vector.extract_strided_slice %get3A_147 {offsets = [7], sizes = [1], strides = [1]} : vector<16xf32> to vector<1xf32>
        %squeeze3A_804 = vector.extract %slice3A_803[0] : f32 from vector<1xf32>
        %mul3A_805 = arith.constant 16 : i32
        %mul3A_806 = arith.muli %scan3A_142, %mul3A_805 : i32
        %add3A_807 = arith.constant 7 : i32
        %add3A_808 = arith.addi %mul3A_806, %add3A_807 : i32
        %get3A_809 = arith.index_cast %add3A_808 : i32 to index
        %get3A_810 = arith.constant 0 : index
        %get3A_811 = tpu.vector_load %arg11[%get3A_809, %get3A_810] {strides = array<i32>} : memref<128x128xf32, #tpu.memory_space<vmem>>, vector<1x16xf32>,
        %get3A_812 = vector.shape_cast %get3A_811 : vector<1x16xf32> to vector<16xf32>
        %mul3A_813 = vector.broadcast %squeeze3A_804 : f32 to vector<16xf32>
        %mul3A_814 = arith.mulf %mul3A_813, %get3A_812 : vector<16xf32>
        %swap3A_815 = arith.index_cast %add3A_808 : i32 to index
        %swap3A_816 = arith.constant 0 : index
        %swap3A_817 = tpu.vector_load %arg11[%swap3A_815, %swap3A_816] {strides = array<i32>} : memref<128x128xf32, #tpu.memory_space<vmem>>, vector<1x16xf32>,
        %swap3A_818 = vector.shape_cast %swap3A_817 : vector<1x16xf32> to vector<16xf32>
        %swap3A_819 = vector.shape_cast %mul3A_814 : vector<16xf32> to vector<1x16xf32>
        tpu.vector_store %arg11[%swap3A_815, %swap3A_816], %swap3A_819 {strides = array<i32>} : memref<128x128xf32, #tpu.memory_space<vmem>>, vector<1x16xf32>,
        %get3A_820 = arith.index_cast %add3A_808 : i32 to index
        %get3A_821 = arith.constant 16 : index
        %get3A_822 = tpu.vector_load %arg11[%get3A_820, %get3A_821] {strides = array<i32>} : memref<128x128xf32, #tpu.memory_space<vmem>>, vector<1x16xf32>,
        %get3A_823 = vector.shape_cast %get3A_822 : vector<1x16xf32> to vector<16xf32>
        %mul3A_824 = vector.broadcast %squeeze3A_804 : f32 to vector<16xf32>
        %mul3A_825 = arith.mulf %mul3A_824, %get3A_823 : vector<16xf32>
        %swap3A_826 = arith.index_cast %add3A_808 : i32 to index
        %swap3A_827 = arith.constant 16 : index
        %swap3A_828 = tpu.vector_load %arg11[%swap3A_826, %swap3A_827] {strides = array<i32>} : memref<128x128xf32, #tpu.memory_space<vmem>>, vector<1x16xf32>,
        %swap3A_829 = vector.shape_cast %swap3A_828 : vector<1x16xf32> to vector<16xf32>
        %swap3A_830 = vector.shape_cast %mul3A_825 : vector<16xf32> to vector<1x16xf32>
        tpu.vector_store %arg11[%swap3A_826, %swap3A_827], %swap3A_830 {strides = array<i32>} : memref<128x128xf32, #tpu.memory_space<vmem>>, vector<1x16xf32>,
        %get3A_831 = arith.index_cast %add3A_808 : i32 to index
        %get3A_832 = arith.constant 32 : index
        %get3A_833 = tpu.vector_load %arg11[%get3A_831, %get3A_832] {strides = array<i32>} : memref<128x128xf32, #tpu.memory_space<vmem>>, vector<1x16xf32>,
        %get3A_834 = vector.shape_cast %get3A_833 : vector<1x16xf32> to vector<16xf32>
        %mul3A_835 = vector.broadcast %squeeze3A_804 : f32 to vector<16xf32>
        %mul3A_836 = arith.mulf %mul3A_835, %get3A_834 : vector<16xf32>
        %swap3A_837 = arith.index_cast %add3A_808 : i32 to index
        %swap3A_838 = arith.constant 32 : index
        %swap3A_839 = tpu.vector_load %arg11[%swap3A_837, %swap3A_838] {strides = array<i32>} : memref<128x128xf32, #tpu.memory_space<vmem>>, vector<1x16xf32>,
        %swap3A_840 = vector.shape_cast %swap3A_839 : vector<1x16xf32> to vector<16xf32>
        %swap3A_841 = vector.shape_cast %mul3A_836 : vector<16xf32> to vector<1x16xf32>
        tpu.vector_store %arg11[%swap3A_837, %swap3A_838], %swap3A_841 {strides = array<i32>} : memref<128x128xf32, #tpu.memory_space<vmem>>, vector<1x16xf32>,
        %get3A_842 = arith.index_cast %add3A_808 : i32 to index
        %get3A_843 = arith.constant 48 : index
        %get3A_844 = tpu.vector_load %arg11[%get3A_842, %get3A_843] {strides = array<i32>} : memref<128x128xf32, #tpu.memory_space<vmem>>, vector<1x16xf32>,
        %get3A_845 = vector.shape_cast %get3A_844 : vector<1x16xf32> to vector<16xf32>
        %mul3A_846 = vector.broadcast %squeeze3A_804 : f32 to vector<16xf32>
        %mul3A_847 = arith.mulf %mul3A_846, %get3A_845 : vector<16xf32>
        %swap3A_848 = arith.index_cast %add3A_808 : i32 to index
        %swap3A_849 = arith.constant 48 : index
        %swap3A_850 = tpu.vector_load %arg11[%swap3A_848, %swap3A_849] {strides = array<i32>} : memref<128x128xf32, #tpu.memory_space<vmem>>, vector<1x16xf32>,
        %swap3A_851 = vector.shape_cast %swap3A_850 : vector<1x16xf32> to vector<16xf32>
        %swap3A_852 = vector.shape_cast %mul3A_847 : vector<16xf32> to vector<1x16xf32>
        tpu.vector_store %arg11[%swap3A_848, %swap3A_849], %swap3A_852 {strides = array<i32>} : memref<128x128xf32, #tpu.memory_space<vmem>>, vector<1x16xf32>,
        %get3A_853 = arith.index_cast %add3A_808 : i32 to index
        %get3A_854 = arith.constant 64 : index
        %get3A_855 = tpu.vector_load %arg11[%get3A_853, %get3A_854] {strides = array<i32>} : memref<128x128xf32, #tpu.memory_space<vmem>>, vector<1x16xf32>,
        %get3A_856 = vector.shape_cast %get3A_855 : vector<1x16xf32> to vector<16xf32>
        %mul3A_857 = vector.broadcast %squeeze3A_804 : f32 to vector<16xf32>
        %mul3A_858 = arith.mulf %mul3A_857, %get3A_856 : vector<16xf32>
        %swap3A_859 = arith.index_cast %add3A_808 : i32 to index
        %swap3A_860 = arith.constant 64 : index
        %swap3A_861 = tpu.vector_load %arg11[%swap3A_859, %swap3A_860] {strides = array<i32>} : memref<128x128xf32, #tpu.memory_space<vmem>>, vector<1x16xf32>,
        %swap3A_862 = vector.shape_cast %swap3A_861 : vector<1x16xf32> to vector<16xf32>
        %swap3A_863 = vector.shape_cast %mul3A_858 : vector<16xf32> to vector<1x16xf32>
        tpu.vector_store %arg11[%swap3A_859, %swap3A_860], %swap3A_863 {strides = array<i32>} : memref<128x128xf32, #tpu.memory_space<vmem>>, vector<1x16xf32>,
        %get3A_864 = arith.index_cast %add3A_808 : i32 to index
        %get3A_865 = arith.constant 80 : index
        %get3A_866 = tpu.vector_load %arg11[%get3A_864, %get3A_865] {strides = array<i32>} : memref<128x128xf32, #tpu.memory_space<vmem>>, vector<1x16xf32>,
        %get3A_867 = vector.shape_cast %get3A_866 : vector<1x16xf32> to vector<16xf32>
        %mul3A_868 = vector.broadcast %squeeze3A_804 : f32 to vector<16xf32>
        %mul3A_869 = arith.mulf %mul3A_868, %get3A_867 : vector<16xf32>
        %swap3A_870 = arith.index_cast %add3A_808 : i32 to index
        %swap3A_871 = arith.constant 80 : index
        %swap3A_872 = tpu.vector_load %arg11[%swap3A_870, %swap3A_871] {strides = array<i32>} : memref<128x128xf32, #tpu.memory_space<vmem>>, vector<1x16xf32>,
        %swap3A_873 = vector.shape_cast %swap3A_872 : vector<1x16xf32> to vector<16xf32>
        %swap3A_874 = vector.shape_cast %mul3A_869 : vector<16xf32> to vector<1x16xf32>
        tpu.vector_store %arg11[%swap3A_870, %swap3A_871], %swap3A_874 {strides = array<i32>} : memref<128x128xf32, #tpu.memory_space<vmem>>, vector<1x16xf32>,
        %get3A_875 = arith.index_cast %add3A_808 : i32 to index
        %get3A_876 = arith.constant 96 : index
        %get3A_877 = tpu.vector_load %arg11[%get3A_875, %get3A_876] {strides = array<i32>} : memref<128x128xf32, #tpu.memory_space<vmem>>, vector<1x16xf32>,
        %get3A_878 = vector.shape_cast %get3A_877 : vector<1x16xf32> to vector<16xf32>
        %mul3A_879 = vector.broadcast %squeeze3A_804 : f32 to vector<16xf32>
        %mul3A_880 = arith.mulf %mul3A_879, %get3A_878 : vector<16xf32>
        %swap3A_881 = arith.index_cast %add3A_808 : i32 to index
        %swap3A_882 = arith.constant 96 : index
        %swap3A_883 = tpu.vector_load %arg11[%swap3A_881, %swap3A_882] {strides = array<i32>} : memref<128x128xf32, #tpu.memory_space<vmem>>, vector<1x16xf32>,
        %swap3A_884 = vector.shape_cast %swap3A_883 : vector<1x16xf32> to vector<16xf32>
        %swap3A_885 = vector.shape_cast %mul3A_880 : vector<16xf32> to vector<1x16xf32>
        tpu.vector_store %arg11[%swap3A_881, %swap3A_882], %swap3A_885 {strides = array<i32>} : memref<128x128xf32, #tpu.memory_space<vmem>>, vector<1x16xf32>,
        %get3A_886 = arith.index_cast %add3A_808 : i32 to index
        %get3A_887 = arith.constant 112 : index
        %get3A_888 = tpu.vector_load %arg11[%get3A_886, %get3A_887] {strides = array<i32>} : memref<128x128xf32, #tpu.memory_space<vmem>>, vector<1x16xf32>,
        %get3A_889 = vector.shape_cast %get3A_888 : vector<1x16xf32> to vector<16xf32>
        %mul3A_890 = vector.broadcast %squeeze3A_804 : f32 to vector<16xf32>
        %mul3A_891 = arith.mulf %mul3A_890, %get3A_889 : vector<16xf32>
        %swap3A_892 = arith.index_cast %add3A_808 : i32 to index
        %swap3A_893 = arith.constant 112 : index
        %swap3A_894 = tpu.vector_load %arg11[%swap3A_892, %swap3A_893] {strides = array<i32>} : memref<128x128xf32, #tpu.memory_space<vmem>>, vector<1x16xf32>,
        %swap3A_895 = vector.shape_cast %swap3A_894 : vector<1x16xf32> to vector<16xf32>
        %swap3A_896 = vector.shape_cast %mul3A_891 : vector<16xf32> to vector<1x16xf32>
        tpu.vector_store %arg11[%swap3A_892, %swap3A_893], %swap3A_896 {strides = array<i32>} : memref<128x128xf32, #tpu.memory_space<vmem>>, vector<1x16xf32>,
        %slice3A_897 = vector.extract_strided_slice %get3A_147 {offsets = [8], sizes = [1], strides = [1]} : vector<16xf32> to vector<1xf32>
        %squeeze3A_898 = vector.extract %slice3A_897[0] : f32 from vector<1xf32>
        %mul3A_899 = arith.constant 16 : i32
        %mul3A_900 = arith.muli %scan3A_142, %mul3A_899 : i32
        %add3A_901 = arith.constant 8 : i32
        %add3A_902 = arith.addi %mul3A_900, %add3A_901 : i32
        %get3A_903 = arith.index_cast %add3A_902 : i32 to index
        %get3A_904 = arith.constant 0 : index
        %get3A_905 = tpu.vector_load %arg11[%get3A_903, %get3A_904] {strides = array<i32>} : memref<128x128xf32, #tpu.memory_space<vmem>>, vector<1x16xf32>,
        %get3A_906 = vector.shape_cast %get3A_905 : vector<1x16xf32> to vector<16xf32>
        %mul3A_907 = vector.broadcast %squeeze3A_898 : f32 to vector<16xf32>
        %mul3A_908 = arith.mulf %mul3A_907, %get3A_906 : vector<16xf32>
        %swap3A_909 = arith.index_cast %add3A_902 : i32 to index
        %swap3A_910 = arith.constant 0 : index
        %swap3A_911 = tpu.vector_load %arg11[%swap3A_909, %swap3A_910] {strides = array<i32>} : memref<128x128xf32, #tpu.memory_space<vmem>>, vector<1x16xf32>,
        %swap3A_912 = vector.shape_cast %swap3A_911 : vector<1x16xf32> to vector<16xf32>
        %swap3A_913 = vector.shape_cast %mul3A_908 : vector<16xf32> to vector<1x16xf32>
        tpu.vector_store %arg11[%swap3A_909, %swap3A_910], %swap3A_913 {strides = array<i32>} : memref<128x128xf32, #tpu.memory_space<vmem>>, vector<1x16xf32>,
        %get3A_914 = arith.index_cast %add3A_902 : i32 to index
        %get3A_915 = arith.constant 16 : index
        %get3A_916 = tpu.vector_load %arg11[%get3A_914, %get3A_915] {strides = array<i32>} : memref<128x128xf32, #tpu.memory_space<vmem>>, vector<1x16xf32>,
        %get3A_917 = vector.shape_cast %get3A_916 : vector<1x16xf32> to vector<16xf32>
        %mul3A_918 = vector.broadcast %squeeze3A_898 : f32 to vector<16xf32>
        %mul3A_919 = arith.mulf %mul3A_918, %get3A_917 : vector<16xf32>
        %swap3A_920 = arith.index_cast %add3A_902 : i32 to index
        %swap3A_921 = arith.constant 16 : index
        %swap3A_922 = tpu.vector_load %arg11[%swap3A_920, %swap3A_921] {strides = array<i32>} : memref<128x128xf32, #tpu.memory_space<vmem>>, vector<1x16xf32>,
        %swap3A_923 = vector.shape_cast %swap3A_922 : vector<1x16xf32> to vector<16xf32>
        %swap3A_924 = vector.shape_cast %mul3A_919 : vector<16xf32> to vector<1x16xf32>
        tpu.vector_store %arg11[%swap3A_920, %swap3A_921], %swap3A_924 {strides = array<i32>} : memref<128x128xf32, #tpu.memory_space<vmem>>, vector<1x16xf32>,
        %get3A_925 = arith.index_cast %add3A_902 : i32 to index
        %get3A_926 = arith.constant 32 : index
        %get3A_927 = tpu.vector_load %arg11[%get3A_925, %get3A_926] {strides = array<i32>} : memref<128x128xf32, #tpu.memory_space<vmem>>, vector<1x16xf32>,
        %get3A_928 = vector.shape_cast %get3A_927 : vector<1x16xf32> to vector<16xf32>
        %mul3A_929 = vector.broadcast %squeeze3A_898 : f32 to vector<16xf32>
        %mul3A_930 = arith.mulf %mul3A_929, %get3A_928 : vector<16xf32>
        %swap3A_931 = arith.index_cast %add3A_902 : i32 to index
        %swap3A_932 = arith.constant 32 : index
        %swap3A_933 = tpu.vector_load %arg11[%swap3A_931, %swap3A_932] {strides = array<i32>} : memref<128x128xf32, #tpu.memory_space<vmem>>, vector<1x16xf32>,
        %swap3A_934 = vector.shape_cast %swap3A_933 : vector<1x16xf32> to vector<16xf32>
        %swap3A_935 = vector.shape_cast %mul3A_930 : vector<16xf32> to vector<1x16xf32>
        tpu.vector_store %arg11[%swap3A_931, %swap3A_932], %swap3A_935 {strides = array<i32>} : memref<128x128xf32, #tpu.memory_space<vmem>>, vector<1x16xf32>,
        %get3A_936 = arith.index_cast %add3A_902 : i32 to index
        %get3A_937 = arith.constant 48 : index
        %get3A_938 = tpu.vector_load %arg11[%get3A_936, %get3A_937] {strides = array<i32>} : memref<128x128xf32, #tpu.memory_space<vmem>>, vector<1x16xf32>,
        %get3A_939 = vector.shape_cast %get3A_938 : vector<1x16xf32> to vector<16xf32>
        %mul3A_940 = vector.broadcast %squeeze3A_898 : f32 to vector<16xf32>
        %mul3A_941 = arith.mulf %mul3A_940, %get3A_939 : vector<16xf32>
        %swap3A_942 = arith.index_cast %add3A_902 : i32 to index
        %swap3A_943 = arith.constant 48 : index
        %swap3A_944 = tpu.vector_load %arg11[%swap3A_942, %swap3A_943] {strides = array<i32>} : memref<128x128xf32, #tpu.memory_space<vmem>>, vector<1x16xf32>,
        %swap3A_945 = vector.shape_cast %swap3A_944 : vector<1x16xf32> to vector<16xf32>
        %swap3A_946 = vector.shape_cast %mul3A_941 : vector<16xf32> to vector<1x16xf32>
        tpu.vector_store %arg11[%swap3A_942, %swap3A_943], %swap3A_946 {strides = array<i32>} : memref<128x128xf32, #tpu.memory_space<vmem>>, vector<1x16xf32>,
        %get3A_947 = arith.index_cast %add3A_902 : i32 to index
        %get3A_948 = arith.constant 64 : index
        %get3A_949 = tpu.vector_load %arg11[%get3A_947, %get3A_948] {strides = array<i32>} : memref<128x128xf32, #tpu.memory_space<vmem>>, vector<1x16xf32>,
        %get3A_950 = vector.shape_cast %get3A_949 : vector<1x16xf32> to vector<16xf32>
        %mul3A_951 = vector.broadcast %squeeze3A_898 : f32 to vector<16xf32>
        %mul3A_952 = arith.mulf %mul3A_951, %get3A_950 : vector<16xf32>
        %swap3A_953 = arith.index_cast %add3A_902 : i32 to index
        %swap3A_954 = arith.constant 64 : index
        %swap3A_955 = tpu.vector_load %arg11[%swap3A_953, %swap3A_954] {strides = array<i32>} : memref<128x128xf32, #tpu.memory_space<vmem>>, vector<1x16xf32>,
        %swap3A_956 = vector.shape_cast %swap3A_955 : vector<1x16xf32> to vector<16xf32>
        %swap3A_957 = vector.shape_cast %mul3A_952 : vector<16xf32> to vector<1x16xf32>
        tpu.vector_store %arg11[%swap3A_953, %swap3A_954], %swap3A_957 {strides = array<i32>} : memref<128x128xf32, #tpu.memory_space<vmem>>, vector<1x16xf32>,
        %get3A_958 = arith.index_cast %add3A_902 : i32 to index
        %get3A_959 = arith.constant 80 : index
        %get3A_960 = tpu.vector_load %arg11[%get3A_958, %get3A_959] {strides = array<i32>} : memref<128x128xf32, #tpu.memory_space<vmem>>, vector<1x16xf32>,
        %get3A_961 = vector.shape_cast %get3A_960 : vector<1x16xf32> to vector<16xf32>
        %mul3A_962 = vector.broadcast %squeeze3A_898 : f32 to vector<16xf32>
        %mul3A_963 = arith.mulf %mul3A_962, %get3A_961 : vector<16xf32>
        %swap3A_964 = arith.index_cast %add3A_902 : i32 to index
        %swap3A_965 = arith.constant 80 : index
        %swap3A_966 = tpu.vector_load %arg11[%swap3A_964, %swap3A_965] {strides = array<i32>} : memref<128x128xf32, #tpu.memory_space<vmem>>, vector<1x16xf32>,
        %swap3A_967 = vector.shape_cast %swap3A_966 : vector<1x16xf32> to vector<16xf32>
        %swap3A_968 = vector.shape_cast %mul3A_963 : vector<16xf32> to vector<1x16xf32>
        tpu.vector_store %arg11[%swap3A_964, %swap3A_965], %swap3A_968 {strides = array<i32>} : memref<128x128xf32, #tpu.memory_space<vmem>>, vector<1x16xf32>,
        %get3A_969 = arith.index_cast %add3A_902 : i32 to index
        %get3A_970 = arith.constant 96 : index
        %get3A_971 = tpu.vector_load %arg11[%get3A_969, %get3A_970] {strides = array<i32>} : memref<128x128xf32, #tpu.memory_space<vmem>>, vector<1x16xf32>,
        %get3A_972 = vector.shape_cast %get3A_971 : vector<1x16xf32> to vector<16xf32>
        %mul3A_973 = vector.broadcast %squeeze3A_898 : f32 to vector<16xf32>
        %mul3A_974 = arith.mulf %mul3A_973, %get3A_972 : vector<16xf32>
        %swap3A_975 = arith.index_cast %add3A_902 : i32 to index
        %swap3A_976 = arith.constant 96 : index
        %swap3A_977 = tpu.vector_load %arg11[%swap3A_975, %swap3A_976] {strides = array<i32>} : memref<128x128xf32, #tpu.memory_space<vmem>>, vector<1x16xf32>,
        %swap3A_978 = vector.shape_cast %swap3A_977 : vector<1x16xf32> to vector<16xf32>
        %swap3A_979 = vector.shape_cast %mul3A_974 : vector<16xf32> to vector<1x16xf32>
        tpu.vector_store %arg11[%swap3A_975, %swap3A_976], %swap3A_979 {strides = array<i32>} : memref<128x128xf32, #tpu.memory_space<vmem>>, vector<1x16xf32>,
        %get3A_980 = arith.index_cast %add3A_902 : i32 to index
        %get3A_981 = arith.constant 112 : index
        %get3A_982 = tpu.vector_load %arg11[%get3A_980, %get3A_981] {strides = array<i32>} : memref<128x128xf32, #tpu.memory_space<vmem>>, vector<1x16xf32>,
        %get3A_983 = vector.shape_cast %get3A_982 : vector<1x16xf32> to vector<16xf32>
        %mul3A_984 = vector.broadcast %squeeze3A_898 : f32 to vector<16xf32>
        %mul3A_985 = arith.mulf %mul3A_984, %get3A_983 : vector<16xf32>
        %swap3A_986 = arith.index_cast %add3A_902 : i32 to index
        %swap3A_987 = arith.constant 112 : index
        %swap3A_988 = tpu.vector_load %arg11[%swap3A_986, %swap3A_987] {strides = array<i32>} : memref<128x128xf32, #tpu.memory_space<vmem>>, vector<1x16xf32>,
        %swap3A_989 = vector.shape_cast %swap3A_988 : vector<1x16xf32> to vector<16xf32>
        %swap3A_990 = vector.shape_cast %mul3A_985 : vector<16xf32> to vector<1x16xf32>
        tpu.vector_store %arg11[%swap3A_986, %swap3A_987], %swap3A_990 {strides = array<i32>} : memref<128x128xf32, #tpu.memory_space<vmem>>, vector<1x16xf32>,
        %slice3A_991 = vector.extract_strided_slice %get3A_147 {offsets = [9], sizes = [1], strides = [1]} : vector<16xf32> to vector<1xf32>
        %squeeze3A_992 = vector.extract %slice3A_991[0] : f32 from vector<1xf32>
        %mul3A_993 = arith.constant 16 : i32
        %mul3A_994 = arith.muli %scan3A_142, %mul3A_993 : i32
        %add3A_995 = arith.constant 9 : i32
        %add3A_996 = arith.addi %mul3A_994, %add3A_995 : i32
        %get3A_997 = arith.index_cast %add3A_996 : i32 to index
        %get3A_998 = arith.constant 0 : index
        %get3A_999 = tpu.vector_load %arg11[%get3A_997, %get3A_998] {strides = array<i32>} : memref<128x128xf32, #tpu.memory_space<vmem>>, vector<1x16xf32>,
        %get3A_1000 = vector.shape_cast %get3A_999 : vector<1x16xf32> to vector<16xf32>
        %mul3A_1001 = vector.broadcast %squeeze3A_992 : f32 to vector<16xf32>
        %mul3A_1002 = arith.mulf %mul3A_1001, %get3A_1000 : vector<16xf32>
        %swap3A_1003 = arith.index_cast %add3A_996 : i32 to index
        %swap3A_1004 = arith.constant 0 : index
        %swap3A_1005 = tpu.vector_load %arg11[%swap3A_1003, %swap3A_1004] {strides = array<i32>} : memref<128x128xf32, #tpu.memory_space<vmem>>, vector<1x16xf32>,
        %swap3A_1006 = vector.shape_cast %swap3A_1005 : vector<1x16xf32> to vector<16xf32>
        %swap3A_1007 = vector.shape_cast %mul3A_1002 : vector<16xf32> to vector<1x16xf32>
        tpu.vector_store %arg11[%swap3A_1003, %swap3A_1004], %swap3A_1007 {strides = array<i32>} : memref<128x128xf32, #tpu.memory_space<vmem>>, vector<1x16xf32>,
        %get3A_1008 = arith.index_cast %add3A_996 : i32 to index
        %get3A_1009 = arith.constant 16 : index
        %get3A_1010 = tpu.vector_load %arg11[%get3A_1008, %get3A_1009] {strides = array<i32>} : memref<128x128xf32, #tpu.memory_space<vmem>>, vector<1x16xf32>,
        %get3A_1011 = vector.shape_cast %get3A_1010 : vector<1x16xf32> to vector<16xf32>
        %mul3A_1012 = vector.broadcast %squeeze3A_992 : f32 to vector<16xf32>
        %mul3A_1013 = arith.mulf %mul3A_1012, %get3A_1011 : vector<16xf32>
        %swap3A_1014 = arith.index_cast %add3A_996 : i32 to index
        %swap3A_1015 = arith.constant 16 : index
        %swap3A_1016 = tpu.vector_load %arg11[%swap3A_1014, %swap3A_1015] {strides = array<i32>} : memref<128x128xf32, #tpu.memory_space<vmem>>, vector<1x16xf32>,
        %swap3A_1017 = vector.shape_cast %swap3A_1016 : vector<1x16xf32> to vector<16xf32>
        %swap3A_1018 = vector.shape_cast %mul3A_1013 : vector<16xf32> to vector<1x16xf32>
        tpu.vector_store %arg11[%swap3A_1014, %swap3A_1015], %swap3A_1018 {strides = array<i32>} : memref<128x128xf32, #tpu.memory_space<vmem>>, vector<1x16xf32>,
        %get3A_1019 = arith.index_cast %add3A_996 : i32 to index
        %get3A_1020 = arith.constant 32 : index
        %get3A_1021 = tpu.vector_load %arg11[%get3A_1019, %get3A_1020] {strides = array<i32>} : memref<128x128xf32, #tpu.memory_space<vmem>>, vector<1x16xf32>,
        %get3A_1022 = vector.shape_cast %get3A_1021 : vector<1x16xf32> to vector<16xf32>
        %mul3A_1023 = vector.broadcast %squeeze3A_992 : f32 to vector<16xf32>
        %mul3A_1024 = arith.mulf %mul3A_1023, %get3A_1022 : vector<16xf32>
        %swap3A_1025 = arith.index_cast %add3A_996 : i32 to index
        %swap3A_1026 = arith.constant 32 : index
        %swap3A_1027 = tpu.vector_load %arg11[%swap3A_1025, %swap3A_1026] {strides = array<i32>} : memref<128x128xf32, #tpu.memory_space<vmem>>, vector<1x16xf32>,
        %swap3A_1028 = vector.shape_cast %swap3A_1027 : vector<1x16xf32> to vector<16xf32>
        %swap3A_1029 = vector.shape_cast %mul3A_1024 : vector<16xf32> to vector<1x16xf32>
        tpu.vector_store %arg11[%swap3A_1025, %swap3A_1026], %swap3A_1029 {strides = array<i32>} : memref<128x128xf32, #tpu.memory_space<vmem>>, vector<1x16xf32>,
        %get3A_1030 = arith.index_cast %add3A_996 : i32 to index
        %get3A_1031 = arith.constant 48 : index
        %get3A_1032 = tpu.vector_load %arg11[%get3A_1030, %get3A_1031] {strides = array<i32>} : memref<128x128xf32, #tpu.memory_space<vmem>>, vector<1x16xf32>,
        %get3A_1033 = vector.shape_cast %get3A_1032 : vector<1x16xf32> to vector<16xf32>
        %mul3A_1034 = vector.broadcast %squeeze3A_992 : f32 to vector<16xf32>
        %mul3A_1035 = arith.mulf %mul3A_1034, %get3A_1033 : vector<16xf32>
        %swap3A_1036 = arith.index_cast %add3A_996 : i32 to index
        %swap3A_1037 = arith.constant 48 : index
        %swap3A_1038 = tpu.vector_load %arg11[%swap3A_1036, %swap3A_1037] {strides = array<i32>} : memref<128x128xf32, #tpu.memory_space<vmem>>, vector<1x16xf32>,
        %swap3A_1039 = vector.shape_cast %swap3A_1038 : vector<1x16xf32> to vector<16xf32>
        %swap3A_1040 = vector.shape_cast %mul3A_1035 : vector<16xf32> to vector<1x16xf32>
        tpu.vector_store %arg11[%swap3A_1036, %swap3A_1037], %swap3A_1040 {strides = array<i32>} : memref<128x128xf32, #tpu.memory_space<vmem>>, vector<1x16xf32>,
        %get3A_1041 = arith.index_cast %add3A_996 : i32 to index
        %get3A_1042 = arith.constant 64 : index
        %get3A_1043 = tpu.vector_load %arg11[%get3A_1041, %get3A_1042] {strides = array<i32>} : memref<128x128xf32, #tpu.memory_space<vmem>>, vector<1x16xf32>,
        %get3A_1044 = vector.shape_cast %get3A_1043 : vector<1x16xf32> to vector<16xf32>
        %mul3A_1045 = vector.broadcast %squeeze3A_992 : f32 to vector<16xf32>
        %mul3A_1046 = arith.mulf %mul3A_1045, %get3A_1044 : vector<16xf32>
        %swap3A_1047 = arith.index_cast %add3A_996 : i32 to index
        %swap3A_1048 = arith.constant 64 : index
        %swap3A_1049 = tpu.vector_load %arg11[%swap3A_1047, %swap3A_1048] {strides = array<i32>} : memref<128x128xf32, #tpu.memory_space<vmem>>, vector<1x16xf32>,
        %swap3A_1050 = vector.shape_cast %swap3A_1049 : vector<1x16xf32> to vector<16xf32>
        %swap3A_1051 = vector.shape_cast %mul3A_1046 : vector<16xf32> to vector<1x16xf32>
        tpu.vector_store %arg11[%swap3A_1047, %swap3A_1048], %swap3A_1051 {strides = array<i32>} : memref<128x128xf32, #tpu.memory_space<vmem>>, vector<1x16xf32>,
        %get3A_1052 = arith.index_cast %add3A_996 : i32 to index
        %get3A_1053 = arith.constant 80 : index
        %get3A_1054 = tpu.vector_load %arg11[%get3A_1052, %get3A_1053] {strides = array<i32>} : memref<128x128xf32, #tpu.memory_space<vmem>>, vector<1x16xf32>,
        %get3A_1055 = vector.shape_cast %get3A_1054 : vector<1x16xf32> to vector<16xf32>
        %mul3A_1056 = vector.broadcast %squeeze3A_992 : f32 to vector<16xf32>
        %mul3A_1057 = arith.mulf %mul3A_1056, %get3A_1055 : vector<16xf32>
        %swap3A_1058 = arith.index_cast %add3A_996 : i32 to index
        %swap3A_1059 = arith.constant 80 : index
        %swap3A_1060 = tpu.vector_load %arg11[%swap3A_1058, %swap3A_1059] {strides = array<i32>} : memref<128x128xf32, #tpu.memory_space<vmem>>, vector<1x16xf32>,
        %swap3A_1061 = vector.shape_cast %swap3A_1060 : vector<1x16xf32> to vector<16xf32>
        %swap3A_1062 = vector.shape_cast %mul3A_1057 : vector<16xf32> to vector<1x16xf32>
        tpu.vector_store %arg11[%swap3A_1058, %swap3A_1059], %swap3A_1062 {strides = array<i32>} : memref<128x128xf32, #tpu.memory_space<vmem>>, vector<1x16xf32>,
        %get3A_1063 = arith.index_cast %add3A_996 : i32 to index
        %get3A_1064 = arith.constant 96 : index
        %get3A_1065 = tpu.vector_load %arg11[%get3A_1063, %get3A_1064] {strides = array<i32>} : memref<128x128xf32, #tpu.memory_space<vmem>>, vector<1x16xf32>,
        %get3A_1066 = vector.shape_cast %get3A_1065 : vector<1x16xf32> to vector<16xf32>
        %mul3A_1067 = vector.broadcast %squeeze3A_992 : f32 to vector<16xf32>
        %mul3A_1068 = arith.mulf %mul3A_1067, %get3A_1066 : vector<16xf32>
        %swap3A_1069 = arith.index_cast %add3A_996 : i32 to index
        %swap3A_1070 = arith.constant 96 : index
        %swap3A_1071 = tpu.vector_load %arg11[%swap3A_1069, %swap3A_1070] {strides = array<i32>} : memref<128x128xf32, #tpu.memory_space<vmem>>, vector<1x16xf32>,
        %swap3A_1072 = vector.shape_cast %swap3A_1071 : vector<1x16xf32> to vector<16xf32>
        %swap3A_1073 = vector.shape_cast %mul3A_1068 : vector<16xf32> to vector<1x16xf32>
        tpu.vector_store %arg11[%swap3A_1069, %swap3A_1070], %swap3A_1073 {strides = array<i32>} : memref<128x128xf32, #tpu.memory_space<vmem>>, vector<1x16xf32>,
        %get3A_1074 = arith.index_cast %add3A_996 : i32 to index
        %get3A_1075 = arith.constant 112 : index
        %get3A_1076 = tpu.vector_load %arg11[%get3A_1074, %get3A_1075] {strides = array<i32>} : memref<128x128xf32, #tpu.memory_space<vmem>>, vector<1x16xf32>,
        %get3A_1077 = vector.shape_cast %get3A_1076 : vector<1x16xf32> to vector<16xf32>
        %mul3A_1078 = vector.broadcast %squeeze3A_992 : f32 to vector<16xf32>
        %mul3A_1079 = arith.mulf %mul3A_1078, %get3A_1077 : vector<16xf32>
        %swap3A_1080 = arith.index_cast %add3A_996 : i32 to index
        %swap3A_1081 = arith.constant 112 : index
        %swap3A_1082 = tpu.vector_load %arg11[%swap3A_1080, %swap3A_1081] {strides = array<i32>} : memref<128x128xf32, #tpu.memory_space<vmem>>, vector<1x16xf32>,
        %swap3A_1083 = vector.shape_cast %swap3A_1082 : vector<1x16xf32> to vector<16xf32>
        %swap3A_1084 = vector.shape_cast %mul3A_1079 : vector<16xf32> to vector<1x16xf32>
        tpu.vector_store %arg11[%swap3A_1080, %swap3A_1081], %swap3A_1084 {strides = array<i32>} : memref<128x128xf32, #tpu.memory_space<vmem>>, vector<1x16xf32>,
        %slice3A_1085 = vector.extract_strided_slice %get3A_147 {offsets = [10], sizes = [1], strides = [1]} : vector<16xf32> to vector<1xf32>
        %squeeze3A_1086 = vector.extract %slice3A_1085[0] : f32 from vector<1xf32>
        %mul3A_1087 = arith.constant 16 : i32
        %mul3A_1088 = arith.muli %scan3A_142, %mul3A_1087 : i32
        %add3A_1089 = arith.constant 10 : i32
        %add3A_1090 = arith.addi %mul3A_1088, %add3A_1089 : i32
        %get3A_1091 = arith.index_cast %add3A_1090 : i32 to index
        %get3A_1092 = arith.constant 0 : index
        %get3A_1093 = tpu.vector_load %arg11[%get3A_1091, %get3A_1092] {strides = array<i32>} : memref<128x128xf32, #tpu.memory_space<vmem>>, vector<1x16xf32>,
        %get3A_1094 = vector.shape_cast %get3A_1093 : vector<1x16xf32> to vector<16xf32>
        %mul3A_1095 = vector.broadcast %squeeze3A_1086 : f32 to vector<16xf32>
        %mul3A_1096 = arith.mulf %mul3A_1095, %get3A_1094 : vector<16xf32>
        %swap3A_1097 = arith.index_cast %add3A_1090 : i32 to index
        %swap3A_1098 = arith.constant 0 : index
        %swap3A_1099 = tpu.vector_load %arg11[%swap3A_1097, %swap3A_1098] {strides = array<i32>} : memref<128x128xf32, #tpu.memory_space<vmem>>, vector<1x16xf32>,
        %swap3A_1100 = vector.shape_cast %swap3A_1099 : vector<1x16xf32> to vector<16xf32>
        %swap3A_1101 = vector.shape_cast %mul3A_1096 : vector<16xf32> to vector<1x16xf32>
        tpu.vector_store %arg11[%swap3A_1097, %swap3A_1098], %swap3A_1101 {strides = array<i32>} : memref<128x128xf32, #tpu.memory_space<vmem>>, vector<1x16xf32>,
        %get3A_1102 = arith.index_cast %add3A_1090 : i32 to index
        %get3A_1103 = arith.constant 16 : index
        %get3A_1104 = tpu.vector_load %arg11[%get3A_1102, %get3A_1103] {strides = array<i32>} : memref<128x128xf32, #tpu.memory_space<vmem>>, vector<1x16xf32>,
        %get3A_1105 = vector.shape_cast %get3A_1104 : vector<1x16xf32> to vector<16xf32>
        %mul3A_1106 = vector.broadcast %squeeze3A_1086 : f32 to vector<16xf32>
        %mul3A_1107 = arith.mulf %mul3A_1106, %get3A_1105 : vector<16xf32>
        %swap3A_1108 = arith.index_cast %add3A_1090 : i32 to index
        %swap3A_1109 = arith.constant 16 : index
        %swap3A_1110 = tpu.vector_load %arg11[%swap3A_1108, %swap3A_1109] {strides = array<i32>} : memref<128x128xf32, #tpu.memory_space<vmem>>, vector<1x16xf32>,
        %swap3A_1111 = vector.shape_cast %swap3A_1110 : vector<1x16xf32> to vector<16xf32>
        %swap3A_1112 = vector.shape_cast %mul3A_1107 : vector<16xf32> to vector<1x16xf32>
        tpu.vector_store %arg11[%swap3A_1108, %swap3A_1109], %swap3A_1112 {strides = array<i32>} : memref<128x128xf32, #tpu.memory_space<vmem>>, vector<1x16xf32>,
        %get3A_1113 = arith.index_cast %add3A_1090 : i32 to index
        %get3A_1114 = arith.constant 32 : index
        %get3A_1115 = tpu.vector_load %arg11[%get3A_1113, %get3A_1114] {strides = array<i32>} : memref<128x128xf32, #tpu.memory_space<vmem>>, vector<1x16xf32>,
        %get3A_1116 = vector.shape_cast %get3A_1115 : vector<1x16xf32> to vector<16xf32>
        %mul3A_1117 = vector.broadcast %squeeze3A_1086 : f32 to vector<16xf32>
        %mul3A_1118 = arith.mulf %mul3A_1117, %get3A_1116 : vector<16xf32>
        %swap3A_1119 = arith.index_cast %add3A_1090 : i32 to index
        %swap3A_1120 = arith.constant 32 : index
        %swap3A_1121 = tpu.vector_load %arg11[%swap3A_1119, %swap3A_1120] {strides = array<i32>} : memref<128x128xf32, #tpu.memory_space<vmem>>, vector<1x16xf32>,
        %swap3A_1122 = vector.shape_cast %swap3A_1121 : vector<1x16xf32> to vector<16xf32>
        %swap3A_1123 = vector.shape_cast %mul3A_1118 : vector<16xf32> to vector<1x16xf32>
        tpu.vector_store %arg11[%swap3A_1119, %swap3A_1120], %swap3A_1123 {strides = array<i32>} : memref<128x128xf32, #tpu.memory_space<vmem>>, vector<1x16xf32>,
        %get3A_1124 = arith.index_cast %add3A_1090 : i32 to index
        %get3A_1125 = arith.constant 48 : index
        %get3A_1126 = tpu.vector_load %arg11[%get3A_1124, %get3A_1125] {strides = array<i32>} : memref<128x128xf32, #tpu.memory_space<vmem>>, vector<1x16xf32>,
        %get3A_1127 = vector.shape_cast %get3A_1126 : vector<1x16xf32> to vector<16xf32>
        %mul3A_1128 = vector.broadcast %squeeze3A_1086 : f32 to vector<16xf32>
        %mul3A_1129 = arith.mulf %mul3A_1128, %get3A_1127 : vector<16xf32>
        %swap3A_1130 = arith.index_cast %add3A_1090 : i32 to index
        %swap3A_1131 = arith.constant 48 : index
        %swap3A_1132 = tpu.vector_load %arg11[%swap3A_1130, %swap3A_1131] {strides = array<i32>} : memref<128x128xf32, #tpu.memory_space<vmem>>, vector<1x16xf32>,
        %swap3A_1133 = vector.shape_cast %swap3A_1132 : vector<1x16xf32> to vector<16xf32>
        %swap3A_1134 = vector.shape_cast %mul3A_1129 : vector<16xf32> to vector<1x16xf32>
        tpu.vector_store %arg11[%swap3A_1130, %swap3A_1131], %swap3A_1134 {strides = array<i32>} : memref<128x128xf32, #tpu.memory_space<vmem>>, vector<1x16xf32>,
        %get3A_1135 = arith.index_cast %add3A_1090 : i32 to index
        %get3A_1136 = arith.constant 64 : index
        %get3A_1137 = tpu.vector_load %arg11[%get3A_1135, %get3A_1136] {strides = array<i32>} : memref<128x128xf32, #tpu.memory_space<vmem>>, vector<1x16xf32>,
        %get3A_1138 = vector.shape_cast %get3A_1137 : vector<1x16xf32> to vector<16xf32>
        %mul3A_1139 = vector.broadcast %squeeze3A_1086 : f32 to vector<16xf32>
        %mul3A_1140 = arith.mulf %mul3A_1139, %get3A_1138 : vector<16xf32>
        %swap3A_1141 = arith.index_cast %add3A_1090 : i32 to index
        %swap3A_1142 = arith.constant 64 : index
        %swap3A_1143 = tpu.vector_load %arg11[%swap3A_1141, %swap3A_1142] {strides = array<i32>} : memref<128x128xf32, #tpu.memory_space<vmem>>, vector<1x16xf32>,
        %swap3A_1144 = vector.shape_cast %swap3A_1143 : vector<1x16xf32> to vector<16xf32>
        %swap3A_1145 = vector.shape_cast %mul3A_1140 : vector<16xf32> to vector<1x16xf32>
        tpu.vector_store %arg11[%swap3A_1141, %swap3A_1142], %swap3A_1145 {strides = array<i32>} : memref<128x128xf32, #tpu.memory_space<vmem>>, vector<1x16xf32>,
        %get3A_1146 = arith.index_cast %add3A_1090 : i32 to index
        %get3A_1147 = arith.constant 80 : index
        %get3A_1148 = tpu.vector_load %arg11[%get3A_1146, %get3A_1147] {strides = array<i32>} : memref<128x128xf32, #tpu.memory_space<vmem>>, vector<1x16xf32>,
        %get3A_1149 = vector.shape_cast %get3A_1148 : vector<1x16xf32> to vector<16xf32>
        %mul3A_1150 = vector.broadcast %squeeze3A_1086 : f32 to vector<16xf32>
        %mul3A_1151 = arith.mulf %mul3A_1150, %get3A_1149 : vector<16xf32>
        %swap3A_1152 = arith.index_cast %add3A_1090 : i32 to index
        %swap3A_1153 = arith.constant 80 : index
        %swap3A_1154 = tpu.vector_load %arg11[%swap3A_1152, %swap3A_1153] {strides = array<i32>} : memref<128x128xf32, #tpu.memory_space<vmem>>, vector<1x16xf32>,
        %swap3A_1155 = vector.shape_cast %swap3A_1154 : vector<1x16xf32> to vector<16xf32>
        %swap3A_1156 = vector.shape_cast %mul3A_1151 : vector<16xf32> to vector<1x16xf32>
        tpu.vector_store %arg11[%swap3A_1152, %swap3A_1153], %swap3A_1156 {strides = array<i32>} : memref<128x128xf32, #tpu.memory_space<vmem>>, vector<1x16xf32>,
        %get3A_1157 = arith.index_cast %add3A_1090 : i32 to index
        %get3A_1158 = arith.constant 96 : index
        %get3A_1159 = tpu.vector_load %arg11[%get3A_1157, %get3A_1158] {strides = array<i32>} : memref<128x128xf32, #tpu.memory_space<vmem>>, vector<1x16xf32>,
        %get3A_1160 = vector.shape_cast %get3A_1159 : vector<1x16xf32> to vector<16xf32>
        %mul3A_1161 = vector.broadcast %squeeze3A_1086 : f32 to vector<16xf32>
        %mul3A_1162 = arith.mulf %mul3A_1161, %get3A_1160 : vector<16xf32>
        %swap3A_1163 = arith.index_cast %add3A_1090 : i32 to index
        %swap3A_1164 = arith.constant 96 : index
        %swap3A_1165 = tpu.vector_load %arg11[%swap3A_1163, %swap3A_1164] {strides = array<i32>} : memref<128x128xf32, #tpu.memory_space<vmem>>, vector<1x16xf32>,
        %swap3A_1166 = vector.shape_cast %swap3A_1165 : vector<1x16xf32> to vector<16xf32>
        %swap3A_1167 = vector.shape_cast %mul3A_1162 : vector<16xf32> to vector<1x16xf32>
        tpu.vector_store %arg11[%swap3A_1163, %swap3A_1164], %swap3A_1167 {strides = array<i32>} : memref<128x128xf32, #tpu.memory_space<vmem>>, vector<1x16xf32>,
        %get3A_1168 = arith.index_cast %add3A_1090 : i32 to index
        %get3A_1169 = arith.constant 112 : index
        %get3A_1170 = tpu.vector_load %arg11[%get3A_1168, %get3A_1169] {strides = array<i32>} : memref<128x128xf32, #tpu.memory_space<vmem>>, vector<1x16xf32>,
        %get3A_1171 = vector.shape_cast %get3A_1170 : vector<1x16xf32> to vector<16xf32>
        %mul3A_1172 = vector.broadcast %squeeze3A_1086 : f32 to vector<16xf32>
        %mul3A_1173 = arith.mulf %mul3A_1172, %get3A_1171 : vector<16xf32>
        %swap3A_1174 = arith.index_cast %add3A_1090 : i32 to index
        %swap3A_1175 = arith.constant 112 : index
        %swap3A_1176 = tpu.vector_load %arg11[%swap3A_1174, %swap3A_1175] {strides = array<i32>} : memref<128x128xf32, #tpu.memory_space<vmem>>, vector<1x16xf32>,
        %swap3A_1177 = vector.shape_cast %swap3A_1176 : vector<1x16xf32> to vector<16xf32>
        %swap3A_1178 = vector.shape_cast %mul3A_1173 : vector<16xf32> to vector<1x16xf32>
        tpu.vector_store %arg11[%swap3A_1174, %swap3A_1175], %swap3A_1178 {strides = array<i32>} : memref<128x128xf32, #tpu.memory_space<vmem>>, vector<1x16xf32>,
        %slice3A_1179 = vector.extract_strided_slice %get3A_147 {offsets = [11], sizes = [1], strides = [1]} : vector<16xf32> to vector<1xf32>
        %squeeze3A_1180 = vector.extract %slice3A_1179[0] : f32 from vector<1xf32>
        %mul3A_1181 = arith.constant 16 : i32
        %mul3A_1182 = arith.muli %scan3A_142, %mul3A_1181 : i32
        %add3A_1183 = arith.constant 11 : i32
        %add3A_1184 = arith.addi %mul3A_1182, %add3A_1183 : i32
        %get3A_1185 = arith.index_cast %add3A_1184 : i32 to index
        %get3A_1186 = arith.constant 0 : index
        %get3A_1187 = tpu.vector_load %arg11[%get3A_1185, %get3A_1186] {strides = array<i32>} : memref<128x128xf32, #tpu.memory_space<vmem>>, vector<1x16xf32>,
        %get3A_1188 = vector.shape_cast %get3A_1187 : vector<1x16xf32> to vector<16xf32>
        %mul3A_1189 = vector.broadcast %squeeze3A_1180 : f32 to vector<16xf32>
        %mul3A_1190 = arith.mulf %mul3A_1189, %get3A_1188 : vector<16xf32>
        %swap3A_1191 = arith.index_cast %add3A_1184 : i32 to index
        %swap3A_1192 = arith.constant 0 : index
        %swap3A_1193 = tpu.vector_load %arg11[%swap3A_1191, %swap3A_1192] {strides = array<i32>} : memref<128x128xf32, #tpu.memory_space<vmem>>, vector<1x16xf32>,
        %swap3A_1194 = vector.shape_cast %swap3A_1193 : vector<1x16xf32> to vector<16xf32>
        %swap3A_1195 = vector.shape_cast %mul3A_1190 : vector<16xf32> to vector<1x16xf32>
        tpu.vector_store %arg11[%swap3A_1191, %swap3A_1192], %swap3A_1195 {strides = array<i32>} : memref<128x128xf32, #tpu.memory_space<vmem>>, vector<1x16xf32>,
        %get3A_1196 = arith.index_cast %add3A_1184 : i32 to index
        %get3A_1197 = arith.constant 16 : index
        %get3A_1198 = tpu.vector_load %arg11[%get3A_1196, %get3A_1197] {strides = array<i32>} : memref<128x128xf32, #tpu.memory_space<vmem>>, vector<1x16xf32>,
        %get3A_1199 = vector.shape_cast %get3A_1198 : vector<1x16xf32> to vector<16xf32>
        %mul3A_1200 = vector.broadcast %squeeze3A_1180 : f32 to vector<16xf32>
        %mul3A_1201 = arith.mulf %mul3A_1200, %get3A_1199 : vector<16xf32>
        %swap3A_1202 = arith.index_cast %add3A_1184 : i32 to index
        %swap3A_1203 = arith.constant 16 : index
        %swap3A_1204 = tpu.vector_load %arg11[%swap3A_1202, %swap3A_1203] {strides = array<i32>} : memref<128x128xf32, #tpu.memory_space<vmem>>, vector<1x16xf32>,
        %swap3A_1205 = vector.shape_cast %swap3A_1204 : vector<1x16xf32> to vector<16xf32>
        %swap3A_1206 = vector.shape_cast %mul3A_1201 : vector<16xf32> to vector<1x16xf32>
        tpu.vector_store %arg11[%swap3A_1202, %swap3A_1203], %swap3A_1206 {strides = array<i32>} : memref<128x128xf32, #tpu.memory_space<vmem>>, vector<1x16xf32>,
        %get3A_1207 = arith.index_cast %add3A_1184 : i32 to index
        %get3A_1208 = arith.constant 32 : index
        %get3A_1209 = tpu.vector_load %arg11[%get3A_1207, %get3A_1208] {strides = array<i32>} : memref<128x128xf32, #tpu.memory_space<vmem>>, vector<1x16xf32>,
        %get3A_1210 = vector.shape_cast %get3A_1209 : vector<1x16xf32> to vector<16xf32>
        %mul3A_1211 = vector.broadcast %squeeze3A_1180 : f32 to vector<16xf32>
        %mul3A_1212 = arith.mulf %mul3A_1211, %get3A_1210 : vector<16xf32>
        %swap3A_1213 = arith.index_cast %add3A_1184 : i32 to index
        %swap3A_1214 = arith.constant 32 : index
        %swap3A_1215 = tpu.vector_load %arg11[%swap3A_1213, %swap3A_1214] {strides = array<i32>} : memref<128x128xf32, #tpu.memory_space<vmem>>, vector<1x16xf32>,
        %swap3A_1216 = vector.shape_cast %swap3A_1215 : vector<1x16xf32> to vector<16xf32>
        %swap3A_1217 = vector.shape_cast %mul3A_1212 : vector<16xf32> to vector<1x16xf32>
        tpu.vector_store %arg11[%swap3A_1213, %swap3A_1214], %swap3A_1217 {strides = array<i32>} : memref<128x128xf32, #tpu.memory_space<vmem>>, vector<1x16xf32>,
        %get3A_1218 = arith.index_cast %add3A_1184 : i32 to index
        %get3A_1219 = arith.constant 48 : index
        %get3A_1220 = tpu.vector_load %arg11[%get3A_1218, %get3A_1219] {strides = array<i32>} : memref<128x128xf32, #tpu.memory_space<vmem>>, vector<1x16xf32>,
        %get3A_1221 = vector.shape_cast %get3A_1220 : vector<1x16xf32> to vector<16xf32>
        %mul3A_1222 = vector.broadcast %squeeze3A_1180 : f32 to vector<16xf32>
        %mul3A_1223 = arith.mulf %mul3A_1222, %get3A_1221 : vector<16xf32>
        %swap3A_1224 = arith.index_cast %add3A_1184 : i32 to index
        %swap3A_1225 = arith.constant 48 : index
        %swap3A_1226 = tpu.vector_load %arg11[%swap3A_1224, %swap3A_1225] {strides = array<i32>} : memref<128x128xf32, #tpu.memory_space<vmem>>, vector<1x16xf32>,
        %swap3A_1227 = vector.shape_cast %swap3A_1226 : vector<1x16xf32> to vector<16xf32>
        %swap3A_1228 = vector.shape_cast %mul3A_1223 : vector<16xf32> to vector<1x16xf32>
        tpu.vector_store %arg11[%swap3A_1224, %swap3A_1225], %swap3A_1228 {strides = array<i32>} : memref<128x128xf32, #tpu.memory_space<vmem>>, vector<1x16xf32>,
        %get3A_1229 = arith.index_cast %add3A_1184 : i32 to index
        %get3A_1230 = arith.constant 64 : index
        %get3A_1231 = tpu.vector_load %arg11[%get3A_1229, %get3A_1230] {strides = array<i32>} : memref<128x128xf32, #tpu.memory_space<vmem>>, vector<1x16xf32>,
        %get3A_1232 = vector.shape_cast %get3A_1231 : vector<1x16xf32> to vector<16xf32>
        %mul3A_1233 = vector.broadcast %squeeze3A_1180 : f32 to vector<16xf32>
        %mul3A_1234 = arith.mulf %mul3A_1233, %get3A_1232 : vector<16xf32>
        %swap3A_1235 = arith.index_cast %add3A_1184 : i32 to index
        %swap3A_1236 = arith.constant 64 : index
        %swap3A_1237 = tpu.vector_load %arg11[%swap3A_1235, %swap3A_1236] {strides = array<i32>} : memref<128x128xf32, #tpu.memory_space<vmem>>, vector<1x16xf32>,
        %swap3A_1238 = vector.shape_cast %swap3A_1237 : vector<1x16xf32> to vector<16xf32>
        %swap3A_1239 = vector.shape_cast %mul3A_1234 : vector<16xf32> to vector<1x16xf32>
        tpu.vector_store %arg11[%swap3A_1235, %swap3A_1236], %swap3A_1239 {strides = array<i32>} : memref<128x128xf32, #tpu.memory_space<vmem>>, vector<1x16xf32>,
        %get3A_1240 = arith.index_cast %add3A_1184 : i32 to index
        %get3A_1241 = arith.constant 80 : index
        %get3A_1242 = tpu.vector_load %arg11[%get3A_1240, %get3A_1241] {strides = array<i32>} : memref<128x128xf32, #tpu.memory_space<vmem>>, vector<1x16xf32>,
        %get3A_1243 = vector.shape_cast %get3A_1242 : vector<1x16xf32> to vector<16xf32>
        %mul3A_1244 = vector.broadcast %squeeze3A_1180 : f32 to vector<16xf32>
        %mul3A_1245 = arith.mulf %mul3A_1244, %get3A_1243 : vector<16xf32>
        %swap3A_1246 = arith.index_cast %add3A_1184 : i32 to index
        %swap3A_1247 = arith.constant 80 : index
        %swap3A_1248 = tpu.vector_load %arg11[%swap3A_1246, %swap3A_1247] {strides = array<i32>} : memref<128x128xf32, #tpu.memory_space<vmem>>, vector<1x16xf32>,
        %swap3A_1249 = vector.shape_cast %swap3A_1248 : vector<1x16xf32> to vector<16xf32>
        %swap3A_1250 = vector.shape_cast %mul3A_1245 : vector<16xf32> to vector<1x16xf32>
        tpu.vector_store %arg11[%swap3A_1246, %swap3A_1247], %swap3A_1250 {strides = array<i32>} : memref<128x128xf32, #tpu.memory_space<vmem>>, vector<1x16xf32>,
        %get3A_1251 = arith.index_cast %add3A_1184 : i32 to index
        %get3A_1252 = arith.constant 96 : index
        %get3A_1253 = tpu.vector_load %arg11[%get3A_1251, %get3A_1252] {strides = array<i32>} : memref<128x128xf32, #tpu.memory_space<vmem>>, vector<1x16xf32>,
        %get3A_1254 = vector.shape_cast %get3A_1253 : vector<1x16xf32> to vector<16xf32>
        %mul3A_1255 = vector.broadcast %squeeze3A_1180 : f32 to vector<16xf32>
        %mul3A_1256 = arith.mulf %mul3A_1255, %get3A_1254 : vector<16xf32>
        %swap3A_1257 = arith.index_cast %add3A_1184 : i32 to index
        %swap3A_1258 = arith.constant 96 : index
        %swap3A_1259 = tpu.vector_load %arg11[%swap3A_1257, %swap3A_1258] {strides = array<i32>} : memref<128x128xf32, #tpu.memory_space<vmem>>, vector<1x16xf32>,
        %swap3A_1260 = vector.shape_cast %swap3A_1259 : vector<1x16xf32> to vector<16xf32>
        %swap3A_1261 = vector.shape_cast %mul3A_1256 : vector<16xf32> to vector<1x16xf32>
        tpu.vector_store %arg11[%swap3A_1257, %swap3A_1258], %swap3A_1261 {strides = array<i32>} : memref<128x128xf32, #tpu.memory_space<vmem>>, vector<1x16xf32>,
        %get3A_1262 = arith.index_cast %add3A_1184 : i32 to index
        %get3A_1263 = arith.constant 112 : index
        %get3A_1264 = tpu.vector_load %arg11[%get3A_1262, %get3A_1263] {strides = array<i32>} : memref<128x128xf32, #tpu.memory_space<vmem>>, vector<1x16xf32>,
        %get3A_1265 = vector.shape_cast %get3A_1264 : vector<1x16xf32> to vector<16xf32>
        %mul3A_1266 = vector.broadcast %squeeze3A_1180 : f32 to vector<16xf32>
        %mul3A_1267 = arith.mulf %mul3A_1266, %get3A_1265 : vector<16xf32>
        %swap3A_1268 = arith.index_cast %add3A_1184 : i32 to index
        %swap3A_1269 = arith.constant 112 : index
        %swap3A_1270 = tpu.vector_load %arg11[%swap3A_1268, %swap3A_1269] {strides = array<i32>} : memref<128x128xf32, #tpu.memory_space<vmem>>, vector<1x16xf32>,
        %swap3A_1271 = vector.shape_cast %swap3A_1270 : vector<1x16xf32> to vector<16xf32>
        %swap3A_1272 = vector.shape_cast %mul3A_1267 : vector<16xf32> to vector<1x16xf32>
        tpu.vector_store %arg11[%swap3A_1268, %swap3A_1269], %swap3A_1272 {strides = array<i32>} : memref<128x128xf32, #tpu.memory_space<vmem>>, vector<1x16xf32>,
        %slice3A_1273 = vector.extract_strided_slice %get3A_147 {offsets = [12], sizes = [1], strides = [1]} : vector<16xf32> to vector<1xf32>
        %squeeze3A_1274 = vector.extract %slice3A_1273[0] : f32 from vector<1xf32>
        %mul3A_1275 = arith.constant 16 : i32
        %mul3A_1276 = arith.muli %scan3A_142, %mul3A_1275 : i32
        %add3A_1277 = arith.constant 12 : i32
        %add3A_1278 = arith.addi %mul3A_1276, %add3A_1277 : i32
        %get3A_1279 = arith.index_cast %add3A_1278 : i32 to index
        %get3A_1280 = arith.constant 0 : index
        %get3A_1281 = tpu.vector_load %arg11[%get3A_1279, %get3A_1280] {strides = array<i32>} : memref<128x128xf32, #tpu.memory_space<vmem>>, vector<1x16xf32>,
        %get3A_1282 = vector.shape_cast %get3A_1281 : vector<1x16xf32> to vector<16xf32>
        %mul3A_1283 = vector.broadcast %squeeze3A_1274 : f32 to vector<16xf32>
        %mul3A_1284 = arith.mulf %mul3A_1283, %get3A_1282 : vector<16xf32>
        %swap3A_1285 = arith.index_cast %add3A_1278 : i32 to index
        %swap3A_1286 = arith.constant 0 : index
        %swap3A_1287 = tpu.vector_load %arg11[%swap3A_1285, %swap3A_1286] {strides = array<i32>} : memref<128x128xf32, #tpu.memory_space<vmem>>, vector<1x16xf32>,
        %swap3A_1288 = vector.shape_cast %swap3A_1287 : vector<1x16xf32> to vector<16xf32>
        %swap3A_1289 = vector.shape_cast %mul3A_1284 : vector<16xf32> to vector<1x16xf32>
        tpu.vector_store %arg11[%swap3A_1285, %swap3A_1286], %swap3A_1289 {strides = array<i32>} : memref<128x128xf32, #tpu.memory_space<vmem>>, vector<1x16xf32>,
        %get3A_1290 = arith.index_cast %add3A_1278 : i32 to index
        %get3A_1291 = arith.constant 16 : index
        %get3A_1292 = tpu.vector_load %arg11[%get3A_1290, %get3A_1291] {strides = array<i32>} : memref<128x128xf32, #tpu.memory_space<vmem>>, vector<1x16xf32>,
        %get3A_1293 = vector.shape_cast %get3A_1292 : vector<1x16xf32> to vector<16xf32>
        %mul3A_1294 = vector.broadcast %squeeze3A_1274 : f32 to vector<16xf32>
        %mul3A_1295 = arith.mulf %mul3A_1294, %get3A_1293 : vector<16xf32>
        %swap3A_1296 = arith.index_cast %add3A_1278 : i32 to index
        %swap3A_1297 = arith.constant 16 : index
        %swap3A_1298 = tpu.vector_load %arg11[%swap3A_1296, %swap3A_1297] {strides = array<i32>} : memref<128x128xf32, #tpu.memory_space<vmem>>, vector<1x16xf32>,
        %swap3A_1299 = vector.shape_cast %swap3A_1298 : vector<1x16xf32> to vector<16xf32>
        %swap3A_1300 = vector.shape_cast %mul3A_1295 : vector<16xf32> to vector<1x16xf32>
        tpu.vector_store %arg11[%swap3A_1296, %swap3A_1297], %swap3A_1300 {strides = array<i32>} : memref<128x128xf32, #tpu.memory_space<vmem>>, vector<1x16xf32>,
        %get3A_1301 = arith.index_cast %add3A_1278 : i32 to index
        %get3A_1302 = arith.constant 32 : index
        %get3A_1303 = tpu.vector_load %arg11[%get3A_1301, %get3A_1302] {strides = array<i32>} : memref<128x128xf32, #tpu.memory_space<vmem>>, vector<1x16xf32>,
        %get3A_1304 = vector.shape_cast %get3A_1303 : vector<1x16xf32> to vector<16xf32>
        %mul3A_1305 = vector.broadcast %squeeze3A_1274 : f32 to vector<16xf32>
        %mul3A_1306 = arith.mulf %mul3A_1305, %get3A_1304 : vector<16xf32>
        %swap3A_1307 = arith.index_cast %add3A_1278 : i32 to index
        %swap3A_1308 = arith.constant 32 : index
        %swap3A_1309 = tpu.vector_load %arg11[%swap3A_1307, %swap3A_1308] {strides = array<i32>} : memref<128x128xf32, #tpu.memory_space<vmem>>, vector<1x16xf32>,
        %swap3A_1310 = vector.shape_cast %swap3A_1309 : vector<1x16xf32> to vector<16xf32>
        %swap3A_1311 = vector.shape_cast %mul3A_1306 : vector<16xf32> to vector<1x16xf32>
        tpu.vector_store %arg11[%swap3A_1307, %swap3A_1308], %swap3A_1311 {strides = array<i32>} : memref<128x128xf32, #tpu.memory_space<vmem>>, vector<1x16xf32>,
        %get3A_1312 = arith.index_cast %add3A_1278 : i32 to index
        %get3A_1313 = arith.constant 48 : index
        %get3A_1314 = tpu.vector_load %arg11[%get3A_1312, %get3A_1313] {strides = array<i32>} : memref<128x128xf32, #tpu.memory_space<vmem>>, vector<1x16xf32>,
        %get3A_1315 = vector.shape_cast %get3A_1314 : vector<1x16xf32> to vector<16xf32>
        %mul3A_1316 = vector.broadcast %squeeze3A_1274 : f32 to vector<16xf32>
        %mul3A_1317 = arith.mulf %mul3A_1316, %get3A_1315 : vector<16xf32>
        %swap3A_1318 = arith.index_cast %add3A_1278 : i32 to index
        %swap3A_1319 = arith.constant 48 : index
        %swap3A_1320 = tpu.vector_load %arg11[%swap3A_1318, %swap3A_1319] {strides = array<i32>} : memref<128x128xf32, #tpu.memory_space<vmem>>, vector<1x16xf32>,
        %swap3A_1321 = vector.shape_cast %swap3A_1320 : vector<1x16xf32> to vector<16xf32>
        %swap3A_1322 = vector.shape_cast %mul3A_1317 : vector<16xf32> to vector<1x16xf32>
        tpu.vector_store %arg11[%swap3A_1318, %swap3A_1319], %swap3A_1322 {strides = array<i32>} : memref<128x128xf32, #tpu.memory_space<vmem>>, vector<1x16xf32>,
        %get3A_1323 = arith.index_cast %add3A_1278 : i32 to index
        %get3A_1324 = arith.constant 64 : index
        %get3A_1325 = tpu.vector_load %arg11[%get3A_1323, %get3A_1324] {strides = array<i32>} : memref<128x128xf32, #tpu.memory_space<vmem>>, vector<1x16xf32>,
        %get3A_1326 = vector.shape_cast %get3A_1325 : vector<1x16xf32> to vector<16xf32>
        %mul3A_1327 = vector.broadcast %squeeze3A_1274 : f32 to vector<16xf32>
        %mul3A_1328 = arith.mulf %mul3A_1327, %get3A_1326 : vector<16xf32>
        %swap3A_1329 = arith.index_cast %add3A_1278 : i32 to index
        %swap3A_1330 = arith.constant 64 : index
        %swap3A_1331 = tpu.vector_load %arg11[%swap3A_1329, %swap3A_1330] {strides = array<i32>} : memref<128x128xf32, #tpu.memory_space<vmem>>, vector<1x16xf32>,
        %swap3A_1332 = vector.shape_cast %swap3A_1331 : vector<1x16xf32> to vector<16xf32>
        %swap3A_1333 = vector.shape_cast %mul3A_1328 : vector<16xf32> to vector<1x16xf32>
        tpu.vector_store %arg11[%swap3A_1329, %swap3A_1330], %swap3A_1333 {strides = array<i32>} : memref<128x128xf32, #tpu.memory_space<vmem>>, vector<1x16xf32>,
        %get3A_1334 = arith.index_cast %add3A_1278 : i32 to index
        %get3A_1335 = arith.constant 80 : index
        %get3A_1336 = tpu.vector_load %arg11[%get3A_1334, %get3A_1335] {strides = array<i32>} : memref<128x128xf32, #tpu.memory_space<vmem>>, vector<1x16xf32>,
        %get3A_1337 = vector.shape_cast %get3A_1336 : vector<1x16xf32> to vector<16xf32>
        %mul3A_1338 = vector.broadcast %squeeze3A_1274 : f32 to vector<16xf32>
        %mul3A_1339 = arith.mulf %mul3A_1338, %get3A_1337 : vector<16xf32>
        %swap3A_1340 = arith.index_cast %add3A_1278 : i32 to index
        %swap3A_1341 = arith.constant 80 : index
        %swap3A_1342 = tpu.vector_load %arg11[%swap3A_1340, %swap3A_1341] {strides = array<i32>} : memref<128x128xf32, #tpu.memory_space<vmem>>, vector<1x16xf32>,
        %swap3A_1343 = vector.shape_cast %swap3A_1342 : vector<1x16xf32> to vector<16xf32>
        %swap3A_1344 = vector.shape_cast %mul3A_1339 : vector<16xf32> to vector<1x16xf32>
        tpu.vector_store %arg11[%swap3A_1340, %swap3A_1341], %swap3A_1344 {strides = array<i32>} : memref<128x128xf32, #tpu.memory_space<vmem>>, vector<1x16xf32>,
        %get3A_1345 = arith.index_cast %add3A_1278 : i32 to index
        %get3A_1346 = arith.constant 96 : index
        %get3A_1347 = tpu.vector_load %arg11[%get3A_1345, %get3A_1346] {strides = array<i32>} : memref<128x128xf32, #tpu.memory_space<vmem>>, vector<1x16xf32>,
        %get3A_1348 = vector.shape_cast %get3A_1347 : vector<1x16xf32> to vector<16xf32>
        %mul3A_1349 = vector.broadcast %squeeze3A_1274 : f32 to vector<16xf32>
        %mul3A_1350 = arith.mulf %mul3A_1349, %get3A_1348 : vector<16xf32>
        %swap3A_1351 = arith.index_cast %add3A_1278 : i32 to index
        %swap3A_1352 = arith.constant 96 : index
        %swap3A_1353 = tpu.vector_load %arg11[%swap3A_1351, %swap3A_1352] {strides = array<i32>} : memref<128x128xf32, #tpu.memory_space<vmem>>, vector<1x16xf32>,
        %swap3A_1354 = vector.shape_cast %swap3A_1353 : vector<1x16xf32> to vector<16xf32>
        %swap3A_1355 = vector.shape_cast %mul3A_1350 : vector<16xf32> to vector<1x16xf32>
        tpu.vector_store %arg11[%swap3A_1351, %swap3A_1352], %swap3A_1355 {strides = array<i32>} : memref<128x128xf32, #tpu.memory_space<vmem>>, vector<1x16xf32>,
        %get3A_1356 = arith.index_cast %add3A_1278 : i32 to index
        %get3A_1357 = arith.constant 112 : index
        %get3A_1358 = tpu.vector_load %arg11[%get3A_1356, %get3A_1357] {strides = array<i32>} : memref<128x128xf32, #tpu.memory_space<vmem>>, vector<1x16xf32>,
        %get3A_1359 = vector.shape_cast %get3A_1358 : vector<1x16xf32> to vector<16xf32>
        %mul3A_1360 = vector.broadcast %squeeze3A_1274 : f32 to vector<16xf32>
        %mul3A_1361 = arith.mulf %mul3A_1360, %get3A_1359 : vector<16xf32>
        %swap3A_1362 = arith.index_cast %add3A_1278 : i32 to index
        %swap3A_1363 = arith.constant 112 : index
        %swap3A_1364 = tpu.vector_load %arg11[%swap3A_1362, %swap3A_1363] {strides = array<i32>} : memref<128x128xf32, #tpu.memory_space<vmem>>, vector<1x16xf32>,
        %swap3A_1365 = vector.shape_cast %swap3A_1364 : vector<1x16xf32> to vector<16xf32>
        %swap3A_1366 = vector.shape_cast %mul3A_1361 : vector<16xf32> to vector<1x16xf32>
        tpu.vector_store %arg11[%swap3A_1362, %swap3A_1363], %swap3A_1366 {strides = array<i32>} : memref<128x128xf32, #tpu.memory_space<vmem>>, vector<1x16xf32>,
        %slice3A_1367 = vector.extract_strided_slice %get3A_147 {offsets = [13], sizes = [1], strides = [1]} : vector<16xf32> to vector<1xf32>
        %squeeze3A_1368 = vector.extract %slice3A_1367[0] : f32 from vector<1xf32>
        %mul3A_1369 = arith.constant 16 : i32
        %mul3A_1370 = arith.muli %scan3A_142, %mul3A_1369 : i32
        %add3A_1371 = arith.constant 13 : i32
        %add3A_1372 = arith.addi %mul3A_1370, %add3A_1371 : i32
        %get3A_1373 = arith.index_cast %add3A_1372 : i32 to index
        %get3A_1374 = arith.constant 0 : index
        %get3A_1375 = tpu.vector_load %arg11[%get3A_1373, %get3A_1374] {strides = array<i32>} : memref<128x128xf32, #tpu.memory_space<vmem>>, vector<1x16xf32>,
        %get3A_1376 = vector.shape_cast %get3A_1375 : vector<1x16xf32> to vector<16xf32>
        %mul3A_1377 = vector.broadcast %squeeze3A_1368 : f32 to vector<16xf32>
        %mul3A_1378 = arith.mulf %mul3A_1377, %get3A_1376 : vector<16xf32>
        %swap3A_1379 = arith.index_cast %add3A_1372 : i32 to index
        %swap3A_1380 = arith.constant 0 : index
        %swap3A_1381 = tpu.vector_load %arg11[%swap3A_1379, %swap3A_1380] {strides = array<i32>} : memref<128x128xf32, #tpu.memory_space<vmem>>, vector<1x16xf32>,
        %swap3A_1382 = vector.shape_cast %swap3A_1381 : vector<1x16xf32> to vector<16xf32>
        %swap3A_1383 = vector.shape_cast %mul3A_1378 : vector<16xf32> to vector<1x16xf32>
        tpu.vector_store %arg11[%swap3A_1379, %swap3A_1380], %swap3A_1383 {strides = array<i32>} : memref<128x128xf32, #tpu.memory_space<vmem>>, vector<1x16xf32>,
        %get3A_1384 = arith.index_cast %add3A_1372 : i32 to index
        %get3A_1385 = arith.constant 16 : index
        %get3A_1386 = tpu.vector_load %arg11[%get3A_1384, %get3A_1385] {strides = array<i32>} : memref<128x128xf32, #tpu.memory_space<vmem>>, vector<1x16xf32>,
        %get3A_1387 = vector.shape_cast %get3A_1386 : vector<1x16xf32> to vector<16xf32>
        %mul3A_1388 = vector.broadcast %squeeze3A_1368 : f32 to vector<16xf32>
        %mul3A_1389 = arith.mulf %mul3A_1388, %get3A_1387 : vector<16xf32>
        %swap3A_1390 = arith.index_cast %add3A_1372 : i32 to index
        %swap3A_1391 = arith.constant 16 : index
        %swap3A_1392 = tpu.vector_load %arg11[%swap3A_1390, %swap3A_1391] {strides = array<i32>} : memref<128x128xf32, #tpu.memory_space<vmem>>, vector<1x16xf32>,
        %swap3A_1393 = vector.shape_cast %swap3A_1392 : vector<1x16xf32> to vector<16xf32>
        %swap3A_1394 = vector.shape_cast %mul3A_1389 : vector<16xf32> to vector<1x16xf32>
        tpu.vector_store %arg11[%swap3A_1390, %swap3A_1391], %swap3A_1394 {strides = array<i32>} : memref<128x128xf32, #tpu.memory_space<vmem>>, vector<1x16xf32>,
        %get3A_1395 = arith.index_cast %add3A_1372 : i32 to index
        %get3A_1396 = arith.constant 32 : index
        %get3A_1397 = tpu.vector_load %arg11[%get3A_1395, %get3A_1396] {strides = array<i32>} : memref<128x128xf32, #tpu.memory_space<vmem>>, vector<1x16xf32>,
        %get3A_1398 = vector.shape_cast %get3A_1397 : vector<1x16xf32> to vector<16xf32>
        %mul3A_1399 = vector.broadcast %squeeze3A_1368 : f32 to vector<16xf32>
        %mul3A_1400 = arith.mulf %mul3A_1399, %get3A_1398 : vector<16xf32>
        %swap3A_1401 = arith.index_cast %add3A_1372 : i32 to index
        %swap3A_1402 = arith.constant 32 : index
        %swap3A_1403 = tpu.vector_load %arg11[%swap3A_1401, %swap3A_1402] {strides = array<i32>} : memref<128x128xf32, #tpu.memory_space<vmem>>, vector<1x16xf32>,
        %swap3A_1404 = vector.shape_cast %swap3A_1403 : vector<1x16xf32> to vector<16xf32>
        %swap3A_1405 = vector.shape_cast %mul3A_1400 : vector<16xf32> to vector<1x16xf32>
        tpu.vector_store %arg11[%swap3A_1401, %swap3A_1402], %swap3A_1405 {strides = array<i32>} : memref<128x128xf32, #tpu.memory_space<vmem>>, vector<1x16xf32>,
        %get3A_1406 = arith.index_cast %add3A_1372 : i32 to index
        %get3A_1407 = arith.constant 48 : index
        %get3A_1408 = tpu.vector_load %arg11[%get3A_1406, %get3A_1407] {strides = array<i32>} : memref<128x128xf32, #tpu.memory_space<vmem>>, vector<1x16xf32>,
        %get3A_1409 = vector.shape_cast %get3A_1408 : vector<1x16xf32> to vector<16xf32>
        %mul3A_1410 = vector.broadcast %squeeze3A_1368 : f32 to vector<16xf32>
        %mul3A_1411 = arith.mulf %mul3A_1410, %get3A_1409 : vector<16xf32>
        %swap3A_1412 = arith.index_cast %add3A_1372 : i32 to index
        %swap3A_1413 = arith.constant 48 : index
        %swap3A_1414 = tpu.vector_load %arg11[%swap3A_1412, %swap3A_1413] {strides = array<i32>} : memref<128x128xf32, #tpu.memory_space<vmem>>, vector<1x16xf32>,
        %swap3A_1415 = vector.shape_cast %swap3A_1414 : vector<1x16xf32> to vector<16xf32>
        %swap3A_1416 = vector.shape_cast %mul3A_1411 : vector<16xf32> to vector<1x16xf32>
        tpu.vector_store %arg11[%swap3A_1412, %swap3A_1413], %swap3A_1416 {strides = array<i32>} : memref<128x128xf32, #tpu.memory_space<vmem>>, vector<1x16xf32>,
        %get3A_1417 = arith.index_cast %add3A_1372 : i32 to index
        %get3A_1418 = arith.constant 64 : index
        %get3A_1419 = tpu.vector_load %arg11[%get3A_1417, %get3A_1418] {strides = array<i32>} : memref<128x128xf32, #tpu.memory_space<vmem>>, vector<1x16xf32>,
        %get3A_1420 = vector.shape_cast %get3A_1419 : vector<1x16xf32> to vector<16xf32>
        %mul3A_1421 = vector.broadcast %squeeze3A_1368 : f32 to vector<16xf32>
        %mul3A_1422 = arith.mulf %mul3A_1421, %get3A_1420 : vector<16xf32>
        %swap3A_1423 = arith.index_cast %add3A_1372 : i32 to index
        %swap3A_1424 = arith.constant 64 : index
        %swap3A_1425 = tpu.vector_load %arg11[%swap3A_1423, %swap3A_1424] {strides = array<i32>} : memref<128x128xf32, #tpu.memory_space<vmem>>, vector<1x16xf32>,
        %swap3A_1426 = vector.shape_cast %swap3A_1425 : vector<1x16xf32> to vector<16xf32>
        %swap3A_1427 = vector.shape_cast %mul3A_1422 : vector<16xf32> to vector<1x16xf32>
        tpu.vector_store %arg11[%swap3A_1423, %swap3A_1424], %swap3A_1427 {strides = array<i32>} : memref<128x128xf32, #tpu.memory_space<vmem>>, vector<1x16xf32>,
        %get3A_1428 = arith.index_cast %add3A_1372 : i32 to index
        %get3A_1429 = arith.constant 80 : index
        %get3A_1430 = tpu.vector_load %arg11[%get3A_1428, %get3A_1429] {strides = array<i32>} : memref<128x128xf32, #tpu.memory_space<vmem>>, vector<1x16xf32>,
        %get3A_1431 = vector.shape_cast %get3A_1430 : vector<1x16xf32> to vector<16xf32>
        %mul3A_1432 = vector.broadcast %squeeze3A_1368 : f32 to vector<16xf32>
        %mul3A_1433 = arith.mulf %mul3A_1432, %get3A_1431 : vector<16xf32>
        %swap3A_1434 = arith.index_cast %add3A_1372 : i32 to index
        %swap3A_1435 = arith.constant 80 : index
        %swap3A_1436 = tpu.vector_load %arg11[%swap3A_1434, %swap3A_1435] {strides = array<i32>} : memref<128x128xf32, #tpu.memory_space<vmem>>, vector<1x16xf32>,
        %swap3A_1437 = vector.shape_cast %swap3A_1436 : vector<1x16xf32> to vector<16xf32>
        %swap3A_1438 = vector.shape_cast %mul3A_1433 : vector<16xf32> to vector<1x16xf32>
        tpu.vector_store %arg11[%swap3A_1434, %swap3A_1435], %swap3A_1438 {strides = array<i32>} : memref<128x128xf32, #tpu.memory_space<vmem>>, vector<1x16xf32>,
        %get3A_1439 = arith.index_cast %add3A_1372 : i32 to index
        %get3A_1440 = arith.constant 96 : index
        %get3A_1441 = tpu.vector_load %arg11[%get3A_1439, %get3A_1440] {strides = array<i32>} : memref<128x128xf32, #tpu.memory_space<vmem>>, vector<1x16xf32>,
        %get3A_1442 = vector.shape_cast %get3A_1441 : vector<1x16xf32> to vector<16xf32>
        %mul3A_1443 = vector.broadcast %squeeze3A_1368 : f32 to vector<16xf32>
        %mul3A_1444 = arith.mulf %mul3A_1443, %get3A_1442 : vector<16xf32>
        %swap3A_1445 = arith.index_cast %add3A_1372 : i32 to index
        %swap3A_1446 = arith.constant 96 : index
        %swap3A_1447 = tpu.vector_load %arg11[%swap3A_1445, %swap3A_1446] {strides = array<i32>} : memref<128x128xf32, #tpu.memory_space<vmem>>, vector<1x16xf32>,
        %swap3A_1448 = vector.shape_cast %swap3A_1447 : vector<1x16xf32> to vector<16xf32>
        %swap3A_1449 = vector.shape_cast %mul3A_1444 : vector<16xf32> to vector<1x16xf32>
        tpu.vector_store %arg11[%swap3A_1445, %swap3A_1446], %swap3A_1449 {strides = array<i32>} : memref<128x128xf32, #tpu.memory_space<vmem>>, vector<1x16xf32>,
        %get3A_1450 = arith.index_cast %add3A_1372 : i32 to index
        %get3A_1451 = arith.constant 112 : index
        %get3A_1452 = tpu.vector_load %arg11[%get3A_1450, %get3A_1451] {strides = array<i32>} : memref<128x128xf32, #tpu.memory_space<vmem>>, vector<1x16xf32>,
        %get3A_1453 = vector.shape_cast %get3A_1452 : vector<1x16xf32> to vector<16xf32>
        %mul3A_1454 = vector.broadcast %squeeze3A_1368 : f32 to vector<16xf32>
        %mul3A_1455 = arith.mulf %mul3A_1454, %get3A_1453 : vector<16xf32>
        %swap3A_1456 = arith.index_cast %add3A_1372 : i32 to index
        %swap3A_1457 = arith.constant 112 : index
        %swap3A_1458 = tpu.vector_load %arg11[%swap3A_1456, %swap3A_1457] {strides = array<i32>} : memref<128x128xf32, #tpu.memory_space<vmem>>, vector<1x16xf32>,
        %swap3A_1459 = vector.shape_cast %swap3A_1458 : vector<1x16xf32> to vector<16xf32>
        %swap3A_1460 = vector.shape_cast %mul3A_1455 : vector<16xf32> to vector<1x16xf32>
        tpu.vector_store %arg11[%swap3A_1456, %swap3A_1457], %swap3A_1460 {strides = array<i32>} : memref<128x128xf32, #tpu.memory_space<vmem>>, vector<1x16xf32>,
        %slice3A_1461 = vector.extract_strided_slice %get3A_147 {offsets = [14], sizes = [1], strides = [1]} : vector<16xf32> to vector<1xf32>
        %squeeze3A_1462 = vector.extract %slice3A_1461[0] : f32 from vector<1xf32>
        %mul3A_1463 = arith.constant 16 : i32
        %mul3A_1464 = arith.muli %scan3A_142, %mul3A_1463 : i32
        %add3A_1465 = arith.constant 14 : i32
        %add3A_1466 = arith.addi %mul3A_1464, %add3A_1465 : i32
        %get3A_1467 = arith.index_cast %add3A_1466 : i32 to index
        %get3A_1468 = arith.constant 0 : index
        %get3A_1469 = tpu.vector_load %arg11[%get3A_1467, %get3A_1468] {strides = array<i32>} : memref<128x128xf32, #tpu.memory_space<vmem>>, vector<1x16xf32>,
        %get3A_1470 = vector.shape_cast %get3A_1469 : vector<1x16xf32> to vector<16xf32>
        %mul3A_1471 = vector.broadcast %squeeze3A_1462 : f32 to vector<16xf32>
        %mul3A_1472 = arith.mulf %mul3A_1471, %get3A_1470 : vector<16xf32>
        %swap3A_1473 = arith.index_cast %add3A_1466 : i32 to index
        %swap3A_1474 = arith.constant 0 : index
        %swap3A_1475 = tpu.vector_load %arg11[%swap3A_1473, %swap3A_1474] {strides = array<i32>} : memref<128x128xf32, #tpu.memory_space<vmem>>, vector<1x16xf32>,
        %swap3A_1476 = vector.shape_cast %swap3A_1475 : vector<1x16xf32> to vector<16xf32>
        %swap3A_1477 = vector.shape_cast %mul3A_1472 : vector<16xf32> to vector<1x16xf32>
        tpu.vector_store %arg11[%swap3A_1473, %swap3A_1474], %swap3A_1477 {strides = array<i32>} : memref<128x128xf32, #tpu.memory_space<vmem>>, vector<1x16xf32>,
        %get3A_1478 = arith.index_cast %add3A_1466 : i32 to index
        %get3A_1479 = arith.constant 16 : index
        %get3A_1480 = tpu.vector_load %arg11[%get3A_1478, %get3A_1479] {strides = array<i32>} : memref<128x128xf32, #tpu.memory_space<vmem>>, vector<1x16xf32>,
        %get3A_1481 = vector.shape_cast %get3A_1480 : vector<1x16xf32> to vector<16xf32>
        %mul3A_1482 = vector.broadcast %squeeze3A_1462 : f32 to vector<16xf32>
        %mul3A_1483 = arith.mulf %mul3A_1482, %get3A_1481 : vector<16xf32>
        %swap3A_1484 = arith.index_cast %add3A_1466 : i32 to index
        %swap3A_1485 = arith.constant 16 : index
        %swap3A_1486 = tpu.vector_load %arg11[%swap3A_1484, %swap3A_1485] {strides = array<i32>} : memref<128x128xf32, #tpu.memory_space<vmem>>, vector<1x16xf32>,
        %swap3A_1487 = vector.shape_cast %swap3A_1486 : vector<1x16xf32> to vector<16xf32>
        %swap3A_1488 = vector.shape_cast %mul3A_1483 : vector<16xf32> to vector<1x16xf32>
        tpu.vector_store %arg11[%swap3A_1484, %swap3A_1485], %swap3A_1488 {strides = array<i32>} : memref<128x128xf32, #tpu.memory_space<vmem>>, vector<1x16xf32>,
        %get3A_1489 = arith.index_cast %add3A_1466 : i32 to index
        %get3A_1490 = arith.constant 32 : index
        %get3A_1491 = tpu.vector_load %arg11[%get3A_1489, %get3A_1490] {strides = array<i32>} : memref<128x128xf32, #tpu.memory_space<vmem>>, vector<1x16xf32>,
        %get3A_1492 = vector.shape_cast %get3A_1491 : vector<1x16xf32> to vector<16xf32>
        %mul3A_1493 = vector.broadcast %squeeze3A_1462 : f32 to vector<16xf32>
        %mul3A_1494 = arith.mulf %mul3A_1493, %get3A_1492 : vector<16xf32>
        %swap3A_1495 = arith.index_cast %add3A_1466 : i32 to index
        %swap3A_1496 = arith.constant 32 : index
        %swap3A_1497 = tpu.vector_load %arg11[%swap3A_1495, %swap3A_1496] {strides = array<i32>} : memref<128x128xf32, #tpu.memory_space<vmem>>, vector<1x16xf32>,
        %swap3A_1498 = vector.shape_cast %swap3A_1497 : vector<1x16xf32> to vector<16xf32>
        %swap3A_1499 = vector.shape_cast %mul3A_1494 : vector<16xf32> to vector<1x16xf32>
        tpu.vector_store %arg11[%swap3A_1495, %swap3A_1496], %swap3A_1499 {strides = array<i32>} : memref<128x128xf32, #tpu.memory_space<vmem>>, vector<1x16xf32>,
        %get3A_1500 = arith.index_cast %add3A_1466 : i32 to index
        %get3A_1501 = arith.constant 48 : index
        %get3A_1502 = tpu.vector_load %arg11[%get3A_1500, %get3A_1501] {strides = array<i32>} : memref<128x128xf32, #tpu.memory_space<vmem>>, vector<1x16xf32>,
        %get3A_1503 = vector.shape_cast %get3A_1502 : vector<1x16xf32> to vector<16xf32>
        %mul3A_1504 = vector.broadcast %squeeze3A_1462 : f32 to vector<16xf32>
        %mul3A_1505 = arith.mulf %mul3A_1504, %get3A_1503 : vector<16xf32>
        %swap3A_1506 = arith.index_cast %add3A_1466 : i32 to index
        %swap3A_1507 = arith.constant 48 : index
        %swap3A_1508 = tpu.vector_load %arg11[%swap3A_1506, %swap3A_1507] {strides = array<i32>} : memref<128x128xf32, #tpu.memory_space<vmem>>, vector<1x16xf32>,
        %swap3A_1509 = vector.shape_cast %swap3A_1508 : vector<1x16xf32> to vector<16xf32>
        %swap3A_1510 = vector.shape_cast %mul3A_1505 : vector<16xf32> to vector<1x16xf32>
        tpu.vector_store %arg11[%swap3A_1506, %swap3A_1507], %swap3A_1510 {strides = array<i32>} : memref<128x128xf32, #tpu.memory_space<vmem>>, vector<1x16xf32>,
        %get3A_1511 = arith.index_cast %add3A_1466 : i32 to index
        %get3A_1512 = arith.constant 64 : index
        %get3A_1513 = tpu.vector_load %arg11[%get3A_1511, %get3A_1512] {strides = array<i32>} : memref<128x128xf32, #tpu.memory_space<vmem>>, vector<1x16xf32>,
        %get3A_1514 = vector.shape_cast %get3A_1513 : vector<1x16xf32> to vector<16xf32>
        %mul3A_1515 = vector.broadcast %squeeze3A_1462 : f32 to vector<16xf32>
        %mul3A_1516 = arith.mulf %mul3A_1515, %get3A_1514 : vector<16xf32>
        %swap3A_1517 = arith.index_cast %add3A_1466 : i32 to index
        %swap3A_1518 = arith.constant 64 : index
        %swap3A_1519 = tpu.vector_load %arg11[%swap3A_1517, %swap3A_1518] {strides = array<i32>} : memref<128x128xf32, #tpu.memory_space<vmem>>, vector<1x16xf32>,
        %swap3A_1520 = vector.shape_cast %swap3A_1519 : vector<1x16xf32> to vector<16xf32>
        %swap3A_1521 = vector.shape_cast %mul3A_1516 : vector<16xf32> to vector<1x16xf32>
        tpu.vector_store %arg11[%swap3A_1517, %swap3A_1518], %swap3A_1521 {strides = array<i32>} : memref<128x128xf32, #tpu.memory_space<vmem>>, vector<1x16xf32>,
        %get3A_1522 = arith.index_cast %add3A_1466 : i32 to index
        %get3A_1523 = arith.constant 80 : index
        %get3A_1524 = tpu.vector_load %arg11[%get3A_1522, %get3A_1523] {strides = array<i32>} : memref<128x128xf32, #tpu.memory_space<vmem>>, vector<1x16xf32>,
        %get3A_1525 = vector.shape_cast %get3A_1524 : vector<1x16xf32> to vector<16xf32>
        %mul3A_1526 = vector.broadcast %squeeze3A_1462 : f32 to vector<16xf32>
        %mul3A_1527 = arith.mulf %mul3A_1526, %get3A_1525 : vector<16xf32>
        %swap3A_1528 = arith.index_cast %add3A_1466 : i32 to index
        %swap3A_1529 = arith.constant 80 : index
        %swap3A_1530 = tpu.vector_load %arg11[%swap3A_1528, %swap3A_1529] {strides = array<i32>} : memref<128x128xf32, #tpu.memory_space<vmem>>, vector<1x16xf32>,
        %swap3A_1531 = vector.shape_cast %swap3A_1530 : vector<1x16xf32> to vector<16xf32>
        %swap3A_1532 = vector.shape_cast %mul3A_1527 : vector<16xf32> to vector<1x16xf32>
        tpu.vector_store %arg11[%swap3A_1528, %swap3A_1529], %swap3A_1532 {strides = array<i32>} : memref<128x128xf32, #tpu.memory_space<vmem>>, vector<1x16xf32>,
        %get3A_1533 = arith.index_cast %add3A_1466 : i32 to index
        %get3A_1534 = arith.constant 96 : index
        %get3A_1535 = tpu.vector_load %arg11[%get3A_1533, %get3A_1534] {strides = array<i32>} : memref<128x128xf32, #tpu.memory_space<vmem>>, vector<1x16xf32>,
        %get3A_1536 = vector.shape_cast %get3A_1535 : vector<1x16xf32> to vector<16xf32>
        %mul3A_1537 = vector.broadcast %squeeze3A_1462 : f32 to vector<16xf32>
        %mul3A_1538 = arith.mulf %mul3A_1537, %get3A_1536 : vector<16xf32>
        %swap3A_1539 = arith.index_cast %add3A_1466 : i32 to index
        %swap3A_1540 = arith.constant 96 : index
        %swap3A_1541 = tpu.vector_load %arg11[%swap3A_1539, %swap3A_1540] {strides = array<i32>} : memref<128x128xf32, #tpu.memory_space<vmem>>, vector<1x16xf32>,
        %swap3A_1542 = vector.shape_cast %swap3A_1541 : vector<1x16xf32> to vector<16xf32>
        %swap3A_1543 = vector.shape_cast %mul3A_1538 : vector<16xf32> to vector<1x16xf32>
        tpu.vector_store %arg11[%swap3A_1539, %swap3A_1540], %swap3A_1543 {strides = array<i32>} : memref<128x128xf32, #tpu.memory_space<vmem>>, vector<1x16xf32>,
        %get3A_1544 = arith.index_cast %add3A_1466 : i32 to index
        %get3A_1545 = arith.constant 112 : index
        %get3A_1546 = tpu.vector_load %arg11[%get3A_1544, %get3A_1545] {strides = array<i32>} : memref<128x128xf32, #tpu.memory_space<vmem>>, vector<1x16xf32>,
        %get3A_1547 = vector.shape_cast %get3A_1546 : vector<1x16xf32> to vector<16xf32>
        %mul3A_1548 = vector.broadcast %squeeze3A_1462 : f32 to vector<16xf32>
        %mul3A_1549 = arith.mulf %mul3A_1548, %get3A_1547 : vector<16xf32>
        %swap3A_1550 = arith.index_cast %add3A_1466 : i32 to index
        %swap3A_1551 = arith.constant 112 : index
        %swap3A_1552 = tpu.vector_load %arg11[%swap3A_1550, %swap3A_1551] {strides = array<i32>} : memref<128x128xf32, #tpu.memory_space<vmem>>, vector<1x16xf32>,
        %swap3A_1553 = vector.shape_cast %swap3A_1552 : vector<1x16xf32> to vector<16xf32>
        %swap3A_1554 = vector.shape_cast %mul3A_1549 : vector<16xf32> to vector<1x16xf32>
        tpu.vector_store %arg11[%swap3A_1550, %swap3A_1551], %swap3A_1554 {strides = array<i32>} : memref<128x128xf32, #tpu.memory_space<vmem>>, vector<1x16xf32>,
        %slice3A_1555 = vector.extract_strided_slice %get3A_147 {offsets = [15], sizes = [1], strides = [1]} : vector<16xf32> to vector<1xf32>
        %squeeze3A_1556 = vector.extract %slice3A_1555[0] : f32 from vector<1xf32>
        %mul3A_1557 = arith.constant 16 : i32
        %mul3A_1558 = arith.muli %scan3A_142, %mul3A_1557 : i32
        %add3A_1559 = arith.constant 15 : i32
        %add3A_1560 = arith.addi %mul3A_1558, %add3A_1559 : i32
        %get3A_1561 = arith.index_cast %add3A_1560 : i32 to index
        %get3A_1562 = arith.constant 0 : index
        %get3A_1563 = tpu.vector_load %arg11[%get3A_1561, %get3A_1562] {strides = array<i32>} : memref<128x128xf32, #tpu.memory_space<vmem>>, vector<1x16xf32>,
        %get3A_1564 = vector.shape_cast %get3A_1563 : vector<1x16xf32> to vector<16xf32>
        %mul3A_1565 = vector.broadcast %squeeze3A_1556 : f32 to vector<16xf32>
        %mul3A_1566 = arith.mulf %mul3A_1565, %get3A_1564 : vector<16xf32>
        %swap3A_1567 = arith.index_cast %add3A_1560 : i32 to index
        %swap3A_1568 = arith.constant 0 : index
        %swap3A_1569 = tpu.vector_load %arg11[%swap3A_1567, %swap3A_1568] {strides = array<i32>} : memref<128x128xf32, #tpu.memory_space<vmem>>, vector<1x16xf32>,
        %swap3A_1570 = vector.shape_cast %swap3A_1569 : vector<1x16xf32> to vector<16xf32>
        %swap3A_1571 = vector.shape_cast %mul3A_1566 : vector<16xf32> to vector<1x16xf32>
        tpu.vector_store %arg11[%swap3A_1567, %swap3A_1568], %swap3A_1571 {strides = array<i32>} : memref<128x128xf32, #tpu.memory_space<vmem>>, vector<1x16xf32>,
        %get3A_1572 = arith.index_cast %add3A_1560 : i32 to index
        %get3A_1573 = arith.constant 16 : index
        %get3A_1574 = tpu.vector_load %arg11[%get3A_1572, %get3A_1573] {strides = array<i32>} : memref<128x128xf32, #tpu.memory_space<vmem>>, vector<1x16xf32>,
        %get3A_1575 = vector.shape_cast %get3A_1574 : vector<1x16xf32> to vector<16xf32>
        %mul3A_1576 = vector.broadcast %squeeze3A_1556 : f32 to vector<16xf32>
        %mul3A_1577 = arith.mulf %mul3A_1576, %get3A_1575 : vector<16xf32>
        %swap3A_1578 = arith.index_cast %add3A_1560 : i32 to index
        %swap3A_1579 = arith.constant 16 : index
        %swap3A_1580 = tpu.vector_load %arg11[%swap3A_1578, %swap3A_1579] {strides = array<i32>} : memref<128x128xf32, #tpu.memory_space<vmem>>, vector<1x16xf32>,
        %swap3A_1581 = vector.shape_cast %swap3A_1580 : vector<1x16xf32> to vector<16xf32>
        %swap3A_1582 = vector.shape_cast %mul3A_1577 : vector<16xf32> to vector<1x16xf32>
        tpu.vector_store %arg11[%swap3A_1578, %swap3A_1579], %swap3A_1582 {strides = array<i32>} : memref<128x128xf32, #tpu.memory_space<vmem>>, vector<1x16xf32>,
        %get3A_1583 = arith.index_cast %add3A_1560 : i32 to index
        %get3A_1584 = arith.constant 32 : index
        %get3A_1585 = tpu.vector_load %arg11[%get3A_1583, %get3A_1584] {strides = array<i32>} : memref<128x128xf32, #tpu.memory_space<vmem>>, vector<1x16xf32>,
        %get3A_1586 = vector.shape_cast %get3A_1585 : vector<1x16xf32> to vector<16xf32>
        %mul3A_1587 = vector.broadcast %squeeze3A_1556 : f32 to vector<16xf32>
        %mul3A_1588 = arith.mulf %mul3A_1587, %get3A_1586 : vector<16xf32>
        %swap3A_1589 = arith.index_cast %add3A_1560 : i32 to index
        %swap3A_1590 = arith.constant 32 : index
        %swap3A_1591 = tpu.vector_load %arg11[%swap3A_1589, %swap3A_1590] {strides = array<i32>} : memref<128x128xf32, #tpu.memory_space<vmem>>, vector<1x16xf32>,
        %swap3A_1592 = vector.shape_cast %swap3A_1591 : vector<1x16xf32> to vector<16xf32>
        %swap3A_1593 = vector.shape_cast %mul3A_1588 : vector<16xf32> to vector<1x16xf32>
        tpu.vector_store %arg11[%swap3A_1589, %swap3A_1590], %swap3A_1593 {strides = array<i32>} : memref<128x128xf32, #tpu.memory_space<vmem>>, vector<1x16xf32>,
        %get3A_1594 = arith.index_cast %add3A_1560 : i32 to index
        %get3A_1595 = arith.constant 48 : index
        %get3A_1596 = tpu.vector_load %arg11[%get3A_1594, %get3A_1595] {strides = array<i32>} : memref<128x128xf32, #tpu.memory_space<vmem>>, vector<1x16xf32>,
        %get3A_1597 = vector.shape_cast %get3A_1596 : vector<1x16xf32> to vector<16xf32>
        %mul3A_1598 = vector.broadcast %squeeze3A_1556 : f32 to vector<16xf32>
        %mul3A_1599 = arith.mulf %mul3A_1598, %get3A_1597 : vector<16xf32>
        %swap3A_1600 = arith.index_cast %add3A_1560 : i32 to index
        %swap3A_1601 = arith.constant 48 : index
        %swap3A_1602 = tpu.vector_load %arg11[%swap3A_1600, %swap3A_1601] {strides = array<i32>} : memref<128x128xf32, #tpu.memory_space<vmem>>, vector<1x16xf32>,
        %swap3A_1603 = vector.shape_cast %swap3A_1602 : vector<1x16xf32> to vector<16xf32>
        %swap3A_1604 = vector.shape_cast %mul3A_1599 : vector<16xf32> to vector<1x16xf32>
        tpu.vector_store %arg11[%swap3A_1600, %swap3A_1601], %swap3A_1604 {strides = array<i32>} : memref<128x128xf32, #tpu.memory_space<vmem>>, vector<1x16xf32>,
        %get3A_1605 = arith.index_cast %add3A_1560 : i32 to index
        %get3A_1606 = arith.constant 64 : index
        %get3A_1607 = tpu.vector_load %arg11[%get3A_1605, %get3A_1606] {strides = array<i32>} : memref<128x128xf32, #tpu.memory_space<vmem>>, vector<1x16xf32>,
        %get3A_1608 = vector.shape_cast %get3A_1607 : vector<1x16xf32> to vector<16xf32>
        %mul3A_1609 = vector.broadcast %squeeze3A_1556 : f32 to vector<16xf32>
        %mul3A_1610 = arith.mulf %mul3A_1609, %get3A_1608 : vector<16xf32>
        %swap3A_1611 = arith.index_cast %add3A_1560 : i32 to index
        %swap3A_1612 = arith.constant 64 : index
        %swap3A_1613 = tpu.vector_load %arg11[%swap3A_1611, %swap3A_1612] {strides = array<i32>} : memref<128x128xf32, #tpu.memory_space<vmem>>, vector<1x16xf32>,
        %swap3A_1614 = vector.shape_cast %swap3A_1613 : vector<1x16xf32> to vector<16xf32>
        %swap3A_1615 = vector.shape_cast %mul3A_1610 : vector<16xf32> to vector<1x16xf32>
        tpu.vector_store %arg11[%swap3A_1611, %swap3A_1612], %swap3A_1615 {strides = array<i32>} : memref<128x128xf32, #tpu.memory_space<vmem>>, vector<1x16xf32>,
        %get3A_1616 = arith.index_cast %add3A_1560 : i32 to index
        %get3A_1617 = arith.constant 80 : index
        %get3A_1618 = tpu.vector_load %arg11[%get3A_1616, %get3A_1617] {strides = array<i32>} : memref<128x128xf32, #tpu.memory_space<vmem>>, vector<1x16xf32>,
        %get3A_1619 = vector.shape_cast %get3A_1618 : vector<1x16xf32> to vector<16xf32>
        %mul3A_1620 = vector.broadcast %squeeze3A_1556 : f32 to vector<16xf32>
        %mul3A_1621 = arith.mulf %mul3A_1620, %get3A_1619 : vector<16xf32>
        %swap3A_1622 = arith.index_cast %add3A_1560 : i32 to index
        %swap3A_1623 = arith.constant 80 : index
        %swap3A_1624 = tpu.vector_load %arg11[%swap3A_1622, %swap3A_1623] {strides = array<i32>} : memref<128x128xf32, #tpu.memory_space<vmem>>, vector<1x16xf32>,
        %swap3A_1625 = vector.shape_cast %swap3A_1624 : vector<1x16xf32> to vector<16xf32>
        %swap3A_1626 = vector.shape_cast %mul3A_1621 : vector<16xf32> to vector<1x16xf32>
        tpu.vector_store %arg11[%swap3A_1622, %swap3A_1623], %swap3A_1626 {strides = array<i32>} : memref<128x128xf32, #tpu.memory_space<vmem>>, vector<1x16xf32>,
        %get3A_1627 = arith.index_cast %add3A_1560 : i32 to index
        %get3A_1628 = arith.constant 96 : index
        %get3A_1629 = tpu.vector_load %arg11[%get3A_1627, %get3A_1628] {strides = array<i32>} : memref<128x128xf32, #tpu.memory_space<vmem>>, vector<1x16xf32>,
        %get3A_1630 = vector.shape_cast %get3A_1629 : vector<1x16xf32> to vector<16xf32>
        %mul3A_1631 = vector.broadcast %squeeze3A_1556 : f32 to vector<16xf32>
        %mul3A_1632 = arith.mulf %mul3A_1631, %get3A_1630 : vector<16xf32>
        %swap3A_1633 = arith.index_cast %add3A_1560 : i32 to index
        %swap3A_1634 = arith.constant 96 : index
        %swap3A_1635 = tpu.vector_load %arg11[%swap3A_1633, %swap3A_1634] {strides = array<i32>} : memref<128x128xf32, #tpu.memory_space<vmem>>, vector<1x16xf32>,
        %swap3A_1636 = vector.shape_cast %swap3A_1635 : vector<1x16xf32> to vector<16xf32>
        %swap3A_1637 = vector.shape_cast %mul3A_1632 : vector<16xf32> to vector<1x16xf32>
        tpu.vector_store %arg11[%swap3A_1633, %swap3A_1634], %swap3A_1637 {strides = array<i32>} : memref<128x128xf32, #tpu.memory_space<vmem>>, vector<1x16xf32>,
        %get3A_1638 = arith.index_cast %add3A_1560 : i32 to index
        %get3A_1639 = arith.constant 112 : index
        %get3A_1640 = tpu.vector_load %arg11[%get3A_1638, %get3A_1639] {strides = array<i32>} : memref<128x128xf32, #tpu.memory_space<vmem>>, vector<1x16xf32>,
        %get3A_1641 = vector.shape_cast %get3A_1640 : vector<1x16xf32> to vector<16xf32>
        %mul3A_1642 = vector.broadcast %squeeze3A_1556 : f32 to vector<16xf32>
        %mul3A_1643 = arith.mulf %mul3A_1642, %get3A_1641 : vector<16xf32>
        %swap3A_1644 = arith.index_cast %add3A_1560 : i32 to index
        %swap3A_1645 = arith.constant 112 : index
        %swap3A_1646 = tpu.vector_load %arg11[%swap3A_1644, %swap3A_1645] {strides = array<i32>} : memref<128x128xf32, #tpu.memory_space<vmem>>, vector<1x16xf32>,
        %swap3A_1647 = vector.shape_cast %swap3A_1646 : vector<1x16xf32> to vector<16xf32>
        %swap3A_1648 = vector.shape_cast %mul3A_1643 : vector<16xf32> to vector<1x16xf32>
        tpu.vector_store %arg11[%swap3A_1644, %swap3A_1645], %swap3A_1648 {strides = array<i32>} : memref<128x128xf32, #tpu.memory_space<vmem>>, vector<1x16xf32>,
        %scan3A_1649 = arith.constant 0 : i32
        scf.yield %scan3A_1649 : i32
      }
      %scan3A_140 = arith.constant 8 : i32
      "tpu.region"() ({
        %run_scoped3A = tpu.sem_alloc : memref<!tpu.dma_semaphore, #tpu.memory_space<semaphore_mem>>
        %dma_start3A_142 = arith.constant 0 : i32
        %dma_start3A_143 = tpu.memref_slice %arg9[%scan3A_122, %dma_start3A_142] : memref<79x128xi32, #tpu.memory_space<vmem>> -> memref<1x128xi32, #tpu.memory_space<vmem>>
        %dma_start3A_144 = tpu.memref_squeeze %dma_start3A_143 : memref<1x128xi32, #tpu.memory_space<vmem>> -> memref<128xi32, #tpu.memory_space<vmem>>
        %dma_start3A_145 = arith.constant 0 : i32
        %dma_start3A_146 = arith.constant 0 : i32
        %dma_start3A_147 = tpu.memref_slice %arg7[%dma_start3A_145, %dma_start3A_146] : memref<10000x128xf32, #tpu.memory_space<vmem_shared>> -> memref<10000x128xf32, #tpu.memory_space<vmem_shared>>
        tpu.enqueue_indirect_dma source(%arg11 : memref<128x128xf32, #tpu.memory_space<vmem>>) target(%dma_start3A_147 : memref<10000x128xf32, #tpu.memory_space<vmem_shared>>) offsets(%dma_start3A_144 : memref<128xi32, #tpu.memory_space<vmem>>) semaphore(%run_scoped3A : memref<!tpu.dma_semaphore, #tpu.memory_space<semaphore_mem>>) {add = true}
        %dma_wait3A_148 = arith.constant 0 : i32
        %dma_wait3A_149 = tpu.memref_slice %arg9[%scan3A_122, %dma_wait3A_148] : memref<79x128xi32, #tpu.memory_space<vmem>> -> memref<1x128xi32, #tpu.memory_space<vmem>>
        %dma_wait3A_150 = tpu.memref_squeeze %dma_wait3A_149 : memref<1x128xi32, #tpu.memory_space<vmem>> -> memref<128xi32, #tpu.memory_space<vmem>>
        %dma_wait3A_151 = arith.constant 0 : i32
        %dma_wait3A_152 = arith.constant 0 : i32
        %dma_wait3A_153 = tpu.memref_slice %arg7[%dma_wait3A_151, %dma_wait3A_152] : memref<10000x128xf32, #tpu.memory_space<vmem_shared>> -> memref<10000x128xf32, #tpu.memory_space<vmem_shared>>
        tpu.wait_indirect_dma semaphore(%run_scoped3A : memref<!tpu.dma_semaphore, #tpu.memory_space<semaphore_mem>>) src(%arg11 : memref<128x128xf32, #tpu.memory_space<vmem>>) dst(%dma_wait3A_153 : memref<10000x128xf32, #tpu.memory_space<vmem_shared>>)
        tpu.yield
      }) : () -> ()
      %scan3A_141 = arith.constant 0 : i32
      scf.yield %scan3A_141 : i32
    }
    %scan3A_64 = arith.constant 79 : i32
    %barrier3A_65 = arith.constant 0 : index
    tpu.barrier barrier_id(%barrier3A_65)
    %add3A_66 = arith.constant 0 : i32
    %add3A_67 = arith.addi %add3A_66, %arg1 : i32
    %lt3A_68 = arith.constant 125 : i32
    %lt3A_69 = arith.cmpi slt, %add3A_67, %lt3A_68 : i32
    %convert_element_type3A_70 = arith.extui %lt3A_69 : i1 to i32
    %cond3A_71 = arith.constant 0 : i32
    %cond3A_72 = arith.cmpi ne, %convert_element_type3A_70, %cond3A_71 : i32
    scf.if %cond3A_72 {
      %mul3A = arith.constant 80 : i32
      %mul3A_122 = arith.muli %add3A_67, %mul3A : i32
      "tpu.region"() ({
        %run_scoped3A = tpu.sem_alloc : memref<!tpu.dma_semaphore, #tpu.memory_space<semaphore_mem>>
        %dma_start3A = arith.constant 0 : i32
        %dma_start3A_132 = arith.constant 0 : i32
        %dma_start3A_133 = tpu.memref_slice %arg11[%dma_start3A, %dma_start3A_132] : memref<128x128xf32, #tpu.memory_space<vmem>> -> memref<80x128xf32, #tpu.memory_space<vmem>>
        %dma_start3A_134 = arith.constant 0 : i32
        %dma_start3A_135 = tpu.memref_slice %arg7[%mul3A_122, %dma_start3A_134] : memref<10000x128xf32, #tpu.memory_space<vmem_shared>> -> memref<80x128xf32, #tpu.memory_space<vmem_shared>>
        %dma_start3A_136 = arith.constant 0 : i32
        %dma_start3A_137 = arith.constant 0 : i32
        %dma_start3A_138 = tpu.memref_slice %arg11[%dma_start3A_136, %dma_start3A_137] : memref<128x128xf32, #tpu.memory_space<vmem>> -> memref<80x128xf32, #tpu.memory_space<vmem>>
        %dma_start3A_139 = arith.constant 0 : i32
        %dma_start3A_140 = tpu.memref_slice %arg7[%mul3A_122, %dma_start3A_139] : memref<10000x128xf32, #tpu.memory_space<vmem_shared>> -> memref<80x128xf32, #tpu.memory_space<vmem_shared>>
        tpu.enqueue_dma source(%dma_start3A_140 : memref<80x128xf32, #tpu.memory_space<vmem_shared>>) target(%dma_start3A_138 : memref<80x128xf32, #tpu.memory_space<vmem>>) target_semaphore(%run_scoped3A : memref<!tpu.dma_semaphore, #tpu.memory_space<semaphore_mem>>)
        %dma_wait3A = arith.constant 0 : i32
        %dma_wait3A_141 = arith.constant 0 : i32
        %dma_wait3A_142 = tpu.memref_slice %arg11[%dma_wait3A, %dma_wait3A_141] : memref<128x128xf32, #tpu.memory_space<vmem>> -> memref<80x128xf32, #tpu.memory_space<vmem>>
        %dma_wait3A_143 = arith.constant 0 : i32
        %dma_wait3A_144 = tpu.memref_slice %arg7[%mul3A_122, %dma_wait3A_143] : memref<10000x128xf32, #tpu.memory_space<vmem_shared>> -> memref<80x128xf32, #tpu.memory_space<vmem_shared>>
        %dma_wait3A_145 = arith.constant 0 : i32
        %dma_wait3A_146 = arith.constant 0 : i32
        %dma_wait3A_147 = tpu.memref_slice %arg11[%dma_wait3A_145, %dma_wait3A_146] : memref<128x128xf32, #tpu.memory_space<vmem>> -> memref<80x128xf32, #tpu.memory_space<vmem>>
        %dma_wait3A_148 = arith.constant 0 : i32
        %dma_wait3A_149 = tpu.memref_slice %arg7[%mul3A_122, %dma_wait3A_148] : memref<10000x128xf32, #tpu.memory_space<vmem_shared>> -> memref<80x128xf32, #tpu.memory_space<vmem_shared>>
        tpu.wait_dma2 semaphore(%run_scoped3A : memref<!tpu.dma_semaphore, #tpu.memory_space<semaphore_mem>>) src(%dma_wait3A_149 : memref<80x128xf32, #tpu.memory_space<vmem_shared>>) dst(%dma_wait3A_147 : memref<80x128xf32, #tpu.memory_space<vmem>>)
        tpu.yield
      }) : () -> ()
      %scan3A_123 = arith.constant 0 : i32
      %scan3A_124 = arith.constant 0 : i32
      %scan3A_125 = arith.constant 80 : i32
      %scan3A_126 = arith.addi %scan3A_124, %scan3A_125 : i32
      %scan3A_127 = arith.constant 1 : i32
      %scan3A_128 = scf.for %scan3A_132 = %scan3A_124 to %scan3A_126 step %scan3A_127 iter_args(%scan3A_133 = %scan3A_123) -> (i32)  : i32 {
        %get3A = arith.constant 0 : i32
        %get3A_134 = arith.constant 0 : i32
        %get3A_135 = tpu.memref_slice %arg11[%get3A, %get3A_134] : memref<128x128xf32, #tpu.memory_space<vmem>> -> memref<80x128xf32, #tpu.memory_space<vmem>>
        %get3A_136 = arith.index_cast %scan3A_132 : i32 to index
        %get3A_137 = arith.constant 0 : index
        %get3A_138 = tpu.vector_load %get3A_135[%get3A_136, %get3A_137] {strides = array<i32>} : memref<80x128xf32, #tpu.memory_space<vmem>>, vector<1x16xf32>,
        %get3A_139 = vector.shape_cast %get3A_138 : vector<1x16xf32> to vector<16xf32>
        %max3A = arith.constant 0.000000e+00 : f32
        %max3A_140 = vector.broadcast %max3A : f32 to vector<16xf32>
        %max3A_141 = arith.maximumf %get3A_139, %max3A_140 : vector<16xf32>
        %swap3A = arith.constant 0 : i32
        %swap3A_142 = arith.constant 0 : i32
        %swap3A_143 = tpu.memref_slice %arg11[%swap3A, %swap3A_142] : memref<128x128xf32, #tpu.memory_space<vmem>> -> memref<80x128xf32, #tpu.memory_space<vmem>>
        %swap3A_144 = arith.index_cast %scan3A_132 : i32 to index
        %swap3A_145 = arith.constant 0 : index
        %swap3A_146 = tpu.vector_load %swap3A_143[%swap3A_144, %swap3A_145] {strides = array<i32>} : memref<80x128xf32, #tpu.memory_space<vmem>>, vector<1x16xf32>,
        %swap3A_147 = vector.shape_cast %swap3A_146 : vector<1x16xf32> to vector<16xf32>
        %swap3A_148 = vector.shape_cast %max3A_141 : vector<16xf32> to vector<1x16xf32>
        tpu.vector_store %swap3A_143[%swap3A_144, %swap3A_145], %swap3A_148 {strides = array<i32>} : memref<80x128xf32, #tpu.memory_space<vmem>>, vector<1x16xf32>,
        %get3A_149 = arith.constant 0 : i32
        %get3A_150 = arith.constant 0 : i32
        %get3A_151 = tpu.memref_slice %arg11[%get3A_149, %get3A_150] : memref<128x128xf32, #tpu.memory_space<vmem>> -> memref<80x128xf32, #tpu.memory_space<vmem>>
        %get3A_152 = arith.index_cast %scan3A_132 : i32 to index
        %get3A_153 = arith.constant 16 : index
        %get3A_154 = tpu.vector_load %get3A_151[%get3A_152, %get3A_153] {strides = array<i32>} : memref<80x128xf32, #tpu.memory_space<vmem>>, vector<1x16xf32>,
        %get3A_155 = vector.shape_cast %get3A_154 : vector<1x16xf32> to vector<16xf32>
        %max3A_156 = arith.constant 0.000000e+00 : f32
        %max3A_157 = vector.broadcast %max3A_156 : f32 to vector<16xf32>
        %max3A_158 = arith.maximumf %get3A_155, %max3A_157 : vector<16xf32>
        %swap3A_159 = arith.constant 0 : i32
        %swap3A_160 = arith.constant 0 : i32
        %swap3A_161 = tpu.memref_slice %arg11[%swap3A_159, %swap3A_160] : memref<128x128xf32, #tpu.memory_space<vmem>> -> memref<80x128xf32, #tpu.memory_space<vmem>>
        %swap3A_162 = arith.index_cast %scan3A_132 : i32 to index
        %swap3A_163 = arith.constant 16 : index
        %swap3A_164 = tpu.vector_load %swap3A_161[%swap3A_162, %swap3A_163] {strides = array<i32>} : memref<80x128xf32, #tpu.memory_space<vmem>>, vector<1x16xf32>,
        %swap3A_165 = vector.shape_cast %swap3A_164 : vector<1x16xf32> to vector<16xf32>
        %swap3A_166 = vector.shape_cast %max3A_158 : vector<16xf32> to vector<1x16xf32>
        tpu.vector_store %swap3A_161[%swap3A_162, %swap3A_163], %swap3A_166 {strides = array<i32>} : memref<80x128xf32, #tpu.memory_space<vmem>>, vector<1x16xf32>,
        %get3A_167 = arith.constant 0 : i32
        %get3A_168 = arith.constant 0 : i32
        %get3A_169 = tpu.memref_slice %arg11[%get3A_167, %get3A_168] : memref<128x128xf32, #tpu.memory_space<vmem>> -> memref<80x128xf32, #tpu.memory_space<vmem>>
        %get3A_170 = arith.index_cast %scan3A_132 : i32 to index
        %get3A_171 = arith.constant 32 : index
        %get3A_172 = tpu.vector_load %get3A_169[%get3A_170, %get3A_171] {strides = array<i32>} : memref<80x128xf32, #tpu.memory_space<vmem>>, vector<1x16xf32>,
        %get3A_173 = vector.shape_cast %get3A_172 : vector<1x16xf32> to vector<16xf32>
        %max3A_174 = arith.constant 0.000000e+00 : f32
        %max3A_175 = vector.broadcast %max3A_174 : f32 to vector<16xf32>
        %max3A_176 = arith.maximumf %get3A_173, %max3A_175 : vector<16xf32>
        %swap3A_177 = arith.constant 0 : i32
        %swap3A_178 = arith.constant 0 : i32
        %swap3A_179 = tpu.memref_slice %arg11[%swap3A_177, %swap3A_178] : memref<128x128xf32, #tpu.memory_space<vmem>> -> memref<80x128xf32, #tpu.memory_space<vmem>>
        %swap3A_180 = arith.index_cast %scan3A_132 : i32 to index
        %swap3A_181 = arith.constant 32 : index
        %swap3A_182 = tpu.vector_load %swap3A_179[%swap3A_180, %swap3A_181] {strides = array<i32>} : memref<80x128xf32, #tpu.memory_space<vmem>>, vector<1x16xf32>,
        %swap3A_183 = vector.shape_cast %swap3A_182 : vector<1x16xf32> to vector<16xf32>
        %swap3A_184 = vector.shape_cast %max3A_176 : vector<16xf32> to vector<1x16xf32>
        tpu.vector_store %swap3A_179[%swap3A_180, %swap3A_181], %swap3A_184 {strides = array<i32>} : memref<80x128xf32, #tpu.memory_space<vmem>>, vector<1x16xf32>,
        %get3A_185 = arith.constant 0 : i32
        %get3A_186 = arith.constant 0 : i32
        %get3A_187 = tpu.memref_slice %arg11[%get3A_185, %get3A_186] : memref<128x128xf32, #tpu.memory_space<vmem>> -> memref<80x128xf32, #tpu.memory_space<vmem>>
        %get3A_188 = arith.index_cast %scan3A_132 : i32 to index
        %get3A_189 = arith.constant 48 : index
        %get3A_190 = tpu.vector_load %get3A_187[%get3A_188, %get3A_189] {strides = array<i32>} : memref<80x128xf32, #tpu.memory_space<vmem>>, vector<1x16xf32>,
        %get3A_191 = vector.shape_cast %get3A_190 : vector<1x16xf32> to vector<16xf32>
        %max3A_192 = arith.constant 0.000000e+00 : f32
        %max3A_193 = vector.broadcast %max3A_192 : f32 to vector<16xf32>
        %max3A_194 = arith.maximumf %get3A_191, %max3A_193 : vector<16xf32>
        %swap3A_195 = arith.constant 0 : i32
        %swap3A_196 = arith.constant 0 : i32
        %swap3A_197 = tpu.memref_slice %arg11[%swap3A_195, %swap3A_196] : memref<128x128xf32, #tpu.memory_space<vmem>> -> memref<80x128xf32, #tpu.memory_space<vmem>>
        %swap3A_198 = arith.index_cast %scan3A_132 : i32 to index
        %swap3A_199 = arith.constant 48 : index
        %swap3A_200 = tpu.vector_load %swap3A_197[%swap3A_198, %swap3A_199] {strides = array<i32>} : memref<80x128xf32, #tpu.memory_space<vmem>>, vector<1x16xf32>,
        %swap3A_201 = vector.shape_cast %swap3A_200 : vector<1x16xf32> to vector<16xf32>
        %swap3A_202 = vector.shape_cast %max3A_194 : vector<16xf32> to vector<1x16xf32>
        tpu.vector_store %swap3A_197[%swap3A_198, %swap3A_199], %swap3A_202 {strides = array<i32>} : memref<80x128xf32, #tpu.memory_space<vmem>>, vector<1x16xf32>,
        %get3A_203 = arith.constant 0 : i32
        %get3A_204 = arith.constant 0 : i32
        %get3A_205 = tpu.memref_slice %arg11[%get3A_203, %get3A_204] : memref<128x128xf32, #tpu.memory_space<vmem>> -> memref<80x128xf32, #tpu.memory_space<vmem>>
        %get3A_206 = arith.index_cast %scan3A_132 : i32 to index
        %get3A_207 = arith.constant 64 : index
        %get3A_208 = tpu.vector_load %get3A_205[%get3A_206, %get3A_207] {strides = array<i32>} : memref<80x128xf32, #tpu.memory_space<vmem>>, vector<1x16xf32>,
        %get3A_209 = vector.shape_cast %get3A_208 : vector<1x16xf32> to vector<16xf32>
        %max3A_210 = arith.constant 0.000000e+00 : f32
        %max3A_211 = vector.broadcast %max3A_210 : f32 to vector<16xf32>
        %max3A_212 = arith.maximumf %get3A_209, %max3A_211 : vector<16xf32>
        %swap3A_213 = arith.constant 0 : i32
        %swap3A_214 = arith.constant 0 : i32
        %swap3A_215 = tpu.memref_slice %arg11[%swap3A_213, %swap3A_214] : memref<128x128xf32, #tpu.memory_space<vmem>> -> memref<80x128xf32, #tpu.memory_space<vmem>>
        %swap3A_216 = arith.index_cast %scan3A_132 : i32 to index
        %swap3A_217 = arith.constant 64 : index
        %swap3A_218 = tpu.vector_load %swap3A_215[%swap3A_216, %swap3A_217] {strides = array<i32>} : memref<80x128xf32, #tpu.memory_space<vmem>>, vector<1x16xf32>,
        %swap3A_219 = vector.shape_cast %swap3A_218 : vector<1x16xf32> to vector<16xf32>
        %swap3A_220 = vector.shape_cast %max3A_212 : vector<16xf32> to vector<1x16xf32>
        tpu.vector_store %swap3A_215[%swap3A_216, %swap3A_217], %swap3A_220 {strides = array<i32>} : memref<80x128xf32, #tpu.memory_space<vmem>>, vector<1x16xf32>,
        %get3A_221 = arith.constant 0 : i32
        %get3A_222 = arith.constant 0 : i32
        %get3A_223 = tpu.memref_slice %arg11[%get3A_221, %get3A_222] : memref<128x128xf32, #tpu.memory_space<vmem>> -> memref<80x128xf32, #tpu.memory_space<vmem>>
        %get3A_224 = arith.index_cast %scan3A_132 : i32 to index
        %get3A_225 = arith.constant 80 : index
        %get3A_226 = tpu.vector_load %get3A_223[%get3A_224, %get3A_225] {strides = array<i32>} : memref<80x128xf32, #tpu.memory_space<vmem>>, vector<1x16xf32>,
        %get3A_227 = vector.shape_cast %get3A_226 : vector<1x16xf32> to vector<16xf32>
        %max3A_228 = arith.constant 0.000000e+00 : f32
        %max3A_229 = vector.broadcast %max3A_228 : f32 to vector<16xf32>
        %max3A_230 = arith.maximumf %get3A_227, %max3A_229 : vector<16xf32>
        %swap3A_231 = arith.constant 0 : i32
        %swap3A_232 = arith.constant 0 : i32
        %swap3A_233 = tpu.memref_slice %arg11[%swap3A_231, %swap3A_232] : memref<128x128xf32, #tpu.memory_space<vmem>> -> memref<80x128xf32, #tpu.memory_space<vmem>>
        %swap3A_234 = arith.index_cast %scan3A_132 : i32 to index
        %swap3A_235 = arith.constant 80 : index
        %swap3A_236 = tpu.vector_load %swap3A_233[%swap3A_234, %swap3A_235] {strides = array<i32>} : memref<80x128xf32, #tpu.memory_space<vmem>>, vector<1x16xf32>,
        %swap3A_237 = vector.shape_cast %swap3A_236 : vector<1x16xf32> to vector<16xf32>
        %swap3A_238 = vector.shape_cast %max3A_230 : vector<16xf32> to vector<1x16xf32>
        tpu.vector_store %swap3A_233[%swap3A_234, %swap3A_235], %swap3A_238 {strides = array<i32>} : memref<80x128xf32, #tpu.memory_space<vmem>>, vector<1x16xf32>,
        %get3A_239 = arith.constant 0 : i32
        %get3A_240 = arith.constant 0 : i32
        %get3A_241 = tpu.memref_slice %arg11[%get3A_239, %get3A_240] : memref<128x128xf32, #tpu.memory_space<vmem>> -> memref<80x128xf32, #tpu.memory_space<vmem>>
        %get3A_242 = arith.index_cast %scan3A_132 : i32 to index
        %get3A_243 = arith.constant 96 : index
        %get3A_244 = tpu.vector_load %get3A_241[%get3A_242, %get3A_243] {strides = array<i32>} : memref<80x128xf32, #tpu.memory_space<vmem>>, vector<1x16xf32>,
        %get3A_245 = vector.shape_cast %get3A_244 : vector<1x16xf32> to vector<16xf32>
        %max3A_246 = arith.constant 0.000000e+00 : f32
        %max3A_247 = vector.broadcast %max3A_246 : f32 to vector<16xf32>
        %max3A_248 = arith.maximumf %get3A_245, %max3A_247 : vector<16xf32>
        %swap3A_249 = arith.constant 0 : i32
        %swap3A_250 = arith.constant 0 : i32
        %swap3A_251 = tpu.memref_slice %arg11[%swap3A_249, %swap3A_250] : memref<128x128xf32, #tpu.memory_space<vmem>> -> memref<80x128xf32, #tpu.memory_space<vmem>>
        %swap3A_252 = arith.index_cast %scan3A_132 : i32 to index
        %swap3A_253 = arith.constant 96 : index
        %swap3A_254 = tpu.vector_load %swap3A_251[%swap3A_252, %swap3A_253] {strides = array<i32>} : memref<80x128xf32, #tpu.memory_space<vmem>>, vector<1x16xf32>,
        %swap3A_255 = vector.shape_cast %swap3A_254 : vector<1x16xf32> to vector<16xf32>
        %swap3A_256 = vector.shape_cast %max3A_248 : vector<16xf32> to vector<1x16xf32>
        tpu.vector_store %swap3A_251[%swap3A_252, %swap3A_253], %swap3A_256 {strides = array<i32>} : memref<80x128xf32, #tpu.memory_space<vmem>>, vector<1x16xf32>,
        %get3A_257 = arith.constant 0 : i32
        %get3A_258 = arith.constant 0 : i32
        %get3A_259 = tpu.memref_slice %arg11[%get3A_257, %get3A_258] : memref<128x128xf32, #tpu.memory_space<vmem>> -> memref<80x128xf32, #tpu.memory_space<vmem>>
        %get3A_260 = arith.index_cast %scan3A_132 : i32 to index
        %get3A_261 = arith.constant 112 : index
        %get3A_262 = tpu.vector_load %get3A_259[%get3A_260, %get3A_261] {strides = array<i32>} : memref<80x128xf32, #tpu.memory_space<vmem>>, vector<1x16xf32>,
        %get3A_263 = vector.shape_cast %get3A_262 : vector<1x16xf32> to vector<16xf32>
        %max3A_264 = arith.constant 0.000000e+00 : f32
        %max3A_265 = vector.broadcast %max3A_264 : f32 to vector<16xf32>
        %max3A_266 = arith.maximumf %get3A_263, %max3A_265 : vector<16xf32>
        %swap3A_267 = arith.constant 0 : i32
        %swap3A_268 = arith.constant 0 : i32
        %swap3A_269 = tpu.memref_slice %arg11[%swap3A_267, %swap3A_268] : memref<128x128xf32, #tpu.memory_space<vmem>> -> memref<80x128xf32, #tpu.memory_space<vmem>>
        %swap3A_270 = arith.index_cast %scan3A_132 : i32 to index
        %swap3A_271 = arith.constant 112 : index
        %swap3A_272 = tpu.vector_load %swap3A_269[%swap3A_270, %swap3A_271] {strides = array<i32>} : memref<80x128xf32, #tpu.memory_space<vmem>>, vector<1x16xf32>,
        %swap3A_273 = vector.shape_cast %swap3A_272 : vector<1x16xf32> to vector<16xf32>
        %swap3A_274 = vector.shape_cast %max3A_266 : vector<16xf32> to vector<1x16xf32>
        tpu.vector_store %swap3A_269[%swap3A_270, %swap3A_271], %swap3A_274 {strides = array<i32>} : memref<80x128xf32, #tpu.memory_space<vmem>>, vector<1x16xf32>,
        %scan3A_275 = arith.constant 0 : i32
        scf.yield %scan3A_275 : i32
      }
      %scan3A_129 = arith.constant 80 : i32
      %mul3A_130 = arith.constant 128 : i32
      %mul3A_131 = arith.muli %arg0, %mul3A_130 : i32
      "tpu.region"() ({
        %run_scoped3A = tpu.sem_alloc : memref<!tpu.dma_semaphore, #tpu.memory_space<semaphore_mem>>
        %dma_start3A = arith.constant 0 : i32
        %dma_start3A_132 = arith.constant 0 : i32
        %dma_start3A_133 = tpu.memref_slice %arg11[%dma_start3A, %dma_start3A_132] : memref<128x128xf32, #tpu.memory_space<vmem>> -> memref<80x128xf32, #tpu.memory_space<vmem>>
        %dma_start3A_134 = tpu.memref_slice %arg6[%mul3A_122, %mul3A_131] : memref<10000x256xf32, #tpu.memory_space<hbm>> -> memref<80x128xf32, #tpu.memory_space<hbm>>
        %dma_start3A_135 = tpu.memref_slice %arg6[%mul3A_122, %mul3A_131] : memref<10000x256xf32, #tpu.memory_space<hbm>> -> memref<80x128xf32, #tpu.memory_space<hbm>>
        %dma_start3A_136 = arith.constant 0 : i32
        %dma_start3A_137 = arith.constant 0 : i32
        %dma_start3A_138 = tpu.memref_slice %arg11[%dma_start3A_136, %dma_start3A_137] : memref<128x128xf32, #tpu.memory_space<vmem>> -> memref<80x128xf32, #tpu.memory_space<vmem>>
        tpu.enqueue_dma source(%dma_start3A_138 : memref<80x128xf32, #tpu.memory_space<vmem>>) target(%dma_start3A_135 : memref<80x128xf32, #tpu.memory_space<hbm>>) target_semaphore(%run_scoped3A : memref<!tpu.dma_semaphore, #tpu.memory_space<semaphore_mem>>)
        %dma_wait3A = arith.constant 0 : i32
        %dma_wait3A_139 = arith.constant 0 : i32
        %dma_wait3A_140 = tpu.memref_slice %arg11[%dma_wait3A, %dma_wait3A_139] : memref<128x128xf32, #tpu.memory_space<vmem>> -> memref<80x128xf32, #tpu.memory_space<vmem>>
        %dma_wait3A_141 = tpu.memref_slice %arg6[%mul3A_122, %mul3A_131] : memref<10000x256xf32, #tpu.memory_space<hbm>> -> memref<80x128xf32, #tpu.memory_space<hbm>>
        %dma_wait3A_142 = tpu.memref_slice %arg6[%mul3A_122, %mul3A_131] : memref<10000x256xf32, #tpu.memory_space<hbm>> -> memref<80x128xf32, #tpu.memory_space<hbm>>
        %dma_wait3A_143 = arith.constant 0 : i32
        %dma_wait3A_144 = arith.constant 0 : i32
        %dma_wait3A_145 = tpu.memref_slice %arg11[%dma_wait3A_143, %dma_wait3A_144] : memref<128x128xf32, #tpu.memory_space<vmem>> -> memref<80x128xf32, #tpu.memory_space<vmem>>
        tpu.wait_dma2 semaphore(%run_scoped3A : memref<!tpu.dma_semaphore, #tpu.memory_space<semaphore_mem>>) src(%dma_wait3A_145 : memref<80x128xf32, #tpu.memory_space<vmem>>) dst(%dma_wait3A_142 : memref<80x128xf32, #tpu.memory_space<hbm>>)
        tpu.yield
      }) : () -> ()
    } else {
    }
    %add3A_73 = arith.constant 16 : i32
    %add3A_74 = arith.addi %add3A_73, %arg1 : i32
    %lt3A_75 = arith.constant 125 : i32
    %lt3A_76 = arith.cmpi slt, %add3A_74, %lt3A_75 : i32
    %convert_element_type3A_77 = arith.extui %lt3A_76 : i1 to i32
    %cond3A_78 = arith.constant 0 : i32
    %cond3A_79 = arith.cmpi ne, %convert_element_type3A_77, %cond3A_78 : i32
    scf.if %cond3A_79 {
      %mul3A = arith.constant 80 : i32
      %mul3A_122 = arith.muli %add3A_74, %mul3A : i32
      "tpu.region"() ({
        %run_scoped3A = tpu.sem_alloc : memref<!tpu.dma_semaphore, #tpu.memory_space<semaphore_mem>>
        %dma_start3A = arith.constant 0 : i32
        %dma_start3A_132 = arith.constant 0 : i32
        %dma_start3A_133 = tpu.memref_slice %arg11[%dma_start3A, %dma_start3A_132] : memref<128x128xf32, #tpu.memory_space<vmem>> -> memref<80x128xf32, #tpu.memory_space<vmem>>
        %dma_start3A_134 = arith.constant 0 : i32
        %dma_start3A_135 = tpu.memref_slice %arg7[%mul3A_122, %dma_start3A_134] : memref<10000x128xf32, #tpu.memory_space<vmem_shared>> -> memref<80x128xf32, #tpu.memory_space<vmem_shared>>
        %dma_start3A_136 = arith.constant 0 : i32
        %dma_start3A_137 = arith.constant 0 : i32
        %dma_start3A_138 = tpu.memref_slice %arg11[%dma_start3A_136, %dma_start3A_137] : memref<128x128xf32, #tpu.memory_space<vmem>> -> memref<80x128xf32, #tpu.memory_space<vmem>>
        %dma_start3A_139 = arith.constant 0 : i32
        %dma_start3A_140 = tpu.memref_slice %arg7[%mul3A_122, %dma_start3A_139] : memref<10000x128xf32, #tpu.memory_space<vmem_shared>> -> memref<80x128xf32, #tpu.memory_space<vmem_shared>>
        tpu.enqueue_dma source(%dma_start3A_140 : memref<80x128xf32, #tpu.memory_space<vmem_shared>>) target(%dma_start3A_138 : memref<80x128xf32, #tpu.memory_space<vmem>>) target_semaphore(%run_scoped3A : memref<!tpu.dma_semaphore, #tpu.memory_space<semaphore_mem>>)
        %dma_wait3A = arith.constant 0 : i32
        %dma_wait3A_141 = arith.constant 0 : i32
        %dma_wait3A_142 = tpu.memref_slice %arg11[%dma_wait3A, %dma_wait3A_141] : memref<128x128xf32, #tpu.memory_space<vmem>> -> memref<80x128xf32, #tpu.memory_space<vmem>>
        %dma_wait3A_143 = arith.constant 0 : i32
        %dma_wait3A_144 = tpu.memref_slice %arg7[%mul3A_122, %dma_wait3A_143] : memref<10000x128xf32, #tpu.memory_space<vmem_shared>> -> memref<80x128xf32, #tpu.memory_space<vmem_shared>>
        %dma_wait3A_145 = arith.constant 0 : i32
        %dma_wait3A_146 = arith.constant 0 : i32
        %dma_wait3A_147 = tpu.memref_slice %arg11[%dma_wait3A_145, %dma_wait3A_146] : memref<128x128xf32, #tpu.memory_space<vmem>> -> memref<80x128xf32, #tpu.memory_space<vmem>>
        %dma_wait3A_148 = arith.constant 0 : i32
        %dma_wait3A_149 = tpu.memref_slice %arg7[%mul3A_122, %dma_wait3A_148] : memref<10000x128xf32, #tpu.memory_space<vmem_shared>> -> memref<80x128xf32, #tpu.memory_space<vmem_shared>>
        tpu.wait_dma2 semaphore(%run_scoped3A : memref<!tpu.dma_semaphore, #tpu.memory_space<semaphore_mem>>) src(%dma_wait3A_149 : memref<80x128xf32, #tpu.memory_space<vmem_shared>>) dst(%dma_wait3A_147 : memref<80x128xf32, #tpu.memory_space<vmem>>)
        tpu.yield
      }) : () -> ()
      %scan3A_123 = arith.constant 0 : i32
      %scan3A_124 = arith.constant 0 : i32
      %scan3A_125 = arith.constant 80 : i32
      %scan3A_126 = arith.addi %scan3A_124, %scan3A_125 : i32
      %scan3A_127 = arith.constant 1 : i32
      %scan3A_128 = scf.for %scan3A_132 = %scan3A_124 to %scan3A_126 step %scan3A_127 iter_args(%scan3A_133 = %scan3A_123) -> (i32)  : i32 {
        %get3A = arith.constant 0 : i32
        %get3A_134 = arith.constant 0 : i32
        %get3A_135 = tpu.memref_slice %arg11[%get3A, %get3A_134] : memref<128x128xf32, #tpu.memory_space<vmem>> -> memref<80x128xf32, #tpu.memory_space<vmem>>
        %get3A_136 = arith.index_cast %scan3A_132 : i32 to index
        %get3A_137 = arith.constant 0 : index
        %get3A_138 = tpu.vector_load %get3A_135[%get3A_136, %get3A_137] {strides = array<i32>} : memref<80x128xf32, #tpu.memory_space<vmem>>, vector<1x16xf32>,
        %get3A_139 = vector.shape_cast %get3A_138 : vector<1x16xf32> to vector<16xf32>
        %max3A = arith.constant 0.000000e+00 : f32
        %max3A_140 = vector.broadcast %max3A : f32 to vector<16xf32>
        %max3A_141 = arith.maximumf %get3A_139, %max3A_140 : vector<16xf32>
        %swap3A = arith.constant 0 : i32
        %swap3A_142 = arith.constant 0 : i32
        %swap3A_143 = tpu.memref_slice %arg11[%swap3A, %swap3A_142] : memref<128x128xf32, #tpu.memory_space<vmem>> -> memref<80x128xf32, #tpu.memory_space<vmem>>
        %swap3A_144 = arith.index_cast %scan3A_132 : i32 to index
        %swap3A_145 = arith.constant 0 : index
        %swap3A_146 = tpu.vector_load %swap3A_143[%swap3A_144, %swap3A_145] {strides = array<i32>} : memref<80x128xf32, #tpu.memory_space<vmem>>, vector<1x16xf32>,
        %swap3A_147 = vector.shape_cast %swap3A_146 : vector<1x16xf32> to vector<16xf32>
        %swap3A_148 = vector.shape_cast %max3A_141 : vector<16xf32> to vector<1x16xf32>
        tpu.vector_store %swap3A_143[%swap3A_144, %swap3A_145], %swap3A_148 {strides = array<i32>} : memref<80x128xf32, #tpu.memory_space<vmem>>, vector<1x16xf32>,
        %get3A_149 = arith.constant 0 : i32
        %get3A_150 = arith.constant 0 : i32
        %get3A_151 = tpu.memref_slice %arg11[%get3A_149, %get3A_150] : memref<128x128xf32, #tpu.memory_space<vmem>> -> memref<80x128xf32, #tpu.memory_space<vmem>>
        %get3A_152 = arith.index_cast %scan3A_132 : i32 to index
        %get3A_153 = arith.constant 16 : index
        %get3A_154 = tpu.vector_load %get3A_151[%get3A_152, %get3A_153] {strides = array<i32>} : memref<80x128xf32, #tpu.memory_space<vmem>>, vector<1x16xf32>,
        %get3A_155 = vector.shape_cast %get3A_154 : vector<1x16xf32> to vector<16xf32>
        %max3A_156 = arith.constant 0.000000e+00 : f32
        %max3A_157 = vector.broadcast %max3A_156 : f32 to vector<16xf32>
        %max3A_158 = arith.maximumf %get3A_155, %max3A_157 : vector<16xf32>
        %swap3A_159 = arith.constant 0 : i32
        %swap3A_160 = arith.constant 0 : i32
        %swap3A_161 = tpu.memref_slice %arg11[%swap3A_159, %swap3A_160] : memref<128x128xf32, #tpu.memory_space<vmem>> -> memref<80x128xf32, #tpu.memory_space<vmem>>
        %swap3A_162 = arith.index_cast %scan3A_132 : i32 to index
        %swap3A_163 = arith.constant 16 : index
        %swap3A_164 = tpu.vector_load %swap3A_161[%swap3A_162, %swap3A_163] {strides = array<i32>} : memref<80x128xf32, #tpu.memory_space<vmem>>, vector<1x16xf32>,
        %swap3A_165 = vector.shape_cast %swap3A_164 : vector<1x16xf32> to vector<16xf32>
        %swap3A_166 = vector.shape_cast %max3A_158 : vector<16xf32> to vector<1x16xf32>
        tpu.vector_store %swap3A_161[%swap3A_162, %swap3A_163], %swap3A_166 {strides = array<i32>} : memref<80x128xf32, #tpu.memory_space<vmem>>, vector<1x16xf32>,
        %get3A_167 = arith.constant 0 : i32
        %get3A_168 = arith.constant 0 : i32
        %get3A_169 = tpu.memref_slice %arg11[%get3A_167, %get3A_168] : memref<128x128xf32, #tpu.memory_space<vmem>> -> memref<80x128xf32, #tpu.memory_space<vmem>>
        %get3A_170 = arith.index_cast %scan3A_132 : i32 to index
        %get3A_171 = arith.constant 32 : index
        %get3A_172 = tpu.vector_load %get3A_169[%get3A_170, %get3A_171] {strides = array<i32>} : memref<80x128xf32, #tpu.memory_space<vmem>>, vector<1x16xf32>,
        %get3A_173 = vector.shape_cast %get3A_172 : vector<1x16xf32> to vector<16xf32>
        %max3A_174 = arith.constant 0.000000e+00 : f32
        %max3A_175 = vector.broadcast %max3A_174 : f32 to vector<16xf32>
        %max3A_176 = arith.maximumf %get3A_173, %max3A_175 : vector<16xf32>
        %swap3A_177 = arith.constant 0 : i32
        %swap3A_178 = arith.constant 0 : i32
        %swap3A_179 = tpu.memref_slice %arg11[%swap3A_177, %swap3A_178] : memref<128x128xf32, #tpu.memory_space<vmem>> -> memref<80x128xf32, #tpu.memory_space<vmem>>
        %swap3A_180 = arith.index_cast %scan3A_132 : i32 to index
        %swap3A_181 = arith.constant 32 : index
        %swap3A_182 = tpu.vector_load %swap3A_179[%swap3A_180, %swap3A_181] {strides = array<i32>} : memref<80x128xf32, #tpu.memory_space<vmem>>, vector<1x16xf32>,
        %swap3A_183 = vector.shape_cast %swap3A_182 : vector<1x16xf32> to vector<16xf32>
        %swap3A_184 = vector.shape_cast %max3A_176 : vector<16xf32> to vector<1x16xf32>
        tpu.vector_store %swap3A_179[%swap3A_180, %swap3A_181], %swap3A_184 {strides = array<i32>} : memref<80x128xf32, #tpu.memory_space<vmem>>, vector<1x16xf32>,
        %get3A_185 = arith.constant 0 : i32
        %get3A_186 = arith.constant 0 : i32
        %get3A_187 = tpu.memref_slice %arg11[%get3A_185, %get3A_186] : memref<128x128xf32, #tpu.memory_space<vmem>> -> memref<80x128xf32, #tpu.memory_space<vmem>>
        %get3A_188 = arith.index_cast %scan3A_132 : i32 to index
        %get3A_189 = arith.constant 48 : index
        %get3A_190 = tpu.vector_load %get3A_187[%get3A_188, %get3A_189] {strides = array<i32>} : memref<80x128xf32, #tpu.memory_space<vmem>>, vector<1x16xf32>,
        %get3A_191 = vector.shape_cast %get3A_190 : vector<1x16xf32> to vector<16xf32>
        %max3A_192 = arith.constant 0.000000e+00 : f32
        %max3A_193 = vector.broadcast %max3A_192 : f32 to vector<16xf32>
        %max3A_194 = arith.maximumf %get3A_191, %max3A_193 : vector<16xf32>
        %swap3A_195 = arith.constant 0 : i32
        %swap3A_196 = arith.constant 0 : i32
        %swap3A_197 = tpu.memref_slice %arg11[%swap3A_195, %swap3A_196] : memref<128x128xf32, #tpu.memory_space<vmem>> -> memref<80x128xf32, #tpu.memory_space<vmem>>
        %swap3A_198 = arith.index_cast %scan3A_132 : i32 to index
        %swap3A_199 = arith.constant 48 : index
        %swap3A_200 = tpu.vector_load %swap3A_197[%swap3A_198, %swap3A_199] {strides = array<i32>} : memref<80x128xf32, #tpu.memory_space<vmem>>, vector<1x16xf32>,
        %swap3A_201 = vector.shape_cast %swap3A_200 : vector<1x16xf32> to vector<16xf32>
        %swap3A_202 = vector.shape_cast %max3A_194 : vector<16xf32> to vector<1x16xf32>
        tpu.vector_store %swap3A_197[%swap3A_198, %swap3A_199], %swap3A_202 {strides = array<i32>} : memref<80x128xf32, #tpu.memory_space<vmem>>, vector<1x16xf32>,
        %get3A_203 = arith.constant 0 : i32
        %get3A_204 = arith.constant 0 : i32
        %get3A_205 = tpu.memref_slice %arg11[%get3A_203, %get3A_204] : memref<128x128xf32, #tpu.memory_space<vmem>> -> memref<80x128xf32, #tpu.memory_space<vmem>>
        %get3A_206 = arith.index_cast %scan3A_132 : i32 to index
        %get3A_207 = arith.constant 64 : index
        %get3A_208 = tpu.vector_load %get3A_205[%get3A_206, %get3A_207] {strides = array<i32>} : memref<80x128xf32, #tpu.memory_space<vmem>>, vector<1x16xf32>,
        %get3A_209 = vector.shape_cast %get3A_208 : vector<1x16xf32> to vector<16xf32>
        %max3A_210 = arith.constant 0.000000e+00 : f32
        %max3A_211 = vector.broadcast %max3A_210 : f32 to vector<16xf32>
        %max3A_212 = arith.maximumf %get3A_209, %max3A_211 : vector<16xf32>
        %swap3A_213 = arith.constant 0 : i32
        %swap3A_214 = arith.constant 0 : i32
        %swap3A_215 = tpu.memref_slice %arg11[%swap3A_213, %swap3A_214] : memref<128x128xf32, #tpu.memory_space<vmem>> -> memref<80x128xf32, #tpu.memory_space<vmem>>
        %swap3A_216 = arith.index_cast %scan3A_132 : i32 to index
        %swap3A_217 = arith.constant 64 : index
        %swap3A_218 = tpu.vector_load %swap3A_215[%swap3A_216, %swap3A_217] {strides = array<i32>} : memref<80x128xf32, #tpu.memory_space<vmem>>, vector<1x16xf32>,
        %swap3A_219 = vector.shape_cast %swap3A_218 : vector<1x16xf32> to vector<16xf32>
        %swap3A_220 = vector.shape_cast %max3A_212 : vector<16xf32> to vector<1x16xf32>
        tpu.vector_store %swap3A_215[%swap3A_216, %swap3A_217], %swap3A_220 {strides = array<i32>} : memref<80x128xf32, #tpu.memory_space<vmem>>, vector<1x16xf32>,
        %get3A_221 = arith.constant 0 : i32
        %get3A_222 = arith.constant 0 : i32
        %get3A_223 = tpu.memref_slice %arg11[%get3A_221, %get3A_222] : memref<128x128xf32, #tpu.memory_space<vmem>> -> memref<80x128xf32, #tpu.memory_space<vmem>>
        %get3A_224 = arith.index_cast %scan3A_132 : i32 to index
        %get3A_225 = arith.constant 80 : index
        %get3A_226 = tpu.vector_load %get3A_223[%get3A_224, %get3A_225] {strides = array<i32>} : memref<80x128xf32, #tpu.memory_space<vmem>>, vector<1x16xf32>,
        %get3A_227 = vector.shape_cast %get3A_226 : vector<1x16xf32> to vector<16xf32>
        %max3A_228 = arith.constant 0.000000e+00 : f32
        %max3A_229 = vector.broadcast %max3A_228 : f32 to vector<16xf32>
        %max3A_230 = arith.maximumf %get3A_227, %max3A_229 : vector<16xf32>
        %swap3A_231 = arith.constant 0 : i32
        %swap3A_232 = arith.constant 0 : i32
        %swap3A_233 = tpu.memref_slice %arg11[%swap3A_231, %swap3A_232] : memref<128x128xf32, #tpu.memory_space<vmem>> -> memref<80x128xf32, #tpu.memory_space<vmem>>
        %swap3A_234 = arith.index_cast %scan3A_132 : i32 to index
        %swap3A_235 = arith.constant 80 : index
        %swap3A_236 = tpu.vector_load %swap3A_233[%swap3A_234, %swap3A_235] {strides = array<i32>} : memref<80x128xf32, #tpu.memory_space<vmem>>, vector<1x16xf32>,
        %swap3A_237 = vector.shape_cast %swap3A_236 : vector<1x16xf32> to vector<16xf32>
        %swap3A_238 = vector.shape_cast %max3A_230 : vector<16xf32> to vector<1x16xf32>
        tpu.vector_store %swap3A_233[%swap3A_234, %swap3A_235], %swap3A_238 {strides = array<i32>} : memref<80x128xf32, #tpu.memory_space<vmem>>, vector<1x16xf32>,
        %get3A_239 = arith.constant 0 : i32
        %get3A_240 = arith.constant 0 : i32
        %get3A_241 = tpu.memref_slice %arg11[%get3A_239, %get3A_240] : memref<128x128xf32, #tpu.memory_space<vmem>> -> memref<80x128xf32, #tpu.memory_space<vmem>>
        %get3A_242 = arith.index_cast %scan3A_132 : i32 to index
        %get3A_243 = arith.constant 96 : index
        %get3A_244 = tpu.vector_load %get3A_241[%get3A_242, %get3A_243] {strides = array<i32>} : memref<80x128xf32, #tpu.memory_space<vmem>>, vector<1x16xf32>,
        %get3A_245 = vector.shape_cast %get3A_244 : vector<1x16xf32> to vector<16xf32>
        %max3A_246 = arith.constant 0.000000e+00 : f32
        %max3A_247 = vector.broadcast %max3A_246 : f32 to vector<16xf32>
        %max3A_248 = arith.maximumf %get3A_245, %max3A_247 : vector<16xf32>
        %swap3A_249 = arith.constant 0 : i32
        %swap3A_250 = arith.constant 0 : i32
        %swap3A_251 = tpu.memref_slice %arg11[%swap3A_249, %swap3A_250] : memref<128x128xf32, #tpu.memory_space<vmem>> -> memref<80x128xf32, #tpu.memory_space<vmem>>
        %swap3A_252 = arith.index_cast %scan3A_132 : i32 to index
        %swap3A_253 = arith.constant 96 : index
        %swap3A_254 = tpu.vector_load %swap3A_251[%swap3A_252, %swap3A_253] {strides = array<i32>} : memref<80x128xf32, #tpu.memory_space<vmem>>, vector<1x16xf32>,
        %swap3A_255 = vector.shape_cast %swap3A_254 : vector<1x16xf32> to vector<16xf32>
        %swap3A_256 = vector.shape_cast %max3A_248 : vector<16xf32> to vector<1x16xf32>
        tpu.vector_store %swap3A_251[%swap3A_252, %swap3A_253], %swap3A_256 {strides = array<i32>} : memref<80x128xf32, #tpu.memory_space<vmem>>, vector<1x16xf32>,
        %get3A_257 = arith.constant 0 : i32
        %get3A_258 = arith.constant 0 : i32
        %get3A_259 = tpu.memref_slice %arg11[%get3A_257, %get3A_258] : memref<128x128xf32, #tpu.memory_space<vmem>> -> memref<80x128xf32, #tpu.memory_space<vmem>>
        %get3A_260 = arith.index_cast %scan3A_132 : i32 to index
        %get3A_261 = arith.constant 112 : index
        %get3A_262 = tpu.vector_load %get3A_259[%get3A_260, %get3A_261] {strides = array<i32>} : memref<80x128xf32, #tpu.memory_space<vmem>>, vector<1x16xf32>,
        %get3A_263 = vector.shape_cast %get3A_262 : vector<1x16xf32> to vector<16xf32>
        %max3A_264 = arith.constant 0.000000e+00 : f32
        %max3A_265 = vector.broadcast %max3A_264 : f32 to vector<16xf32>
        %max3A_266 = arith.maximumf %get3A_263, %max3A_265 : vector<16xf32>
        %swap3A_267 = arith.constant 0 : i32
        %swap3A_268 = arith.constant 0 : i32
        %swap3A_269 = tpu.memref_slice %arg11[%swap3A_267, %swap3A_268] : memref<128x128xf32, #tpu.memory_space<vmem>> -> memref<80x128xf32, #tpu.memory_space<vmem>>
        %swap3A_270 = arith.index_cast %scan3A_132 : i32 to index
        %swap3A_271 = arith.constant 112 : index
        %swap3A_272 = tpu.vector_load %swap3A_269[%swap3A_270, %swap3A_271] {strides = array<i32>} : memref<80x128xf32, #tpu.memory_space<vmem>>, vector<1x16xf32>,
        %swap3A_273 = vector.shape_cast %swap3A_272 : vector<1x16xf32> to vector<16xf32>
        %swap3A_274 = vector.shape_cast %max3A_266 : vector<16xf32> to vector<1x16xf32>
        tpu.vector_store %swap3A_269[%swap3A_270, %swap3A_271], %swap3A_274 {strides = array<i32>} : memref<80x128xf32, #tpu.memory_space<vmem>>, vector<1x16xf32>,
        %scan3A_275 = arith.constant 0 : i32
        scf.yield %scan3A_275 : i32
      }
      %scan3A_129 = arith.constant 80 : i32
      %mul3A_130 = arith.constant 128 : i32
      %mul3A_131 = arith.muli %arg0, %mul3A_130 : i32
      "tpu.region"() ({
        %run_scoped3A = tpu.sem_alloc : memref<!tpu.dma_semaphore, #tpu.memory_space<semaphore_mem>>
        %dma_start3A = arith.constant 0 : i32
        %dma_start3A_132 = arith.constant 0 : i32
        %dma_start3A_133 = tpu.memref_slice %arg11[%dma_start3A, %dma_start3A_132] : memref<128x128xf32, #tpu.memory_space<vmem>> -> memref<80x128xf32, #tpu.memory_space<vmem>>
        %dma_start3A_134 = tpu.memref_slice %arg6[%mul3A_122, %mul3A_131] : memref<10000x256xf32, #tpu.memory_space<hbm>> -> memref<80x128xf32, #tpu.memory_space<hbm>>
        %dma_start3A_135 = tpu.memref_slice %arg6[%mul3A_122, %mul3A_131] : memref<10000x256xf32, #tpu.memory_space<hbm>> -> memref<80x128xf32, #tpu.memory_space<hbm>>
        %dma_start3A_136 = arith.constant 0 : i32
        %dma_start3A_137 = arith.constant 0 : i32
        %dma_start3A_138 = tpu.memref_slice %arg11[%dma_start3A_136, %dma_start3A_137] : memref<128x128xf32, #tpu.memory_space<vmem>> -> memref<80x128xf32, #tpu.memory_space<vmem>>
        tpu.enqueue_dma source(%dma_start3A_138 : memref<80x128xf32, #tpu.memory_space<vmem>>) target(%dma_start3A_135 : memref<80x128xf32, #tpu.memory_space<hbm>>) target_semaphore(%run_scoped3A : memref<!tpu.dma_semaphore, #tpu.memory_space<semaphore_mem>>)
        %dma_wait3A = arith.constant 0 : i32
        %dma_wait3A_139 = arith.constant 0 : i32
        %dma_wait3A_140 = tpu.memref_slice %arg11[%dma_wait3A, %dma_wait3A_139] : memref<128x128xf32, #tpu.memory_space<vmem>> -> memref<80x128xf32, #tpu.memory_space<vmem>>
        %dma_wait3A_141 = tpu.memref_slice %arg6[%mul3A_122, %mul3A_131] : memref<10000x256xf32, #tpu.memory_space<hbm>> -> memref<80x128xf32, #tpu.memory_space<hbm>>
        %dma_wait3A_142 = tpu.memref_slice %arg6[%mul3A_122, %mul3A_131] : memref<10000x256xf32, #tpu.memory_space<hbm>> -> memref<80x128xf32, #tpu.memory_space<hbm>>
        %dma_wait3A_143 = arith.constant 0 : i32
        %dma_wait3A_144 = arith.constant 0 : i32
        %dma_wait3A_145 = tpu.memref_slice %arg11[%dma_wait3A_143, %dma_wait3A_144] : memref<128x128xf32, #tpu.memory_space<vmem>> -> memref<80x128xf32, #tpu.memory_space<vmem>>
        tpu.wait_dma2 semaphore(%run_scoped3A : memref<!tpu.dma_semaphore, #tpu.memory_space<semaphore_mem>>) src(%dma_wait3A_145 : memref<80x128xf32, #tpu.memory_space<vmem>>) dst(%dma_wait3A_142 : memref<80x128xf32, #tpu.memory_space<hbm>>)
        tpu.yield
      }) : () -> ()
    } else {
    }
    %add3A_80 = arith.constant 32 : i32
    %add3A_81 = arith.addi %add3A_80, %arg1 : i32
    %lt3A_82 = arith.constant 125 : i32
    %lt3A_83 = arith.cmpi slt, %add3A_81, %lt3A_82 : i32
    %convert_element_type3A_84 = arith.extui %lt3A_83 : i1 to i32
    %cond3A_85 = arith.constant 0 : i32
    %cond3A_86 = arith.cmpi ne, %convert_element_type3A_84, %cond3A_85 : i32
    scf.if %cond3A_86 {
      %mul3A = arith.constant 80 : i32
      %mul3A_122 = arith.muli %add3A_81, %mul3A : i32
      "tpu.region"() ({
        %run_scoped3A = tpu.sem_alloc : memref<!tpu.dma_semaphore, #tpu.memory_space<semaphore_mem>>
        %dma_start3A = arith.constant 0 : i32
        %dma_start3A_132 = arith.constant 0 : i32
        %dma_start3A_133 = tpu.memref_slice %arg11[%dma_start3A, %dma_start3A_132] : memref<128x128xf32, #tpu.memory_space<vmem>> -> memref<80x128xf32, #tpu.memory_space<vmem>>
        %dma_start3A_134 = arith.constant 0 : i32
        %dma_start3A_135 = tpu.memref_slice %arg7[%mul3A_122, %dma_start3A_134] : memref<10000x128xf32, #tpu.memory_space<vmem_shared>> -> memref<80x128xf32, #tpu.memory_space<vmem_shared>>
        %dma_start3A_136 = arith.constant 0 : i32
        %dma_start3A_137 = arith.constant 0 : i32
        %dma_start3A_138 = tpu.memref_slice %arg11[%dma_start3A_136, %dma_start3A_137] : memref<128x128xf32, #tpu.memory_space<vmem>> -> memref<80x128xf32, #tpu.memory_space<vmem>>
        %dma_start3A_139 = arith.constant 0 : i32
        %dma_start3A_140 = tpu.memref_slice %arg7[%mul3A_122, %dma_start3A_139] : memref<10000x128xf32, #tpu.memory_space<vmem_shared>> -> memref<80x128xf32, #tpu.memory_space<vmem_shared>>
        tpu.enqueue_dma source(%dma_start3A_140 : memref<80x128xf32, #tpu.memory_space<vmem_shared>>) target(%dma_start3A_138 : memref<80x128xf32, #tpu.memory_space<vmem>>) target_semaphore(%run_scoped3A : memref<!tpu.dma_semaphore, #tpu.memory_space<semaphore_mem>>)
        %dma_wait3A = arith.constant 0 : i32
        %dma_wait3A_141 = arith.constant 0 : i32
        %dma_wait3A_142 = tpu.memref_slice %arg11[%dma_wait3A, %dma_wait3A_141] : memref<128x128xf32, #tpu.memory_space<vmem>> -> memref<80x128xf32, #tpu.memory_space<vmem>>
        %dma_wait3A_143 = arith.constant 0 : i32
        %dma_wait3A_144 = tpu.memref_slice %arg7[%mul3A_122, %dma_wait3A_143] : memref<10000x128xf32, #tpu.memory_space<vmem_shared>> -> memref<80x128xf32, #tpu.memory_space<vmem_shared>>
        %dma_wait3A_145 = arith.constant 0 : i32
        %dma_wait3A_146 = arith.constant 0 : i32
        %dma_wait3A_147 = tpu.memref_slice %arg11[%dma_wait3A_145, %dma_wait3A_146] : memref<128x128xf32, #tpu.memory_space<vmem>> -> memref<80x128xf32, #tpu.memory_space<vmem>>
        %dma_wait3A_148 = arith.constant 0 : i32
        %dma_wait3A_149 = tpu.memref_slice %arg7[%mul3A_122, %dma_wait3A_148] : memref<10000x128xf32, #tpu.memory_space<vmem_shared>> -> memref<80x128xf32, #tpu.memory_space<vmem_shared>>
        tpu.wait_dma2 semaphore(%run_scoped3A : memref<!tpu.dma_semaphore, #tpu.memory_space<semaphore_mem>>) src(%dma_wait3A_149 : memref<80x128xf32, #tpu.memory_space<vmem_shared>>) dst(%dma_wait3A_147 : memref<80x128xf32, #tpu.memory_space<vmem>>)
        tpu.yield
      }) : () -> ()
      %scan3A_123 = arith.constant 0 : i32
      %scan3A_124 = arith.constant 0 : i32
      %scan3A_125 = arith.constant 80 : i32
      %scan3A_126 = arith.addi %scan3A_124, %scan3A_125 : i32
      %scan3A_127 = arith.constant 1 : i32
      %scan3A_128 = scf.for %scan3A_132 = %scan3A_124 to %scan3A_126 step %scan3A_127 iter_args(%scan3A_133 = %scan3A_123) -> (i32)  : i32 {
        %get3A = arith.constant 0 : i32
        %get3A_134 = arith.constant 0 : i32
        %get3A_135 = tpu.memref_slice %arg11[%get3A, %get3A_134] : memref<128x128xf32, #tpu.memory_space<vmem>> -> memref<80x128xf32, #tpu.memory_space<vmem>>
        %get3A_136 = arith.index_cast %scan3A_132 : i32 to index
        %get3A_137 = arith.constant 0 : index
        %get3A_138 = tpu.vector_load %get3A_135[%get3A_136, %get3A_137] {strides = array<i32>} : memref<80x128xf32, #tpu.memory_space<vmem>>, vector<1x16xf32>,
        %get3A_139 = vector.shape_cast %get3A_138 : vector<1x16xf32> to vector<16xf32>
        %max3A = arith.constant 0.000000e+00 : f32
        %max3A_140 = vector.broadcast %max3A : f32 to vector<16xf32>
        %max3A_141 = arith.maximumf %get3A_139, %max3A_140 : vector<16xf32>
        %swap3A = arith.constant 0 : i32
        %swap3A_142 = arith.constant 0 : i32
        %swap3A_143 = tpu.memref_slice %arg11[%swap3A, %swap3A_142] : memref<128x128xf32, #tpu.memory_space<vmem>> -> memref<80x128xf32, #tpu.memory_space<vmem>>
        %swap3A_144 = arith.index_cast %scan3A_132 : i32 to index
        %swap3A_145 = arith.constant 0 : index
        %swap3A_146 = tpu.vector_load %swap3A_143[%swap3A_144, %swap3A_145] {strides = array<i32>} : memref<80x128xf32, #tpu.memory_space<vmem>>, vector<1x16xf32>,
        %swap3A_147 = vector.shape_cast %swap3A_146 : vector<1x16xf32> to vector<16xf32>
        %swap3A_148 = vector.shape_cast %max3A_141 : vector<16xf32> to vector<1x16xf32>
        tpu.vector_store %swap3A_143[%swap3A_144, %swap3A_145], %swap3A_148 {strides = array<i32>} : memref<80x128xf32, #tpu.memory_space<vmem>>, vector<1x16xf32>,
        %get3A_149 = arith.constant 0 : i32
        %get3A_150 = arith.constant 0 : i32
        %get3A_151 = tpu.memref_slice %arg11[%get3A_149, %get3A_150] : memref<128x128xf32, #tpu.memory_space<vmem>> -> memref<80x128xf32, #tpu.memory_space<vmem>>
        %get3A_152 = arith.index_cast %scan3A_132 : i32 to index
        %get3A_153 = arith.constant 16 : index
        %get3A_154 = tpu.vector_load %get3A_151[%get3A_152, %get3A_153] {strides = array<i32>} : memref<80x128xf32, #tpu.memory_space<vmem>>, vector<1x16xf32>,
        %get3A_155 = vector.shape_cast %get3A_154 : vector<1x16xf32> to vector<16xf32>
        %max3A_156 = arith.constant 0.000000e+00 : f32
        %max3A_157 = vector.broadcast %max3A_156 : f32 to vector<16xf32>
        %max3A_158 = arith.maximumf %get3A_155, %max3A_157 : vector<16xf32>
        %swap3A_159 = arith.constant 0 : i32
        %swap3A_160 = arith.constant 0 : i32
        %swap3A_161 = tpu.memref_slice %arg11[%swap3A_159, %swap3A_160] : memref<128x128xf32, #tpu.memory_space<vmem>> -> memref<80x128xf32, #tpu.memory_space<vmem>>
        %swap3A_162 = arith.index_cast %scan3A_132 : i32 to index
        %swap3A_163 = arith.constant 16 : index
        %swap3A_164 = tpu.vector_load %swap3A_161[%swap3A_162, %swap3A_163] {strides = array<i32>} : memref<80x128xf32, #tpu.memory_space<vmem>>, vector<1x16xf32>,
        %swap3A_165 = vector.shape_cast %swap3A_164 : vector<1x16xf32> to vector<16xf32>
        %swap3A_166 = vector.shape_cast %max3A_158 : vector<16xf32> to vector<1x16xf32>
        tpu.vector_store %swap3A_161[%swap3A_162, %swap3A_163], %swap3A_166 {strides = array<i32>} : memref<80x128xf32, #tpu.memory_space<vmem>>, vector<1x16xf32>,
        %get3A_167 = arith.constant 0 : i32
        %get3A_168 = arith.constant 0 : i32
        %get3A_169 = tpu.memref_slice %arg11[%get3A_167, %get3A_168] : memref<128x128xf32, #tpu.memory_space<vmem>> -> memref<80x128xf32, #tpu.memory_space<vmem>>
        %get3A_170 = arith.index_cast %scan3A_132 : i32 to index
        %get3A_171 = arith.constant 32 : index
        %get3A_172 = tpu.vector_load %get3A_169[%get3A_170, %get3A_171] {strides = array<i32>} : memref<80x128xf32, #tpu.memory_space<vmem>>, vector<1x16xf32>,
        %get3A_173 = vector.shape_cast %get3A_172 : vector<1x16xf32> to vector<16xf32>
        %max3A_174 = arith.constant 0.000000e+00 : f32
        %max3A_175 = vector.broadcast %max3A_174 : f32 to vector<16xf32>
        %max3A_176 = arith.maximumf %get3A_173, %max3A_175 : vector<16xf32>
        %swap3A_177 = arith.constant 0 : i32
        %swap3A_178 = arith.constant 0 : i32
        %swap3A_179 = tpu.memref_slice %arg11[%swap3A_177, %swap3A_178] : memref<128x128xf32, #tpu.memory_space<vmem>> -> memref<80x128xf32, #tpu.memory_space<vmem>>
        %swap3A_180 = arith.index_cast %scan3A_132 : i32 to index
        %swap3A_181 = arith.constant 32 : index
        %swap3A_182 = tpu.vector_load %swap3A_179[%swap3A_180, %swap3A_181] {strides = array<i32>} : memref<80x128xf32, #tpu.memory_space<vmem>>, vector<1x16xf32>,
        %swap3A_183 = vector.shape_cast %swap3A_182 : vector<1x16xf32> to vector<16xf32>
        %swap3A_184 = vector.shape_cast %max3A_176 : vector<16xf32> to vector<1x16xf32>
        tpu.vector_store %swap3A_179[%swap3A_180, %swap3A_181], %swap3A_184 {strides = array<i32>} : memref<80x128xf32, #tpu.memory_space<vmem>>, vector<1x16xf32>,
        %get3A_185 = arith.constant 0 : i32
        %get3A_186 = arith.constant 0 : i32
        %get3A_187 = tpu.memref_slice %arg11[%get3A_185, %get3A_186] : memref<128x128xf32, #tpu.memory_space<vmem>> -> memref<80x128xf32, #tpu.memory_space<vmem>>
        %get3A_188 = arith.index_cast %scan3A_132 : i32 to index
        %get3A_189 = arith.constant 48 : index
        %get3A_190 = tpu.vector_load %get3A_187[%get3A_188, %get3A_189] {strides = array<i32>} : memref<80x128xf32, #tpu.memory_space<vmem>>, vector<1x16xf32>,
        %get3A_191 = vector.shape_cast %get3A_190 : vector<1x16xf32> to vector<16xf32>
        %max3A_192 = arith.constant 0.000000e+00 : f32
        %max3A_193 = vector.broadcast %max3A_192 : f32 to vector<16xf32>
        %max3A_194 = arith.maximumf %get3A_191, %max3A_193 : vector<16xf32>
        %swap3A_195 = arith.constant 0 : i32
        %swap3A_196 = arith.constant 0 : i32
        %swap3A_197 = tpu.memref_slice %arg11[%swap3A_195, %swap3A_196] : memref<128x128xf32, #tpu.memory_space<vmem>> -> memref<80x128xf32, #tpu.memory_space<vmem>>
        %swap3A_198 = arith.index_cast %scan3A_132 : i32 to index
        %swap3A_199 = arith.constant 48 : index
        %swap3A_200 = tpu.vector_load %swap3A_197[%swap3A_198, %swap3A_199] {strides = array<i32>} : memref<80x128xf32, #tpu.memory_space<vmem>>, vector<1x16xf32>,
        %swap3A_201 = vector.shape_cast %swap3A_200 : vector<1x16xf32> to vector<16xf32>
        %swap3A_202 = vector.shape_cast %max3A_194 : vector<16xf32> to vector<1x16xf32>
        tpu.vector_store %swap3A_197[%swap3A_198, %swap3A_199], %swap3A_202 {strides = array<i32>} : memref<80x128xf32, #tpu.memory_space<vmem>>, vector<1x16xf32>,
        %get3A_203 = arith.constant 0 : i32
        %get3A_204 = arith.constant 0 : i32
        %get3A_205 = tpu.memref_slice %arg11[%get3A_203, %get3A_204] : memref<128x128xf32, #tpu.memory_space<vmem>> -> memref<80x128xf32, #tpu.memory_space<vmem>>
        %get3A_206 = arith.index_cast %scan3A_132 : i32 to index
        %get3A_207 = arith.constant 64 : index
        %get3A_208 = tpu.vector_load %get3A_205[%get3A_206, %get3A_207] {strides = array<i32>} : memref<80x128xf32, #tpu.memory_space<vmem>>, vector<1x16xf32>,
        %get3A_209 = vector.shape_cast %get3A_208 : vector<1x16xf32> to vector<16xf32>
        %max3A_210 = arith.constant 0.000000e+00 : f32
        %max3A_211 = vector.broadcast %max3A_210 : f32 to vector<16xf32>
        %max3A_212 = arith.maximumf %get3A_209, %max3A_211 : vector<16xf32>
        %swap3A_213 = arith.constant 0 : i32
        %swap3A_214 = arith.constant 0 : i32
        %swap3A_215 = tpu.memref_slice %arg11[%swap3A_213, %swap3A_214] : memref<128x128xf32, #tpu.memory_space<vmem>> -> memref<80x128xf32, #tpu.memory_space<vmem>>
        %swap3A_216 = arith.index_cast %scan3A_132 : i32 to index
        %swap3A_217 = arith.constant 64 : index
        %swap3A_218 = tpu.vector_load %swap3A_215[%swap3A_216, %swap3A_217] {strides = array<i32>} : memref<80x128xf32, #tpu.memory_space<vmem>>, vector<1x16xf32>,
        %swap3A_219 = vector.shape_cast %swap3A_218 : vector<1x16xf32> to vector<16xf32>
        %swap3A_220 = vector.shape_cast %max3A_212 : vector<16xf32> to vector<1x16xf32>
        tpu.vector_store %swap3A_215[%swap3A_216, %swap3A_217], %swap3A_220 {strides = array<i32>} : memref<80x128xf32, #tpu.memory_space<vmem>>, vector<1x16xf32>,
        %get3A_221 = arith.constant 0 : i32
        %get3A_222 = arith.constant 0 : i32
        %get3A_223 = tpu.memref_slice %arg11[%get3A_221, %get3A_222] : memref<128x128xf32, #tpu.memory_space<vmem>> -> memref<80x128xf32, #tpu.memory_space<vmem>>
        %get3A_224 = arith.index_cast %scan3A_132 : i32 to index
        %get3A_225 = arith.constant 80 : index
        %get3A_226 = tpu.vector_load %get3A_223[%get3A_224, %get3A_225] {strides = array<i32>} : memref<80x128xf32, #tpu.memory_space<vmem>>, vector<1x16xf32>,
        %get3A_227 = vector.shape_cast %get3A_226 : vector<1x16xf32> to vector<16xf32>
        %max3A_228 = arith.constant 0.000000e+00 : f32
        %max3A_229 = vector.broadcast %max3A_228 : f32 to vector<16xf32>
        %max3A_230 = arith.maximumf %get3A_227, %max3A_229 : vector<16xf32>
        %swap3A_231 = arith.constant 0 : i32
        %swap3A_232 = arith.constant 0 : i32
        %swap3A_233 = tpu.memref_slice %arg11[%swap3A_231, %swap3A_232] : memref<128x128xf32, #tpu.memory_space<vmem>> -> memref<80x128xf32, #tpu.memory_space<vmem>>
        %swap3A_234 = arith.index_cast %scan3A_132 : i32 to index
        %swap3A_235 = arith.constant 80 : index
        %swap3A_236 = tpu.vector_load %swap3A_233[%swap3A_234, %swap3A_235] {strides = array<i32>} : memref<80x128xf32, #tpu.memory_space<vmem>>, vector<1x16xf32>,
        %swap3A_237 = vector.shape_cast %swap3A_236 : vector<1x16xf32> to vector<16xf32>
        %swap3A_238 = vector.shape_cast %max3A_230 : vector<16xf32> to vector<1x16xf32>
        tpu.vector_store %swap3A_233[%swap3A_234, %swap3A_235], %swap3A_238 {strides = array<i32>} : memref<80x128xf32, #tpu.memory_space<vmem>>, vector<1x16xf32>,
        %get3A_239 = arith.constant 0 : i32
        %get3A_240 = arith.constant 0 : i32
        %get3A_241 = tpu.memref_slice %arg11[%get3A_239, %get3A_240] : memref<128x128xf32, #tpu.memory_space<vmem>> -> memref<80x128xf32, #tpu.memory_space<vmem>>
        %get3A_242 = arith.index_cast %scan3A_132 : i32 to index
        %get3A_243 = arith.constant 96 : index
        %get3A_244 = tpu.vector_load %get3A_241[%get3A_242, %get3A_243] {strides = array<i32>} : memref<80x128xf32, #tpu.memory_space<vmem>>, vector<1x16xf32>,
        %get3A_245 = vector.shape_cast %get3A_244 : vector<1x16xf32> to vector<16xf32>
        %max3A_246 = arith.constant 0.000000e+00 : f32
        %max3A_247 = vector.broadcast %max3A_246 : f32 to vector<16xf32>
        %max3A_248 = arith.maximumf %get3A_245, %max3A_247 : vector<16xf32>
        %swap3A_249 = arith.constant 0 : i32
        %swap3A_250 = arith.constant 0 : i32
        %swap3A_251 = tpu.memref_slice %arg11[%swap3A_249, %swap3A_250] : memref<128x128xf32, #tpu.memory_space<vmem>> -> memref<80x128xf32, #tpu.memory_space<vmem>>
        %swap3A_252 = arith.index_cast %scan3A_132 : i32 to index
        %swap3A_253 = arith.constant 96 : index
        %swap3A_254 = tpu.vector_load %swap3A_251[%swap3A_252, %swap3A_253] {strides = array<i32>} : memref<80x128xf32, #tpu.memory_space<vmem>>, vector<1x16xf32>,
        %swap3A_255 = vector.shape_cast %swap3A_254 : vector<1x16xf32> to vector<16xf32>
        %swap3A_256 = vector.shape_cast %max3A_248 : vector<16xf32> to vector<1x16xf32>
        tpu.vector_store %swap3A_251[%swap3A_252, %swap3A_253], %swap3A_256 {strides = array<i32>} : memref<80x128xf32, #tpu.memory_space<vmem>>, vector<1x16xf32>,
        %get3A_257 = arith.constant 0 : i32
        %get3A_258 = arith.constant 0 : i32
        %get3A_259 = tpu.memref_slice %arg11[%get3A_257, %get3A_258] : memref<128x128xf32, #tpu.memory_space<vmem>> -> memref<80x128xf32, #tpu.memory_space<vmem>>
        %get3A_260 = arith.index_cast %scan3A_132 : i32 to index
        %get3A_261 = arith.constant 112 : index
        %get3A_262 = tpu.vector_load %get3A_259[%get3A_260, %get3A_261] {strides = array<i32>} : memref<80x128xf32, #tpu.memory_space<vmem>>, vector<1x16xf32>,
        %get3A_263 = vector.shape_cast %get3A_262 : vector<1x16xf32> to vector<16xf32>
        %max3A_264 = arith.constant 0.000000e+00 : f32
        %max3A_265 = vector.broadcast %max3A_264 : f32 to vector<16xf32>
        %max3A_266 = arith.maximumf %get3A_263, %max3A_265 : vector<16xf32>
        %swap3A_267 = arith.constant 0 : i32
        %swap3A_268 = arith.constant 0 : i32
        %swap3A_269 = tpu.memref_slice %arg11[%swap3A_267, %swap3A_268] : memref<128x128xf32, #tpu.memory_space<vmem>> -> memref<80x128xf32, #tpu.memory_space<vmem>>
        %swap3A_270 = arith.index_cast %scan3A_132 : i32 to index
        %swap3A_271 = arith.constant 112 : index
        %swap3A_272 = tpu.vector_load %swap3A_269[%swap3A_270, %swap3A_271] {strides = array<i32>} : memref<80x128xf32, #tpu.memory_space<vmem>>, vector<1x16xf32>,
        %swap3A_273 = vector.shape_cast %swap3A_272 : vector<1x16xf32> to vector<16xf32>
        %swap3A_274 = vector.shape_cast %max3A_266 : vector<16xf32> to vector<1x16xf32>
        tpu.vector_store %swap3A_269[%swap3A_270, %swap3A_271], %swap3A_274 {strides = array<i32>} : memref<80x128xf32, #tpu.memory_space<vmem>>, vector<1x16xf32>,
        %scan3A_275 = arith.constant 0 : i32
        scf.yield %scan3A_275 : i32
      }
      %scan3A_129 = arith.constant 80 : i32
      %mul3A_130 = arith.constant 128 : i32
      %mul3A_131 = arith.muli %arg0, %mul3A_130 : i32
      "tpu.region"() ({
        %run_scoped3A = tpu.sem_alloc : memref<!tpu.dma_semaphore, #tpu.memory_space<semaphore_mem>>
        %dma_start3A = arith.constant 0 : i32
        %dma_start3A_132 = arith.constant 0 : i32
        %dma_start3A_133 = tpu.memref_slice %arg11[%dma_start3A, %dma_start3A_132] : memref<128x128xf32, #tpu.memory_space<vmem>> -> memref<80x128xf32, #tpu.memory_space<vmem>>
        %dma_start3A_134 = tpu.memref_slice %arg6[%mul3A_122, %mul3A_131] : memref<10000x256xf32, #tpu.memory_space<hbm>> -> memref<80x128xf32, #tpu.memory_space<hbm>>
        %dma_start3A_135 = tpu.memref_slice %arg6[%mul3A_122, %mul3A_131] : memref<10000x256xf32, #tpu.memory_space<hbm>> -> memref<80x128xf32, #tpu.memory_space<hbm>>
        %dma_start3A_136 = arith.constant 0 : i32
        %dma_start3A_137 = arith.constant 0 : i32
        %dma_start3A_138 = tpu.memref_slice %arg11[%dma_start3A_136, %dma_start3A_137] : memref<128x128xf32, #tpu.memory_space<vmem>> -> memref<80x128xf32, #tpu.memory_space<vmem>>
        tpu.enqueue_dma source(%dma_start3A_138 : memref<80x128xf32, #tpu.memory_space<vmem>>) target(%dma_start3A_135 : memref<80x128xf32, #tpu.memory_space<hbm>>) target_semaphore(%run_scoped3A : memref<!tpu.dma_semaphore, #tpu.memory_space<semaphore_mem>>)
        %dma_wait3A = arith.constant 0 : i32
        %dma_wait3A_139 = arith.constant 0 : i32
        %dma_wait3A_140 = tpu.memref_slice %arg11[%dma_wait3A, %dma_wait3A_139] : memref<128x128xf32, #tpu.memory_space<vmem>> -> memref<80x128xf32, #tpu.memory_space<vmem>>
        %dma_wait3A_141 = tpu.memref_slice %arg6[%mul3A_122, %mul3A_131] : memref<10000x256xf32, #tpu.memory_space<hbm>> -> memref<80x128xf32, #tpu.memory_space<hbm>>
        %dma_wait3A_142 = tpu.memref_slice %arg6[%mul3A_122, %mul3A_131] : memref<10000x256xf32, #tpu.memory_space<hbm>> -> memref<80x128xf32, #tpu.memory_space<hbm>>
        %dma_wait3A_143 = arith.constant 0 : i32
        %dma_wait3A_144 = arith.constant 0 : i32
        %dma_wait3A_145 = tpu.memref_slice %arg11[%dma_wait3A_143, %dma_wait3A_144] : memref<128x128xf32, #tpu.memory_space<vmem>> -> memref<80x128xf32, #tpu.memory_space<vmem>>
        tpu.wait_dma2 semaphore(%run_scoped3A : memref<!tpu.dma_semaphore, #tpu.memory_space<semaphore_mem>>) src(%dma_wait3A_145 : memref<80x128xf32, #tpu.memory_space<vmem>>) dst(%dma_wait3A_142 : memref<80x128xf32, #tpu.memory_space<hbm>>)
        tpu.yield
      }) : () -> ()
    } else {
    }
    %add3A_87 = arith.constant 48 : i32
    %add3A_88 = arith.addi %add3A_87, %arg1 : i32
    %lt3A_89 = arith.constant 125 : i32
    %lt3A_90 = arith.cmpi slt, %add3A_88, %lt3A_89 : i32
    %convert_element_type3A_91 = arith.extui %lt3A_90 : i1 to i32
    %cond3A_92 = arith.constant 0 : i32
    %cond3A_93 = arith.cmpi ne, %convert_element_type3A_91, %cond3A_92 : i32
    scf.if %cond3A_93 {
      %mul3A = arith.constant 80 : i32
      %mul3A_122 = arith.muli %add3A_88, %mul3A : i32
      "tpu.region"() ({
        %run_scoped3A = tpu.sem_alloc : memref<!tpu.dma_semaphore, #tpu.memory_space<semaphore_mem>>
        %dma_start3A = arith.constant 0 : i32
        %dma_start3A_132 = arith.constant 0 : i32
        %dma_start3A_133 = tpu.memref_slice %arg11[%dma_start3A, %dma_start3A_132] : memref<128x128xf32, #tpu.memory_space<vmem>> -> memref<80x128xf32, #tpu.memory_space<vmem>>
        %dma_start3A_134 = arith.constant 0 : i32
        %dma_start3A_135 = tpu.memref_slice %arg7[%mul3A_122, %dma_start3A_134] : memref<10000x128xf32, #tpu.memory_space<vmem_shared>> -> memref<80x128xf32, #tpu.memory_space<vmem_shared>>
        %dma_start3A_136 = arith.constant 0 : i32
        %dma_start3A_137 = arith.constant 0 : i32
        %dma_start3A_138 = tpu.memref_slice %arg11[%dma_start3A_136, %dma_start3A_137] : memref<128x128xf32, #tpu.memory_space<vmem>> -> memref<80x128xf32, #tpu.memory_space<vmem>>
        %dma_start3A_139 = arith.constant 0 : i32
        %dma_start3A_140 = tpu.memref_slice %arg7[%mul3A_122, %dma_start3A_139] : memref<10000x128xf32, #tpu.memory_space<vmem_shared>> -> memref<80x128xf32, #tpu.memory_space<vmem_shared>>
        tpu.enqueue_dma source(%dma_start3A_140 : memref<80x128xf32, #tpu.memory_space<vmem_shared>>) target(%dma_start3A_138 : memref<80x128xf32, #tpu.memory_space<vmem>>) target_semaphore(%run_scoped3A : memref<!tpu.dma_semaphore, #tpu.memory_space<semaphore_mem>>)
        %dma_wait3A = arith.constant 0 : i32
        %dma_wait3A_141 = arith.constant 0 : i32
        %dma_wait3A_142 = tpu.memref_slice %arg11[%dma_wait3A, %dma_wait3A_141] : memref<128x128xf32, #tpu.memory_space<vmem>> -> memref<80x128xf32, #tpu.memory_space<vmem>>
        %dma_wait3A_143 = arith.constant 0 : i32
        %dma_wait3A_144 = tpu.memref_slice %arg7[%mul3A_122, %dma_wait3A_143] : memref<10000x128xf32, #tpu.memory_space<vmem_shared>> -> memref<80x128xf32, #tpu.memory_space<vmem_shared>>
        %dma_wait3A_145 = arith.constant 0 : i32
        %dma_wait3A_146 = arith.constant 0 : i32
        %dma_wait3A_147 = tpu.memref_slice %arg11[%dma_wait3A_145, %dma_wait3A_146] : memref<128x128xf32, #tpu.memory_space<vmem>> -> memref<80x128xf32, #tpu.memory_space<vmem>>
        %dma_wait3A_148 = arith.constant 0 : i32
        %dma_wait3A_149 = tpu.memref_slice %arg7[%mul3A_122, %dma_wait3A_148] : memref<10000x128xf32, #tpu.memory_space<vmem_shared>> -> memref<80x128xf32, #tpu.memory_space<vmem_shared>>
        tpu.wait_dma2 semaphore(%run_scoped3A : memref<!tpu.dma_semaphore, #tpu.memory_space<semaphore_mem>>) src(%dma_wait3A_149 : memref<80x128xf32, #tpu.memory_space<vmem_shared>>) dst(%dma_wait3A_147 : memref<80x128xf32, #tpu.memory_space<vmem>>)
        tpu.yield
      }) : () -> ()
      %scan3A_123 = arith.constant 0 : i32
      %scan3A_124 = arith.constant 0 : i32
      %scan3A_125 = arith.constant 80 : i32
      %scan3A_126 = arith.addi %scan3A_124, %scan3A_125 : i32
      %scan3A_127 = arith.constant 1 : i32
      %scan3A_128 = scf.for %scan3A_132 = %scan3A_124 to %scan3A_126 step %scan3A_127 iter_args(%scan3A_133 = %scan3A_123) -> (i32)  : i32 {
        %get3A = arith.constant 0 : i32
        %get3A_134 = arith.constant 0 : i32
        %get3A_135 = tpu.memref_slice %arg11[%get3A, %get3A_134] : memref<128x128xf32, #tpu.memory_space<vmem>> -> memref<80x128xf32, #tpu.memory_space<vmem>>
        %get3A_136 = arith.index_cast %scan3A_132 : i32 to index
        %get3A_137 = arith.constant 0 : index
        %get3A_138 = tpu.vector_load %get3A_135[%get3A_136, %get3A_137] {strides = array<i32>} : memref<80x128xf32, #tpu.memory_space<vmem>>, vector<1x16xf32>,
        %get3A_139 = vector.shape_cast %get3A_138 : vector<1x16xf32> to vector<16xf32>
        %max3A = arith.constant 0.000000e+00 : f32
        %max3A_140 = vector.broadcast %max3A : f32 to vector<16xf32>
        %max3A_141 = arith.maximumf %get3A_139, %max3A_140 : vector<16xf32>
        %swap3A = arith.constant 0 : i32
        %swap3A_142 = arith.constant 0 : i32
        %swap3A_143 = tpu.memref_slice %arg11[%swap3A, %swap3A_142] : memref<128x128xf32, #tpu.memory_space<vmem>> -> memref<80x128xf32, #tpu.memory_space<vmem>>
        %swap3A_144 = arith.index_cast %scan3A_132 : i32 to index
        %swap3A_145 = arith.constant 0 : index
        %swap3A_146 = tpu.vector_load %swap3A_143[%swap3A_144, %swap3A_145] {strides = array<i32>} : memref<80x128xf32, #tpu.memory_space<vmem>>, vector<1x16xf32>,
        %swap3A_147 = vector.shape_cast %swap3A_146 : vector<1x16xf32> to vector<16xf32>
        %swap3A_148 = vector.shape_cast %max3A_141 : vector<16xf32> to vector<1x16xf32>
        tpu.vector_store %swap3A_143[%swap3A_144, %swap3A_145], %swap3A_148 {strides = array<i32>} : memref<80x128xf32, #tpu.memory_space<vmem>>, vector<1x16xf32>,
        %get3A_149 = arith.constant 0 : i32
        %get3A_150 = arith.constant 0 : i32
        %get3A_151 = tpu.memref_slice %arg11[%get3A_149, %get3A_150] : memref<128x128xf32, #tpu.memory_space<vmem>> -> memref<80x128xf32, #tpu.memory_space<vmem>>
        %get3A_152 = arith.index_cast %scan3A_132 : i32 to index
        %get3A_153 = arith.constant 16 : index
        %get3A_154 = tpu.vector_load %get3A_151[%get3A_152, %get3A_153] {strides = array<i32>} : memref<80x128xf32, #tpu.memory_space<vmem>>, vector<1x16xf32>,
        %get3A_155 = vector.shape_cast %get3A_154 : vector<1x16xf32> to vector<16xf32>
        %max3A_156 = arith.constant 0.000000e+00 : f32
        %max3A_157 = vector.broadcast %max3A_156 : f32 to vector<16xf32>
        %max3A_158 = arith.maximumf %get3A_155, %max3A_157 : vector<16xf32>
        %swap3A_159 = arith.constant 0 : i32
        %swap3A_160 = arith.constant 0 : i32
        %swap3A_161 = tpu.memref_slice %arg11[%swap3A_159, %swap3A_160] : memref<128x128xf32, #tpu.memory_space<vmem>> -> memref<80x128xf32, #tpu.memory_space<vmem>>
        %swap3A_162 = arith.index_cast %scan3A_132 : i32 to index
        %swap3A_163 = arith.constant 16 : index
        %swap3A_164 = tpu.vector_load %swap3A_161[%swap3A_162, %swap3A_163] {strides = array<i32>} : memref<80x128xf32, #tpu.memory_space<vmem>>, vector<1x16xf32>,
        %swap3A_165 = vector.shape_cast %swap3A_164 : vector<1x16xf32> to vector<16xf32>
        %swap3A_166 = vector.shape_cast %max3A_158 : vector<16xf32> to vector<1x16xf32>
        tpu.vector_store %swap3A_161[%swap3A_162, %swap3A_163], %swap3A_166 {strides = array<i32>} : memref<80x128xf32, #tpu.memory_space<vmem>>, vector<1x16xf32>,
        %get3A_167 = arith.constant 0 : i32
        %get3A_168 = arith.constant 0 : i32
        %get3A_169 = tpu.memref_slice %arg11[%get3A_167, %get3A_168] : memref<128x128xf32, #tpu.memory_space<vmem>> -> memref<80x128xf32, #tpu.memory_space<vmem>>
        %get3A_170 = arith.index_cast %scan3A_132 : i32 to index
        %get3A_171 = arith.constant 32 : index
        %get3A_172 = tpu.vector_load %get3A_169[%get3A_170, %get3A_171] {strides = array<i32>} : memref<80x128xf32, #tpu.memory_space<vmem>>, vector<1x16xf32>,
        %get3A_173 = vector.shape_cast %get3A_172 : vector<1x16xf32> to vector<16xf32>
        %max3A_174 = arith.constant 0.000000e+00 : f32
        %max3A_175 = vector.broadcast %max3A_174 : f32 to vector<16xf32>
        %max3A_176 = arith.maximumf %get3A_173, %max3A_175 : vector<16xf32>
        %swap3A_177 = arith.constant 0 : i32
        %swap3A_178 = arith.constant 0 : i32
        %swap3A_179 = tpu.memref_slice %arg11[%swap3A_177, %swap3A_178] : memref<128x128xf32, #tpu.memory_space<vmem>> -> memref<80x128xf32, #tpu.memory_space<vmem>>
        %swap3A_180 = arith.index_cast %scan3A_132 : i32 to index
        %swap3A_181 = arith.constant 32 : index
        %swap3A_182 = tpu.vector_load %swap3A_179[%swap3A_180, %swap3A_181] {strides = array<i32>} : memref<80x128xf32, #tpu.memory_space<vmem>>, vector<1x16xf32>,
        %swap3A_183 = vector.shape_cast %swap3A_182 : vector<1x16xf32> to vector<16xf32>
        %swap3A_184 = vector.shape_cast %max3A_176 : vector<16xf32> to vector<1x16xf32>
        tpu.vector_store %swap3A_179[%swap3A_180, %swap3A_181], %swap3A_184 {strides = array<i32>} : memref<80x128xf32, #tpu.memory_space<vmem>>, vector<1x16xf32>,
        %get3A_185 = arith.constant 0 : i32
        %get3A_186 = arith.constant 0 : i32
        %get3A_187 = tpu.memref_slice %arg11[%get3A_185, %get3A_186] : memref<128x128xf32, #tpu.memory_space<vmem>> -> memref<80x128xf32, #tpu.memory_space<vmem>>
        %get3A_188 = arith.index_cast %scan3A_132 : i32 to index
        %get3A_189 = arith.constant 48 : index
        %get3A_190 = tpu.vector_load %get3A_187[%get3A_188, %get3A_189] {strides = array<i32>} : memref<80x128xf32, #tpu.memory_space<vmem>>, vector<1x16xf32>,
        %get3A_191 = vector.shape_cast %get3A_190 : vector<1x16xf32> to vector<16xf32>
        %max3A_192 = arith.constant 0.000000e+00 : f32
        %max3A_193 = vector.broadcast %max3A_192 : f32 to vector<16xf32>
        %max3A_194 = arith.maximumf %get3A_191, %max3A_193 : vector<16xf32>
        %swap3A_195 = arith.constant 0 : i32
        %swap3A_196 = arith.constant 0 : i32
        %swap3A_197 = tpu.memref_slice %arg11[%swap3A_195, %swap3A_196] : memref<128x128xf32, #tpu.memory_space<vmem>> -> memref<80x128xf32, #tpu.memory_space<vmem>>
        %swap3A_198 = arith.index_cast %scan3A_132 : i32 to index
        %swap3A_199 = arith.constant 48 : index
        %swap3A_200 = tpu.vector_load %swap3A_197[%swap3A_198, %swap3A_199] {strides = array<i32>} : memref<80x128xf32, #tpu.memory_space<vmem>>, vector<1x16xf32>,
        %swap3A_201 = vector.shape_cast %swap3A_200 : vector<1x16xf32> to vector<16xf32>
        %swap3A_202 = vector.shape_cast %max3A_194 : vector<16xf32> to vector<1x16xf32>
        tpu.vector_store %swap3A_197[%swap3A_198, %swap3A_199], %swap3A_202 {strides = array<i32>} : memref<80x128xf32, #tpu.memory_space<vmem>>, vector<1x16xf32>,
        %get3A_203 = arith.constant 0 : i32
        %get3A_204 = arith.constant 0 : i32
        %get3A_205 = tpu.memref_slice %arg11[%get3A_203, %get3A_204] : memref<128x128xf32, #tpu.memory_space<vmem>> -> memref<80x128xf32, #tpu.memory_space<vmem>>
        %get3A_206 = arith.index_cast %scan3A_132 : i32 to index
        %get3A_207 = arith.constant 64 : index
        %get3A_208 = tpu.vector_load %get3A_205[%get3A_206, %get3A_207] {strides = array<i32>} : memref<80x128xf32, #tpu.memory_space<vmem>>, vector<1x16xf32>,
        %get3A_209 = vector.shape_cast %get3A_208 : vector<1x16xf32> to vector<16xf32>
        %max3A_210 = arith.constant 0.000000e+00 : f32
        %max3A_211 = vector.broadcast %max3A_210 : f32 to vector<16xf32>
        %max3A_212 = arith.maximumf %get3A_209, %max3A_211 : vector<16xf32>
        %swap3A_213 = arith.constant 0 : i32
        %swap3A_214 = arith.constant 0 : i32
        %swap3A_215 = tpu.memref_slice %arg11[%swap3A_213, %swap3A_214] : memref<128x128xf32, #tpu.memory_space<vmem>> -> memref<80x128xf32, #tpu.memory_space<vmem>>
        %swap3A_216 = arith.index_cast %scan3A_132 : i32 to index
        %swap3A_217 = arith.constant 64 : index
        %swap3A_218 = tpu.vector_load %swap3A_215[%swap3A_216, %swap3A_217] {strides = array<i32>} : memref<80x128xf32, #tpu.memory_space<vmem>>, vector<1x16xf32>,
        %swap3A_219 = vector.shape_cast %swap3A_218 : vector<1x16xf32> to vector<16xf32>
        %swap3A_220 = vector.shape_cast %max3A_212 : vector<16xf32> to vector<1x16xf32>
        tpu.vector_store %swap3A_215[%swap3A_216, %swap3A_217], %swap3A_220 {strides = array<i32>} : memref<80x128xf32, #tpu.memory_space<vmem>>, vector<1x16xf32>,
        %get3A_221 = arith.constant 0 : i32
        %get3A_222 = arith.constant 0 : i32
        %get3A_223 = tpu.memref_slice %arg11[%get3A_221, %get3A_222] : memref<128x128xf32, #tpu.memory_space<vmem>> -> memref<80x128xf32, #tpu.memory_space<vmem>>
        %get3A_224 = arith.index_cast %scan3A_132 : i32 to index
        %get3A_225 = arith.constant 80 : index
        %get3A_226 = tpu.vector_load %get3A_223[%get3A_224, %get3A_225] {strides = array<i32>} : memref<80x128xf32, #tpu.memory_space<vmem>>, vector<1x16xf32>,
        %get3A_227 = vector.shape_cast %get3A_226 : vector<1x16xf32> to vector<16xf32>
        %max3A_228 = arith.constant 0.000000e+00 : f32
        %max3A_229 = vector.broadcast %max3A_228 : f32 to vector<16xf32>
        %max3A_230 = arith.maximumf %get3A_227, %max3A_229 : vector<16xf32>
        %swap3A_231 = arith.constant 0 : i32
        %swap3A_232 = arith.constant 0 : i32
        %swap3A_233 = tpu.memref_slice %arg11[%swap3A_231, %swap3A_232] : memref<128x128xf32, #tpu.memory_space<vmem>> -> memref<80x128xf32, #tpu.memory_space<vmem>>
        %swap3A_234 = arith.index_cast %scan3A_132 : i32 to index
        %swap3A_235 = arith.constant 80 : index
        %swap3A_236 = tpu.vector_load %swap3A_233[%swap3A_234, %swap3A_235] {strides = array<i32>} : memref<80x128xf32, #tpu.memory_space<vmem>>, vector<1x16xf32>,
        %swap3A_237 = vector.shape_cast %swap3A_236 : vector<1x16xf32> to vector<16xf32>
        %swap3A_238 = vector.shape_cast %max3A_230 : vector<16xf32> to vector<1x16xf32>
        tpu.vector_store %swap3A_233[%swap3A_234, %swap3A_235], %swap3A_238 {strides = array<i32>} : memref<80x128xf32, #tpu.memory_space<vmem>>, vector<1x16xf32>,
        %get3A_239 = arith.constant 0 : i32
        %get3A_240 = arith.constant 0 : i32
        %get3A_241 = tpu.memref_slice %arg11[%get3A_239, %get3A_240] : memref<128x128xf32, #tpu.memory_space<vmem>> -> memref<80x128xf32, #tpu.memory_space<vmem>>
        %get3A_242 = arith.index_cast %scan3A_132 : i32 to index
        %get3A_243 = arith.constant 96 : index
        %get3A_244 = tpu.vector_load %get3A_241[%get3A_242, %get3A_243] {strides = array<i32>} : memref<80x128xf32, #tpu.memory_space<vmem>>, vector<1x16xf32>,
        %get3A_245 = vector.shape_cast %get3A_244 : vector<1x16xf32> to vector<16xf32>
        %max3A_246 = arith.constant 0.000000e+00 : f32
        %max3A_247 = vector.broadcast %max3A_246 : f32 to vector<16xf32>
        %max3A_248 = arith.maximumf %get3A_245, %max3A_247 : vector<16xf32>
        %swap3A_249 = arith.constant 0 : i32
        %swap3A_250 = arith.constant 0 : i32
        %swap3A_251 = tpu.memref_slice %arg11[%swap3A_249, %swap3A_250] : memref<128x128xf32, #tpu.memory_space<vmem>> -> memref<80x128xf32, #tpu.memory_space<vmem>>
        %swap3A_252 = arith.index_cast %scan3A_132 : i32 to index
        %swap3A_253 = arith.constant 96 : index
        %swap3A_254 = tpu.vector_load %swap3A_251[%swap3A_252, %swap3A_253] {strides = array<i32>} : memref<80x128xf32, #tpu.memory_space<vmem>>, vector<1x16xf32>,
        %swap3A_255 = vector.shape_cast %swap3A_254 : vector<1x16xf32> to vector<16xf32>
        %swap3A_256 = vector.shape_cast %max3A_248 : vector<16xf32> to vector<1x16xf32>
        tpu.vector_store %swap3A_251[%swap3A_252, %swap3A_253], %swap3A_256 {strides = array<i32>} : memref<80x128xf32, #tpu.memory_space<vmem>>, vector<1x16xf32>,
        %get3A_257 = arith.constant 0 : i32
        %get3A_258 = arith.constant 0 : i32
        %get3A_259 = tpu.memref_slice %arg11[%get3A_257, %get3A_258] : memref<128x128xf32, #tpu.memory_space<vmem>> -> memref<80x128xf32, #tpu.memory_space<vmem>>
        %get3A_260 = arith.index_cast %scan3A_132 : i32 to index
        %get3A_261 = arith.constant 112 : index
        %get3A_262 = tpu.vector_load %get3A_259[%get3A_260, %get3A_261] {strides = array<i32>} : memref<80x128xf32, #tpu.memory_space<vmem>>, vector<1x16xf32>,
        %get3A_263 = vector.shape_cast %get3A_262 : vector<1x16xf32> to vector<16xf32>
        %max3A_264 = arith.constant 0.000000e+00 : f32
        %max3A_265 = vector.broadcast %max3A_264 : f32 to vector<16xf32>
        %max3A_266 = arith.maximumf %get3A_263, %max3A_265 : vector<16xf32>
        %swap3A_267 = arith.constant 0 : i32
        %swap3A_268 = arith.constant 0 : i32
        %swap3A_269 = tpu.memref_slice %arg11[%swap3A_267, %swap3A_268] : memref<128x128xf32, #tpu.memory_space<vmem>> -> memref<80x128xf32, #tpu.memory_space<vmem>>
        %swap3A_270 = arith.index_cast %scan3A_132 : i32 to index
        %swap3A_271 = arith.constant 112 : index
        %swap3A_272 = tpu.vector_load %swap3A_269[%swap3A_270, %swap3A_271] {strides = array<i32>} : memref<80x128xf32, #tpu.memory_space<vmem>>, vector<1x16xf32>,
        %swap3A_273 = vector.shape_cast %swap3A_272 : vector<1x16xf32> to vector<16xf32>
        %swap3A_274 = vector.shape_cast %max3A_266 : vector<16xf32> to vector<1x16xf32>
        tpu.vector_store %swap3A_269[%swap3A_270, %swap3A_271], %swap3A_274 {strides = array<i32>} : memref<80x128xf32, #tpu.memory_space<vmem>>, vector<1x16xf32>,
        %scan3A_275 = arith.constant 0 : i32
        scf.yield %scan3A_275 : i32
      }
      %scan3A_129 = arith.constant 80 : i32
      %mul3A_130 = arith.constant 128 : i32
      %mul3A_131 = arith.muli %arg0, %mul3A_130 : i32
      "tpu.region"() ({
        %run_scoped3A = tpu.sem_alloc : memref<!tpu.dma_semaphore, #tpu.memory_space<semaphore_mem>>
        %dma_start3A = arith.constant 0 : i32
        %dma_start3A_132 = arith.constant 0 : i32
        %dma_start3A_133 = tpu.memref_slice %arg11[%dma_start3A, %dma_start3A_132] : memref<128x128xf32, #tpu.memory_space<vmem>> -> memref<80x128xf32, #tpu.memory_space<vmem>>
        %dma_start3A_134 = tpu.memref_slice %arg6[%mul3A_122, %mul3A_131] : memref<10000x256xf32, #tpu.memory_space<hbm>> -> memref<80x128xf32, #tpu.memory_space<hbm>>
        %dma_start3A_135 = tpu.memref_slice %arg6[%mul3A_122, %mul3A_131] : memref<10000x256xf32, #tpu.memory_space<hbm>> -> memref<80x128xf32, #tpu.memory_space<hbm>>
        %dma_start3A_136 = arith.constant 0 : i32
        %dma_start3A_137 = arith.constant 0 : i32
        %dma_start3A_138 = tpu.memref_slice %arg11[%dma_start3A_136, %dma_start3A_137] : memref<128x128xf32, #tpu.memory_space<vmem>> -> memref<80x128xf32, #tpu.memory_space<vmem>>
        tpu.enqueue_dma source(%dma_start3A_138 : memref<80x128xf32, #tpu.memory_space<vmem>>) target(%dma_start3A_135 : memref<80x128xf32, #tpu.memory_space<hbm>>) target_semaphore(%run_scoped3A : memref<!tpu.dma_semaphore, #tpu.memory_space<semaphore_mem>>)
        %dma_wait3A = arith.constant 0 : i32
        %dma_wait3A_139 = arith.constant 0 : i32
        %dma_wait3A_140 = tpu.memref_slice %arg11[%dma_wait3A, %dma_wait3A_139] : memref<128x128xf32, #tpu.memory_space<vmem>> -> memref<80x128xf32, #tpu.memory_space<vmem>>
        %dma_wait3A_141 = tpu.memref_slice %arg6[%mul3A_122, %mul3A_131] : memref<10000x256xf32, #tpu.memory_space<hbm>> -> memref<80x128xf32, #tpu.memory_space<hbm>>
        %dma_wait3A_142 = tpu.memref_slice %arg6[%mul3A_122, %mul3A_131] : memref<10000x256xf32, #tpu.memory_space<hbm>> -> memref<80x128xf32, #tpu.memory_space<hbm>>
        %dma_wait3A_143 = arith.constant 0 : i32
        %dma_wait3A_144 = arith.constant 0 : i32
        %dma_wait3A_145 = tpu.memref_slice %arg11[%dma_wait3A_143, %dma_wait3A_144] : memref<128x128xf32, #tpu.memory_space<vmem>> -> memref<80x128xf32, #tpu.memory_space<vmem>>
        tpu.wait_dma2 semaphore(%run_scoped3A : memref<!tpu.dma_semaphore, #tpu.memory_space<semaphore_mem>>) src(%dma_wait3A_145 : memref<80x128xf32, #tpu.memory_space<vmem>>) dst(%dma_wait3A_142 : memref<80x128xf32, #tpu.memory_space<hbm>>)
        tpu.yield
      }) : () -> ()
    } else {
    }
    %add3A_94 = arith.constant 64 : i32
    %add3A_95 = arith.addi %add3A_94, %arg1 : i32
    %lt3A_96 = arith.constant 125 : i32
    %lt3A_97 = arith.cmpi slt, %add3A_95, %lt3A_96 : i32
    %convert_element_type3A_98 = arith.extui %lt3A_97 : i1 to i32
    %cond3A_99 = arith.constant 0 : i32
    %cond3A_100 = arith.cmpi ne, %convert_element_type3A_98, %cond3A_99 : i32
    scf.if %cond3A_100 {
      %mul3A = arith.constant 80 : i32
      %mul3A_122 = arith.muli %add3A_95, %mul3A : i32
      "tpu.region"() ({
        %run_scoped3A = tpu.sem_alloc : memref<!tpu.dma_semaphore, #tpu.memory_space<semaphore_mem>>
        %dma_start3A = arith.constant 0 : i32
        %dma_start3A_132 = arith.constant 0 : i32
        %dma_start3A_133 = tpu.memref_slice %arg11[%dma_start3A, %dma_start3A_132] : memref<128x128xf32, #tpu.memory_space<vmem>> -> memref<80x128xf32, #tpu.memory_space<vmem>>
        %dma_start3A_134 = arith.constant 0 : i32
        %dma_start3A_135 = tpu.memref_slice %arg7[%mul3A_122, %dma_start3A_134] : memref<10000x128xf32, #tpu.memory_space<vmem_shared>> -> memref<80x128xf32, #tpu.memory_space<vmem_shared>>
        %dma_start3A_136 = arith.constant 0 : i32
        %dma_start3A_137 = arith.constant 0 : i32
        %dma_start3A_138 = tpu.memref_slice %arg11[%dma_start3A_136, %dma_start3A_137] : memref<128x128xf32, #tpu.memory_space<vmem>> -> memref<80x128xf32, #tpu.memory_space<vmem>>
        %dma_start3A_139 = arith.constant 0 : i32
        %dma_start3A_140 = tpu.memref_slice %arg7[%mul3A_122, %dma_start3A_139] : memref<10000x128xf32, #tpu.memory_space<vmem_shared>> -> memref<80x128xf32, #tpu.memory_space<vmem_shared>>
        tpu.enqueue_dma source(%dma_start3A_140 : memref<80x128xf32, #tpu.memory_space<vmem_shared>>) target(%dma_start3A_138 : memref<80x128xf32, #tpu.memory_space<vmem>>) target_semaphore(%run_scoped3A : memref<!tpu.dma_semaphore, #tpu.memory_space<semaphore_mem>>)
        %dma_wait3A = arith.constant 0 : i32
        %dma_wait3A_141 = arith.constant 0 : i32
        %dma_wait3A_142 = tpu.memref_slice %arg11[%dma_wait3A, %dma_wait3A_141] : memref<128x128xf32, #tpu.memory_space<vmem>> -> memref<80x128xf32, #tpu.memory_space<vmem>>
        %dma_wait3A_143 = arith.constant 0 : i32
        %dma_wait3A_144 = tpu.memref_slice %arg7[%mul3A_122, %dma_wait3A_143] : memref<10000x128xf32, #tpu.memory_space<vmem_shared>> -> memref<80x128xf32, #tpu.memory_space<vmem_shared>>
        %dma_wait3A_145 = arith.constant 0 : i32
        %dma_wait3A_146 = arith.constant 0 : i32
        %dma_wait3A_147 = tpu.memref_slice %arg11[%dma_wait3A_145, %dma_wait3A_146] : memref<128x128xf32, #tpu.memory_space<vmem>> -> memref<80x128xf32, #tpu.memory_space<vmem>>
        %dma_wait3A_148 = arith.constant 0 : i32
        %dma_wait3A_149 = tpu.memref_slice %arg7[%mul3A_122, %dma_wait3A_148] : memref<10000x128xf32, #tpu.memory_space<vmem_shared>> -> memref<80x128xf32, #tpu.memory_space<vmem_shared>>
        tpu.wait_dma2 semaphore(%run_scoped3A : memref<!tpu.dma_semaphore, #tpu.memory_space<semaphore_mem>>) src(%dma_wait3A_149 : memref<80x128xf32, #tpu.memory_space<vmem_shared>>) dst(%dma_wait3A_147 : memref<80x128xf32, #tpu.memory_space<vmem>>)
        tpu.yield
      }) : () -> ()
      %scan3A_123 = arith.constant 0 : i32
      %scan3A_124 = arith.constant 0 : i32
      %scan3A_125 = arith.constant 80 : i32
      %scan3A_126 = arith.addi %scan3A_124, %scan3A_125 : i32
      %scan3A_127 = arith.constant 1 : i32
      %scan3A_128 = scf.for %scan3A_132 = %scan3A_124 to %scan3A_126 step %scan3A_127 iter_args(%scan3A_133 = %scan3A_123) -> (i32)  : i32 {
        %get3A = arith.constant 0 : i32
        %get3A_134 = arith.constant 0 : i32
        %get3A_135 = tpu.memref_slice %arg11[%get3A, %get3A_134] : memref<128x128xf32, #tpu.memory_space<vmem>> -> memref<80x128xf32, #tpu.memory_space<vmem>>
        %get3A_136 = arith.index_cast %scan3A_132 : i32 to index
        %get3A_137 = arith.constant 0 : index
        %get3A_138 = tpu.vector_load %get3A_135[%get3A_136, %get3A_137] {strides = array<i32>} : memref<80x128xf32, #tpu.memory_space<vmem>>, vector<1x16xf32>,
        %get3A_139 = vector.shape_cast %get3A_138 : vector<1x16xf32> to vector<16xf32>
        %max3A = arith.constant 0.000000e+00 : f32
        %max3A_140 = vector.broadcast %max3A : f32 to vector<16xf32>
        %max3A_141 = arith.maximumf %get3A_139, %max3A_140 : vector<16xf32>
        %swap3A = arith.constant 0 : i32
        %swap3A_142 = arith.constant 0 : i32
        %swap3A_143 = tpu.memref_slice %arg11[%swap3A, %swap3A_142] : memref<128x128xf32, #tpu.memory_space<vmem>> -> memref<80x128xf32, #tpu.memory_space<vmem>>
        %swap3A_144 = arith.index_cast %scan3A_132 : i32 to index
        %swap3A_145 = arith.constant 0 : index
        %swap3A_146 = tpu.vector_load %swap3A_143[%swap3A_144, %swap3A_145] {strides = array<i32>} : memref<80x128xf32, #tpu.memory_space<vmem>>, vector<1x16xf32>,
        %swap3A_147 = vector.shape_cast %swap3A_146 : vector<1x16xf32> to vector<16xf32>
        %swap3A_148 = vector.shape_cast %max3A_141 : vector<16xf32> to vector<1x16xf32>
        tpu.vector_store %swap3A_143[%swap3A_144, %swap3A_145], %swap3A_148 {strides = array<i32>} : memref<80x128xf32, #tpu.memory_space<vmem>>, vector<1x16xf32>,
        %get3A_149 = arith.constant 0 : i32
        %get3A_150 = arith.constant 0 : i32
        %get3A_151 = tpu.memref_slice %arg11[%get3A_149, %get3A_150] : memref<128x128xf32, #tpu.memory_space<vmem>> -> memref<80x128xf32, #tpu.memory_space<vmem>>
        %get3A_152 = arith.index_cast %scan3A_132 : i32 to index
        %get3A_153 = arith.constant 16 : index
        %get3A_154 = tpu.vector_load %get3A_151[%get3A_152, %get3A_153] {strides = array<i32>} : memref<80x128xf32, #tpu.memory_space<vmem>>, vector<1x16xf32>,
        %get3A_155 = vector.shape_cast %get3A_154 : vector<1x16xf32> to vector<16xf32>
        %max3A_156 = arith.constant 0.000000e+00 : f32
        %max3A_157 = vector.broadcast %max3A_156 : f32 to vector<16xf32>
        %max3A_158 = arith.maximumf %get3A_155, %max3A_157 : vector<16xf32>
        %swap3A_159 = arith.constant 0 : i32
        %swap3A_160 = arith.constant 0 : i32
        %swap3A_161 = tpu.memref_slice %arg11[%swap3A_159, %swap3A_160] : memref<128x128xf32, #tpu.memory_space<vmem>> -> memref<80x128xf32, #tpu.memory_space<vmem>>
        %swap3A_162 = arith.index_cast %scan3A_132 : i32 to index
        %swap3A_163 = arith.constant 16 : index
        %swap3A_164 = tpu.vector_load %swap3A_161[%swap3A_162, %swap3A_163] {strides = array<i32>} : memref<80x128xf32, #tpu.memory_space<vmem>>, vector<1x16xf32>,
        %swap3A_165 = vector.shape_cast %swap3A_164 : vector<1x16xf32> to vector<16xf32>
        %swap3A_166 = vector.shape_cast %max3A_158 : vector<16xf32> to vector<1x16xf32>
        tpu.vector_store %swap3A_161[%swap3A_162, %swap3A_163], %swap3A_166 {strides = array<i32>} : memref<80x128xf32, #tpu.memory_space<vmem>>, vector<1x16xf32>,
        %get3A_167 = arith.constant 0 : i32
        %get3A_168 = arith.constant 0 : i32
        %get3A_169 = tpu.memref_slice %arg11[%get3A_167, %get3A_168] : memref<128x128xf32, #tpu.memory_space<vmem>> -> memref<80x128xf32, #tpu.memory_space<vmem>>
        %get3A_170 = arith.index_cast %scan3A_132 : i32 to index
        %get3A_171 = arith.constant 32 : index
        %get3A_172 = tpu.vector_load %get3A_169[%get3A_170, %get3A_171] {strides = array<i32>} : memref<80x128xf32, #tpu.memory_space<vmem>>, vector<1x16xf32>,
        %get3A_173 = vector.shape_cast %get3A_172 : vector<1x16xf32> to vector<16xf32>
        %max3A_174 = arith.constant 0.000000e+00 : f32
        %max3A_175 = vector.broadcast %max3A_174 : f32 to vector<16xf32>
        %max3A_176 = arith.maximumf %get3A_173, %max3A_175 : vector<16xf32>
        %swap3A_177 = arith.constant 0 : i32
        %swap3A_178 = arith.constant 0 : i32
        %swap3A_179 = tpu.memref_slice %arg11[%swap3A_177, %swap3A_178] : memref<128x128xf32, #tpu.memory_space<vmem>> -> memref<80x128xf32, #tpu.memory_space<vmem>>
        %swap3A_180 = arith.index_cast %scan3A_132 : i32 to index
        %swap3A_181 = arith.constant 32 : index
        %swap3A_182 = tpu.vector_load %swap3A_179[%swap3A_180, %swap3A_181] {strides = array<i32>} : memref<80x128xf32, #tpu.memory_space<vmem>>, vector<1x16xf32>,
        %swap3A_183 = vector.shape_cast %swap3A_182 : vector<1x16xf32> to vector<16xf32>
        %swap3A_184 = vector.shape_cast %max3A_176 : vector<16xf32> to vector<1x16xf32>
        tpu.vector_store %swap3A_179[%swap3A_180, %swap3A_181], %swap3A_184 {strides = array<i32>} : memref<80x128xf32, #tpu.memory_space<vmem>>, vector<1x16xf32>,
        %get3A_185 = arith.constant 0 : i32
        %get3A_186 = arith.constant 0 : i32
        %get3A_187 = tpu.memref_slice %arg11[%get3A_185, %get3A_186] : memref<128x128xf32, #tpu.memory_space<vmem>> -> memref<80x128xf32, #tpu.memory_space<vmem>>
        %get3A_188 = arith.index_cast %scan3A_132 : i32 to index
        %get3A_189 = arith.constant 48 : index
        %get3A_190 = tpu.vector_load %get3A_187[%get3A_188, %get3A_189] {strides = array<i32>} : memref<80x128xf32, #tpu.memory_space<vmem>>, vector<1x16xf32>,
        %get3A_191 = vector.shape_cast %get3A_190 : vector<1x16xf32> to vector<16xf32>
        %max3A_192 = arith.constant 0.000000e+00 : f32
        %max3A_193 = vector.broadcast %max3A_192 : f32 to vector<16xf32>
        %max3A_194 = arith.maximumf %get3A_191, %max3A_193 : vector<16xf32>
        %swap3A_195 = arith.constant 0 : i32
        %swap3A_196 = arith.constant 0 : i32
        %swap3A_197 = tpu.memref_slice %arg11[%swap3A_195, %swap3A_196] : memref<128x128xf32, #tpu.memory_space<vmem>> -> memref<80x128xf32, #tpu.memory_space<vmem>>
        %swap3A_198 = arith.index_cast %scan3A_132 : i32 to index
        %swap3A_199 = arith.constant 48 : index
        %swap3A_200 = tpu.vector_load %swap3A_197[%swap3A_198, %swap3A_199] {strides = array<i32>} : memref<80x128xf32, #tpu.memory_space<vmem>>, vector<1x16xf32>,
        %swap3A_201 = vector.shape_cast %swap3A_200 : vector<1x16xf32> to vector<16xf32>
        %swap3A_202 = vector.shape_cast %max3A_194 : vector<16xf32> to vector<1x16xf32>
        tpu.vector_store %swap3A_197[%swap3A_198, %swap3A_199], %swap3A_202 {strides = array<i32>} : memref<80x128xf32, #tpu.memory_space<vmem>>, vector<1x16xf32>,
        %get3A_203 = arith.constant 0 : i32
        %get3A_204 = arith.constant 0 : i32
        %get3A_205 = tpu.memref_slice %arg11[%get3A_203, %get3A_204] : memref<128x128xf32, #tpu.memory_space<vmem>> -> memref<80x128xf32, #tpu.memory_space<vmem>>
        %get3A_206 = arith.index_cast %scan3A_132 : i32 to index
        %get3A_207 = arith.constant 64 : index
        %get3A_208 = tpu.vector_load %get3A_205[%get3A_206, %get3A_207] {strides = array<i32>} : memref<80x128xf32, #tpu.memory_space<vmem>>, vector<1x16xf32>,
        %get3A_209 = vector.shape_cast %get3A_208 : vector<1x16xf32> to vector<16xf32>
        %max3A_210 = arith.constant 0.000000e+00 : f32
        %max3A_211 = vector.broadcast %max3A_210 : f32 to vector<16xf32>
        %max3A_212 = arith.maximumf %get3A_209, %max3A_211 : vector<16xf32>
        %swap3A_213 = arith.constant 0 : i32
        %swap3A_214 = arith.constant 0 : i32
        %swap3A_215 = tpu.memref_slice %arg11[%swap3A_213, %swap3A_214] : memref<128x128xf32, #tpu.memory_space<vmem>> -> memref<80x128xf32, #tpu.memory_space<vmem>>
        %swap3A_216 = arith.index_cast %scan3A_132 : i32 to index
        %swap3A_217 = arith.constant 64 : index
        %swap3A_218 = tpu.vector_load %swap3A_215[%swap3A_216, %swap3A_217] {strides = array<i32>} : memref<80x128xf32, #tpu.memory_space<vmem>>, vector<1x16xf32>,
        %swap3A_219 = vector.shape_cast %swap3A_218 : vector<1x16xf32> to vector<16xf32>
        %swap3A_220 = vector.shape_cast %max3A_212 : vector<16xf32> to vector<1x16xf32>
        tpu.vector_store %swap3A_215[%swap3A_216, %swap3A_217], %swap3A_220 {strides = array<i32>} : memref<80x128xf32, #tpu.memory_space<vmem>>, vector<1x16xf32>,
        %get3A_221 = arith.constant 0 : i32
        %get3A_222 = arith.constant 0 : i32
        %get3A_223 = tpu.memref_slice %arg11[%get3A_221, %get3A_222] : memref<128x128xf32, #tpu.memory_space<vmem>> -> memref<80x128xf32, #tpu.memory_space<vmem>>
        %get3A_224 = arith.index_cast %scan3A_132 : i32 to index
        %get3A_225 = arith.constant 80 : index
        %get3A_226 = tpu.vector_load %get3A_223[%get3A_224, %get3A_225] {strides = array<i32>} : memref<80x128xf32, #tpu.memory_space<vmem>>, vector<1x16xf32>,
        %get3A_227 = vector.shape_cast %get3A_226 : vector<1x16xf32> to vector<16xf32>
        %max3A_228 = arith.constant 0.000000e+00 : f32
        %max3A_229 = vector.broadcast %max3A_228 : f32 to vector<16xf32>
        %max3A_230 = arith.maximumf %get3A_227, %max3A_229 : vector<16xf32>
        %swap3A_231 = arith.constant 0 : i32
        %swap3A_232 = arith.constant 0 : i32
        %swap3A_233 = tpu.memref_slice %arg11[%swap3A_231, %swap3A_232] : memref<128x128xf32, #tpu.memory_space<vmem>> -> memref<80x128xf32, #tpu.memory_space<vmem>>
        %swap3A_234 = arith.index_cast %scan3A_132 : i32 to index
        %swap3A_235 = arith.constant 80 : index
        %swap3A_236 = tpu.vector_load %swap3A_233[%swap3A_234, %swap3A_235] {strides = array<i32>} : memref<80x128xf32, #tpu.memory_space<vmem>>, vector<1x16xf32>,
        %swap3A_237 = vector.shape_cast %swap3A_236 : vector<1x16xf32> to vector<16xf32>
        %swap3A_238 = vector.shape_cast %max3A_230 : vector<16xf32> to vector<1x16xf32>
        tpu.vector_store %swap3A_233[%swap3A_234, %swap3A_235], %swap3A_238 {strides = array<i32>} : memref<80x128xf32, #tpu.memory_space<vmem>>, vector<1x16xf32>,
        %get3A_239 = arith.constant 0 : i32
        %get3A_240 = arith.constant 0 : i32
        %get3A_241 = tpu.memref_slice %arg11[%get3A_239, %get3A_240] : memref<128x128xf32, #tpu.memory_space<vmem>> -> memref<80x128xf32, #tpu.memory_space<vmem>>
        %get3A_242 = arith.index_cast %scan3A_132 : i32 to index
        %get3A_243 = arith.constant 96 : index
        %get3A_244 = tpu.vector_load %get3A_241[%get3A_242, %get3A_243] {strides = array<i32>} : memref<80x128xf32, #tpu.memory_space<vmem>>, vector<1x16xf32>,
        %get3A_245 = vector.shape_cast %get3A_244 : vector<1x16xf32> to vector<16xf32>
        %max3A_246 = arith.constant 0.000000e+00 : f32
        %max3A_247 = vector.broadcast %max3A_246 : f32 to vector<16xf32>
        %max3A_248 = arith.maximumf %get3A_245, %max3A_247 : vector<16xf32>
        %swap3A_249 = arith.constant 0 : i32
        %swap3A_250 = arith.constant 0 : i32
        %swap3A_251 = tpu.memref_slice %arg11[%swap3A_249, %swap3A_250] : memref<128x128xf32, #tpu.memory_space<vmem>> -> memref<80x128xf32, #tpu.memory_space<vmem>>
        %swap3A_252 = arith.index_cast %scan3A_132 : i32 to index
        %swap3A_253 = arith.constant 96 : index
        %swap3A_254 = tpu.vector_load %swap3A_251[%swap3A_252, %swap3A_253] {strides = array<i32>} : memref<80x128xf32, #tpu.memory_space<vmem>>, vector<1x16xf32>,
        %swap3A_255 = vector.shape_cast %swap3A_254 : vector<1x16xf32> to vector<16xf32>
        %swap3A_256 = vector.shape_cast %max3A_248 : vector<16xf32> to vector<1x16xf32>
        tpu.vector_store %swap3A_251[%swap3A_252, %swap3A_253], %swap3A_256 {strides = array<i32>} : memref<80x128xf32, #tpu.memory_space<vmem>>, vector<1x16xf32>,
        %get3A_257 = arith.constant 0 : i32
        %get3A_258 = arith.constant 0 : i32
        %get3A_259 = tpu.memref_slice %arg11[%get3A_257, %get3A_258] : memref<128x128xf32, #tpu.memory_space<vmem>> -> memref<80x128xf32, #tpu.memory_space<vmem>>
        %get3A_260 = arith.index_cast %scan3A_132 : i32 to index
        %get3A_261 = arith.constant 112 : index
        %get3A_262 = tpu.vector_load %get3A_259[%get3A_260, %get3A_261] {strides = array<i32>} : memref<80x128xf32, #tpu.memory_space<vmem>>, vector<1x16xf32>,
        %get3A_263 = vector.shape_cast %get3A_262 : vector<1x16xf32> to vector<16xf32>
        %max3A_264 = arith.constant 0.000000e+00 : f32
        %max3A_265 = vector.broadcast %max3A_264 : f32 to vector<16xf32>
        %max3A_266 = arith.maximumf %get3A_263, %max3A_265 : vector<16xf32>
        %swap3A_267 = arith.constant 0 : i32
        %swap3A_268 = arith.constant 0 : i32
        %swap3A_269 = tpu.memref_slice %arg11[%swap3A_267, %swap3A_268] : memref<128x128xf32, #tpu.memory_space<vmem>> -> memref<80x128xf32, #tpu.memory_space<vmem>>
        %swap3A_270 = arith.index_cast %scan3A_132 : i32 to index
        %swap3A_271 = arith.constant 112 : index
        %swap3A_272 = tpu.vector_load %swap3A_269[%swap3A_270, %swap3A_271] {strides = array<i32>} : memref<80x128xf32, #tpu.memory_space<vmem>>, vector<1x16xf32>,
        %swap3A_273 = vector.shape_cast %swap3A_272 : vector<1x16xf32> to vector<16xf32>
        %swap3A_274 = vector.shape_cast %max3A_266 : vector<16xf32> to vector<1x16xf32>
        tpu.vector_store %swap3A_269[%swap3A_270, %swap3A_271], %swap3A_274 {strides = array<i32>} : memref<80x128xf32, #tpu.memory_space<vmem>>, vector<1x16xf32>,
        %scan3A_275 = arith.constant 0 : i32
        scf.yield %scan3A_275 : i32
      }
      %scan3A_129 = arith.constant 80 : i32
      %mul3A_130 = arith.constant 128 : i32
      %mul3A_131 = arith.muli %arg0, %mul3A_130 : i32
      "tpu.region"() ({
        %run_scoped3A = tpu.sem_alloc : memref<!tpu.dma_semaphore, #tpu.memory_space<semaphore_mem>>
        %dma_start3A = arith.constant 0 : i32
        %dma_start3A_132 = arith.constant 0 : i32
        %dma_start3A_133 = tpu.memref_slice %arg11[%dma_start3A, %dma_start3A_132] : memref<128x128xf32, #tpu.memory_space<vmem>> -> memref<80x128xf32, #tpu.memory_space<vmem>>
        %dma_start3A_134 = tpu.memref_slice %arg6[%mul3A_122, %mul3A_131] : memref<10000x256xf32, #tpu.memory_space<hbm>> -> memref<80x128xf32, #tpu.memory_space<hbm>>
        %dma_start3A_135 = tpu.memref_slice %arg6[%mul3A_122, %mul3A_131] : memref<10000x256xf32, #tpu.memory_space<hbm>> -> memref<80x128xf32, #tpu.memory_space<hbm>>
        %dma_start3A_136 = arith.constant 0 : i32
        %dma_start3A_137 = arith.constant 0 : i32
        %dma_start3A_138 = tpu.memref_slice %arg11[%dma_start3A_136, %dma_start3A_137] : memref<128x128xf32, #tpu.memory_space<vmem>> -> memref<80x128xf32, #tpu.memory_space<vmem>>
        tpu.enqueue_dma source(%dma_start3A_138 : memref<80x128xf32, #tpu.memory_space<vmem>>) target(%dma_start3A_135 : memref<80x128xf32, #tpu.memory_space<hbm>>) target_semaphore(%run_scoped3A : memref<!tpu.dma_semaphore, #tpu.memory_space<semaphore_mem>>)
        %dma_wait3A = arith.constant 0 : i32
        %dma_wait3A_139 = arith.constant 0 : i32
        %dma_wait3A_140 = tpu.memref_slice %arg11[%dma_wait3A, %dma_wait3A_139] : memref<128x128xf32, #tpu.memory_space<vmem>> -> memref<80x128xf32, #tpu.memory_space<vmem>>
        %dma_wait3A_141 = tpu.memref_slice %arg6[%mul3A_122, %mul3A_131] : memref<10000x256xf32, #tpu.memory_space<hbm>> -> memref<80x128xf32, #tpu.memory_space<hbm>>
        %dma_wait3A_142 = tpu.memref_slice %arg6[%mul3A_122, %mul3A_131] : memref<10000x256xf32, #tpu.memory_space<hbm>> -> memref<80x128xf32, #tpu.memory_space<hbm>>
        %dma_wait3A_143 = arith.constant 0 : i32
        %dma_wait3A_144 = arith.constant 0 : i32
        %dma_wait3A_145 = tpu.memref_slice %arg11[%dma_wait3A_143, %dma_wait3A_144] : memref<128x128xf32, #tpu.memory_space<vmem>> -> memref<80x128xf32, #tpu.memory_space<vmem>>
        tpu.wait_dma2 semaphore(%run_scoped3A : memref<!tpu.dma_semaphore, #tpu.memory_space<semaphore_mem>>) src(%dma_wait3A_145 : memref<80x128xf32, #tpu.memory_space<vmem>>) dst(%dma_wait3A_142 : memref<80x128xf32, #tpu.memory_space<hbm>>)
        tpu.yield
      }) : () -> ()
    } else {
    }
    %add3A_101 = arith.constant 80 : i32
    %add3A_102 = arith.addi %add3A_101, %arg1 : i32
    %lt3A_103 = arith.constant 125 : i32
    %lt3A_104 = arith.cmpi slt, %add3A_102, %lt3A_103 : i32
    %convert_element_type3A_105 = arith.extui %lt3A_104 : i1 to i32
    %cond3A_106 = arith.constant 0 : i32
    %cond3A_107 = arith.cmpi ne, %convert_element_type3A_105, %cond3A_106 : i32
    scf.if %cond3A_107 {
      %mul3A = arith.constant 80 : i32
      %mul3A_122 = arith.muli %add3A_102, %mul3A : i32
      "tpu.region"() ({
        %run_scoped3A = tpu.sem_alloc : memref<!tpu.dma_semaphore, #tpu.memory_space<semaphore_mem>>
        %dma_start3A = arith.constant 0 : i32
        %dma_start3A_132 = arith.constant 0 : i32
        %dma_start3A_133 = tpu.memref_slice %arg11[%dma_start3A, %dma_start3A_132] : memref<128x128xf32, #tpu.memory_space<vmem>> -> memref<80x128xf32, #tpu.memory_space<vmem>>
        %dma_start3A_134 = arith.constant 0 : i32
        %dma_start3A_135 = tpu.memref_slice %arg7[%mul3A_122, %dma_start3A_134] : memref<10000x128xf32, #tpu.memory_space<vmem_shared>> -> memref<80x128xf32, #tpu.memory_space<vmem_shared>>
        %dma_start3A_136 = arith.constant 0 : i32
        %dma_start3A_137 = arith.constant 0 : i32
        %dma_start3A_138 = tpu.memref_slice %arg11[%dma_start3A_136, %dma_start3A_137] : memref<128x128xf32, #tpu.memory_space<vmem>> -> memref<80x128xf32, #tpu.memory_space<vmem>>
        %dma_start3A_139 = arith.constant 0 : i32
        %dma_start3A_140 = tpu.memref_slice %arg7[%mul3A_122, %dma_start3A_139] : memref<10000x128xf32, #tpu.memory_space<vmem_shared>> -> memref<80x128xf32, #tpu.memory_space<vmem_shared>>
        tpu.enqueue_dma source(%dma_start3A_140 : memref<80x128xf32, #tpu.memory_space<vmem_shared>>) target(%dma_start3A_138 : memref<80x128xf32, #tpu.memory_space<vmem>>) target_semaphore(%run_scoped3A : memref<!tpu.dma_semaphore, #tpu.memory_space<semaphore_mem>>)
        %dma_wait3A = arith.constant 0 : i32
        %dma_wait3A_141 = arith.constant 0 : i32
        %dma_wait3A_142 = tpu.memref_slice %arg11[%dma_wait3A, %dma_wait3A_141] : memref<128x128xf32, #tpu.memory_space<vmem>> -> memref<80x128xf32, #tpu.memory_space<vmem>>
        %dma_wait3A_143 = arith.constant 0 : i32
        %dma_wait3A_144 = tpu.memref_slice %arg7[%mul3A_122, %dma_wait3A_143] : memref<10000x128xf32, #tpu.memory_space<vmem_shared>> -> memref<80x128xf32, #tpu.memory_space<vmem_shared>>
        %dma_wait3A_145 = arith.constant 0 : i32
        %dma_wait3A_146 = arith.constant 0 : i32
        %dma_wait3A_147 = tpu.memref_slice %arg11[%dma_wait3A_145, %dma_wait3A_146] : memref<128x128xf32, #tpu.memory_space<vmem>> -> memref<80x128xf32, #tpu.memory_space<vmem>>
        %dma_wait3A_148 = arith.constant 0 : i32
        %dma_wait3A_149 = tpu.memref_slice %arg7[%mul3A_122, %dma_wait3A_148] : memref<10000x128xf32, #tpu.memory_space<vmem_shared>> -> memref<80x128xf32, #tpu.memory_space<vmem_shared>>
        tpu.wait_dma2 semaphore(%run_scoped3A : memref<!tpu.dma_semaphore, #tpu.memory_space<semaphore_mem>>) src(%dma_wait3A_149 : memref<80x128xf32, #tpu.memory_space<vmem_shared>>) dst(%dma_wait3A_147 : memref<80x128xf32, #tpu.memory_space<vmem>>)
        tpu.yield
      }) : () -> ()
      %scan3A_123 = arith.constant 0 : i32
      %scan3A_124 = arith.constant 0 : i32
      %scan3A_125 = arith.constant 80 : i32
      %scan3A_126 = arith.addi %scan3A_124, %scan3A_125 : i32
      %scan3A_127 = arith.constant 1 : i32
      %scan3A_128 = scf.for %scan3A_132 = %scan3A_124 to %scan3A_126 step %scan3A_127 iter_args(%scan3A_133 = %scan3A_123) -> (i32)  : i32 {
        %get3A = arith.constant 0 : i32
        %get3A_134 = arith.constant 0 : i32
        %get3A_135 = tpu.memref_slice %arg11[%get3A, %get3A_134] : memref<128x128xf32, #tpu.memory_space<vmem>> -> memref<80x128xf32, #tpu.memory_space<vmem>>
        %get3A_136 = arith.index_cast %scan3A_132 : i32 to index
        %get3A_137 = arith.constant 0 : index
        %get3A_138 = tpu.vector_load %get3A_135[%get3A_136, %get3A_137] {strides = array<i32>} : memref<80x128xf32, #tpu.memory_space<vmem>>, vector<1x16xf32>,
        %get3A_139 = vector.shape_cast %get3A_138 : vector<1x16xf32> to vector<16xf32>
        %max3A = arith.constant 0.000000e+00 : f32
        %max3A_140 = vector.broadcast %max3A : f32 to vector<16xf32>
        %max3A_141 = arith.maximumf %get3A_139, %max3A_140 : vector<16xf32>
        %swap3A = arith.constant 0 : i32
        %swap3A_142 = arith.constant 0 : i32
        %swap3A_143 = tpu.memref_slice %arg11[%swap3A, %swap3A_142] : memref<128x128xf32, #tpu.memory_space<vmem>> -> memref<80x128xf32, #tpu.memory_space<vmem>>
        %swap3A_144 = arith.index_cast %scan3A_132 : i32 to index
        %swap3A_145 = arith.constant 0 : index
        %swap3A_146 = tpu.vector_load %swap3A_143[%swap3A_144, %swap3A_145] {strides = array<i32>} : memref<80x128xf32, #tpu.memory_space<vmem>>, vector<1x16xf32>,
        %swap3A_147 = vector.shape_cast %swap3A_146 : vector<1x16xf32> to vector<16xf32>
        %swap3A_148 = vector.shape_cast %max3A_141 : vector<16xf32> to vector<1x16xf32>
        tpu.vector_store %swap3A_143[%swap3A_144, %swap3A_145], %swap3A_148 {strides = array<i32>} : memref<80x128xf32, #tpu.memory_space<vmem>>, vector<1x16xf32>,
        %get3A_149 = arith.constant 0 : i32
        %get3A_150 = arith.constant 0 : i32
        %get3A_151 = tpu.memref_slice %arg11[%get3A_149, %get3A_150] : memref<128x128xf32, #tpu.memory_space<vmem>> -> memref<80x128xf32, #tpu.memory_space<vmem>>
        %get3A_152 = arith.index_cast %scan3A_132 : i32 to index
        %get3A_153 = arith.constant 16 : index
        %get3A_154 = tpu.vector_load %get3A_151[%get3A_152, %get3A_153] {strides = array<i32>} : memref<80x128xf32, #tpu.memory_space<vmem>>, vector<1x16xf32>,
        %get3A_155 = vector.shape_cast %get3A_154 : vector<1x16xf32> to vector<16xf32>
        %max3A_156 = arith.constant 0.000000e+00 : f32
        %max3A_157 = vector.broadcast %max3A_156 : f32 to vector<16xf32>
        %max3A_158 = arith.maximumf %get3A_155, %max3A_157 : vector<16xf32>
        %swap3A_159 = arith.constant 0 : i32
        %swap3A_160 = arith.constant 0 : i32
        %swap3A_161 = tpu.memref_slice %arg11[%swap3A_159, %swap3A_160] : memref<128x128xf32, #tpu.memory_space<vmem>> -> memref<80x128xf32, #tpu.memory_space<vmem>>
        %swap3A_162 = arith.index_cast %scan3A_132 : i32 to index
        %swap3A_163 = arith.constant 16 : index
        %swap3A_164 = tpu.vector_load %swap3A_161[%swap3A_162, %swap3A_163] {strides = array<i32>} : memref<80x128xf32, #tpu.memory_space<vmem>>, vector<1x16xf32>,
        %swap3A_165 = vector.shape_cast %swap3A_164 : vector<1x16xf32> to vector<16xf32>
        %swap3A_166 = vector.shape_cast %max3A_158 : vector<16xf32> to vector<1x16xf32>
        tpu.vector_store %swap3A_161[%swap3A_162, %swap3A_163], %swap3A_166 {strides = array<i32>} : memref<80x128xf32, #tpu.memory_space<vmem>>, vector<1x16xf32>,
        %get3A_167 = arith.constant 0 : i32
        %get3A_168 = arith.constant 0 : i32
        %get3A_169 = tpu.memref_slice %arg11[%get3A_167, %get3A_168] : memref<128x128xf32, #tpu.memory_space<vmem>> -> memref<80x128xf32, #tpu.memory_space<vmem>>
        %get3A_170 = arith.index_cast %scan3A_132 : i32 to index
        %get3A_171 = arith.constant 32 : index
        %get3A_172 = tpu.vector_load %get3A_169[%get3A_170, %get3A_171] {strides = array<i32>} : memref<80x128xf32, #tpu.memory_space<vmem>>, vector<1x16xf32>,
        %get3A_173 = vector.shape_cast %get3A_172 : vector<1x16xf32> to vector<16xf32>
        %max3A_174 = arith.constant 0.000000e+00 : f32
        %max3A_175 = vector.broadcast %max3A_174 : f32 to vector<16xf32>
        %max3A_176 = arith.maximumf %get3A_173, %max3A_175 : vector<16xf32>
        %swap3A_177 = arith.constant 0 : i32
        %swap3A_178 = arith.constant 0 : i32
        %swap3A_179 = tpu.memref_slice %arg11[%swap3A_177, %swap3A_178] : memref<128x128xf32, #tpu.memory_space<vmem>> -> memref<80x128xf32, #tpu.memory_space<vmem>>
        %swap3A_180 = arith.index_cast %scan3A_132 : i32 to index
        %swap3A_181 = arith.constant 32 : index
        %swap3A_182 = tpu.vector_load %swap3A_179[%swap3A_180, %swap3A_181] {strides = array<i32>} : memref<80x128xf32, #tpu.memory_space<vmem>>, vector<1x16xf32>,
        %swap3A_183 = vector.shape_cast %swap3A_182 : vector<1x16xf32> to vector<16xf32>
        %swap3A_184 = vector.shape_cast %max3A_176 : vector<16xf32> to vector<1x16xf32>
        tpu.vector_store %swap3A_179[%swap3A_180, %swap3A_181], %swap3A_184 {strides = array<i32>} : memref<80x128xf32, #tpu.memory_space<vmem>>, vector<1x16xf32>,
        %get3A_185 = arith.constant 0 : i32
        %get3A_186 = arith.constant 0 : i32
        %get3A_187 = tpu.memref_slice %arg11[%get3A_185, %get3A_186] : memref<128x128xf32, #tpu.memory_space<vmem>> -> memref<80x128xf32, #tpu.memory_space<vmem>>
        %get3A_188 = arith.index_cast %scan3A_132 : i32 to index
        %get3A_189 = arith.constant 48 : index
        %get3A_190 = tpu.vector_load %get3A_187[%get3A_188, %get3A_189] {strides = array<i32>} : memref<80x128xf32, #tpu.memory_space<vmem>>, vector<1x16xf32>,
        %get3A_191 = vector.shape_cast %get3A_190 : vector<1x16xf32> to vector<16xf32>
        %max3A_192 = arith.constant 0.000000e+00 : f32
        %max3A_193 = vector.broadcast %max3A_192 : f32 to vector<16xf32>
        %max3A_194 = arith.maximumf %get3A_191, %max3A_193 : vector<16xf32>
        %swap3A_195 = arith.constant 0 : i32
        %swap3A_196 = arith.constant 0 : i32
        %swap3A_197 = tpu.memref_slice %arg11[%swap3A_195, %swap3A_196] : memref<128x128xf32, #tpu.memory_space<vmem>> -> memref<80x128xf32, #tpu.memory_space<vmem>>
        %swap3A_198 = arith.index_cast %scan3A_132 : i32 to index
        %swap3A_199 = arith.constant 48 : index
        %swap3A_200 = tpu.vector_load %swap3A_197[%swap3A_198, %swap3A_199] {strides = array<i32>} : memref<80x128xf32, #tpu.memory_space<vmem>>, vector<1x16xf32>,
        %swap3A_201 = vector.shape_cast %swap3A_200 : vector<1x16xf32> to vector<16xf32>
        %swap3A_202 = vector.shape_cast %max3A_194 : vector<16xf32> to vector<1x16xf32>
        tpu.vector_store %swap3A_197[%swap3A_198, %swap3A_199], %swap3A_202 {strides = array<i32>} : memref<80x128xf32, #tpu.memory_space<vmem>>, vector<1x16xf32>,
        %get3A_203 = arith.constant 0 : i32
        %get3A_204 = arith.constant 0 : i32
        %get3A_205 = tpu.memref_slice %arg11[%get3A_203, %get3A_204] : memref<128x128xf32, #tpu.memory_space<vmem>> -> memref<80x128xf32, #tpu.memory_space<vmem>>
        %get3A_206 = arith.index_cast %scan3A_132 : i32 to index
        %get3A_207 = arith.constant 64 : index
        %get3A_208 = tpu.vector_load %get3A_205[%get3A_206, %get3A_207] {strides = array<i32>} : memref<80x128xf32, #tpu.memory_space<vmem>>, vector<1x16xf32>,
        %get3A_209 = vector.shape_cast %get3A_208 : vector<1x16xf32> to vector<16xf32>
        %max3A_210 = arith.constant 0.000000e+00 : f32
        %max3A_211 = vector.broadcast %max3A_210 : f32 to vector<16xf32>
        %max3A_212 = arith.maximumf %get3A_209, %max3A_211 : vector<16xf32>
        %swap3A_213 = arith.constant 0 : i32
        %swap3A_214 = arith.constant 0 : i32
        %swap3A_215 = tpu.memref_slice %arg11[%swap3A_213, %swap3A_214] : memref<128x128xf32, #tpu.memory_space<vmem>> -> memref<80x128xf32, #tpu.memory_space<vmem>>
        %swap3A_216 = arith.index_cast %scan3A_132 : i32 to index
        %swap3A_217 = arith.constant 64 : index
        %swap3A_218 = tpu.vector_load %swap3A_215[%swap3A_216, %swap3A_217] {strides = array<i32>} : memref<80x128xf32, #tpu.memory_space<vmem>>, vector<1x16xf32>,
        %swap3A_219 = vector.shape_cast %swap3A_218 : vector<1x16xf32> to vector<16xf32>
        %swap3A_220 = vector.shape_cast %max3A_212 : vector<16xf32> to vector<1x16xf32>
        tpu.vector_store %swap3A_215[%swap3A_216, %swap3A_217], %swap3A_220 {strides = array<i32>} : memref<80x128xf32, #tpu.memory_space<vmem>>, vector<1x16xf32>,
        %get3A_221 = arith.constant 0 : i32
        %get3A_222 = arith.constant 0 : i32
        %get3A_223 = tpu.memref_slice %arg11[%get3A_221, %get3A_222] : memref<128x128xf32, #tpu.memory_space<vmem>> -> memref<80x128xf32, #tpu.memory_space<vmem>>
        %get3A_224 = arith.index_cast %scan3A_132 : i32 to index
        %get3A_225 = arith.constant 80 : index
        %get3A_226 = tpu.vector_load %get3A_223[%get3A_224, %get3A_225] {strides = array<i32>} : memref<80x128xf32, #tpu.memory_space<vmem>>, vector<1x16xf32>,
        %get3A_227 = vector.shape_cast %get3A_226 : vector<1x16xf32> to vector<16xf32>
        %max3A_228 = arith.constant 0.000000e+00 : f32
        %max3A_229 = vector.broadcast %max3A_228 : f32 to vector<16xf32>
        %max3A_230 = arith.maximumf %get3A_227, %max3A_229 : vector<16xf32>
        %swap3A_231 = arith.constant 0 : i32
        %swap3A_232 = arith.constant 0 : i32
        %swap3A_233 = tpu.memref_slice %arg11[%swap3A_231, %swap3A_232] : memref<128x128xf32, #tpu.memory_space<vmem>> -> memref<80x128xf32, #tpu.memory_space<vmem>>
        %swap3A_234 = arith.index_cast %scan3A_132 : i32 to index
        %swap3A_235 = arith.constant 80 : index
        %swap3A_236 = tpu.vector_load %swap3A_233[%swap3A_234, %swap3A_235] {strides = array<i32>} : memref<80x128xf32, #tpu.memory_space<vmem>>, vector<1x16xf32>,
        %swap3A_237 = vector.shape_cast %swap3A_236 : vector<1x16xf32> to vector<16xf32>
        %swap3A_238 = vector.shape_cast %max3A_230 : vector<16xf32> to vector<1x16xf32>
        tpu.vector_store %swap3A_233[%swap3A_234, %swap3A_235], %swap3A_238 {strides = array<i32>} : memref<80x128xf32, #tpu.memory_space<vmem>>, vector<1x16xf32>,
        %get3A_239 = arith.constant 0 : i32
        %get3A_240 = arith.constant 0 : i32
        %get3A_241 = tpu.memref_slice %arg11[%get3A_239, %get3A_240] : memref<128x128xf32, #tpu.memory_space<vmem>> -> memref<80x128xf32, #tpu.memory_space<vmem>>
        %get3A_242 = arith.index_cast %scan3A_132 : i32 to index
        %get3A_243 = arith.constant 96 : index
        %get3A_244 = tpu.vector_load %get3A_241[%get3A_242, %get3A_243] {strides = array<i32>} : memref<80x128xf32, #tpu.memory_space<vmem>>, vector<1x16xf32>,
        %get3A_245 = vector.shape_cast %get3A_244 : vector<1x16xf32> to vector<16xf32>
        %max3A_246 = arith.constant 0.000000e+00 : f32
        %max3A_247 = vector.broadcast %max3A_246 : f32 to vector<16xf32>
        %max3A_248 = arith.maximumf %get3A_245, %max3A_247 : vector<16xf32>
        %swap3A_249 = arith.constant 0 : i32
        %swap3A_250 = arith.constant 0 : i32
        %swap3A_251 = tpu.memref_slice %arg11[%swap3A_249, %swap3A_250] : memref<128x128xf32, #tpu.memory_space<vmem>> -> memref<80x128xf32, #tpu.memory_space<vmem>>
        %swap3A_252 = arith.index_cast %scan3A_132 : i32 to index
        %swap3A_253 = arith.constant 96 : index
        %swap3A_254 = tpu.vector_load %swap3A_251[%swap3A_252, %swap3A_253] {strides = array<i32>} : memref<80x128xf32, #tpu.memory_space<vmem>>, vector<1x16xf32>,
        %swap3A_255 = vector.shape_cast %swap3A_254 : vector<1x16xf32> to vector<16xf32>
        %swap3A_256 = vector.shape_cast %max3A_248 : vector<16xf32> to vector<1x16xf32>
        tpu.vector_store %swap3A_251[%swap3A_252, %swap3A_253], %swap3A_256 {strides = array<i32>} : memref<80x128xf32, #tpu.memory_space<vmem>>, vector<1x16xf32>,
        %get3A_257 = arith.constant 0 : i32
        %get3A_258 = arith.constant 0 : i32
        %get3A_259 = tpu.memref_slice %arg11[%get3A_257, %get3A_258] : memref<128x128xf32, #tpu.memory_space<vmem>> -> memref<80x128xf32, #tpu.memory_space<vmem>>
        %get3A_260 = arith.index_cast %scan3A_132 : i32 to index
        %get3A_261 = arith.constant 112 : index
        %get3A_262 = tpu.vector_load %get3A_259[%get3A_260, %get3A_261] {strides = array<i32>} : memref<80x128xf32, #tpu.memory_space<vmem>>, vector<1x16xf32>,
        %get3A_263 = vector.shape_cast %get3A_262 : vector<1x16xf32> to vector<16xf32>
        %max3A_264 = arith.constant 0.000000e+00 : f32
        %max3A_265 = vector.broadcast %max3A_264 : f32 to vector<16xf32>
        %max3A_266 = arith.maximumf %get3A_263, %max3A_265 : vector<16xf32>
        %swap3A_267 = arith.constant 0 : i32
        %swap3A_268 = arith.constant 0 : i32
        %swap3A_269 = tpu.memref_slice %arg11[%swap3A_267, %swap3A_268] : memref<128x128xf32, #tpu.memory_space<vmem>> -> memref<80x128xf32, #tpu.memory_space<vmem>>
        %swap3A_270 = arith.index_cast %scan3A_132 : i32 to index
        %swap3A_271 = arith.constant 112 : index
        %swap3A_272 = tpu.vector_load %swap3A_269[%swap3A_270, %swap3A_271] {strides = array<i32>} : memref<80x128xf32, #tpu.memory_space<vmem>>, vector<1x16xf32>,
        %swap3A_273 = vector.shape_cast %swap3A_272 : vector<1x16xf32> to vector<16xf32>
        %swap3A_274 = vector.shape_cast %max3A_266 : vector<16xf32> to vector<1x16xf32>
        tpu.vector_store %swap3A_269[%swap3A_270, %swap3A_271], %swap3A_274 {strides = array<i32>} : memref<80x128xf32, #tpu.memory_space<vmem>>, vector<1x16xf32>,
        %scan3A_275 = arith.constant 0 : i32
        scf.yield %scan3A_275 : i32
      }
      %scan3A_129 = arith.constant 80 : i32
      %mul3A_130 = arith.constant 128 : i32
      %mul3A_131 = arith.muli %arg0, %mul3A_130 : i32
      "tpu.region"() ({
        %run_scoped3A = tpu.sem_alloc : memref<!tpu.dma_semaphore, #tpu.memory_space<semaphore_mem>>
        %dma_start3A = arith.constant 0 : i32
        %dma_start3A_132 = arith.constant 0 : i32
        %dma_start3A_133 = tpu.memref_slice %arg11[%dma_start3A, %dma_start3A_132] : memref<128x128xf32, #tpu.memory_space<vmem>> -> memref<80x128xf32, #tpu.memory_space<vmem>>
        %dma_start3A_134 = tpu.memref_slice %arg6[%mul3A_122, %mul3A_131] : memref<10000x256xf32, #tpu.memory_space<hbm>> -> memref<80x128xf32, #tpu.memory_space<hbm>>
        %dma_start3A_135 = tpu.memref_slice %arg6[%mul3A_122, %mul3A_131] : memref<10000x256xf32, #tpu.memory_space<hbm>> -> memref<80x128xf32, #tpu.memory_space<hbm>>
        %dma_start3A_136 = arith.constant 0 : i32
        %dma_start3A_137 = arith.constant 0 : i32
        %dma_start3A_138 = tpu.memref_slice %arg11[%dma_start3A_136, %dma_start3A_137] : memref<128x128xf32, #tpu.memory_space<vmem>> -> memref<80x128xf32, #tpu.memory_space<vmem>>
        tpu.enqueue_dma source(%dma_start3A_138 : memref<80x128xf32, #tpu.memory_space<vmem>>) target(%dma_start3A_135 : memref<80x128xf32, #tpu.memory_space<hbm>>) target_semaphore(%run_scoped3A : memref<!tpu.dma_semaphore, #tpu.memory_space<semaphore_mem>>)
        %dma_wait3A = arith.constant 0 : i32
        %dma_wait3A_139 = arith.constant 0 : i32
        %dma_wait3A_140 = tpu.memref_slice %arg11[%dma_wait3A, %dma_wait3A_139] : memref<128x128xf32, #tpu.memory_space<vmem>> -> memref<80x128xf32, #tpu.memory_space<vmem>>
        %dma_wait3A_141 = tpu.memref_slice %arg6[%mul3A_122, %mul3A_131] : memref<10000x256xf32, #tpu.memory_space<hbm>> -> memref<80x128xf32, #tpu.memory_space<hbm>>
        %dma_wait3A_142 = tpu.memref_slice %arg6[%mul3A_122, %mul3A_131] : memref<10000x256xf32, #tpu.memory_space<hbm>> -> memref<80x128xf32, #tpu.memory_space<hbm>>
        %dma_wait3A_143 = arith.constant 0 : i32
        %dma_wait3A_144 = arith.constant 0 : i32
        %dma_wait3A_145 = tpu.memref_slice %arg11[%dma_wait3A_143, %dma_wait3A_144] : memref<128x128xf32, #tpu.memory_space<vmem>> -> memref<80x128xf32, #tpu.memory_space<vmem>>
        tpu.wait_dma2 semaphore(%run_scoped3A : memref<!tpu.dma_semaphore, #tpu.memory_space<semaphore_mem>>) src(%dma_wait3A_145 : memref<80x128xf32, #tpu.memory_space<vmem>>) dst(%dma_wait3A_142 : memref<80x128xf32, #tpu.memory_space<hbm>>)
        tpu.yield
      }) : () -> ()
    } else {
    }
    %add3A_108 = arith.constant 96 : i32
    %add3A_109 = arith.addi %add3A_108, %arg1 : i32
    %lt3A_110 = arith.constant 125 : i32
    %lt3A_111 = arith.cmpi slt, %add3A_109, %lt3A_110 : i32
    %convert_element_type3A_112 = arith.extui %lt3A_111 : i1 to i32
    %cond3A_113 = arith.constant 0 : i32
    %cond3A_114 = arith.cmpi ne, %convert_element_type3A_112, %cond3A_113 : i32
    scf.if %cond3A_114 {
      %mul3A = arith.constant 80 : i32
      %mul3A_122 = arith.muli %add3A_109, %mul3A : i32
      "tpu.region"() ({
        %run_scoped3A = tpu.sem_alloc : memref<!tpu.dma_semaphore, #tpu.memory_space<semaphore_mem>>
        %dma_start3A = arith.constant 0 : i32
        %dma_start3A_132 = arith.constant 0 : i32
        %dma_start3A_133 = tpu.memref_slice %arg11[%dma_start3A, %dma_start3A_132] : memref<128x128xf32, #tpu.memory_space<vmem>> -> memref<80x128xf32, #tpu.memory_space<vmem>>
        %dma_start3A_134 = arith.constant 0 : i32
        %dma_start3A_135 = tpu.memref_slice %arg7[%mul3A_122, %dma_start3A_134] : memref<10000x128xf32, #tpu.memory_space<vmem_shared>> -> memref<80x128xf32, #tpu.memory_space<vmem_shared>>
        %dma_start3A_136 = arith.constant 0 : i32
        %dma_start3A_137 = arith.constant 0 : i32
        %dma_start3A_138 = tpu.memref_slice %arg11[%dma_start3A_136, %dma_start3A_137] : memref<128x128xf32, #tpu.memory_space<vmem>> -> memref<80x128xf32, #tpu.memory_space<vmem>>
        %dma_start3A_139 = arith.constant 0 : i32
        %dma_start3A_140 = tpu.memref_slice %arg7[%mul3A_122, %dma_start3A_139] : memref<10000x128xf32, #tpu.memory_space<vmem_shared>> -> memref<80x128xf32, #tpu.memory_space<vmem_shared>>
        tpu.enqueue_dma source(%dma_start3A_140 : memref<80x128xf32, #tpu.memory_space<vmem_shared>>) target(%dma_start3A_138 : memref<80x128xf32, #tpu.memory_space<vmem>>) target_semaphore(%run_scoped3A : memref<!tpu.dma_semaphore, #tpu.memory_space<semaphore_mem>>)
        %dma_wait3A = arith.constant 0 : i32
        %dma_wait3A_141 = arith.constant 0 : i32
        %dma_wait3A_142 = tpu.memref_slice %arg11[%dma_wait3A, %dma_wait3A_141] : memref<128x128xf32, #tpu.memory_space<vmem>> -> memref<80x128xf32, #tpu.memory_space<vmem>>
        %dma_wait3A_143 = arith.constant 0 : i32
        %dma_wait3A_144 = tpu.memref_slice %arg7[%mul3A_122, %dma_wait3A_143] : memref<10000x128xf32, #tpu.memory_space<vmem_shared>> -> memref<80x128xf32, #tpu.memory_space<vmem_shared>>
        %dma_wait3A_145 = arith.constant 0 : i32
        %dma_wait3A_146 = arith.constant 0 : i32
        %dma_wait3A_147 = tpu.memref_slice %arg11[%dma_wait3A_145, %dma_wait3A_146] : memref<128x128xf32, #tpu.memory_space<vmem>> -> memref<80x128xf32, #tpu.memory_space<vmem>>
        %dma_wait3A_148 = arith.constant 0 : i32
        %dma_wait3A_149 = tpu.memref_slice %arg7[%mul3A_122, %dma_wait3A_148] : memref<10000x128xf32, #tpu.memory_space<vmem_shared>> -> memref<80x128xf32, #tpu.memory_space<vmem_shared>>
        tpu.wait_dma2 semaphore(%run_scoped3A : memref<!tpu.dma_semaphore, #tpu.memory_space<semaphore_mem>>) src(%dma_wait3A_149 : memref<80x128xf32, #tpu.memory_space<vmem_shared>>) dst(%dma_wait3A_147 : memref<80x128xf32, #tpu.memory_space<vmem>>)
        tpu.yield
      }) : () -> ()
      %scan3A_123 = arith.constant 0 : i32
      %scan3A_124 = arith.constant 0 : i32
      %scan3A_125 = arith.constant 80 : i32
      %scan3A_126 = arith.addi %scan3A_124, %scan3A_125 : i32
      %scan3A_127 = arith.constant 1 : i32
      %scan3A_128 = scf.for %scan3A_132 = %scan3A_124 to %scan3A_126 step %scan3A_127 iter_args(%scan3A_133 = %scan3A_123) -> (i32)  : i32 {
        %get3A = arith.constant 0 : i32
        %get3A_134 = arith.constant 0 : i32
        %get3A_135 = tpu.memref_slice %arg11[%get3A, %get3A_134] : memref<128x128xf32, #tpu.memory_space<vmem>> -> memref<80x128xf32, #tpu.memory_space<vmem>>
        %get3A_136 = arith.index_cast %scan3A_132 : i32 to index
        %get3A_137 = arith.constant 0 : index
        %get3A_138 = tpu.vector_load %get3A_135[%get3A_136, %get3A_137] {strides = array<i32>} : memref<80x128xf32, #tpu.memory_space<vmem>>, vector<1x16xf32>,
        %get3A_139 = vector.shape_cast %get3A_138 : vector<1x16xf32> to vector<16xf32>
        %max3A = arith.constant 0.000000e+00 : f32
        %max3A_140 = vector.broadcast %max3A : f32 to vector<16xf32>
        %max3A_141 = arith.maximumf %get3A_139, %max3A_140 : vector<16xf32>
        %swap3A = arith.constant 0 : i32
        %swap3A_142 = arith.constant 0 : i32
        %swap3A_143 = tpu.memref_slice %arg11[%swap3A, %swap3A_142] : memref<128x128xf32, #tpu.memory_space<vmem>> -> memref<80x128xf32, #tpu.memory_space<vmem>>
        %swap3A_144 = arith.index_cast %scan3A_132 : i32 to index
        %swap3A_145 = arith.constant 0 : index
        %swap3A_146 = tpu.vector_load %swap3A_143[%swap3A_144, %swap3A_145] {strides = array<i32>} : memref<80x128xf32, #tpu.memory_space<vmem>>, vector<1x16xf32>,
        %swap3A_147 = vector.shape_cast %swap3A_146 : vector<1x16xf32> to vector<16xf32>
        %swap3A_148 = vector.shape_cast %max3A_141 : vector<16xf32> to vector<1x16xf32>
        tpu.vector_store %swap3A_143[%swap3A_144, %swap3A_145], %swap3A_148 {strides = array<i32>} : memref<80x128xf32, #tpu.memory_space<vmem>>, vector<1x16xf32>,
        %get3A_149 = arith.constant 0 : i32
        %get3A_150 = arith.constant 0 : i32
        %get3A_151 = tpu.memref_slice %arg11[%get3A_149, %get3A_150] : memref<128x128xf32, #tpu.memory_space<vmem>> -> memref<80x128xf32, #tpu.memory_space<vmem>>
        %get3A_152 = arith.index_cast %scan3A_132 : i32 to index
        %get3A_153 = arith.constant 16 : index
        %get3A_154 = tpu.vector_load %get3A_151[%get3A_152, %get3A_153] {strides = array<i32>} : memref<80x128xf32, #tpu.memory_space<vmem>>, vector<1x16xf32>,
        %get3A_155 = vector.shape_cast %get3A_154 : vector<1x16xf32> to vector<16xf32>
        %max3A_156 = arith.constant 0.000000e+00 : f32
        %max3A_157 = vector.broadcast %max3A_156 : f32 to vector<16xf32>
        %max3A_158 = arith.maximumf %get3A_155, %max3A_157 : vector<16xf32>
        %swap3A_159 = arith.constant 0 : i32
        %swap3A_160 = arith.constant 0 : i32
        %swap3A_161 = tpu.memref_slice %arg11[%swap3A_159, %swap3A_160] : memref<128x128xf32, #tpu.memory_space<vmem>> -> memref<80x128xf32, #tpu.memory_space<vmem>>
        %swap3A_162 = arith.index_cast %scan3A_132 : i32 to index
        %swap3A_163 = arith.constant 16 : index
        %swap3A_164 = tpu.vector_load %swap3A_161[%swap3A_162, %swap3A_163] {strides = array<i32>} : memref<80x128xf32, #tpu.memory_space<vmem>>, vector<1x16xf32>,
        %swap3A_165 = vector.shape_cast %swap3A_164 : vector<1x16xf32> to vector<16xf32>
        %swap3A_166 = vector.shape_cast %max3A_158 : vector<16xf32> to vector<1x16xf32>
        tpu.vector_store %swap3A_161[%swap3A_162, %swap3A_163], %swap3A_166 {strides = array<i32>} : memref<80x128xf32, #tpu.memory_space<vmem>>, vector<1x16xf32>,
        %get3A_167 = arith.constant 0 : i32
        %get3A_168 = arith.constant 0 : i32
        %get3A_169 = tpu.memref_slice %arg11[%get3A_167, %get3A_168] : memref<128x128xf32, #tpu.memory_space<vmem>> -> memref<80x128xf32, #tpu.memory_space<vmem>>
        %get3A_170 = arith.index_cast %scan3A_132 : i32 to index
        %get3A_171 = arith.constant 32 : index
        %get3A_172 = tpu.vector_load %get3A_169[%get3A_170, %get3A_171] {strides = array<i32>} : memref<80x128xf32, #tpu.memory_space<vmem>>, vector<1x16xf32>,
        %get3A_173 = vector.shape_cast %get3A_172 : vector<1x16xf32> to vector<16xf32>
        %max3A_174 = arith.constant 0.000000e+00 : f32
        %max3A_175 = vector.broadcast %max3A_174 : f32 to vector<16xf32>
        %max3A_176 = arith.maximumf %get3A_173, %max3A_175 : vector<16xf32>
        %swap3A_177 = arith.constant 0 : i32
        %swap3A_178 = arith.constant 0 : i32
        %swap3A_179 = tpu.memref_slice %arg11[%swap3A_177, %swap3A_178] : memref<128x128xf32, #tpu.memory_space<vmem>> -> memref<80x128xf32, #tpu.memory_space<vmem>>
        %swap3A_180 = arith.index_cast %scan3A_132 : i32 to index
        %swap3A_181 = arith.constant 32 : index
        %swap3A_182 = tpu.vector_load %swap3A_179[%swap3A_180, %swap3A_181] {strides = array<i32>} : memref<80x128xf32, #tpu.memory_space<vmem>>, vector<1x16xf32>,
        %swap3A_183 = vector.shape_cast %swap3A_182 : vector<1x16xf32> to vector<16xf32>
        %swap3A_184 = vector.shape_cast %max3A_176 : vector<16xf32> to vector<1x16xf32>
        tpu.vector_store %swap3A_179[%swap3A_180, %swap3A_181], %swap3A_184 {strides = array<i32>} : memref<80x128xf32, #tpu.memory_space<vmem>>, vector<1x16xf32>,
        %get3A_185 = arith.constant 0 : i32
        %get3A_186 = arith.constant 0 : i32
        %get3A_187 = tpu.memref_slice %arg11[%get3A_185, %get3A_186] : memref<128x128xf32, #tpu.memory_space<vmem>> -> memref<80x128xf32, #tpu.memory_space<vmem>>
        %get3A_188 = arith.index_cast %scan3A_132 : i32 to index
        %get3A_189 = arith.constant 48 : index
        %get3A_190 = tpu.vector_load %get3A_187[%get3A_188, %get3A_189] {strides = array<i32>} : memref<80x128xf32, #tpu.memory_space<vmem>>, vector<1x16xf32>,
        %get3A_191 = vector.shape_cast %get3A_190 : vector<1x16xf32> to vector<16xf32>
        %max3A_192 = arith.constant 0.000000e+00 : f32
        %max3A_193 = vector.broadcast %max3A_192 : f32 to vector<16xf32>
        %max3A_194 = arith.maximumf %get3A_191, %max3A_193 : vector<16xf32>
        %swap3A_195 = arith.constant 0 : i32
        %swap3A_196 = arith.constant 0 : i32
        %swap3A_197 = tpu.memref_slice %arg11[%swap3A_195, %swap3A_196] : memref<128x128xf32, #tpu.memory_space<vmem>> -> memref<80x128xf32, #tpu.memory_space<vmem>>
        %swap3A_198 = arith.index_cast %scan3A_132 : i32 to index
        %swap3A_199 = arith.constant 48 : index
        %swap3A_200 = tpu.vector_load %swap3A_197[%swap3A_198, %swap3A_199] {strides = array<i32>} : memref<80x128xf32, #tpu.memory_space<vmem>>, vector<1x16xf32>,
        %swap3A_201 = vector.shape_cast %swap3A_200 : vector<1x16xf32> to vector<16xf32>
        %swap3A_202 = vector.shape_cast %max3A_194 : vector<16xf32> to vector<1x16xf32>
        tpu.vector_store %swap3A_197[%swap3A_198, %swap3A_199], %swap3A_202 {strides = array<i32>} : memref<80x128xf32, #tpu.memory_space<vmem>>, vector<1x16xf32>,
        %get3A_203 = arith.constant 0 : i32
        %get3A_204 = arith.constant 0 : i32
        %get3A_205 = tpu.memref_slice %arg11[%get3A_203, %get3A_204] : memref<128x128xf32, #tpu.memory_space<vmem>> -> memref<80x128xf32, #tpu.memory_space<vmem>>
        %get3A_206 = arith.index_cast %scan3A_132 : i32 to index
        %get3A_207 = arith.constant 64 : index
        %get3A_208 = tpu.vector_load %get3A_205[%get3A_206, %get3A_207] {strides = array<i32>} : memref<80x128xf32, #tpu.memory_space<vmem>>, vector<1x16xf32>,
        %get3A_209 = vector.shape_cast %get3A_208 : vector<1x16xf32> to vector<16xf32>
        %max3A_210 = arith.constant 0.000000e+00 : f32
        %max3A_211 = vector.broadcast %max3A_210 : f32 to vector<16xf32>
        %max3A_212 = arith.maximumf %get3A_209, %max3A_211 : vector<16xf32>
        %swap3A_213 = arith.constant 0 : i32
        %swap3A_214 = arith.constant 0 : i32
        %swap3A_215 = tpu.memref_slice %arg11[%swap3A_213, %swap3A_214] : memref<128x128xf32, #tpu.memory_space<vmem>> -> memref<80x128xf32, #tpu.memory_space<vmem>>
        %swap3A_216 = arith.index_cast %scan3A_132 : i32 to index
        %swap3A_217 = arith.constant 64 : index
        %swap3A_218 = tpu.vector_load %swap3A_215[%swap3A_216, %swap3A_217] {strides = array<i32>} : memref<80x128xf32, #tpu.memory_space<vmem>>, vector<1x16xf32>,
        %swap3A_219 = vector.shape_cast %swap3A_218 : vector<1x16xf32> to vector<16xf32>
        %swap3A_220 = vector.shape_cast %max3A_212 : vector<16xf32> to vector<1x16xf32>
        tpu.vector_store %swap3A_215[%swap3A_216, %swap3A_217], %swap3A_220 {strides = array<i32>} : memref<80x128xf32, #tpu.memory_space<vmem>>, vector<1x16xf32>,
        %get3A_221 = arith.constant 0 : i32
        %get3A_222 = arith.constant 0 : i32
        %get3A_223 = tpu.memref_slice %arg11[%get3A_221, %get3A_222] : memref<128x128xf32, #tpu.memory_space<vmem>> -> memref<80x128xf32, #tpu.memory_space<vmem>>
        %get3A_224 = arith.index_cast %scan3A_132 : i32 to index
        %get3A_225 = arith.constant 80 : index
        %get3A_226 = tpu.vector_load %get3A_223[%get3A_224, %get3A_225] {strides = array<i32>} : memref<80x128xf32, #tpu.memory_space<vmem>>, vector<1x16xf32>,
        %get3A_227 = vector.shape_cast %get3A_226 : vector<1x16xf32> to vector<16xf32>
        %max3A_228 = arith.constant 0.000000e+00 : f32
        %max3A_229 = vector.broadcast %max3A_228 : f32 to vector<16xf32>
        %max3A_230 = arith.maximumf %get3A_227, %max3A_229 : vector<16xf32>
        %swap3A_231 = arith.constant 0 : i32
        %swap3A_232 = arith.constant 0 : i32
        %swap3A_233 = tpu.memref_slice %arg11[%swap3A_231, %swap3A_232] : memref<128x128xf32, #tpu.memory_space<vmem>> -> memref<80x128xf32, #tpu.memory_space<vmem>>
        %swap3A_234 = arith.index_cast %scan3A_132 : i32 to index
        %swap3A_235 = arith.constant 80 : index
        %swap3A_236 = tpu.vector_load %swap3A_233[%swap3A_234, %swap3A_235] {strides = array<i32>} : memref<80x128xf32, #tpu.memory_space<vmem>>, vector<1x16xf32>,
        %swap3A_237 = vector.shape_cast %swap3A_236 : vector<1x16xf32> to vector<16xf32>
        %swap3A_238 = vector.shape_cast %max3A_230 : vector<16xf32> to vector<1x16xf32>
        tpu.vector_store %swap3A_233[%swap3A_234, %swap3A_235], %swap3A_238 {strides = array<i32>} : memref<80x128xf32, #tpu.memory_space<vmem>>, vector<1x16xf32>,
        %get3A_239 = arith.constant 0 : i32
        %get3A_240 = arith.constant 0 : i32
        %get3A_241 = tpu.memref_slice %arg11[%get3A_239, %get3A_240] : memref<128x128xf32, #tpu.memory_space<vmem>> -> memref<80x128xf32, #tpu.memory_space<vmem>>
        %get3A_242 = arith.index_cast %scan3A_132 : i32 to index
        %get3A_243 = arith.constant 96 : index
        %get3A_244 = tpu.vector_load %get3A_241[%get3A_242, %get3A_243] {strides = array<i32>} : memref<80x128xf32, #tpu.memory_space<vmem>>, vector<1x16xf32>,
        %get3A_245 = vector.shape_cast %get3A_244 : vector<1x16xf32> to vector<16xf32>
        %max3A_246 = arith.constant 0.000000e+00 : f32
        %max3A_247 = vector.broadcast %max3A_246 : f32 to vector<16xf32>
        %max3A_248 = arith.maximumf %get3A_245, %max3A_247 : vector<16xf32>
        %swap3A_249 = arith.constant 0 : i32
        %swap3A_250 = arith.constant 0 : i32
        %swap3A_251 = tpu.memref_slice %arg11[%swap3A_249, %swap3A_250] : memref<128x128xf32, #tpu.memory_space<vmem>> -> memref<80x128xf32, #tpu.memory_space<vmem>>
        %swap3A_252 = arith.index_cast %scan3A_132 : i32 to index
        %swap3A_253 = arith.constant 96 : index
        %swap3A_254 = tpu.vector_load %swap3A_251[%swap3A_252, %swap3A_253] {strides = array<i32>} : memref<80x128xf32, #tpu.memory_space<vmem>>, vector<1x16xf32>,
        %swap3A_255 = vector.shape_cast %swap3A_254 : vector<1x16xf32> to vector<16xf32>
        %swap3A_256 = vector.shape_cast %max3A_248 : vector<16xf32> to vector<1x16xf32>
        tpu.vector_store %swap3A_251[%swap3A_252, %swap3A_253], %swap3A_256 {strides = array<i32>} : memref<80x128xf32, #tpu.memory_space<vmem>>, vector<1x16xf32>,
        %get3A_257 = arith.constant 0 : i32
        %get3A_258 = arith.constant 0 : i32
        %get3A_259 = tpu.memref_slice %arg11[%get3A_257, %get3A_258] : memref<128x128xf32, #tpu.memory_space<vmem>> -> memref<80x128xf32, #tpu.memory_space<vmem>>
        %get3A_260 = arith.index_cast %scan3A_132 : i32 to index
        %get3A_261 = arith.constant 112 : index
        %get3A_262 = tpu.vector_load %get3A_259[%get3A_260, %get3A_261] {strides = array<i32>} : memref<80x128xf32, #tpu.memory_space<vmem>>, vector<1x16xf32>,
        %get3A_263 = vector.shape_cast %get3A_262 : vector<1x16xf32> to vector<16xf32>
        %max3A_264 = arith.constant 0.000000e+00 : f32
        %max3A_265 = vector.broadcast %max3A_264 : f32 to vector<16xf32>
        %max3A_266 = arith.maximumf %get3A_263, %max3A_265 : vector<16xf32>
        %swap3A_267 = arith.constant 0 : i32
        %swap3A_268 = arith.constant 0 : i32
        %swap3A_269 = tpu.memref_slice %arg11[%swap3A_267, %swap3A_268] : memref<128x128xf32, #tpu.memory_space<vmem>> -> memref<80x128xf32, #tpu.memory_space<vmem>>
        %swap3A_270 = arith.index_cast %scan3A_132 : i32 to index
        %swap3A_271 = arith.constant 112 : index
        %swap3A_272 = tpu.vector_load %swap3A_269[%swap3A_270, %swap3A_271] {strides = array<i32>} : memref<80x128xf32, #tpu.memory_space<vmem>>, vector<1x16xf32>,
        %swap3A_273 = vector.shape_cast %swap3A_272 : vector<1x16xf32> to vector<16xf32>
        %swap3A_274 = vector.shape_cast %max3A_266 : vector<16xf32> to vector<1x16xf32>
        tpu.vector_store %swap3A_269[%swap3A_270, %swap3A_271], %swap3A_274 {strides = array<i32>} : memref<80x128xf32, #tpu.memory_space<vmem>>, vector<1x16xf32>,
        %scan3A_275 = arith.constant 0 : i32
        scf.yield %scan3A_275 : i32
      }
      %scan3A_129 = arith.constant 80 : i32
      %mul3A_130 = arith.constant 128 : i32
      %mul3A_131 = arith.muli %arg0, %mul3A_130 : i32
      "tpu.region"() ({
        %run_scoped3A = tpu.sem_alloc : memref<!tpu.dma_semaphore, #tpu.memory_space<semaphore_mem>>
        %dma_start3A = arith.constant 0 : i32
        %dma_start3A_132 = arith.constant 0 : i32
        %dma_start3A_133 = tpu.memref_slice %arg11[%dma_start3A, %dma_start3A_132] : memref<128x128xf32, #tpu.memory_space<vmem>> -> memref<80x128xf32, #tpu.memory_space<vmem>>
        %dma_start3A_134 = tpu.memref_slice %arg6[%mul3A_122, %mul3A_131] : memref<10000x256xf32, #tpu.memory_space<hbm>> -> memref<80x128xf32, #tpu.memory_space<hbm>>
        %dma_start3A_135 = tpu.memref_slice %arg6[%mul3A_122, %mul3A_131] : memref<10000x256xf32, #tpu.memory_space<hbm>> -> memref<80x128xf32, #tpu.memory_space<hbm>>
        %dma_start3A_136 = arith.constant 0 : i32
        %dma_start3A_137 = arith.constant 0 : i32
        %dma_start3A_138 = tpu.memref_slice %arg11[%dma_start3A_136, %dma_start3A_137] : memref<128x128xf32, #tpu.memory_space<vmem>> -> memref<80x128xf32, #tpu.memory_space<vmem>>
        tpu.enqueue_dma source(%dma_start3A_138 : memref<80x128xf32, #tpu.memory_space<vmem>>) target(%dma_start3A_135 : memref<80x128xf32, #tpu.memory_space<hbm>>) target_semaphore(%run_scoped3A : memref<!tpu.dma_semaphore, #tpu.memory_space<semaphore_mem>>)
        %dma_wait3A = arith.constant 0 : i32
        %dma_wait3A_139 = arith.constant 0 : i32
        %dma_wait3A_140 = tpu.memref_slice %arg11[%dma_wait3A, %dma_wait3A_139] : memref<128x128xf32, #tpu.memory_space<vmem>> -> memref<80x128xf32, #tpu.memory_space<vmem>>
        %dma_wait3A_141 = tpu.memref_slice %arg6[%mul3A_122, %mul3A_131] : memref<10000x256xf32, #tpu.memory_space<hbm>> -> memref<80x128xf32, #tpu.memory_space<hbm>>
        %dma_wait3A_142 = tpu.memref_slice %arg6[%mul3A_122, %mul3A_131] : memref<10000x256xf32, #tpu.memory_space<hbm>> -> memref<80x128xf32, #tpu.memory_space<hbm>>
        %dma_wait3A_143 = arith.constant 0 : i32
        %dma_wait3A_144 = arith.constant 0 : i32
        %dma_wait3A_145 = tpu.memref_slice %arg11[%dma_wait3A_143, %dma_wait3A_144] : memref<128x128xf32, #tpu.memory_space<vmem>> -> memref<80x128xf32, #tpu.memory_space<vmem>>
        tpu.wait_dma2 semaphore(%run_scoped3A : memref<!tpu.dma_semaphore, #tpu.memory_space<semaphore_mem>>) src(%dma_wait3A_145 : memref<80x128xf32, #tpu.memory_space<vmem>>) dst(%dma_wait3A_142 : memref<80x128xf32, #tpu.memory_space<hbm>>)
        tpu.yield
      }) : () -> ()
    } else {
    }
    %add3A_115 = arith.constant 112 : i32
    %add3A_116 = arith.addi %add3A_115, %arg1 : i32
    %lt3A_117 = arith.constant 125 : i32
    %lt3A_118 = arith.cmpi slt, %add3A_116, %lt3A_117 : i32
    %convert_element_type3A_119 = arith.extui %lt3A_118 : i1 to i32
    %cond3A_120 = arith.constant 0 : i32
    %cond3A_121 = arith.cmpi ne, %convert_element_type3A_119, %cond3A_120 : i32
    scf.if %cond3A_121 {
      %mul3A = arith.constant 80 : i32
      %mul3A_122 = arith.muli %add3A_116, %mul3A : i32
      "tpu.region"() ({
        %run_scoped3A = tpu.sem_alloc : memref<!tpu.dma_semaphore, #tpu.memory_space<semaphore_mem>>
        %dma_start3A = arith.constant 0 : i32
        %dma_start3A_132 = arith.constant 0 : i32
        %dma_start3A_133 = tpu.memref_slice %arg11[%dma_start3A, %dma_start3A_132] : memref<128x128xf32, #tpu.memory_space<vmem>> -> memref<80x128xf32, #tpu.memory_space<vmem>>
        %dma_start3A_134 = arith.constant 0 : i32
        %dma_start3A_135 = tpu.memref_slice %arg7[%mul3A_122, %dma_start3A_134] : memref<10000x128xf32, #tpu.memory_space<vmem_shared>> -> memref<80x128xf32, #tpu.memory_space<vmem_shared>>
        %dma_start3A_136 = arith.constant 0 : i32
        %dma_start3A_137 = arith.constant 0 : i32
        %dma_start3A_138 = tpu.memref_slice %arg11[%dma_start3A_136, %dma_start3A_137] : memref<128x128xf32, #tpu.memory_space<vmem>> -> memref<80x128xf32, #tpu.memory_space<vmem>>
        %dma_start3A_139 = arith.constant 0 : i32
        %dma_start3A_140 = tpu.memref_slice %arg7[%mul3A_122, %dma_start3A_139] : memref<10000x128xf32, #tpu.memory_space<vmem_shared>> -> memref<80x128xf32, #tpu.memory_space<vmem_shared>>
        tpu.enqueue_dma source(%dma_start3A_140 : memref<80x128xf32, #tpu.memory_space<vmem_shared>>) target(%dma_start3A_138 : memref<80x128xf32, #tpu.memory_space<vmem>>) target_semaphore(%run_scoped3A : memref<!tpu.dma_semaphore, #tpu.memory_space<semaphore_mem>>)
        %dma_wait3A = arith.constant 0 : i32
        %dma_wait3A_141 = arith.constant 0 : i32
        %dma_wait3A_142 = tpu.memref_slice %arg11[%dma_wait3A, %dma_wait3A_141] : memref<128x128xf32, #tpu.memory_space<vmem>> -> memref<80x128xf32, #tpu.memory_space<vmem>>
        %dma_wait3A_143 = arith.constant 0 : i32
        %dma_wait3A_144 = tpu.memref_slice %arg7[%mul3A_122, %dma_wait3A_143] : memref<10000x128xf32, #tpu.memory_space<vmem_shared>> -> memref<80x128xf32, #tpu.memory_space<vmem_shared>>
        %dma_wait3A_145 = arith.constant 0 : i32
        %dma_wait3A_146 = arith.constant 0 : i32
        %dma_wait3A_147 = tpu.memref_slice %arg11[%dma_wait3A_145, %dma_wait3A_146] : memref<128x128xf32, #tpu.memory_space<vmem>> -> memref<80x128xf32, #tpu.memory_space<vmem>>
        %dma_wait3A_148 = arith.constant 0 : i32
        %dma_wait3A_149 = tpu.memref_slice %arg7[%mul3A_122, %dma_wait3A_148] : memref<10000x128xf32, #tpu.memory_space<vmem_shared>> -> memref<80x128xf32, #tpu.memory_space<vmem_shared>>
        tpu.wait_dma2 semaphore(%run_scoped3A : memref<!tpu.dma_semaphore, #tpu.memory_space<semaphore_mem>>) src(%dma_wait3A_149 : memref<80x128xf32, #tpu.memory_space<vmem_shared>>) dst(%dma_wait3A_147 : memref<80x128xf32, #tpu.memory_space<vmem>>)
        tpu.yield
      }) : () -> ()
      %scan3A_123 = arith.constant 0 : i32
      %scan3A_124 = arith.constant 0 : i32
      %scan3A_125 = arith.constant 80 : i32
      %scan3A_126 = arith.addi %scan3A_124, %scan3A_125 : i32
      %scan3A_127 = arith.constant 1 : i32
      %scan3A_128 = scf.for %scan3A_132 = %scan3A_124 to %scan3A_126 step %scan3A_127 iter_args(%scan3A_133 = %scan3A_123) -> (i32)  : i32 {
        %get3A = arith.constant 0 : i32
        %get3A_134 = arith.constant 0 : i32
        %get3A_135 = tpu.memref_slice %arg11[%get3A, %get3A_134] : memref<128x128xf32, #tpu.memory_space<vmem>> -> memref<80x128xf32, #tpu.memory_space<vmem>>
        %get3A_136 = arith.index_cast %scan3A_132 : i32 to index
        %get3A_137 = arith.constant 0 : index
        %get3A_138 = tpu.vector_load %get3A_135[%get3A_136, %get3A_137] {strides = array<i32>} : memref<80x128xf32, #tpu.memory_space<vmem>>, vector<1x16xf32>,
        %get3A_139 = vector.shape_cast %get3A_138 : vector<1x16xf32> to vector<16xf32>
        %max3A = arith.constant 0.000000e+00 : f32
        %max3A_140 = vector.broadcast %max3A : f32 to vector<16xf32>
        %max3A_141 = arith.maximumf %get3A_139, %max3A_140 : vector<16xf32>
        %swap3A = arith.constant 0 : i32
        %swap3A_142 = arith.constant 0 : i32
        %swap3A_143 = tpu.memref_slice %arg11[%swap3A, %swap3A_142] : memref<128x128xf32, #tpu.memory_space<vmem>> -> memref<80x128xf32, #tpu.memory_space<vmem>>
        %swap3A_144 = arith.index_cast %scan3A_132 : i32 to index
        %swap3A_145 = arith.constant 0 : index
        %swap3A_146 = tpu.vector_load %swap3A_143[%swap3A_144, %swap3A_145] {strides = array<i32>} : memref<80x128xf32, #tpu.memory_space<vmem>>, vector<1x16xf32>,
        %swap3A_147 = vector.shape_cast %swap3A_146 : vector<1x16xf32> to vector<16xf32>
        %swap3A_148 = vector.shape_cast %max3A_141 : vector<16xf32> to vector<1x16xf32>
        tpu.vector_store %swap3A_143[%swap3A_144, %swap3A_145], %swap3A_148 {strides = array<i32>} : memref<80x128xf32, #tpu.memory_space<vmem>>, vector<1x16xf32>,
        %get3A_149 = arith.constant 0 : i32
        %get3A_150 = arith.constant 0 : i32
        %get3A_151 = tpu.memref_slice %arg11[%get3A_149, %get3A_150] : memref<128x128xf32, #tpu.memory_space<vmem>> -> memref<80x128xf32, #tpu.memory_space<vmem>>
        %get3A_152 = arith.index_cast %scan3A_132 : i32 to index
        %get3A_153 = arith.constant 16 : index
        %get3A_154 = tpu.vector_load %get3A_151[%get3A_152, %get3A_153] {strides = array<i32>} : memref<80x128xf32, #tpu.memory_space<vmem>>, vector<1x16xf32>,
        %get3A_155 = vector.shape_cast %get3A_154 : vector<1x16xf32> to vector<16xf32>
        %max3A_156 = arith.constant 0.000000e+00 : f32
        %max3A_157 = vector.broadcast %max3A_156 : f32 to vector<16xf32>
        %max3A_158 = arith.maximumf %get3A_155, %max3A_157 : vector<16xf32>
        %swap3A_159 = arith.constant 0 : i32
        %swap3A_160 = arith.constant 0 : i32
        %swap3A_161 = tpu.memref_slice %arg11[%swap3A_159, %swap3A_160] : memref<128x128xf32, #tpu.memory_space<vmem>> -> memref<80x128xf32, #tpu.memory_space<vmem>>
        %swap3A_162 = arith.index_cast %scan3A_132 : i32 to index
        %swap3A_163 = arith.constant 16 : index
        %swap3A_164 = tpu.vector_load %swap3A_161[%swap3A_162, %swap3A_163] {strides = array<i32>} : memref<80x128xf32, #tpu.memory_space<vmem>>, vector<1x16xf32>,
        %swap3A_165 = vector.shape_cast %swap3A_164 : vector<1x16xf32> to vector<16xf32>
        %swap3A_166 = vector.shape_cast %max3A_158 : vector<16xf32> to vector<1x16xf32>
        tpu.vector_store %swap3A_161[%swap3A_162, %swap3A_163], %swap3A_166 {strides = array<i32>} : memref<80x128xf32, #tpu.memory_space<vmem>>, vector<1x16xf32>,
        %get3A_167 = arith.constant 0 : i32
        %get3A_168 = arith.constant 0 : i32
        %get3A_169 = tpu.memref_slice %arg11[%get3A_167, %get3A_168] : memref<128x128xf32, #tpu.memory_space<vmem>> -> memref<80x128xf32, #tpu.memory_space<vmem>>
        %get3A_170 = arith.index_cast %scan3A_132 : i32 to index
        %get3A_171 = arith.constant 32 : index
        %get3A_172 = tpu.vector_load %get3A_169[%get3A_170, %get3A_171] {strides = array<i32>} : memref<80x128xf32, #tpu.memory_space<vmem>>, vector<1x16xf32>,
        %get3A_173 = vector.shape_cast %get3A_172 : vector<1x16xf32> to vector<16xf32>
        %max3A_174 = arith.constant 0.000000e+00 : f32
        %max3A_175 = vector.broadcast %max3A_174 : f32 to vector<16xf32>
        %max3A_176 = arith.maximumf %get3A_173, %max3A_175 : vector<16xf32>
        %swap3A_177 = arith.constant 0 : i32
        %swap3A_178 = arith.constant 0 : i32
        %swap3A_179 = tpu.memref_slice %arg11[%swap3A_177, %swap3A_178] : memref<128x128xf32, #tpu.memory_space<vmem>> -> memref<80x128xf32, #tpu.memory_space<vmem>>
        %swap3A_180 = arith.index_cast %scan3A_132 : i32 to index
        %swap3A_181 = arith.constant 32 : index
        %swap3A_182 = tpu.vector_load %swap3A_179[%swap3A_180, %swap3A_181] {strides = array<i32>} : memref<80x128xf32, #tpu.memory_space<vmem>>, vector<1x16xf32>,
        %swap3A_183 = vector.shape_cast %swap3A_182 : vector<1x16xf32> to vector<16xf32>
        %swap3A_184 = vector.shape_cast %max3A_176 : vector<16xf32> to vector<1x16xf32>
        tpu.vector_store %swap3A_179[%swap3A_180, %swap3A_181], %swap3A_184 {strides = array<i32>} : memref<80x128xf32, #tpu.memory_space<vmem>>, vector<1x16xf32>,
        %get3A_185 = arith.constant 0 : i32
        %get3A_186 = arith.constant 0 : i32
        %get3A_187 = tpu.memref_slice %arg11[%get3A_185, %get3A_186] : memref<128x128xf32, #tpu.memory_space<vmem>> -> memref<80x128xf32, #tpu.memory_space<vmem>>
        %get3A_188 = arith.index_cast %scan3A_132 : i32 to index
        %get3A_189 = arith.constant 48 : index
        %get3A_190 = tpu.vector_load %get3A_187[%get3A_188, %get3A_189] {strides = array<i32>} : memref<80x128xf32, #tpu.memory_space<vmem>>, vector<1x16xf32>,
        %get3A_191 = vector.shape_cast %get3A_190 : vector<1x16xf32> to vector<16xf32>
        %max3A_192 = arith.constant 0.000000e+00 : f32
        %max3A_193 = vector.broadcast %max3A_192 : f32 to vector<16xf32>
        %max3A_194 = arith.maximumf %get3A_191, %max3A_193 : vector<16xf32>
        %swap3A_195 = arith.constant 0 : i32
        %swap3A_196 = arith.constant 0 : i32
        %swap3A_197 = tpu.memref_slice %arg11[%swap3A_195, %swap3A_196] : memref<128x128xf32, #tpu.memory_space<vmem>> -> memref<80x128xf32, #tpu.memory_space<vmem>>
        %swap3A_198 = arith.index_cast %scan3A_132 : i32 to index
        %swap3A_199 = arith.constant 48 : index
        %swap3A_200 = tpu.vector_load %swap3A_197[%swap3A_198, %swap3A_199] {strides = array<i32>} : memref<80x128xf32, #tpu.memory_space<vmem>>, vector<1x16xf32>,
        %swap3A_201 = vector.shape_cast %swap3A_200 : vector<1x16xf32> to vector<16xf32>
        %swap3A_202 = vector.shape_cast %max3A_194 : vector<16xf32> to vector<1x16xf32>
        tpu.vector_store %swap3A_197[%swap3A_198, %swap3A_199], %swap3A_202 {strides = array<i32>} : memref<80x128xf32, #tpu.memory_space<vmem>>, vector<1x16xf32>,
        %get3A_203 = arith.constant 0 : i32
        %get3A_204 = arith.constant 0 : i32
        %get3A_205 = tpu.memref_slice %arg11[%get3A_203, %get3A_204] : memref<128x128xf32, #tpu.memory_space<vmem>> -> memref<80x128xf32, #tpu.memory_space<vmem>>
        %get3A_206 = arith.index_cast %scan3A_132 : i32 to index
        %get3A_207 = arith.constant 64 : index
        %get3A_208 = tpu.vector_load %get3A_205[%get3A_206, %get3A_207] {strides = array<i32>} : memref<80x128xf32, #tpu.memory_space<vmem>>, vector<1x16xf32>,
        %get3A_209 = vector.shape_cast %get3A_208 : vector<1x16xf32> to vector<16xf32>
        %max3A_210 = arith.constant 0.000000e+00 : f32
        %max3A_211 = vector.broadcast %max3A_210 : f32 to vector<16xf32>
        %max3A_212 = arith.maximumf %get3A_209, %max3A_211 : vector<16xf32>
        %swap3A_213 = arith.constant 0 : i32
        %swap3A_214 = arith.constant 0 : i32
        %swap3A_215 = tpu.memref_slice %arg11[%swap3A_213, %swap3A_214] : memref<128x128xf32, #tpu.memory_space<vmem>> -> memref<80x128xf32, #tpu.memory_space<vmem>>
        %swap3A_216 = arith.index_cast %scan3A_132 : i32 to index
        %swap3A_217 = arith.constant 64 : index
        %swap3A_218 = tpu.vector_load %swap3A_215[%swap3A_216, %swap3A_217] {strides = array<i32>} : memref<80x128xf32, #tpu.memory_space<vmem>>, vector<1x16xf32>,
        %swap3A_219 = vector.shape_cast %swap3A_218 : vector<1x16xf32> to vector<16xf32>
        %swap3A_220 = vector.shape_cast %max3A_212 : vector<16xf32> to vector<1x16xf32>
        tpu.vector_store %swap3A_215[%swap3A_216, %swap3A_217], %swap3A_220 {strides = array<i32>} : memref<80x128xf32, #tpu.memory_space<vmem>>, vector<1x16xf32>,
        %get3A_221 = arith.constant 0 : i32
        %get3A_222 = arith.constant 0 : i32
        %get3A_223 = tpu.memref_slice %arg11[%get3A_221, %get3A_222] : memref<128x128xf32, #tpu.memory_space<vmem>> -> memref<80x128xf32, #tpu.memory_space<vmem>>
        %get3A_224 = arith.index_cast %scan3A_132 : i32 to index
        %get3A_225 = arith.constant 80 : index
        %get3A_226 = tpu.vector_load %get3A_223[%get3A_224, %get3A_225] {strides = array<i32>} : memref<80x128xf32, #tpu.memory_space<vmem>>, vector<1x16xf32>,
        %get3A_227 = vector.shape_cast %get3A_226 : vector<1x16xf32> to vector<16xf32>
        %max3A_228 = arith.constant 0.000000e+00 : f32
        %max3A_229 = vector.broadcast %max3A_228 : f32 to vector<16xf32>
        %max3A_230 = arith.maximumf %get3A_227, %max3A_229 : vector<16xf32>
        %swap3A_231 = arith.constant 0 : i32
        %swap3A_232 = arith.constant 0 : i32
        %swap3A_233 = tpu.memref_slice %arg11[%swap3A_231, %swap3A_232] : memref<128x128xf32, #tpu.memory_space<vmem>> -> memref<80x128xf32, #tpu.memory_space<vmem>>
        %swap3A_234 = arith.index_cast %scan3A_132 : i32 to index
        %swap3A_235 = arith.constant 80 : index
        %swap3A_236 = tpu.vector_load %swap3A_233[%swap3A_234, %swap3A_235] {strides = array<i32>} : memref<80x128xf32, #tpu.memory_space<vmem>>, vector<1x16xf32>,
        %swap3A_237 = vector.shape_cast %swap3A_236 : vector<1x16xf32> to vector<16xf32>
        %swap3A_238 = vector.shape_cast %max3A_230 : vector<16xf32> to vector<1x16xf32>
        tpu.vector_store %swap3A_233[%swap3A_234, %swap3A_235], %swap3A_238 {strides = array<i32>} : memref<80x128xf32, #tpu.memory_space<vmem>>, vector<1x16xf32>,
        %get3A_239 = arith.constant 0 : i32
        %get3A_240 = arith.constant 0 : i32
        %get3A_241 = tpu.memref_slice %arg11[%get3A_239, %get3A_240] : memref<128x128xf32, #tpu.memory_space<vmem>> -> memref<80x128xf32, #tpu.memory_space<vmem>>
        %get3A_242 = arith.index_cast %scan3A_132 : i32 to index
        %get3A_243 = arith.constant 96 : index
        %get3A_244 = tpu.vector_load %get3A_241[%get3A_242, %get3A_243] {strides = array<i32>} : memref<80x128xf32, #tpu.memory_space<vmem>>, vector<1x16xf32>,
        %get3A_245 = vector.shape_cast %get3A_244 : vector<1x16xf32> to vector<16xf32>
        %max3A_246 = arith.constant 0.000000e+00 : f32
        %max3A_247 = vector.broadcast %max3A_246 : f32 to vector<16xf32>
        %max3A_248 = arith.maximumf %get3A_245, %max3A_247 : vector<16xf32>
        %swap3A_249 = arith.constant 0 : i32
        %swap3A_250 = arith.constant 0 : i32
        %swap3A_251 = tpu.memref_slice %arg11[%swap3A_249, %swap3A_250] : memref<128x128xf32, #tpu.memory_space<vmem>> -> memref<80x128xf32, #tpu.memory_space<vmem>>
        %swap3A_252 = arith.index_cast %scan3A_132 : i32 to index
        %swap3A_253 = arith.constant 96 : index
        %swap3A_254 = tpu.vector_load %swap3A_251[%swap3A_252, %swap3A_253] {strides = array<i32>} : memref<80x128xf32, #tpu.memory_space<vmem>>, vector<1x16xf32>,
        %swap3A_255 = vector.shape_cast %swap3A_254 : vector<1x16xf32> to vector<16xf32>
        %swap3A_256 = vector.shape_cast %max3A_248 : vector<16xf32> to vector<1x16xf32>
        tpu.vector_store %swap3A_251[%swap3A_252, %swap3A_253], %swap3A_256 {strides = array<i32>} : memref<80x128xf32, #tpu.memory_space<vmem>>, vector<1x16xf32>,
        %get3A_257 = arith.constant 0 : i32
        %get3A_258 = arith.constant 0 : i32
        %get3A_259 = tpu.memref_slice %arg11[%get3A_257, %get3A_258] : memref<128x128xf32, #tpu.memory_space<vmem>> -> memref<80x128xf32, #tpu.memory_space<vmem>>
        %get3A_260 = arith.index_cast %scan3A_132 : i32 to index
        %get3A_261 = arith.constant 112 : index
        %get3A_262 = tpu.vector_load %get3A_259[%get3A_260, %get3A_261] {strides = array<i32>} : memref<80x128xf32, #tpu.memory_space<vmem>>, vector<1x16xf32>,
        %get3A_263 = vector.shape_cast %get3A_262 : vector<1x16xf32> to vector<16xf32>
        %max3A_264 = arith.constant 0.000000e+00 : f32
        %max3A_265 = vector.broadcast %max3A_264 : f32 to vector<16xf32>
        %max3A_266 = arith.maximumf %get3A_263, %max3A_265 : vector<16xf32>
        %swap3A_267 = arith.constant 0 : i32
        %swap3A_268 = arith.constant 0 : i32
        %swap3A_269 = tpu.memref_slice %arg11[%swap3A_267, %swap3A_268] : memref<128x128xf32, #tpu.memory_space<vmem>> -> memref<80x128xf32, #tpu.memory_space<vmem>>
        %swap3A_270 = arith.index_cast %scan3A_132 : i32 to index
        %swap3A_271 = arith.constant 112 : index
        %swap3A_272 = tpu.vector_load %swap3A_269[%swap3A_270, %swap3A_271] {strides = array<i32>} : memref<80x128xf32, #tpu.memory_space<vmem>>, vector<1x16xf32>,
        %swap3A_273 = vector.shape_cast %swap3A_272 : vector<1x16xf32> to vector<16xf32>
        %swap3A_274 = vector.shape_cast %max3A_266 : vector<16xf32> to vector<1x16xf32>
        tpu.vector_store %swap3A_269[%swap3A_270, %swap3A_271], %swap3A_274 {strides = array<i32>} : memref<80x128xf32, #tpu.memory_space<vmem>>, vector<1x16xf32>,
        %scan3A_275 = arith.constant 0 : i32
        scf.yield %scan3A_275 : i32
      }
      %scan3A_129 = arith.constant 80 : i32
      %mul3A_130 = arith.constant 128 : i32
      %mul3A_131 = arith.muli %arg0, %mul3A_130 : i32
      "tpu.region"() ({
        %run_scoped3A = tpu.sem_alloc : memref<!tpu.dma_semaphore, #tpu.memory_space<semaphore_mem>>
        %dma_start3A = arith.constant 0 : i32
        %dma_start3A_132 = arith.constant 0 : i32
        %dma_start3A_133 = tpu.memref_slice %arg11[%dma_start3A, %dma_start3A_132] : memref<128x128xf32, #tpu.memory_space<vmem>> -> memref<80x128xf32, #tpu.memory_space<vmem>>
        %dma_start3A_134 = tpu.memref_slice %arg6[%mul3A_122, %mul3A_131] : memref<10000x256xf32, #tpu.memory_space<hbm>> -> memref<80x128xf32, #tpu.memory_space<hbm>>
        %dma_start3A_135 = tpu.memref_slice %arg6[%mul3A_122, %mul3A_131] : memref<10000x256xf32, #tpu.memory_space<hbm>> -> memref<80x128xf32, #tpu.memory_space<hbm>>
        %dma_start3A_136 = arith.constant 0 : i32
        %dma_start3A_137 = arith.constant 0 : i32
        %dma_start3A_138 = tpu.memref_slice %arg11[%dma_start3A_136, %dma_start3A_137] : memref<128x128xf32, #tpu.memory_space<vmem>> -> memref<80x128xf32, #tpu.memory_space<vmem>>
        tpu.enqueue_dma source(%dma_start3A_138 : memref<80x128xf32, #tpu.memory_space<vmem>>) target(%dma_start3A_135 : memref<80x128xf32, #tpu.memory_space<hbm>>) target_semaphore(%run_scoped3A : memref<!tpu.dma_semaphore, #tpu.memory_space<semaphore_mem>>)
        %dma_wait3A = arith.constant 0 : i32
        %dma_wait3A_139 = arith.constant 0 : i32
        %dma_wait3A_140 = tpu.memref_slice %arg11[%dma_wait3A, %dma_wait3A_139] : memref<128x128xf32, #tpu.memory_space<vmem>> -> memref<80x128xf32, #tpu.memory_space<vmem>>
        %dma_wait3A_141 = tpu.memref_slice %arg6[%mul3A_122, %mul3A_131] : memref<10000x256xf32, #tpu.memory_space<hbm>> -> memref<80x128xf32, #tpu.memory_space<hbm>>
        %dma_wait3A_142 = tpu.memref_slice %arg6[%mul3A_122, %mul3A_131] : memref<10000x256xf32, #tpu.memory_space<hbm>> -> memref<80x128xf32, #tpu.memory_space<hbm>>
        %dma_wait3A_143 = arith.constant 0 : i32
        %dma_wait3A_144 = arith.constant 0 : i32
        %dma_wait3A_145 = tpu.memref_slice %arg11[%dma_wait3A_143, %dma_wait3A_144] : memref<128x128xf32, #tpu.memory_space<vmem>> -> memref<80x128xf32, #tpu.memory_space<vmem>>
        tpu.wait_dma2 semaphore(%run_scoped3A : memref<!tpu.dma_semaphore, #tpu.memory_space<semaphore_mem>>) src(%dma_wait3A_145 : memref<80x128xf32, #tpu.memory_space<vmem>>) dst(%dma_wait3A_142 : memref<80x128xf32, #tpu.memory_space<hbm>>)
        tpu.yield
      }) : () -> ()
    } else {
    }
    return
  }
}

module attributes {stable_mosaic.version = 14 : i64} {
  func.func @_mm_body(%arg0: i32, %arg1: i32, %arg2: memref<1000x256xf32, #tpu.memory_space<vmem>>, %arg3: memref<128x256xf32, #tpu.memory_space<vmem>>, %arg4: memref<1x1x128xf32, #tpu.memory_space<vmem>>, %arg5: memref<1000x128xf32, #tpu.memory_space<vmem>>) attributes {dimension_semantics = [#tpu.dimension_semantics<arbitrary>, #tpu.dimension_semantics<arbitrary>], iteration_bounds = array<i64: 10, 2>, scalar_prefetch = 0 : i64, scratch_operands = 0 : i64, tpu.core_type = #tpu.core_type<tc>, window_params = [{transform_indices = @transform_0, window_bounds = array<i64: 1000, 256>}, {transform_indices = @transform_1, window_bounds = array<i64: 128, 256>}, {transform_indices = @transform_2, window_bounds = array<i64: 1, 1, 128>}, {transform_indices = @transform_3, window_bounds = array<i64: 1000, 128>}]} {
    %get3A = arith.constant 0 : index
    %get3A_0 = arith.constant 0 : index
    %get3A_1 = vector.load %arg2[%get3A, %get3A_0] : memref<1000x256xf32, #tpu.memory_space<vmem>>, vector<1000x256xf32>
    %get3A_2 = arith.constant 0 : index
    %get3A_3 = arith.constant 0 : index
    %get3A_4 = vector.load %arg3[%get3A_2, %get3A_3] : memref<128x256xf32, #tpu.memory_space<vmem>>, vector<128x256xf32>
    %dot_general3A = arith.constant dense<0.000000e+00> : vector<1000x128xf32>
    %dot_general3A_5 = tpu.matmul %get3A_1, %get3A_4, %dot_general3A {dimension_numbers = #tpu.dot_dimension_numbers<[1], [1], [0], [0], [0, 0, 1, 0], [], []>, transpose_lhs_hint = false} : vector<1000x256xf32>, vector<128x256xf32>, vector<1000x128xf32> -> vector<1000x128xf32>
    %get3A_6 = arith.constant 0 : index
    %get3A_7 = arith.constant 0 : index
    %get3A_8 = arith.constant 0 : index
    %get3A_9 = vector.load %arg4[%get3A_6, %get3A_7, %get3A_8] : memref<1x1x128xf32, #tpu.memory_space<vmem>>, vector<1x1x128xf32>
    %get3A_10 = vector.shape_cast %get3A_9 : vector<1x1x128xf32> to vector<1x128xf32>
    %add3A = vector.broadcast %get3A_10 : vector<1x128xf32> to vector<1000x128xf32>
    %add3A_11 = arith.addf %dot_general3A_5, %add3A : vector<1000x128xf32>
    %swap3A = arith.constant 0 : index
    %swap3A_12 = arith.constant 0 : index
    %swap3A_13 = vector.load %arg5[%swap3A, %swap3A_12] : memref<1000x128xf32, #tpu.memory_space<vmem>>, vector<1000x128xf32>
    tpu.vector_store %arg5[%swap3A, %swap3A_12], %add3A_11 {strides = array<i32>} : memref<1000x128xf32, #tpu.memory_space<vmem>>, vector<1000x128xf32>,
    return
  }
  func.func @transform_0(%arg0: i32, %arg1: i32) -> (i32, i32) {
    %c0_i32 = arith.constant 0 : i32
    %c0_i32_0 = arith.constant 0 : i32
    return %arg0, %c0_i32 : i32, i32
  }
  func.func @transform_1(%arg0: i32, %arg1: i32) -> (i32, i32) {
    %c0_i32 = arith.constant 0 : i32
    %c0_i32_0 = arith.constant 0 : i32
    return %arg1, %c0_i32 : i32, i32
  }
  func.func @transform_2(%arg0: i32, %arg1: i32) -> (i32, i32, i32) {
    %c0_i32 = arith.constant 0 : i32
    %c0_i32_0 = arith.constant 0 : i32
    %c0_i32_1 = arith.constant 0 : i32
    return %arg1, %c0_i32, %c0_i32_0 : i32, i32, i32
  }
  func.func @transform_3(%arg0: i32, %arg1: i32) -> (i32, i32) {
    %mul3A = arith.constant 10 : i32
    %mul3A_0 = arith.muli %arg1, %mul3A : i32
    %add3A = arith.addi %mul3A_0, %arg0 : i32
    %c0_i32 = arith.constant 0 : i32
    %c0_i32_1 = arith.constant 0 : i32
    return %add3A, %c0_i32 : i32, i32
  }
}

</mosaic_0001>

<sc_bundles>
// kernel: kernel.4.cloned.1.call-start
scs
__scs_entry_jumppad:
0x0: {  	(pc) =	sbr.rel $0x88, $3  }
0x1: {  	(tag) =	ssettag $0x0;
	lr =	simm.s32 $0x1  }
0x2: {  	[smem:$0x3F9C] =	sst lr;
	_ =	strace $0xD0000000  }
0x3: {  	_ = 	snop  }
0x4: {  	_ = 	snop  }
0x5: {  	_ = 	snop  }
0x6: {  	_ = 	snop  }
0x7: {  	_ = 	snop  }
__scs_overlays_trampoline_lowered:
0x8: {  	[smem:$0x3FAB] =	sst s0  }
0x9: {  	[smem:$0x3FAC] =	sst s1  }
0xa: {  	[smem:$0x3FAD] =	sst s2  }
0xb: {  	[smem:$0x3FAE] =	sst s3  }
0xc: {  	[smem:$0x3FAF] =	sst s4  }
0xd: {  	[smem:$0x3FB0] =	sst s5  }
0xe: {  	[smem:$0x3FB1] =	sst s6  }
0xf: {  	[smem:$0x3FB2] =	sst s7  }
0x10: {  	[smem:$0x3FB3] =	sst s8  }
0x11: {  	[smem:$0x3FB4] =	sst s9;
	s0 =	simm.s32 @!p0 $0x0  }
0x12: {  	s1 =	sld [smem:$0x3F9A];
	s0 =	simm.s32 @p0 $0x1  }
0x13: {  	[smem:$0x3FB5] =	sst s0;
	s0 =	simm.s32 @!p1 $0x0  }
0x14: {  	s2 =	sld [smem:$0x3F99];
	s0 =	simm.s32 @p1 $0x1  }
0x15: {  	[smem:$0x3FB6] =	sst s0;
	s0 =	simm.s32 @!p2 $0x0  }
0x16: {  	s3 =	sld [smem:$0x3FDB];
	s0 =	simm.s32 @p2 $0x1  }
0x17: {  	s4 =	simm.s32 $0x1BF5;
	[smem:$0x3FB8] =	sst s0  }
0x18: {  	s0 =	sld [smem:$0x3F9B];
	_ =	swait.ge [sflag:s4], $0x0  }
0x19: {  	s7 =	sld [smem:$0x3F9C]  }
0x1a: {  	s8 =	sadd.s32 $0xFFFFE003, lr  }
0x1b: {  	s9 =	sadd.s32 $0xFFFFFEF7, lr;
	s5 =	simm.s32 $0xFFFFFFFF;
	p2 =	slt.u32 s8, $0xFFFFF086  }
0x1c: {  	p1 =	slt.u32 s9, $0xF7A;
	s5 =	simm.s32 @!p2 $0x0  }
0x1d: {  	s5 =	simm.s32 @p1 $0x1;
	p0 =	seq.s32 s7, s2  }
0x1e: {  	s7 =	smul.u32 @!p0 $0xF7A, s2;
	p2 =	seq.s32 @!p0 s5, $0x0  }
0x1f: {  	s9 =	smul.u32 $0xF7A, s1;
	s8 =	simm.s32 @!p0 $0x1BF5;
	p2 =	por !p2, p0  }
0x20: {  	[sflag:s8] =	ssyncset.s32 @!p0 $0xFFFFF086;
	s6 =	sadd.s32 @!p0 s3, s7;
	s7 =	simm.s32 @!p0 $0x108  }
0x21: {  	s3 =	sadd.s32 s3, s9;
	s6 =	sadd.s32 @!p0 $0x88, s6;
	s7 =	simm.s32 @p2 $0x1082  }
0x22: {  	[simem:s7], [sflag:s8] =	dma.local @!p0 [hbm:s6], $0xF7A  }
0x23: {  	s9 =	sor.u32 $0xD0000000, s2;
	s6 =	simm.s32 $0x108;
	_ =	swait.ge @!p0 [sflag:s8], $0x0  }
0x24: {  	s3 =	sadd.s32 $0x88, s3;
	s6 =	simm.s32 @!p1 $0x1082;
	[sflag:s4] =	ssyncset.s32 $0xFFFFF086  }
0x25: {  	[simem:s6], [sflag:s4] =	dma.local [hbm:s3], $0xF7A  }
0x26: {  	[smem:$0x3F9C] =	sst s1;
	(tag) =	ssettag s2;
	_ =	strace s9  }
0x27: {  	s1 =	sld [smem:$0x3FAC]  }
0x28: {  	s2 =	sld [smem:$0x3FAD]  }
0x29: {  	s4 =	sld [smem:$0x3FAF]  }
0x2a: {  	p0 =	seq.s32 s5, $0x0;
	s5 =	sld [smem:$0x3FB0]  }
0x2b: {  	s6 =	sld [smem:$0x3FB1]  }
0x2c: {  	s7 =	sld [smem:$0x3FB2]  }
0x2d: {  	s3 =	simm.s32 $0x108;
	s8 =	sld [smem:$0x3FB3]  }
0x2e: {  	s3 =	simm.s32 @!p0 $0x1082;
	s9 =	sld [smem:$0x3FB4]  }
0x2f: {  	lr =	sadd.s32 s0, s3;
	s0 =	sld [smem:$0x3FAB]  }
0x30: {  	s3 =	sld [smem:$0x3FAE]  }
0x31: {  	[smem:$0x3FB7] =	sst s10  }
0x32: {  	s10 =	sld [smem:$0x3FB5];
	_ =	sdelay $0x3  }
0x33: {  	p0 =	seq.s32 s10, $0x1;
	s10 =	sld [smem:$0x3FB7];
	_ =	sdelay $0x3  }
0x34: {  	[smem:$0x3FB7] =	sst s10  }
0x35: {  	s10 =	sld [smem:$0x3FB6];
	_ =	sdelay $0x3  }
0x36: {  	p1 =	seq.s32 s10, $0x1;
	s10 =	sld [smem:$0x3FB7];
	_ =	sdelay $0x3  }
0x37: {  	[smem:$0x3FB7] =	sst s10  }
0x38: {  	s10 =	sld [smem:$0x3FB8]  }
0x39: {  	_ = 	snop;
	(pc) =	sbr.ind lr, $3  }
0x3a: {  	_ = 	snop  }
0x3b: {  	_ = 	snop  }
0x3c: {  	p2 =	seq.s32 s10, $0x1;
	s10 =	sld [smem:$0x3FB7]  }
0x3d: {  	_ =	shalt  }
0x3e: {  	_ =	shalt  }
0x3f: {  	_ =	shalt  }
0x40: {  	_ =	shalt  }
0x41: {  	_ =	shalt  }
0x42: {  	_ =	shalt  }
0x43: {  	_ =	shalt  }
0x44: {  	_ =	shalt  }
0x45: {  	_ =	shalt  }
0x46: {  	_ =	shalt  }
0x47: {  	_ =	shalt  }
0x48: {  	_ =	shalt  }
0x49: {  	_ =	shalt  }
0x4a: {  	_ =	shalt  }
0x4b: {  	_ =	shalt  }
0x4c: {  	_ =	shalt  }
0x4d: {  	_ =	shalt  }
0x4e: {  	_ =	shalt  }
0x4f: {  	_ =	shalt  }
0x50: {  	_ =	shalt  }
0x51: {  	_ =	shalt  }
0x52: {  	_ =	shalt  }
0x53: {  	_ =	shalt  }
0x54: {  	_ =	shalt  }
0x55: {  	_ =	shalt  }
0x56: {  	_ =	shalt  }
0x57: {  	_ =	shalt  }
0x58: {  	_ =	shalt  }
0x59: {  	_ =	shalt  }
0x5a: {  	_ =	shalt  }
0x5b: {  	_ =	shalt  }
0x5c: {  	_ =	shalt  }
0x5d: {  	_ =	shalt  }
0x5e: {  	_ =	shalt  }
0x5f: {  	_ =	shalt  }
0x60: {  	_ =	shalt  }
0x61: {  	_ =	shalt  }
0x62: {  	_ =	shalt  }
0x63: {  	_ =	shalt  }
0x64: {  	_ =	shalt  }
0x65: {  	_ =	shalt  }
0x66: {  	_ =	shalt  }
0x67: {  	_ =	shalt  }
0x68: {  	_ =	shalt  }
0x69: {  	_ =	shalt  }
0x6a: {  	_ =	shalt  }
0x6b: {  	_ =	shalt  }
0x6c: {  	_ =	shalt  }
0x6d: {  	_ =	shalt  }
0x6e: {  	_ =	shalt  }
0x6f: {  	_ =	shalt  }
0x70: {  	_ =	shalt  }
0x71: {  	_ =	shalt  }
0x72: {  	_ =	shalt  }
0x73: {  	_ =	shalt  }
0x74: {  	_ =	shalt  }
0x75: {  	_ =	shalt  }
0x76: {  	_ =	shalt  }
0x77: {  	_ =	shalt  }
0x78: {  	_ =	shalt  }
0x79: {  	_ =	shalt  }
0x7a: {  	_ =	shalt  }
0x7b: {  	_ =	shalt  }
0x7c: {  	_ =	shalt  }
0x7d: {  	_ =	shalt  }
0x7e: {  	_ =	shalt  }
0x7f: {  	_ =	shalt  }
0x80: {  	_ =	shalt  }
0x81: {  	_ =	shalt  }
0x82: {  	_ =	shalt  }
0x83: {  	_ =	shalt  }
0x84: {  	_ =	shalt  }
0x85: {  	_ =	shalt  }
0x86: {  	_ =	shalt  }
0x87: {  	_ =	shalt  }
.Lfunc_end0:
.L_simem_size_0:
called_computation_lowered:
.L_overlay_start_0:
0x88: {  	s2 =	sld [smem:$0x3FD9]  }
0x89: {  	s3 =	sld [smem:$0x3FFE];
	_ =	sdelay $0x1  }
0x8a: {  	s1 =	srdreg.scid  }
0x8b: {  	s0 =	sand.u32 $0x1, s1  }
0x8c: {  	s17 =	sshll.u32 s0, $0xA;
	s2 =	sadd.s32 s3, s2  }
0x8d: {  	s2 =	sadd.s32 s2, s17  }
0x8e: {  	[smem:$0x3FC3] =	sst s2  }
0x8f: {  	_ = 	snop  }
0x90: {  	s2 =	sld [smem:$0x3FD0];
	(tm) =	ssettm $0x1  }
0x91: {  	s18 =	sld [smem:$0x3FFB];
	_ =	sdelay $0x3  }
0x92: {  	_ =	strace s18  }
0x93: {  	s3 =	sld [smem:$0x3FFC];
	_ =	sdelay $0x3  }
0x94: {  	_ =	strace s3  }
0x95: {  	s3 =	sld [smem:$0x3FFD];
	_ =	sdelay $0x3  }
0x96: {  	_ =	strace s3  }
0x97: {  	_ =	strace $0x8FFFFFFF  }
0x98: {  	s19 =	sld [smem:$0x3FDB];
	_ =	sdelay $0x1  }
0x99: {  	s4 =	simm.s32 $_scs_section_size  }
0x9a: {  	s5 =	simm.s32 $_size__tile_overlayer_lowered;
	s6 =	simm.s32 $_tile_overlayer_lowered  }
0x9b: {  	s22 =	simm.s32 $0x1BFF;
	s21 =	sshll.u32 s6, $0x1;
	s3 =	sadd.s32 s4, s19  }
0x9c: {  	s7 =	simm.s32 $0x0;
	s20 =	sshll.u32 s5, $0x1;
	s5 =	sadd.s32 s21, s3  }
0x9d: {  	[timem:s7], [sflag:s22] =	dma.local [hbm:s5], s20  }
0x9e: {  	_ =	swait.ge [sflag:s22], s20  }
0x9f: {  	s4 =	ssub.s32 $0x0, s20;
	[sflag:s22] =	ssyncset.done $0x0  }
0xa0: {  	[sflag:s22] =	ssyncadd.s32 s4;
	_ =	sdelay $0x1  }
0xa1: {  	s23 =	simm.s32 $0x1B8B  }
0xa2: {  	_ =	swait.ge [sflag:s23], $0x1  }
0xa3: {  	[sflag:s23] =	ssyncset.done $0x0  }
0xa4: {  	s25 =	simm.s32 $0x1B8E;
	s24 =	sld [smem:$0x3FFE];
	[sflag:s23] =	ssyncadd.s32 $0xFFFFFFFF  }
0xa5: {  	s26 =	simm.s32 $execute0_lowered;
	[smem:$0x3FD2] =	sst s25  }
0xa6: {  	s5 =	sshll.u32 s26, $0x1;
	_ =	strace $0x80000046;
	[dreg:$0x1] =	wrdreg $0xFFFFFFFF  }
0xa7: {  	s28 =	simm.s32 $_size_execute0_lowered;
	s3 =	sadd.s32 s3, s5;
	[dreg:$0x0] =	wrdreg $0x0  }
0xa8: {  	s5 =	sshll.u32 s28, $0x1;
	[dreg:$0x2] =	wrdreg s3  }
0xa9: {  	[dreg:$0x3] =	wrdreg s5  }
0xaa: {  	[dreg:$0x4] =	wrdreg $0xC0  }
0xab: {  	_ =	task [dreg:s7], $0x5FFFF  }
0xac: {  	[dreg:$0x1] =	wrdreg $0xFFFFFFFF  }
0xad: {  	[dreg:$0x0] =	wrdreg $0x60  }
0xae: {  	[dreg:$0x2] =	wrdreg s24  }
0xaf: {  	[dreg:$0x3] =	wrdreg s2  }
0xb0: {  	[dreg:$0x4] =	wrdreg $0x0  }
0xb1: {  	[dreg:$0x5] =	wrdreg $0x9  }
0xb2: {  	_ =	task.clear_ibuf [dreg:s7], $0x6FFFF;
	_ =	strace $0x90000046  }
0xb3: {  	s29 =	simm.s32 $0x9;
	_ =	strace $0x80000048  }
0xb4: {  	_ =	swait.ge [sflag:s29], $0x1  }
0xb5: {  	[sflag:s29] =	ssyncadd.s32 $0xFFFFFFFF  }
0xb6: {  	_ =	strace $0x90000048  }
0xb7: {  	_ =	sfence  }
0xb8: {  	s30 =	sld [smem:$0x0];
	_ =	sdelay $0x2  }
0xb9: {  	s31 =	sshll.u32 s1, $0xD;
	s1 =	sshrl.u32 s1, $0x2  }
0xba: {  	s3 =	sand.u32 $0x4000, s31;
	s1 =	sadd.s32 s1, s30  }
0xbb: {  	s0 =	sor.u32 s3, s0;
	s1 =	sshll.u32 s1, $0x11  }
0xbc: {  	s0 =	sor.u32 s1, s0  }
0xbd: {  	s0 =	sadd.s32 $0x8F2B, s0  }
0xbe: {  	[sflag:s0] =	ssyncadd.remote.s32 $0x1  }
0xbf: {  	_ =	sfence.sel $0xFFFF  }
0xc0: {  	[dreg:$0x0] =	wrdreg $0xFFFFFFFF;
	(pc) =	sbr.abs _section_cstart, $3  }
0xc1: {  	[dreg:$0x1] =	wrdreg $0xFFFFFFFF  }
0xc2: {  	_ =	task.clear_ibuf [dreg:s7], $0x2FFFF;
	_ =	strace $0x9FFFFFFF  }
0xc3: {  	(tm) =	ssettm $0x7FFFFFFF  }
tec
execute0_lowered:
.L_overlay_start_1:
0x0: {  	(tag) =	ssettag $0x1  }
0x1: {  	s29 =	stileid.u32  }
0x2: {  	s6 =	smul.u32 $0x2800, s29  }
0x3: {  	s3 =	srdreg.scid;
	s8 =	smul.u32 $0xA000, s29  }
0x4: {  	s5 =	sand.u32 $0x1, s3;
	s13 =	smul.u32 $0x5000, s29  }
0x5: {  	s1 =	rddreg [dreg:$0x0];
	s9 =	sor.u32 $0x10, s29;
	s7 =	smul.u32 $0x28000, s5  }
0x6: {  	s0 =	rddreg [dreg:$0x1];
	s11 =	sor.u32 $0x20, s29;
	s10 =	smul.u32 $0xA000, s9  }
0x7: {  	s2 =	rddreg [dreg:$0x2];
	s12 =	smul.u32 $0xA000, s11  }
0x8: {  	s30 =	simm.s32 $0x1B080;
	s31 =	simm.s32 $0x80;
	s22 =	smul.u32 $0x5000, s9  }
0x9: {  	s3 =	simm.s32 $0x0;
	s14 =	sor.u32 $0x30, s29;
	s11 =	smul.u32 $0x5000, s11  }
0xa: {  	s4 =	sadd.s32 $0x14800, s1;
	s16 =	sor.u32 $0x40, s29;
	s17 =	smul.u32 $0x5000, s14  }
0xb: {  	s18 =	sor.u32 $0x60, s29;
	s19 =	sor.u32 $0x70, s29;
	s25 =	smul.u32 $0x5000, s16  }
0xc: {  	p0 =	sgt.u32 s29, $0xC;
	[smem:$0x7FF] =	sst s3;
	s20 =	smul.u32 $0x5000, s18  }
0xd: {  	s24 =	ssub.s32 $0x2, s5;
	s5 =	sshll.u32 s5, $0xA;
	s16 =	smul.u32 $0xA000, s16  }
0xe: {  	_ =	strace $0x80000047;
	s15 =	sshrl.u32 s24, $0x1;
	s21 =	sor.u32 s5, s13  }
0xf: {  	s13 =	smul.u32 $0x5000, s19;
	s8 =	sshrl.u32 s8, $0x2;
	s7 =	sadd.s32 s6, s7  }
0x10: {  	s6 =	sshrl.u32 s6, $0x3;
	s23 =	ssub.s32 s24, s15;
	s15 =	sor.u32 $0x50, s29  }
0x11: {  	s24 =	sor.u32 s5, s17;
	s25 =	sor.u32 s5, s25;
	s28 =	sor.u32 s5, s20  }
0x12: {  	s8 =	sadd.s32 s8, s2;
	s20 =	sshrl.u32 s12, $0x2;
	s26 =	smul.u32 $0x5000, s15  }
0x13: {  	s7 =	sshrl.u32 s7, $0x3;
	s17 =	smul.u32 $0xA000, s15;
	s15 =	sshrl.u32 s16, $0x2  }
0x14: {  	s7 =	sadd.s32 s7, s1;
	s1 =	sadd.s32 s6, s1;
	s6 =	sor.u32 s5, s22  }
0x15: {  	s22 =	sor.u32 s5, s11;
	s12 =	sadd.s32 s15, s2;
	s7 =	sadd.s32 $0xA800, s7  }
0x16: {  	s26 =	sor.u32 s5, s26;
	s5 =	sor.u32 s5, s13;
	s11 =	sadd.s32 $0x5800, s1  }
0x17: {  	s1 =	sadd.s32 $0x800, s1;
	s13 =	smul.u32 $0xA000, s14;
	s14 =	sshrl.u32 s10, $0x2  }
0x18: {  	s10 =	sadd.s32 s20, s2;
	s16 =	sshrl.u32 s17, $0x2;
	s20 =	sshrl.u32 s21, $0x3  }
0x19: {  	s6 =	sshrl.u32 s6, $0x3;
	s21 =	sshrl.u32 s22, $0x3;
	[dreg:$0x4] =	wrdreg s7  }
0x1a: {  	s22 =	sshrl.u32 s24, $0x3;
	s24 =	sshrl.u32 s25, $0x3;
	[dreg:$0x5] =	wrdreg s11  }
0x1b: {  	[dreg:$0x6] =	wrdreg s1;
	s9 =	sadd.s32 s14, s2;
	s7 =	smul.u32 $0xA000, s18  }
0x1c: {  	s18 =	smul.u32 $0xA000, s19;
	s25 =	sshrl.u32 s26, $0x3;
	s26 =	sshrl.u32 s28, $0x3  }
0x1d: {  	s5 =	sshrl.u32 s5, $0x3;
	s28 =	simm.s32 $0x0;
	s1 =	sshrl.u32 s13, $0x2  }
0x1e: {  	s13 =	sadd.s32 s16, s2;
	s16 =	sadd.s32 s0, s20;
	s20 =	sadd.s32 s0, s24  }
0x1f: {  	s24 =	smax.u32 s23, $0x1;
	s11 =	sadd.s32 s1, s2;
	s17 =	sshrl.u32 s7, $0x2  }
.Ltmp0:
0x20: {  	s19 =	sshrl.u32 s18, $0x2;
	s18 =	sadd.s32 s0, s21;
	(pc) =	sbr.rel .LBB2_1-.Ltmp0, $4  }
0x21: {  	s21 =	sadd.s32 s0, s25;
	s1 =	simm.s32 $0x1;
	s25 =	simm.s32 $0x800  }
0x22: {  	s14 =	sadd.s32 s17, s2;
	s15 =	sadd.s32 s19, s2;
	s17 =	sadd.s32 s0, s6  }
0x23: {  	s19 =	sadd.s32 s0, s22;
	s22 =	sadd.s32 s0, s26;
	s0 =	sadd.s32 s0, s5  }
0x24: {  	v0 =	vimm.f32 $0.0e+00;
	s26 =	simm.s32 $0x2;
	[dreg:$0x7] =	wrdreg s0;
	s0 =	simm.s32 $0x400  }
.LBB2_25:
0x25: {  	s28 =	sadd.s32 $0x1, s28  }
0x26: {  	p1 =	sne.s32 s28, s24  }
.Ltmp1:
0x27: {  	_ = 	snop;
	(pc) =	sbr.rel @!p1 .LBB2_26-.Ltmp1, $1  }
0x28: {  	_ =	sdelay $0x3  }
.LBB2_1:
0x29: {  	s5 =	rddreg [dreg:$0x4];
	s6 =	simm.s32 $0x13880  }
0x2a: {  	[tilespmem:s6], [sflag:$0x2] =	stream.linear.gather [hbm4b:s5+s3], $0x2780, $0x38;
	[tilespmem:$0x1F080] =	vst v63  }
0x2b: {  	_ =	swait.ge [sflag:s26], $0x2780  }
0x2c: {  	[sflag:s26] =	ssyncset.done $0x0  }
0x2d: {  	s7 =	simm.s32 $0x16080;
	s6 =	rddreg [dreg:$0x5];
	[sflag:s26] =	ssyncadd.s32 $0xFFFFD880  }
0x2e: {  	[tilespmem:s7], [sflag:$0x2] =	stream.linear.gather [hbm4b:s6+s3], $0x2780, $0x38;
	[tilespmem:$0x1F080] =	vst v63  }
0x2f: {  	_ =	swait.ge [sflag:s26], $0x2780  }
0x30: {  	[sflag:s26] =	ssyncset.done $0x0  }
0x31: {  	s29 =	simm.s32 $0x18880;
	s23 =	rddreg [dreg:$0x6];
	[sflag:s26] =	ssyncadd.s32 $0xFFFFD880  }
0x32: {  	[tilespmem:s29], [sflag:$0x2] =	stream.linear.gather [hbm4b:s23+s3], $0x2780, $0x38;
	[tilespmem:$0x1F080] =	vst v63  }
0x33: {  	_ =	swait.ge [sflag:s26], $0x2780  }
0x34: {  	[sflag:s26] =	ssyncset.done $0x0  }
0x35: {  	s5 =	simm.s32 $0x0;
	s6 =	simm.s32 $0x200;
	[sflag:s26] =	ssyncadd.s32 $0xFFFFD880  }
.LBB2_2:
0x36: {  	p1 =	sne.s32 s6, $0x9E00;
	[tilespmem:s5+$0x1B0F0] =	vst v0  }
0x37: {  	[tilespmem:s5+$0x1B080] =	vst v0  }
0x38: {  	[tilespmem:s5+$0x1B090] =	vst v0  }
.Ltmp2:
0x39: {  	[tilespmem:s5+$0x1B0A0] =	vst v0;
	(pc) =	sbr.rel @p1 .LBB2_2-.Ltmp2, $4  }
0x3a: {  	[tilespmem:s5+$0x1B0B0] =	vst v0  }
0x3b: {  	[tilespmem:s5+$0x1B0C0] =	vst v0  }
0x3c: {  	[tilespmem:s5+$0x1B0D0] =	vst v0  }
0x3d: {  	[tilespmem:s5+$0x1B0E0] =	vst v0;
	s5 =	sshra.s32 s6, $0x2;
	s6 =	sadd.s32 $0x200, s6  }
0x3e: {  	[tilespmem:s5+$0x1B0F0] =	vst v0  }
0x3f: {  	[tilespmem:s5+$0x1B080] =	vst v0  }
0x40: {  	[tilespmem:s5+$0x1B090] =	vst v0  }
0x41: {  	[tilespmem:s5+$0x1B0A0] =	vst v0  }
0x42: {  	[tilespmem:s5+$0x1B0B0] =	vst v0  }
0x43: {  	[tilespmem:s5+$0x1B0C0] =	vst v0  }
0x44: {  	[tilespmem:s5+$0x1B0D0] =	vst v0  }
0x45: {  	[tilespmem:s5+$0x1B0E0] =	vst v0  }
0x46: {  	[spmem:s8] =	stream.linear.scatter [tilespmem:s30], [sflag:$0x2], $0x2800, $0x38;
	[tilespmem:$0x1F080] =	vst v63  }
0x47: {  	_ =	swait.ge [sflag:s26], $0x2800  }
0x48: {  	[sflag:s26] =	ssyncset.done $0x0  }
0x49: {  	[sflag:s26] =	ssyncadd.s32 $0xFFFFD800  }
0x4a: {  	[spmem:s9] =	stream.linear.scatter [tilespmem:s30], [sflag:$0x2], $0x2800, $0x38;
	[tilespmem:$0x1F080] =	vst v63  }
0x4b: {  	_ =	swait.ge [sflag:s26], $0x2800  }
0x4c: {  	[sflag:s26] =	ssyncset.done $0x0  }
0x4d: {  	[sflag:s26] =	ssyncadd.s32 $0xFFFFD800  }
0x4e: {  	[spmem:s10] =	stream.linear.scatter [tilespmem:s30], [sflag:$0x2], $0x2800, $0x38;
	[tilespmem:$0x1F080] =	vst v63  }
0x4f: {  	_ =	swait.ge [sflag:s26], $0x2800  }
0x50: {  	[sflag:s26] =	ssyncset.done $0x0  }
0x51: {  	[sflag:s26] =	ssyncadd.s32 $0xFFFFD800  }
0x52: {  	[spmem:s11] =	stream.linear.scatter [tilespmem:s30], [sflag:$0x2], $0x2800, $0x38;
	[tilespmem:$0x1F080] =	vst v63  }
0x53: {  	_ =	swait.ge [sflag:s26], $0x2800  }
0x54: {  	[sflag:s26] =	ssyncset.done $0x0  }
0x55: {  	[sflag:s26] =	ssyncadd.s32 $0xFFFFD800  }
0x56: {  	[spmem:s12] =	stream.linear.scatter [tilespmem:s30], [sflag:$0x2], $0x2800, $0x38;
	[tilespmem:$0x1F080] =	vst v63  }
0x57: {  	_ =	swait.ge [sflag:s26], $0x2800  }
0x58: {  	[sflag:s26] =	ssyncset.done $0x0  }
0x59: {  	[sflag:s26] =	ssyncadd.s32 $0xFFFFD800  }
0x5a: {  	[spmem:s13] =	stream.linear.scatter [tilespmem:s30], [sflag:$0x2], $0x2800, $0x38;
	[tilespmem:$0x1F080] =	vst v63  }
0x5b: {  	_ =	swait.ge [sflag:s26], $0x2800  }
0x5c: {  	[sflag:s26] =	ssyncset.done $0x0  }
0x5d: {  	[sflag:s26] =	ssyncadd.s32 $0xFFFFD800  }
0x5e: {  	[spmem:s14] =	stream.linear.scatter [tilespmem:s30], [sflag:$0x2], $0x2800, $0x38;
	[tilespmem:$0x1F080] =	vst v63  }
0x5f: {  	_ =	swait.ge [sflag:s26], $0x2800  }
0x60: {  	[sflag:s26] =	ssyncset.done $0x0  }
0x61: {  	s5 =	simm.s32 @!p0 $0x1B080;
	[sflag:s26] =	ssyncadd.s32 $0xFFFFD800  }
0x62: {  	[spmem:s15] =	stream.linear.scatter @!p0 [tilespmem:s5], [sflag:$0x2], $0x2800, $0x38;
	[tilespmem:$0x1F080] =	vst v63  }
0x63: {  	s5 =	simm.s32 @!p0 $0x2  }
0x64: {  	_ =	swait.ge @!p0 [sflag:s5], $0x2800  }
0x65: {  	[sflag:s5] =	ssyncset.done @!p0 $0x0  }
0x66: {  	[sflag:s5] =	ssyncadd.s32 @!p0 $0xFFFFD800  }
0x67: {  	s29 =	simm.s32 $0x0;
	[bflag:$0x0] =	sbarrier.arrive $0xFFFF  }
.LBB2_4:
0x68: {  	s23 =	sshll.u32 s29, $0x7  }
0x69: {  	s5 =	sadd.s32 $0x18880, s23  }
0x6a: {  	s6 =	sadd.s32 $0x13880, s23;
	v1 =	vmov s5  }
0x6b: {  	[tilespmem:s30], [sflag:$0x1] =	stream.indirect.gather [hbm4b:s4+s31], $0x80, s6, s31, $0xb8;
	[tilespmem:$0x1F080] =	vst v63  }
0x6c: {  	_ =	swait.ge [sflag:s1], $0x4000  }
0x6d: {  	s6 =	simm.s32 $0x0;
	[sflag:s1] =	ssyncset.done $0x0  }
0x6e: {  	s7 =	simm.s32 $0x0;
	s5 =	sand.u32 $0x3FFFFFF0, s6;
	[sflag:s1] =	ssyncadd.s32 $0xFFFFC000  }
0x6f: {  	v2 =	vld.idx.msk [tilespmem:v1+s5+$0x0 ss:$0x1], $0xffff;
	s5 =	sand.u32 $0x3FFFF800, s7  }
0x70: {  	v8 =	vld [tilespmem:s5+$0x1B140]  }
0x71: {  	v4 =	vld [tilespmem:s5+$0x1B0A0]  }
0x72: {  	v5 =	vld [tilespmem:s5+$0x1B0B0]  }
0x73: {  	v11 =	vld [tilespmem:s5+$0x1B0E0]  }
0x74: {  	v12 =	vld [tilespmem:s5+$0x1B0F0];
	v3 =	vbroadcast v2, $0x0  }
0x75: {  	v13 =	vld [tilespmem:s5+$0x1B100]  }
0x76: {  	v14 =	vld [tilespmem:s5+$0x1B110];
	v4 =	vmul.f32 v4, v3  }
0x77: {  	v15 =	vld [tilespmem:s5+$0x1B120];
	v5 =	vmul.f32 v5, v3  }
0x78: {  	v10 =	vld [tilespmem:s5+$0x1B130];
	v21 =	vbroadcast v2, $0x1;
	v20 =	vmul.f32 v11, v3;
	[tilespmem:s5+$0x1B0A0] =	vst v4  }
0x79: {  	v9 =	vld [tilespmem:s5+$0x1B150];
	v12 =	vmul.f32 v12, v3;
	[tilespmem:s5+$0x1B0B0] =	vst v5  }
0x7a: {  	v7 =	vld [tilespmem:s5+$0x1B5F0];
	v13 =	vmul.f32 v13, v21;
	[tilespmem:s5+$0x1B0E0] =	vst v20  }
0x7b: {  	v23 =	vld [tilespmem:s5+$0x1B170];
	v14 =	vmul.f32 v14, v21;
	[tilespmem:s5+$0x1B0F0] =	vst v12  }
0x7c: {  	v24 =	vld [tilespmem:s5+$0x1B180];
	v15 =	vmul.f32 v15, v21;
	[tilespmem:s5+$0x1B100] =	vst v13  }
0x7d: {  	v25 =	vld [tilespmem:s5+$0x1B190];
	v10 =	vmul.f32 v10, v21;
	[tilespmem:s5+$0x1B110] =	vst v14  }
0x7e: {  	v22 =	vld [tilespmem:s5+$0x1B160];
	v8 =	vmul.f32 v8, v21;
	[tilespmem:s5+$0x1B120] =	vst v15  }
0x7f: {  	v26 =	vld [tilespmem:s5+$0x1B1A0];
	v16 =	vbroadcast v2, $0x2;
	v9 =	vmul.f32 v9, v21;
	[tilespmem:s5+$0x1B130] =	vst v10  }
0x80: {  	v27 =	vld [tilespmem:s5+$0x1B1B0];
	v11 =	vmul.f32 v23, v21;
	[tilespmem:s5+$0x1B140] =	vst v8  }
0x81: {  	v28 =	vld [tilespmem:s5+$0x1B1C0];
	v6 =	vbroadcast v2, $0xA;
	v30 =	vmul.f32 v24, v16;
	[tilespmem:s5+$0x1B150] =	vst v9  }
0x82: {  	v29 =	vld [tilespmem:s5+$0x1B1D0];
	v32 =	vmul.f32 v25, v16;
	[tilespmem:s5+$0x1B170] =	vst v11  }
0x83: {  	v31 =	vld [tilespmem:s5+$0x1B1E0];
	v4 =	vmul.f32 v7, v6;
	[tilespmem:s5+$0x1B180] =	vst v30  }
0x84: {  	v33 =	vld [tilespmem:s5+$0x1B1F0];
	v12 =	vmul.f32 v22, v21;
	[tilespmem:s5+$0x1B190] =	vst v32  }
0x85: {  	v34 =	vld [tilespmem:s5+$0x1B200];
	v10 =	vmul.f32 v26, v16;
	[tilespmem:s5+$0x1B5F0] =	vst v4  }
0x86: {  	v35 =	vld [tilespmem:s5+$0x1B210];
	v8 =	vmul.f32 v27, v16;
	[tilespmem:s5+$0x1B160] =	vst v12  }
0x87: {  	v36 =	vld [tilespmem:s5+$0x1B220];
	v9 =	vmul.f32 v28, v16;
	[tilespmem:s5+$0x1B1A0] =	vst v10  }
0x88: {  	v37 =	vld [tilespmem:s5+$0x1B230];
	v39 =	vbroadcast v2, $0x3;
	v11 =	vmul.f32 v31, v16;
	[tilespmem:s5+$0x1B1B0] =	vst v8  }
0x89: {  	v38 =	vld [tilespmem:s5+$0x1B240];
	v13 =	vmul.f32 v33, v16;
	[tilespmem:s5+$0x1B1C0] =	vst v9  }
0x8a: {  	v40 =	vld [tilespmem:s5+$0x1B250];
	v14 =	vmul.f32 v34, v39;
	[tilespmem:s5+$0x1B1E0] =	vst v11  }
0x8b: {  	v41 =	vld [tilespmem:s5+$0x1B260];
	v12 =	vmul.f32 v29, v16;
	[tilespmem:s5+$0x1B1F0] =	vst v13  }
0x8c: {  	v42 =	vld [tilespmem:s5+$0x1B270];
	v10 =	vmul.f32 v35, v39;
	[tilespmem:s5+$0x1B200] =	vst v14  }
0x8d: {  	v43 =	vld [tilespmem:s5+$0x1B280];
	v8 =	vmul.f32 v36, v39;
	[tilespmem:s5+$0x1B1D0] =	vst v12  }
0x8e: {  	v44 =	vld [tilespmem:s5+$0x1B290];
	v9 =	vmul.f32 v37, v39;
	[tilespmem:s5+$0x1B210] =	vst v10  }
0x8f: {  	v45 =	vld [tilespmem:s5+$0x1B2A0];
	v11 =	vmul.f32 v40, v39;
	[tilespmem:s5+$0x1B220] =	vst v8  }
0x90: {  	v46 =	vld [tilespmem:s5+$0x1B2B0];
	v13 =	vmul.f32 v41, v39;
	[tilespmem:s5+$0x1B230] =	vst v9  }
0x91: {  	v47 =	vld [tilespmem:s5+$0x1B2C0];
	v48 =	vbroadcast v2, $0x4;
	v14 =	vmul.f32 v42, v39;
	[tilespmem:s5+$0x1B250] =	vst v11  }
0x92: {  	v49 =	vld [tilespmem:s5+$0x1B2D0];
	v12 =	vmul.f32 v38, v39;
	[tilespmem:s5+$0x1B260] =	vst v13  }
0x93: {  	v50 =	vld [tilespmem:s5+$0x1B2E0];
	v10 =	vmul.f32 v43, v48;
	[tilespmem:s5+$0x1B270] =	vst v14  }
0x94: {  	v51 =	vld [tilespmem:s5+$0x1B2F0];
	v8 =	vmul.f32 v44, v48;
	[tilespmem:s5+$0x1B240] =	vst v12  }
0x95: {  	v52 =	vld [tilespmem:s5+$0x1B300];
	v9 =	vmul.f32 v45, v48;
	[tilespmem:s5+$0x1B280] =	vst v10  }
0x96: {  	v53 =	vld [tilespmem:s5+$0x1B310];
	v11 =	vmul.f32 v47, v48;
	[tilespmem:s5+$0x1B290] =	vst v8  }
0x97: {  	v54 =	vld [tilespmem:s5+$0x1B320];
	v13 =	vmul.f32 v49, v48;
	[tilespmem:s5+$0x1B2A0] =	vst v9  }
0x98: {  	v55 =	vld [tilespmem:s5+$0x1B330];
	v14 =	vmul.f32 v50, v48;
	[tilespmem:s5+$0x1B2C0] =	vst v11  }
0x99: {  	v56 =	vld [tilespmem:s5+$0x1B340];
	v57 =	vbroadcast v2, $0x5;
	v12 =	vmul.f32 v46, v48;
	[tilespmem:s5+$0x1B2D0] =	vst v13  }
0x9a: {  	v58 =	vld [tilespmem:s5+$0x1B350];
	v10 =	vmul.f32 v51, v48;
	[tilespmem:s5+$0x1B2E0] =	vst v14  }
0x9b: {  	v59 =	vld [tilespmem:s5+$0x1B360];
	v8 =	vmul.f32 v52, v57;
	[tilespmem:s5+$0x1B2B0] =	vst v12  }
0x9c: {  	v60 =	vld [tilespmem:s5+$0x1B370];
	v9 =	vmul.f32 v53, v57;
	[tilespmem:s5+$0x1B2F0] =	vst v10  }
0x9d: {  	v61 =	vld [tilespmem:s5+$0x1B380];
	v11 =	vmul.f32 v55, v57;
	[tilespmem:s5+$0x1B300] =	vst v8  }
0x9e: {  	v62 =	vld [tilespmem:s5+$0x1B390];
	v13 =	vmul.f32 v56, v57;
	[tilespmem:s5+$0x1B310] =	vst v9  }
0x9f: {  	v63 =	vld [tilespmem:s5+$0x1B3A0];
	v14 =	vmul.f32 v58, v57;
	[tilespmem:s5+$0x1B330] =	vst v11  }
0xa0: {  	v20 =	vld [tilespmem:s5+$0x1B3B0];
	v12 =	vmul.f32 v54, v57;
	[tilespmem:s5+$0x1B340] =	vst v13  }
0xa1: {  	v21 =	vld [tilespmem:s5+$0x1B3C0];
	v22 =	vbroadcast v2, $0x6;
	v10 =	vmul.f32 v59, v57;
	[tilespmem:s5+$0x1B350] =	vst v14  }
0xa2: {  	v23 =	vld [tilespmem:s5+$0x1B3D0];
	v8 =	vmul.f32 v60, v57;
	[tilespmem:s5+$0x1B320] =	vst v12  }
0xa3: {  	v24 =	vld [tilespmem:s5+$0x1B3E0];
	v9 =	vmul.f32 v61, v22;
	[tilespmem:s5+$0x1B360] =	vst v10  }
0xa4: {  	v25 =	vld [tilespmem:s5+$0x1B3F0];
	v11 =	vmul.f32 v63, v22;
	[tilespmem:s5+$0x1B370] =	vst v8  }
0xa5: {  	v5 =	vld [tilespmem:s5+$0x1B600];
	v13 =	vmul.f32 v20, v22;
	[tilespmem:s5+$0x1B380] =	vst v9  }
0xa6: {  	v27 =	vld [tilespmem:s5+$0x1B410];
	v14 =	vmul.f32 v21, v22;
	[tilespmem:s5+$0x1B3A0] =	vst v11  }
0xa7: {  	v28 =	vld [tilespmem:s5+$0x1B420];
	v12 =	vmul.f32 v62, v22;
	[tilespmem:s5+$0x1B3B0] =	vst v13  }
0xa8: {  	v29 =	vld [tilespmem:s5+$0x1B430];
	v10 =	vmul.f32 v23, v22;
	[tilespmem:s5+$0x1B3C0] =	vst v14  }
0xa9: {  	v31 =	vbroadcast v2, $0x7;
	v53 =	vld [tilespmem:s5+$0x1B580];
	v8 =	vmul.f32 v24, v22;
	[tilespmem:s5+$0x1B390] =	vst v12  }
0xaa: {  	v58 =	vld [tilespmem:s5+$0x1B5D0];
	v9 =	vmul.f32 v25, v22;
	[tilespmem:s5+$0x1B3D0] =	vst v10  }
0xab: {  	v26 =	vld [tilespmem:s5+$0x1B400];
	v11 =	vmul.f32 v27, v31;
	[tilespmem:s5+$0x1B3E0] =	vst v8  }
0xac: {  	v30 =	vld [tilespmem:s5+$0x1B440];
	v13 =	vmul.f32 v28, v31;
	[tilespmem:s5+$0x1B3F0] =	vst v9  }
0xad: {  	v32 =	vld [tilespmem:s5+$0x1B450];
	v14 =	vmul.f32 v29, v31;
	[tilespmem:s5+$0x1B410] =	vst v11  }
0xae: {  	v33 =	vld [tilespmem:s5+$0x1B460];
	v59 =	vmul.f32 v53, v6;
	[tilespmem:s5+$0x1B420] =	vst v13  }
0xaf: {  	v35 =	vld [tilespmem:s5+$0x1B480];
	v21 =	vmul.f32 v58, v6;
	[tilespmem:s5+$0x1B430] =	vst v14  }
0xb0: {  	v36 =	vld [tilespmem:s5+$0x1B490];
	v12 =	vmul.f32 v26, v31;
	[tilespmem:s5+$0x1B580] =	vst v59  }
0xb1: {  	v37 =	vld [tilespmem:s5+$0x1B4A0];
	v10 =	vmul.f32 v30, v31;
	[tilespmem:s5+$0x1B5D0] =	vst v21  }
0xb2: {  	v7 =	vld [tilespmem:s5+$0x1B610];
	v40 =	vbroadcast v2, $0x8;
	v8 =	vmul.f32 v32, v31;
	[tilespmem:s5+$0x1B400] =	vst v12  }
0xb3: {  	v34 =	vld [tilespmem:s5+$0x1B470];
	v9 =	vmul.f32 v33, v31;
	[tilespmem:s5+$0x1B440] =	vst v10  }
0xb4: {  	v57 =	vld [tilespmem:s5+$0x1B5C0];
	v11 =	vmul.f32 v35, v40;
	[tilespmem:s5+$0x1B450] =	vst v8  }
0xb5: {  	v61 =	vld [tilespmem:s5+$0x1B080];
	v24 =	vbroadcast v2, $0xB;
	v13 =	vmul.f32 v36, v40;
	[tilespmem:s5+$0x1B460] =	vst v9  }
0xb6: {  	v4 =	vld [tilespmem:s5+$0x1B850];
	v14 =	vmul.f32 v37, v40;
	[tilespmem:s5+$0x1B480] =	vst v11  }
0xb7: {  	v38 =	vld [tilespmem:s5+$0x1B4B0];
	v5 =	vmul.f32 v5, v24;
	[tilespmem:s5+$0x1B490] =	vst v13  }
0xb8: {  	v39 =	vld [tilespmem:s5+$0x1B4C0];
	v7 =	vmul.f32 v7, v24;
	[tilespmem:s5+$0x1B4A0] =	vst v14  }
0xb9: {  	v41 =	vld [tilespmem:s5+$0x1B4D0];
	v19 =	vmul.f32 v57, v6;
	[tilespmem:s5+$0x1B600] =	vst v5  }
0xba: {  	v43 =	vld [tilespmem:s5+$0x1B4F0];
	v25 =	vmul.f32 v61, v3;
	[tilespmem:s5+$0x1B610] =	vst v7  }
0xbb: {  	v44 =	vld [tilespmem:s5+$0x1B500];
	v12 =	vmul.f32 v34, v31;
	[tilespmem:s5+$0x1B5C0] =	vst v19  }
0xbc: {  	v45 =	vld [tilespmem:s5+$0x1B510];
	v10 =	vmul.f32 v38, v40;
	[tilespmem:s5+$0x1B080] =	vst v25  }
0xbd: {  	v27 =	vld [tilespmem:s5+$0x1B650];
	v8 =	vmul.f32 v39, v40;
	[tilespmem:s5+$0x1B470] =	vst v12  }
0xbe: {  	v49 =	vbroadcast v2, $0x9;
	v29 =	vld [tilespmem:s5+$0x1B670];
	v9 =	vmul.f32 v41, v40;
	[tilespmem:s5+$0x1B4B0] =	vst v10  }
0xbf: {  	v42 =	vld [tilespmem:s5+$0x1B4E0];
	v11 =	vmul.f32 v43, v40;
	[tilespmem:s5+$0x1B4C0] =	vst v8  }
0xc0: {  	v46 =	vld [tilespmem:s5+$0x1B520];
	v13 =	vmul.f32 v44, v49;
	[tilespmem:s5+$0x1B4D0] =	vst v9  }
0xc1: {  	v47 =	vld [tilespmem:s5+$0x1B530];
	v14 =	vmul.f32 v45, v49;
	[tilespmem:s5+$0x1B4F0] =	vst v11  }
0xc2: {  	v48 =	vld [tilespmem:s5+$0x1B540];
	v32 =	vmul.f32 v27, v24;
	[tilespmem:s5+$0x1B500] =	vst v13  }
0xc3: {  	v51 =	vld [tilespmem:s5+$0x1B560];
	v7 =	vmul.f32 v29, v24;
	[tilespmem:s5+$0x1B510] =	vst v14  }
0xc4: {  	v52 =	vld [tilespmem:s5+$0x1B570];
	v12 =	vmul.f32 v42, v40;
	[tilespmem:s5+$0x1B650] =	vst v32  }
0xc5: {  	v10 =	vmul.f32 v46, v49;
	[tilespmem:s5+$0x1B670] =	vst v7  }
0xc6: {  	v28 =	vld [tilespmem:s5+$0x1B660];
	v8 =	vmul.f32 v47, v49;
	[tilespmem:s5+$0x1B4E0] =	vst v12  }
0xc7: {  	v30 =	vld [tilespmem:s5+$0x1B680];
	v9 =	vmul.f32 v48, v49;
	[tilespmem:s5+$0x1B520] =	vst v10  }
0xc8: {  	v50 =	vld [tilespmem:s5+$0x1B550];
	v5 =	vbroadcast v2, $0xF;
	v11 =	vmul.f32 v51, v49;
	[tilespmem:s5+$0x1B530] =	vst v8  }
0xc9: {  	v54 =	vld [tilespmem:s5+$0x1B590];
	v13 =	vmul.f32 v52, v49;
	[tilespmem:s5+$0x1B540] =	vst v9  }
0xca: {  	v55 =	vld [tilespmem:s5+$0x1B5A0];
	v35 =	vbroadcast v2, $0xC;
	v4 =	vmul.f32 v4, v5;
	[tilespmem:s5+$0x1B560] =	vst v11  }
0xcb: {  	v56 =	vld [tilespmem:s5+$0x1B5B0];
	v40 =	vmul.f32 v28, v24;
	[tilespmem:s5+$0x1B570] =	vst v13  }
0xcc: {  	v60 =	vld [tilespmem:s5+$0x1B5E0];
	v16 =	vmul.f32 v30, v35;
	[tilespmem:s5+$0x1B850] =	vst v4  }
0xcd: {  	v62 =	vld [tilespmem:s5+$0x1B090];
	v12 =	vmul.f32 v50, v49;
	[tilespmem:s5+$0x1B660] =	vst v40  }
0xce: {  	v63 =	vld [tilespmem:s5+$0x1B0C0];
	v10 =	vmul.f32 v54, v6;
	[tilespmem:s5+$0x1B680] =	vst v16  }
0xcf: {  	v20 =	vld [tilespmem:s5+$0x1B0D0];
	v8 =	vmul.f32 v55, v6;
	[tilespmem:s5+$0x1B550] =	vst v12  }
0xd0: {  	v33 =	vld [tilespmem:s5+$0x1B6B0];
	v9 =	vmul.f32 v56, v6;
	[tilespmem:s5+$0x1B590] =	vst v10  }
0xd1: {  	v61 =	vld [tilespmem:s5+$0x1B870];
	v6 =	vmul.f32 v60, v6;
	[tilespmem:s5+$0x1B5A0] =	vst v8  }
0xd2: {  	v38 =	vld [tilespmem:s5+$0x1B6F0];
	v13 =	vmul.f32 v62, v3;
	[tilespmem:s5+$0x1B5B0] =	vst v9  }
0xd3: {  	v22 =	vld [tilespmem:s5+$0x1B620];
	v4 =	vmul.f32 v63, v3;
	[tilespmem:s5+$0x1B5E0] =	vst v6  }
0xd4: {  	v23 =	vld [tilespmem:s5+$0x1B630];
	v3 =	vmul.f32 v20, v3;
	[tilespmem:s5+$0x1B090] =	vst v13  }
0xd5: {  	v26 =	vld [tilespmem:s5+$0x1B640];
	v62 =	vmul.f32 v33, v35;
	[tilespmem:s5+$0x1B0C0] =	vst v4  }
0xd6: {  	v31 =	vld [tilespmem:s5+$0x1B690];
	v63 =	vmul.f32 v61, v5;
	[tilespmem:s5+$0x1B0D0] =	vst v3  }
0xd7: {  	v34 =	vld [tilespmem:s5+$0x1B6C0];
	v16 =	vmul.f32 v38, v35;
	[tilespmem:s5+$0x1B6B0] =	vst v62  }
0xd8: {  	v41 =	vld [tilespmem:s5+$0x1B720];
	v8 =	vmul.f32 v22, v24;
	[tilespmem:s5+$0x1B870] =	vst v63  }
0xd9: {  	v46 =	vld [tilespmem:s5+$0x1B760];
	v9 =	vmul.f32 v23, v24;
	[tilespmem:s5+$0x1B6F0] =	vst v16  }
0xda: {  	v6 =	vmul.f32 v26, v24;
	v3 =	vld [tilespmem:s5+$0x1B710];
	[tilespmem:s5+$0x1B620] =	vst v8  }
0xdb: {  	v36 =	vld [tilespmem:s5+$0x1B6D0];
	v44 =	vbroadcast v2, $0xD;
	v10 =	vmul.f32 v31, v35;
	[tilespmem:s5+$0x1B630] =	vst v9  }
0xdc: {  	v37 =	vld [tilespmem:s5+$0x1B6E0];
	v13 =	vmul.f32 v34, v35;
	[tilespmem:s5+$0x1B640] =	vst v6  }
0xdd: {  	v39 =	vld [tilespmem:s5+$0x1B700];
	v12 =	vmul.f32 v41, v44;
	[tilespmem:s5+$0x1B690] =	vst v10  }
0xde: {  	v42 =	vld [tilespmem:s5+$0x1B730];
	v51 =	vmul.f32 v46, v44;
	[tilespmem:s5+$0x1B6C0] =	vst v13  }
0xdf: {  	v48 =	vld [tilespmem:s5+$0x1B790];
	[tilespmem:s5+$0x1B720] =	vst v12;
	v3 =	vmul.f32 v3, v44  }
0xe0: {  	v49 =	vld [tilespmem:s5+$0x1B7A0];
	v9 =	vmul.f32 v36, v35;
	[tilespmem:s5+$0x1B760] =	vst v51  }
0xe1: {  	v6 =	vmul.f32 v37, v35;
	[tilespmem:s5+$0x1B710] =	vst v3;
	v3 =	vld [tilespmem:s5+$0x1B780]  }
0xe2: {  	v2 =	vbroadcast v2, $0xE;
	v50 =	vld [tilespmem:s5+$0x1B7B0];
	v10 =	vmul.f32 v39, v44;
	[tilespmem:s5+$0x1B6D0] =	vst v9  }
0xe3: {  	v45 =	vld [tilespmem:s5+$0x1B750];
	v13 =	vmul.f32 v42, v44;
	[tilespmem:s5+$0x1B6E0] =	vst v6  }
0xe4: {  	v47 =	vld [tilespmem:s5+$0x1B770];
	v12 =	vmul.f32 v48, v2;
	[tilespmem:s5+$0x1B700] =	vst v10  }
0xe5: {  	v43 =	vld [tilespmem:s5+$0x1B740];
	v11 =	vmul.f32 v49, v2;
	[tilespmem:s5+$0x1B730] =	vst v13  }
0xe6: {  	v55 =	vld [tilespmem:s5+$0x1B800];
	[tilespmem:s5+$0x1B790] =	vst v12;
	v3 =	vmul.f32 v3, v2  }
0xe7: {  	v57 =	vld [tilespmem:s5+$0x1B820];
	v7 =	vmul.f32 v50, v2;
	[tilespmem:s5+$0x1B7A0] =	vst v11  }
0xe8: {  	v6 =	vmul.f32 v45, v44;
	[tilespmem:s5+$0x1B780] =	vst v3;
	v3 =	vld [tilespmem:s5+$0x1B7F0]  }
0xe9: {  	v52 =	vld [tilespmem:s5+$0x1B7C0];
	v10 =	vmul.f32 v47, v44;
	[tilespmem:s5+$0x1B7B0] =	vst v7  }
0xea: {  	v56 =	vld [tilespmem:s5+$0x1B810];
	v9 =	vmul.f32 v43, v44;
	[tilespmem:s5+$0x1B750] =	vst v6  }
0xeb: {  	v54 =	vld [tilespmem:s5+$0x1B7E0];
	v12 =	vmul.f32 v55, v5;
	[tilespmem:s5+$0x1B770] =	vst v10  }
0xec: {  	v58 =	vld [tilespmem:s5+$0x1B830];
	v7 =	vmul.f32 v57, v5;
	[tilespmem:s5+$0x1B740] =	vst v9  }
0xed: {  	v53 =	vld [tilespmem:s5+$0x1B7D0];
	[tilespmem:s5+$0x1B800] =	vst v12;
	v3 =	vmul.f32 v3, v2  }
0xee: {  	v59 =	vld [tilespmem:s5+$0x1B840];
	v6 =	vmul.f32 v52, v2;
	[tilespmem:s5+$0x1B820] =	vst v7  }
0xef: {  	v60 =	vld [tilespmem:s5+$0x1B860];
	[tilespmem:s5+$0x1B7F0] =	vst v3;
	v3 =	vmul.f32 v56, v5  }
0xf0: {  	v10 =	vmul.f32 v54, v2;
	[tilespmem:s5+$0x1B7C0] =	vst v6  }
0xf1: {  	v4 =	vld [tilespmem:s5+$0x1B6A0];
	[tilespmem:s5+$0x1B810] =	vst v3;
	v3 =	vmul.f32 v58, v5  }
0xf2: {  	[tilespmem:s5+$0x1B7E0] =	vst v10;
	v2 =	vmul.f32 v53, v2  }
0xf3: {  	[tilespmem:s5+$0x1B830] =	vst v3;
	v3 =	vmul.f32 v59, v5  }
0xf4: {  	[tilespmem:s5+$0x1B7D0] =	vst v2;
	v5 =	vmul.f32 v60, v5  }
0xf5: {  	[tilespmem:s5+$0x1B840] =	vst v3  }
0xf6: {  	s6 =	simm.s32 $0x1;
	v3 =	vmul.f32 v4, v35;
	[tilespmem:s5+$0x1B860] =	vst v5  }
.LBB2_5:
0xf7: {  	s7 =	sshll.u32 s6, $0x4  }
0xf8: {  	p1 =	sne.s32 s6, $0x7;
	[tilespmem:s5+$0x1B6A0] =	vst v3;
	s5 =	smov.u32 s6;
	s6 =	sadd.s32 $0x1, s6  }
0xf9: {  	s7 =	sand.u32 $0x3FFFFFF0, s7  }
0xfa: {  	v2 =	vld.idx.msk [tilespmem:v1+s7+$0x0 ss:$0x1], $0xffff  }
0xfb: {  	s5 =	sshll.u32 s5, $0xB  }
0xfc: {  	s5 =	sand.u32 $0x3FFFF800, s5  }
0xfd: {  	v9 =	vld [tilespmem:s5+$0x1B140]  }
0xfe: {  	v10 =	vld [tilespmem:s5+$0x1B150]  }
0xff: {  	v11 =	vld [tilespmem:s5+$0x1B130]  }
0x100: {  	v3 =	vbroadcast v2, $0x0;
	v8 =	vbroadcast v2, $0x4;
	v4 =	vld [tilespmem:s5+$0x1B0A0]  }
0x101: {  	v6 =	vld [tilespmem:s5+$0x1B0B0]  }
0x102: {  	v7 =	vld [tilespmem:s5+$0x1B5F0]  }
0x103: {  	v12 =	vld [tilespmem:s5+$0x1B0E0]  }
0x104: {  	v13 =	vld [tilespmem:s5+$0x1B0F0]  }
0x105: {  	v5 =	vbroadcast v2, $0xA;
	v4 =	vmul.f32 v4, v3;
	v14 =	vld [tilespmem:s5+$0x1B100]  }
0x106: {  	v6 =	vmul.f32 v6, v3;
	v15 =	vld [tilespmem:s5+$0x1B110]  }
0x107: {  	[tilespmem:s5+$0x1B0A0] =	vst v4;
	v16 =	vld [tilespmem:s5+$0x1B120];
	v4 =	vmul.f32 v7, v5  }
0x108: {  	[tilespmem:s5+$0x1B0B0] =	vst v6;
	v7 =	vmul.f32 v12, v3;
	v12 =	vbroadcast v2, $0x1;
	v6 =	vld [tilespmem:s5+$0x1B600]  }
0x109: {  	v13 =	vmul.f32 v13, v3;
	[tilespmem:s5+$0x1B5F0] =	vst v4;
	v4 =	vld [tilespmem:s5+$0x1B850]  }
0x10a: {  	[tilespmem:s5+$0x1B0E0] =	vst v7;
	v14 =	vmul.f32 v14, v12;
	v7 =	vld [tilespmem:s5+$0x1B610]  }
0x10b: {  	[tilespmem:s5+$0x1B0F0] =	vst v13;
	v13 =	vmul.f32 v15, v12;
	v15 =	vld [tilespmem:s5+$0x1B160]  }
0x10c: {  	[tilespmem:s5+$0x1B100] =	vst v14;
	v14 =	vmul.f32 v16, v12;
	v16 =	vld [tilespmem:s5+$0x1B170]  }
0x10d: {  	v11 =	vmul.f32 v11, v12;
	[tilespmem:s5+$0x1B110] =	vst v13;
	v13 =	vld [tilespmem:s5+$0x1B180]  }
0x10e: {  	v9 =	vmul.f32 v9, v12;
	[tilespmem:s5+$0x1B120] =	vst v14;
	v14 =	vld [tilespmem:s5+$0x1B190]  }
0x10f: {  	v10 =	vmul.f32 v10, v12;
	[tilespmem:s5+$0x1B130] =	vst v11;
	v11 =	vld [tilespmem:s5+$0x1B1A0]  }
0x110: {  	[tilespmem:s5+$0x1B140] =	vst v9;
	v9 =	vmul.f32 v15, v12;
	v15 =	vbroadcast v2, $0x2;
	v17 =	vld [tilespmem:s5+$0x1B1B0]  }
0x111: {  	[tilespmem:s5+$0x1B150] =	vst v10;
	v10 =	vmul.f32 v16, v12;
	v12 =	vld [tilespmem:s5+$0x1B1C0]  }
0x112: {  	[tilespmem:s5+$0x1B160] =	vst v9;
	v9 =	vmul.f32 v13, v15;
	v13 =	vld [tilespmem:s5+$0x1B1D0]  }
0x113: {  	[tilespmem:s5+$0x1B170] =	vst v10;
	v10 =	vmul.f32 v14, v15;
	v14 =	vld [tilespmem:s5+$0x1B1E0]  }
0x114: {  	[tilespmem:s5+$0x1B180] =	vst v9;
	v9 =	vmul.f32 v11, v15;
	v11 =	vld [tilespmem:s5+$0x1B1F0]  }
0x115: {  	[tilespmem:s5+$0x1B190] =	vst v10;
	v10 =	vmul.f32 v17, v15;
	v16 =	vld [tilespmem:s5+$0x1B200]  }
0x116: {  	[tilespmem:s5+$0x1B1A0] =	vst v9;
	v9 =	vmul.f32 v12, v15;
	v12 =	vld [tilespmem:s5+$0x1B210]  }
0x117: {  	[tilespmem:s5+$0x1B1B0] =	vst v10;
	v10 =	vmul.f32 v13, v15;
	v13 =	vld [tilespmem:s5+$0x1B220]  }
0x118: {  	[tilespmem:s5+$0x1B1C0] =	vst v9;
	v9 =	vmul.f32 v14, v15;
	v14 =	vbroadcast v2, $0x3;
	v17 =	vld [tilespmem:s5+$0x1B230]  }
0x119: {  	[tilespmem:s5+$0x1B1D0] =	vst v10;
	v10 =	vmul.f32 v11, v15;
	v11 =	vld [tilespmem:s5+$0x1B240]  }
0x11a: {  	[tilespmem:s5+$0x1B1E0] =	vst v9;
	v9 =	vmul.f32 v16, v14;
	v15 =	vld [tilespmem:s5+$0x1B250]  }
0x11b: {  	[tilespmem:s5+$0x1B1F0] =	vst v10;
	v10 =	vmul.f32 v12, v14;
	v12 =	vld [tilespmem:s5+$0x1B260]  }
0x11c: {  	[tilespmem:s5+$0x1B200] =	vst v9;
	v9 =	vmul.f32 v13, v14;
	v13 =	vld [tilespmem:s5+$0x1B270]  }
0x11d: {  	[tilespmem:s5+$0x1B210] =	vst v10;
	v10 =	vmul.f32 v17, v14;
	v16 =	vld [tilespmem:s5+$0x1B280]  }
0x11e: {  	[tilespmem:s5+$0x1B220] =	vst v9;
	v9 =	vmul.f32 v11, v14;
	v11 =	vld [tilespmem:s5+$0x1B290]  }
0x11f: {  	[tilespmem:s5+$0x1B230] =	vst v10;
	v10 =	vmul.f32 v15, v14;
	v15 =	vld [tilespmem:s5+$0x1B2A0]  }
0x120: {  	[tilespmem:s5+$0x1B240] =	vst v9;
	v9 =	vmul.f32 v12, v14;
	v12 =	vld [tilespmem:s5+$0x1B2B0]  }
0x121: {  	[tilespmem:s5+$0x1B250] =	vst v10;
	v10 =	vmul.f32 v13, v14;
	v13 =	vld [tilespmem:s5+$0x1B2C0]  }
0x122: {  	[tilespmem:s5+$0x1B260] =	vst v9;
	v9 =	vmul.f32 v16, v8;
	v14 =	vld [tilespmem:s5+$0x1B2D0]  }
0x123: {  	[tilespmem:s5+$0x1B270] =	vst v10;
	v10 =	vmul.f32 v11, v8;
	v11 =	vld [tilespmem:s5+$0x1B2E0]  }
0x124: {  	[tilespmem:s5+$0x1B280] =	vst v9;
	v9 =	vmul.f32 v15, v8;
	v15 =	vld [tilespmem:s5+$0x1B2F0]  }
0x125: {  	[tilespmem:s5+$0x1B290] =	vst v10;
	v10 =	vmul.f32 v12, v8;
	v12 =	vld [tilespmem:s5+$0x1B300]  }
0x126: {  	[tilespmem:s5+$0x1B2A0] =	vst v9;
	v9 =	vmul.f32 v13, v8;
	v13 =	vld [tilespmem:s5+$0x1B310]  }
0x127: {  	[tilespmem:s5+$0x1B2B0] =	vst v10;
	v10 =	vmul.f32 v14, v8;
	v14 =	vld [tilespmem:s5+$0x1B320]  }
0x128: {  	[tilespmem:s5+$0x1B2C0] =	vst v9;
	v9 =	vmul.f32 v11, v8;
	v11 =	vbroadcast v2, $0x5;
	v16 =	vld [tilespmem:s5+$0x1B330]  }
0x129: {  	[tilespmem:s5+$0x1B2D0] =	vst v10;
	v8 =	vmul.f32 v15, v8;
	v10 =	vld [tilespmem:s5+$0x1B340]  }
0x12a: {  	[tilespmem:s5+$0x1B2E0] =	vst v9;
	v9 =	vmul.f32 v12, v11;
	v12 =	vld [tilespmem:s5+$0x1B350]  }
0x12b: {  	[tilespmem:s5+$0x1B2F0] =	vst v8;
	v8 =	vmul.f32 v13, v11;
	v13 =	vld [tilespmem:s5+$0x1B360]  }
0x12c: {  	[tilespmem:s5+$0x1B300] =	vst v9;
	v9 =	vmul.f32 v14, v11;
	v14 =	vld [tilespmem:s5+$0x1B370]  }
0x12d: {  	[tilespmem:s5+$0x1B310] =	vst v8;
	v8 =	vmul.f32 v16, v11;
	v15 =	vld [tilespmem:s5+$0x1B380]  }
0x12e: {  	[tilespmem:s5+$0x1B320] =	vst v9;
	v9 =	vmul.f32 v10, v11;
	v10 =	vld [tilespmem:s5+$0x1B390]  }
0x12f: {  	[tilespmem:s5+$0x1B330] =	vst v8;
	v8 =	vmul.f32 v12, v11;
	v12 =	vld [tilespmem:s5+$0x1B3A0]  }
0x130: {  	[tilespmem:s5+$0x1B340] =	vst v9;
	v9 =	vmul.f32 v13, v11;
	v13 =	vbroadcast v2, $0x6;
	v16 =	vld [tilespmem:s5+$0x1B3B0]  }
0x131: {  	[tilespmem:s5+$0x1B350] =	vst v8;
	v8 =	vmul.f32 v14, v11;
	v11 =	vld [tilespmem:s5+$0x1B3C0]  }
0x132: {  	[tilespmem:s5+$0x1B360] =	vst v9;
	v9 =	vmul.f32 v15, v13;
	v14 =	vld [tilespmem:s5+$0x1B3D0]  }
0x133: {  	[tilespmem:s5+$0x1B370] =	vst v8;
	v8 =	vmul.f32 v10, v13;
	v10 =	vld [tilespmem:s5+$0x1B3E0]  }
0x134: {  	[tilespmem:s5+$0x1B380] =	vst v9;
	v9 =	vmul.f32 v12, v13;
	v12 =	vld [tilespmem:s5+$0x1B3F0]  }
0x135: {  	[tilespmem:s5+$0x1B390] =	vst v8;
	v8 =	vmul.f32 v16, v13;
	v15 =	vld [tilespmem:s5+$0x1B400]  }
0x136: {  	[tilespmem:s5+$0x1B3A0] =	vst v9;
	v9 =	vmul.f32 v11, v13;
	v11 =	vld [tilespmem:s5+$0x1B410]  }
0x137: {  	[tilespmem:s5+$0x1B3B0] =	vst v8;
	v8 =	vmul.f32 v14, v13;
	v14 =	vld [tilespmem:s5+$0x1B420]  }
0x138: {  	[tilespmem:s5+$0x1B3C0] =	vst v9;
	v9 =	vmul.f32 v10, v13;
	v10 =	vbroadcast v2, $0x7;
	v16 =	vld [tilespmem:s5+$0x1B430]  }
0x139: {  	[tilespmem:s5+$0x1B3D0] =	vst v8;
	v8 =	vmul.f32 v12, v13;
	v12 =	vld [tilespmem:s5+$0x1B440]  }
0x13a: {  	[tilespmem:s5+$0x1B3E0] =	vst v9;
	v9 =	vmul.f32 v15, v10;
	v13 =	vld [tilespmem:s5+$0x1B450]  }
0x13b: {  	[tilespmem:s5+$0x1B3F0] =	vst v8;
	v8 =	vmul.f32 v11, v10;
	v11 =	vld [tilespmem:s5+$0x1B460]  }
0x13c: {  	[tilespmem:s5+$0x1B400] =	vst v9;
	v9 =	vmul.f32 v14, v10;
	v14 =	vld [tilespmem:s5+$0x1B470]  }
0x13d: {  	[tilespmem:s5+$0x1B410] =	vst v8;
	v8 =	vmul.f32 v16, v10;
	v15 =	vld [tilespmem:s5+$0x1B480]  }
0x13e: {  	[tilespmem:s5+$0x1B420] =	vst v9;
	v9 =	vmul.f32 v12, v10;
	v12 =	vld [tilespmem:s5+$0x1B490]  }
0x13f: {  	[tilespmem:s5+$0x1B430] =	vst v8;
	v8 =	vmul.f32 v13, v10;
	v13 =	vld [tilespmem:s5+$0x1B4A0]  }
0x140: {  	[tilespmem:s5+$0x1B440] =	vst v9;
	v9 =	vmul.f32 v11, v10;
	v11 =	vbroadcast v2, $0x8;
	v16 =	vld [tilespmem:s5+$0x1B4B0]  }
0x141: {  	[tilespmem:s5+$0x1B450] =	vst v8;
	v8 =	vmul.f32 v14, v10;
	v10 =	vld [tilespmem:s5+$0x1B4C0]  }
0x142: {  	[tilespmem:s5+$0x1B460] =	vst v9;
	v9 =	vmul.f32 v15, v11;
	v14 =	vld [tilespmem:s5+$0x1B4D0]  }
0x143: {  	[tilespmem:s5+$0x1B470] =	vst v8;
	v8 =	vmul.f32 v12, v11;
	v12 =	vld [tilespmem:s5+$0x1B4E0]  }
0x144: {  	[tilespmem:s5+$0x1B480] =	vst v9;
	v9 =	vmul.f32 v13, v11;
	v13 =	vld [tilespmem:s5+$0x1B4F0]  }
0x145: {  	[tilespmem:s5+$0x1B490] =	vst v8;
	v8 =	vmul.f32 v16, v11;
	v15 =	vld [tilespmem:s5+$0x1B500]  }
0x146: {  	[tilespmem:s5+$0x1B4A0] =	vst v9;
	v9 =	vmul.f32 v10, v11;
	v10 =	vld [tilespmem:s5+$0x1B510]  }
0x147: {  	[tilespmem:s5+$0x1B4B0] =	vst v8;
	v8 =	vmul.f32 v14, v11;
	v14 =	vld [tilespmem:s5+$0x1B520]  }
0x148: {  	[tilespmem:s5+$0x1B4C0] =	vst v9;
	v9 =	vmul.f32 v12, v11;
	v12 =	vbroadcast v2, $0x9;
	v16 =	vld [tilespmem:s5+$0x1B530]  }
0x149: {  	[tilespmem:s5+$0x1B4D0] =	vst v8;
	v8 =	vmul.f32 v13, v11;
	v11 =	vld [tilespmem:s5+$0x1B540]  }
0x14a: {  	[tilespmem:s5+$0x1B4E0] =	vst v9;
	v9 =	vmul.f32 v15, v12;
	v13 =	vld [tilespmem:s5+$0x1B550]  }
0x14b: {  	[tilespmem:s5+$0x1B4F0] =	vst v8;
	v8 =	vmul.f32 v10, v12;
	v10 =	vld [tilespmem:s5+$0x1B560]  }
0x14c: {  	[tilespmem:s5+$0x1B500] =	vst v9;
	v9 =	vmul.f32 v14, v12;
	v14 =	vld [tilespmem:s5+$0x1B570]  }
0x14d: {  	[tilespmem:s5+$0x1B510] =	vst v8;
	v8 =	vmul.f32 v16, v12;
	v15 =	vld [tilespmem:s5+$0x1B580]  }
0x14e: {  	[tilespmem:s5+$0x1B520] =	vst v9;
	v9 =	vmul.f32 v11, v12;
	v11 =	vld [tilespmem:s5+$0x1B590]  }
0x14f: {  	[tilespmem:s5+$0x1B530] =	vst v8;
	v8 =	vmul.f32 v13, v12;
	v13 =	vld [tilespmem:s5+$0x1B5A0]  }
0x150: {  	[tilespmem:s5+$0x1B540] =	vst v9;
	v9 =	vmul.f32 v10, v12;
	v10 =	vld [tilespmem:s5+$0x1B5B0]  }
0x151: {  	[tilespmem:s5+$0x1B550] =	vst v8;
	v8 =	vmul.f32 v14, v12;
	v12 =	vld [tilespmem:s5+$0x1B5C0]  }
0x152: {  	[tilespmem:s5+$0x1B560] =	vst v9;
	v9 =	vmul.f32 v15, v5;
	v14 =	vld [tilespmem:s5+$0x1B5D0]  }
0x153: {  	[tilespmem:s5+$0x1B570] =	vst v8;
	v8 =	vmul.f32 v11, v5;
	v11 =	vld [tilespmem:s5+$0x1B5E0]  }
0x154: {  	v15 =	vld [tilespmem:s5+$0x1B080];
	[tilespmem:s5+$0x1B580] =	vst v9;
	v9 =	vmul.f32 v13, v5  }
0x155: {  	v13 =	vld [tilespmem:s5+$0x1B090];
	[tilespmem:s5+$0x1B590] =	vst v8;
	v8 =	vmul.f32 v10, v5  }
0x156: {  	v10 =	vld [tilespmem:s5+$0x1B0C0];
	[tilespmem:s5+$0x1B5A0] =	vst v9;
	v9 =	vmul.f32 v12, v5  }
0x157: {  	v12 =	vld [tilespmem:s5+$0x1B0D0];
	[tilespmem:s5+$0x1B5B0] =	vst v8;
	v8 =	vmul.f32 v14, v5  }
0x158: {  	[tilespmem:s5+$0x1B5C0] =	vst v9;
	v9 =	vmul.f32 v11, v5;
	v11 =	vbroadcast v2, $0xB;
	v14 =	vld [tilespmem:s5+$0x1B620]  }
0x159: {  	v5 =	vbroadcast v2, $0xF;
	v15 =	vmul.f32 v15, v3;
	[tilespmem:s5+$0x1B5D0] =	vst v8;
	v8 =	vld [tilespmem:s5+$0x1B630]  }
0x15a: {  	v13 =	vmul.f32 v13, v3;
	[tilespmem:s5+$0x1B5E0] =	vst v9;
	v6 =	vmul.f32 v6, v11;
	v9 =	vld [tilespmem:s5+$0x1B640]  }
0x15b: {  	v7 =	vmul.f32 v7, v11;
	[tilespmem:s5+$0x1B080] =	vst v15;
	v10 =	vmul.f32 v10, v3;
	v15 =	vld [tilespmem:s5+$0x1B650]  }
0x15c: {  	v4 =	vmul.f32 v4, v5;
	v12 =	vmul.f32 v12, v3;
	[tilespmem:s5+$0x1B600] =	vst v6;
	v3 =	vld [tilespmem:s5+$0x1B660]  }
0x15d: {  	[tilespmem:s5+$0x1B610] =	vst v7;
	v6 =	vmul.f32 v14, v11;
	v7 =	vld [tilespmem:s5+$0x1B670]  }
0x15e: {  	v8 =	vmul.f32 v8, v11;
	v14 =	vld [tilespmem:s5+$0x1B680];
	[tilespmem:s5+$0x1B850] =	vst v4  }
0x15f: {  	[tilespmem:s5+$0x1B090] =	vst v13;
	v4 =	vmul.f32 v9, v11;
	v9 =	vld [tilespmem:s5+$0x1B690]  }
0x160: {  	[tilespmem:s5+$0x1B0C0] =	vst v10;
	v10 =	vmul.f32 v15, v11;
	v13 =	vld [tilespmem:s5+$0x1B6A0]  }
0x161: {  	v15 =	vbroadcast v2, $0xC;
	[tilespmem:s5+$0x1B620] =	vst v6;
	v6 =	vmul.f32 v3, v11;
	v16 =	vld [tilespmem:s5+$0x1B6B0]  }
0x162: {  	[tilespmem:s5+$0x1B650] =	vst v10;
	v7 =	vmul.f32 v7, v11;
	v10 =	vld [tilespmem:s5+$0x1B6C0]  }
0x163: {  	[tilespmem:s5+$0x1B630] =	vst v8;
	v3 =	vmul.f32 v14, v15;
	v8 =	vld [tilespmem:s5+$0x1B6D0]  }
0x164: {  	[tilespmem:s5+$0x1B640] =	vst v4;
	v4 =	vmul.f32 v9, v15;
	v9 =	vld [tilespmem:s5+$0x1B6E0]  }
0x165: {  	[tilespmem:s5+$0x1B680] =	vst v3;
	v3 =	vmul.f32 v13, v15;
	v11 =	vld [tilespmem:s5+$0x1B6F0]  }
0x166: {  	[tilespmem:s5+$0x1B690] =	vst v4;
	v4 =	vld [tilespmem:s5+$0x1B700]  }
0x167: {  	[tilespmem:s5+$0x1B0D0] =	vst v12;
	v10 =	vmul.f32 v10, v15;
	v12 =	vld [tilespmem:s5+$0x1B710]  }
0x168: {  	[tilespmem:s5+$0x1B660] =	vst v6;
	v6 =	vmul.f32 v8, v15;
	v8 =	vld [tilespmem:s5+$0x1B720]  }
0x169: {  	[tilespmem:s5+$0x1B6C0] =	vst v10;
	v9 =	vmul.f32 v9, v15;
	v10 =	vbroadcast v2, $0xD;
	v13 =	vld [tilespmem:s5+$0x1B730]  }
0x16a: {  	[tilespmem:s5+$0x1B6D0] =	vst v6;
	v6 =	vmul.f32 v11, v15;
	v11 =	vld [tilespmem:s5+$0x1B740]  }
0x16b: {  	[tilespmem:s5+$0x1B6E0] =	vst v9;
	v4 =	vmul.f32 v4, v10;
	v9 =	vld [tilespmem:s5+$0x1B750]  }
0x16c: {  	[tilespmem:s5+$0x1B6F0] =	vst v6;
	v6 =	vmul.f32 v12, v10;
	v12 =	vld [tilespmem:s5+$0x1B760]  }
0x16d: {  	[tilespmem:s5+$0x1B700] =	vst v4;
	v4 =	vmul.f32 v8, v10;
	v8 =	vld [tilespmem:s5+$0x1B770]  }
0x16e: {  	[tilespmem:s5+$0x1B710] =	vst v6;
	v6 =	vmul.f32 v13, v10;
	v13 =	vld [tilespmem:s5+$0x1B780]  }
0x16f: {  	[tilespmem:s5+$0x1B720] =	vst v4;
	v4 =	vmul.f32 v11, v10;
	v11 =	vld [tilespmem:s5+$0x1B790]  }
0x170: {  	[tilespmem:s5+$0x1B730] =	vst v6;
	v6 =	vmul.f32 v9, v10;
	v9 =	vld [tilespmem:s5+$0x1B7A0]  }
0x171: {  	v2 =	vbroadcast v2, $0xE;
	[tilespmem:s5+$0x1B670] =	vst v7;
	v7 =	vmul.f32 v12, v10;
	v12 =	vld [tilespmem:s5+$0x1B7B0]  }
0x172: {  	[tilespmem:s5+$0x1B750] =	vst v6;
	v6 =	vmul.f32 v8, v10;
	v8 =	vld [tilespmem:s5+$0x1B7C0]  }
0x173: {  	[tilespmem:s5+$0x1B760] =	vst v7;
	v7 =	vmul.f32 v13, v2;
	v10 =	vld [tilespmem:s5+$0x1B7D0]  }
0x174: {  	[tilespmem:s5+$0x1B770] =	vst v6;
	v6 =	vmul.f32 v11, v2;
	v11 =	vld [tilespmem:s5+$0x1B7E0]  }
0x175: {  	[tilespmem:s5+$0x1B780] =	vst v7;
	v7 =	vmul.f32 v9, v2;
	v9 =	vld [tilespmem:s5+$0x1B7F0]  }
0x176: {  	[tilespmem:s5+$0x1B790] =	vst v6;
	v6 =	vmul.f32 v12, v2;
	v12 =	vld [tilespmem:s5+$0x1B800]  }
0x177: {  	[tilespmem:s5+$0x1B7A0] =	vst v7;
	v7 =	vmul.f32 v8, v2;
	v8 =	vld [tilespmem:s5+$0x1B810]  }
0x178: {  	[tilespmem:s5+$0x1B7B0] =	vst v6;
	v6 =	vmul.f32 v10, v2;
	v10 =	vld [tilespmem:s5+$0x1B820]  }
0x179: {  	[tilespmem:s5+$0x1B7C0] =	vst v7;
	v7 =	vmul.f32 v11, v2;
	v11 =	vld [tilespmem:s5+$0x1B830]  }
0x17a: {  	[tilespmem:s5+$0x1B740] =	vst v4;
	v2 =	vmul.f32 v9, v2;
	v4 =	vld [tilespmem:s5+$0x1B840]  }
0x17b: {  	[tilespmem:s5+$0x1B7E0] =	vst v7;
	v7 =	vmul.f32 v12, v5;
	v9 =	vld [tilespmem:s5+$0x1B860]  }
0x17c: {  	[tilespmem:s5+$0x1B7F0] =	vst v2;
	v2 =	vmul.f32 v8, v5;
	v8 =	vld [tilespmem:s5+$0x1B870]  }
0x17d: {  	[tilespmem:s5+$0x1B800] =	vst v7;
	v7 =	vmul.f32 v10, v5  }
0x17e: {  	[tilespmem:s5+$0x1B810] =	vst v2;
	v2 =	vmul.f32 v11, v5  }
0x17f: {  	v10 =	vmul.f32 v16, v15;
	[tilespmem:s5+$0x1B820] =	vst v7  }
0x180: {  	[tilespmem:s5+$0x1B830] =	vst v2;
	v2 =	vmul.f32 v4, v5  }
.Ltmp3:
0x181: {  	[tilespmem:s5+$0x1B6B0] =	vst v10;
	v4 =	vmul.f32 v8, v5;
	(pc) =	sbr.rel @p1 .LBB2_5-.Ltmp3, $4  }
0x182: {  	[tilespmem:s5+$0x1B840] =	vst v2  }
0x183: {  	v2 =	vmul.f32 v9, v5;
	[tilespmem:s5+$0x1B870] =	vst v4  }
0x184: {  	[tilespmem:s5+$0x1B7D0] =	vst v6  }
0x185: {  	[tilespmem:s5+$0x1B860] =	vst v2  }
0x186: {  	s29 =	sadd.s32 $0x1, s29  }
0x187: {  	p1 =	sne.s32 s29, $0x4F  }
.Ltmp4:
0x188: {  	[tilespmem:s5+$0x1B6A0] =	vst v3;
	s23 =	sadd.s32 $0x16080, s23;
	(pc) =	sbr.rel @p1 .LBB2_4-.Ltmp4, $4  }
0x189: {  	[spmem:s2] =	stream.indirect.scatter.add.f32 [tilespmem:s30], [sflag:$0x2], $0x80, s23, s31, $0xb8;
	[tilespmem:$0x1F080] =	vst v63  }
0x18a: {  	_ =	swait.ge [sflag:s26], $0x4000  }
0x18b: {  	[sflag:s26] =	ssyncset.done $0x0  }
0x18c: {  	[sflag:s26] =	ssyncadd.s32 $0xFFFFC000  }
0x18d: {  	[bflag:$0x0] =	sbarrier.arrive $0xFFFF  }
0x18e: {  	[tilespmem:s30], [sflag:$0x2] =	stream.linear.gather [spmem:s8], $0x2800, $0x38;
	[tilespmem:$0x1F080] =	vst v63  }
0x18f: {  	_ =	swait.ge [sflag:s26], $0x2800  }
0x190: {  	[sflag:s26] =	ssyncset.done $0x0  }
0x191: {  	s5 =	simm.s32 $0x0;
	[sflag:s26] =	ssyncadd.s32 $0xFFFFD800  }
0x192: {  	v3 =	vld [tilespmem:s5+$0x1B080]  }
0x193: {  	v5 =	vld [tilespmem:s5+$0x1B090]  }
0x194: {  	v4 =	vld [tilespmem:s5+$0x1B0A0]  }
0x195: {  	v2 =	vld [tilespmem:s5+$0x1B0B0]  }
0x196: {  	v1 =	vld [tilespmem:s5+$0x1B0C0]  }
0x197: {  	v6 =	vmax.f32 v3, $0.0e+00;
	v3 =	vld [tilespmem:s5+$0x1B0D0]  }
0x198: {  	s6 =	simm.s32 $0x200;
	[tilespmem:s5+$0x1B080] =	vst v6;
	v6 =	vmax.f32 v5, $0.0e+00;
	v5 =	vld [tilespmem:s5+$0x1B0E0]  }
.LBB2_8:
0x199: {  	s7 =	sshra.s32 s6, $0x2;
	p1 =	sne.s32 s6, $0x9E00;
	[tilespmem:s5+$0x1B090] =	vst v6;
	v4 =	vmax.f32 v4, $0.0e+00;
	v6 =	vld [tilespmem:s5+$0x1B0F0]  }
0x19a: {  	v7 =	vld [tilespmem:s7+$0x1B080];
	[tilespmem:s5+$0x1B0A0] =	vst v4;
	v2 =	vmax.f32 v2, $0.0e+00  }
0x19b: {  	v8 =	vld [tilespmem:s7+$0x1B090];
	[tilespmem:s5+$0x1B0B0] =	vst v2;
	v1 =	vmax.f32 v1, $0.0e+00  }
.Ltmp5:
0x19c: {  	v4 =	vld [tilespmem:s7+$0x1B0A0];
	[tilespmem:s5+$0x1B0C0] =	vst v1;
	v1 =	vmax.f32 v3, $0.0e+00;
	(pc) =	sbr.rel @p1 .LBB2_8-.Ltmp5, $4  }
0x19d: {  	v2 =	vld [tilespmem:s7+$0x1B0B0];
	[tilespmem:s5+$0x1B0D0] =	vst v1;
	v3 =	vmax.f32 v5, $0.0e+00  }
0x19e: {  	v1 =	vld [tilespmem:s7+$0x1B0C0];
	[tilespmem:s5+$0x1B0E0] =	vst v3;
	v5 =	vmax.f32 v6, $0.0e+00  }
0x19f: {  	v6 =	vmax.f32 v7, $0.0e+00;
	v3 =	vld [tilespmem:s7+$0x1B0D0];
	[tilespmem:s5+$0x1B0F0] =	vst v5;
	s5 =	smov.u32 s7  }
0x1a0: {  	s6 =	sadd.s32 $0x200, s6;
	[tilespmem:s5+$0x1B080] =	vst v6;
	v6 =	vmax.f32 v8, $0.0e+00;
	v5 =	vld [tilespmem:s5+$0x1B0E0]  }
0x1a1: {  	[tilespmem:s5+$0x1B090] =	vst v6;
	v4 =	vmax.f32 v4, $0.0e+00;
	v6 =	vld [tilespmem:s5+$0x1B0F0]  }
0x1a2: {  	[tilespmem:s5+$0x1B0A0] =	vst v4;
	v2 =	vmax.f32 v2, $0.0e+00  }
0x1a3: {  	[tilespmem:s5+$0x1B0B0] =	vst v2;
	v1 =	vmax.f32 v1, $0.0e+00  }
0x1a4: {  	[tilespmem:s5+$0x1B0C0] =	vst v1;
	v1 =	vmax.f32 v3, $0.0e+00  }
0x1a5: {  	[tilespmem:s5+$0x1B0D0] =	vst v1;
	v1 =	vmax.f32 v5, $0.0e+00  }
0x1a6: {  	[tilespmem:s5+$0x1B0E0] =	vst v1;
	v1 =	vmax.f32 v6, $0.0e+00  }
0x1a7: {  	[tilespmem:s5+$0x1B0F0] =	vst v1  }
0x1a8: {  	[hbm4b:s16+s0] =	stream.strided.scatter [tilespmem:s30], [sflag:$0x2], $0x2800, s25, s0, $0x38;
	[tilespmem:$0x1F080] =	vst v63  }
0x1a9: {  	_ =	swait.ge [sflag:s26], $0x2800  }
0x1aa: {  	[sflag:s26] =	ssyncset.done $0x0  }
0x1ab: {  	[sflag:s26] =	ssyncadd.s32 $0xFFFFD800  }
0x1ac: {  	[tilespmem:s30], [sflag:$0x2] =	stream.linear.gather [spmem:s9], $0x2800, $0x38;
	[tilespmem:$0x1F080] =	vst v63  }
0x1ad: {  	_ =	swait.ge [sflag:s26], $0x2800  }
0x1ae: {  	[sflag:s26] =	ssyncset.done $0x0  }
0x1af: {  	s5 =	simm.s32 $0x0;
	[sflag:s26] =	ssyncadd.s32 $0xFFFFD800  }
0x1b0: {  	v3 =	vld [tilespmem:s5+$0x1B080]  }
0x1b1: {  	v5 =	vld [tilespmem:s5+$0x1B090]  }
0x1b2: {  	v4 =	vld [tilespmem:s5+$0x1B0A0]  }
0x1b3: {  	v2 =	vld [tilespmem:s5+$0x1B0B0]  }
0x1b4: {  	v1 =	vld [tilespmem:s5+$0x1B0C0]  }
0x1b5: {  	v6 =	vmax.f32 v3, $0.0e+00;
	v3 =	vld [tilespmem:s5+$0x1B0D0]  }
0x1b6: {  	s6 =	simm.s32 $0x200;
	[tilespmem:s5+$0x1B080] =	vst v6;
	v6 =	vmax.f32 v5, $0.0e+00;
	v5 =	vld [tilespmem:s5+$0x1B0E0]  }
.LBB2_10:
0x1b7: {  	s7 =	sshra.s32 s6, $0x2;
	p1 =	sne.s32 s6, $0x9E00;
	[tilespmem:s5+$0x1B090] =	vst v6;
	v4 =	vmax.f32 v4, $0.0e+00;
	v6 =	vld [tilespmem:s5+$0x1B0F0]  }
0x1b8: {  	v7 =	vld [tilespmem:s7+$0x1B080];
	[tilespmem:s5+$0x1B0A0] =	vst v4;
	v2 =	vmax.f32 v2, $0.0e+00  }
0x1b9: {  	v8 =	vld [tilespmem:s7+$0x1B090];
	[tilespmem:s5+$0x1B0B0] =	vst v2;
	v1 =	vmax.f32 v1, $0.0e+00  }
.Ltmp6:
0x1ba: {  	v4 =	vld [tilespmem:s7+$0x1B0A0];
	[tilespmem:s5+$0x1B0C0] =	vst v1;
	v1 =	vmax.f32 v3, $0.0e+00;
	(pc) =	sbr.rel @p1 .LBB2_10-.Ltmp6, $4  }
0x1bb: {  	v2 =	vld [tilespmem:s7+$0x1B0B0];
	[tilespmem:s5+$0x1B0D0] =	vst v1;
	v3 =	vmax.f32 v5, $0.0e+00  }
0x1bc: {  	v1 =	vld [tilespmem:s7+$0x1B0C0];
	[tilespmem:s5+$0x1B0E0] =	vst v3;
	v5 =	vmax.f32 v6, $0.0e+00  }
0x1bd: {  	v6 =	vmax.f32 v7, $0.0e+00;
	v3 =	vld [tilespmem:s7+$0x1B0D0];
	[tilespmem:s5+$0x1B0F0] =	vst v5;
	s5 =	smov.u32 s7  }
0x1be: {  	s6 =	sadd.s32 $0x200, s6;
	[tilespmem:s5+$0x1B080] =	vst v6;
	v6 =	vmax.f32 v8, $0.0e+00;
	v5 =	vld [tilespmem:s5+$0x1B0E0]  }
0x1bf: {  	[tilespmem:s5+$0x1B090] =	vst v6;
	v4 =	vmax.f32 v4, $0.0e+00;
	v6 =	vld [tilespmem:s5+$0x1B0F0]  }
0x1c0: {  	[tilespmem:s5+$0x1B0A0] =	vst v4;
	v2 =	vmax.f32 v2, $0.0e+00  }
0x1c1: {  	[tilespmem:s5+$0x1B0B0] =	vst v2;
	v1 =	vmax.f32 v1, $0.0e+00  }
0x1c2: {  	[tilespmem:s5+$0x1B0C0] =	vst v1;
	v1 =	vmax.f32 v3, $0.0e+00  }
0x1c3: {  	[tilespmem:s5+$0x1B0D0] =	vst v1;
	v1 =	vmax.f32 v5, $0.0e+00  }
0x1c4: {  	[tilespmem:s5+$0x1B0E0] =	vst v1;
	v1 =	vmax.f32 v6, $0.0e+00  }
0x1c5: {  	[tilespmem:s5+$0x1B0F0] =	vst v1  }
0x1c6: {  	[hbm4b:s17+s0] =	stream.strided.scatter [tilespmem:s30], [sflag:$0x2], $0x2800, s25, s0, $0x38;
	[tilespmem:$0x1F080] =	vst v63  }
0x1c7: {  	_ =	swait.ge [sflag:s26], $0x2800  }
0x1c8: {  	[sflag:s26] =	ssyncset.done $0x0  }
0x1c9: {  	[sflag:s26] =	ssyncadd.s32 $0xFFFFD800  }
0x1ca: {  	[tilespmem:s30], [sflag:$0x2] =	stream.linear.gather [spmem:s10], $0x2800, $0x38;
	[tilespmem:$0x1F080] =	vst v63  }
0x1cb: {  	_ =	swait.ge [sflag:s26], $0x2800  }
0x1cc: {  	[sflag:s26] =	ssyncset.done $0x0  }
0x1cd: {  	s5 =	simm.s32 $0x0;
	[sflag:s26] =	ssyncadd.s32 $0xFFFFD800  }
0x1ce: {  	v3 =	vld [tilespmem:s5+$0x1B080]  }
0x1cf: {  	v5 =	vld [tilespmem:s5+$0x1B090]  }
0x1d0: {  	v4 =	vld [tilespmem:s5+$0x1B0A0]  }
0x1d1: {  	v2 =	vld [tilespmem:s5+$0x1B0B0]  }
0x1d2: {  	v1 =	vld [tilespmem:s5+$0x1B0C0]  }
0x1d3: {  	v6 =	vmax.f32 v3, $0.0e+00;
	v3 =	vld [tilespmem:s5+$0x1B0D0]  }
0x1d4: {  	s6 =	simm.s32 $0x200;
	[tilespmem:s5+$0x1B080] =	vst v6;
	v6 =	vmax.f32 v5, $0.0e+00;
	v5 =	vld [tilespmem:s5+$0x1B0E0]  }
.LBB2_12:
0x1d5: {  	s7 =	sshra.s32 s6, $0x2;
	p1 =	sne.s32 s6, $0x9E00;
	[tilespmem:s5+$0x1B090] =	vst v6;
	v4 =	vmax.f32 v4, $0.0e+00;
	v6 =	vld [tilespmem:s5+$0x1B0F0]  }
0x1d6: {  	v7 =	vld [tilespmem:s7+$0x1B080];
	[tilespmem:s5+$0x1B0A0] =	vst v4;
	v2 =	vmax.f32 v2, $0.0e+00  }
0x1d7: {  	v8 =	vld [tilespmem:s7+$0x1B090];
	[tilespmem:s5+$0x1B0B0] =	vst v2;
	v1 =	vmax.f32 v1, $0.0e+00  }
.Ltmp7:
0x1d8: {  	v4 =	vld [tilespmem:s7+$0x1B0A0];
	[tilespmem:s5+$0x1B0C0] =	vst v1;
	v1 =	vmax.f32 v3, $0.0e+00;
	(pc) =	sbr.rel @p1 .LBB2_12-.Ltmp7, $4  }
0x1d9: {  	v2 =	vld [tilespmem:s7+$0x1B0B0];
	[tilespmem:s5+$0x1B0D0] =	vst v1;
	v3 =	vmax.f32 v5, $0.0e+00  }
0x1da: {  	v1 =	vld [tilespmem:s7+$0x1B0C0];
	[tilespmem:s5+$0x1B0E0] =	vst v3;
	v5 =	vmax.f32 v6, $0.0e+00  }
0x1db: {  	v6 =	vmax.f32 v7, $0.0e+00;
	v3 =	vld [tilespmem:s7+$0x1B0D0];
	[tilespmem:s5+$0x1B0F0] =	vst v5;
	s5 =	smov.u32 s7  }
0x1dc: {  	s6 =	sadd.s32 $0x200, s6;
	[tilespmem:s5+$0x1B080] =	vst v6;
	v6 =	vmax.f32 v8, $0.0e+00;
	v5 =	vld [tilespmem:s5+$0x1B0E0]  }
0x1dd: {  	[tilespmem:s5+$0x1B090] =	vst v6;
	v4 =	vmax.f32 v4, $0.0e+00;
	v6 =	vld [tilespmem:s5+$0x1B0F0]  }
0x1de: {  	[tilespmem:s5+$0x1B0A0] =	vst v4;
	v2 =	vmax.f32 v2, $0.0e+00  }
0x1df: {  	[tilespmem:s5+$0x1B0B0] =	vst v2;
	v1 =	vmax.f32 v1, $0.0e+00  }
0x1e0: {  	[tilespmem:s5+$0x1B0C0] =	vst v1;
	v1 =	vmax.f32 v3, $0.0e+00  }
0x1e1: {  	[tilespmem:s5+$0x1B0D0] =	vst v1;
	v1 =	vmax.f32 v5, $0.0e+00  }
0x1e2: {  	[tilespmem:s5+$0x1B0E0] =	vst v1;
	v1 =	vmax.f32 v6, $0.0e+00  }
0x1e3: {  	[tilespmem:s5+$0x1B0F0] =	vst v1  }
0x1e4: {  	[hbm4b:s18+s0] =	stream.strided.scatter [tilespmem:s30], [sflag:$0x2], $0x2800, s25, s0, $0x38;
	[tilespmem:$0x1F080] =	vst v63  }
0x1e5: {  	_ =	swait.ge [sflag:s26], $0x2800  }
0x1e6: {  	[sflag:s26] =	ssyncset.done $0x0  }
0x1e7: {  	[sflag:s26] =	ssyncadd.s32 $0xFFFFD800  }
0x1e8: {  	[tilespmem:s30], [sflag:$0x2] =	stream.linear.gather [spmem:s11], $0x2800, $0x38;
	[tilespmem:$0x1F080] =	vst v63  }
0x1e9: {  	_ =	swait.ge [sflag:s26], $0x2800  }
0x1ea: {  	[sflag:s26] =	ssyncset.done $0x0  }
0x1eb: {  	s5 =	simm.s32 $0x0;
	[sflag:s26] =	ssyncadd.s32 $0xFFFFD800  }
0x1ec: {  	v3 =	vld [tilespmem:s5+$0x1B080]  }
0x1ed: {  	v5 =	vld [tilespmem:s5+$0x1B090]  }
0x1ee: {  	v4 =	vld [tilespmem:s5+$0x1B0A0]  }
0x1ef: {  	v2 =	vld [tilespmem:s5+$0x1B0B0]  }
0x1f0: {  	v1 =	vld [tilespmem:s5+$0x1B0C0]  }
0x1f1: {  	v6 =	vmax.f32 v3, $0.0e+00;
	v3 =	vld [tilespmem:s5+$0x1B0D0]  }
0x1f2: {  	s6 =	simm.s32 $0x200;
	[tilespmem:s5+$0x1B080] =	vst v6;
	v6 =	vmax.f32 v5, $0.0e+00;
	v5 =	vld [tilespmem:s5+$0x1B0E0]  }
.LBB2_14:
0x1f3: {  	s7 =	sshra.s32 s6, $0x2;
	p1 =	sne.s32 s6, $0x9E00;
	[tilespmem:s5+$0x1B090] =	vst v6;
	v4 =	vmax.f32 v4, $0.0e+00;
	v6 =	vld [tilespmem:s5+$0x1B0F0]  }
0x1f4: {  	v7 =	vld [tilespmem:s7+$0x1B080];
	[tilespmem:s5+$0x1B0A0] =	vst v4;
	v2 =	vmax.f32 v2, $0.0e+00  }
0x1f5: {  	v8 =	vld [tilespmem:s7+$0x1B090];
	[tilespmem:s5+$0x1B0B0] =	vst v2;
	v1 =	vmax.f32 v1, $0.0e+00  }
.Ltmp8:
0x1f6: {  	v4 =	vld [tilespmem:s7+$0x1B0A0];
	[tilespmem:s5+$0x1B0C0] =	vst v1;
	v1 =	vmax.f32 v3, $0.0e+00;
	(pc) =	sbr.rel @p1 .LBB2_14-.Ltmp8, $4  }
0x1f7: {  	v2 =	vld [tilespmem:s7+$0x1B0B0];
	[tilespmem:s5+$0x1B0D0] =	vst v1;
	v3 =	vmax.f32 v5, $0.0e+00  }
0x1f8: {  	v1 =	vld [tilespmem:s7+$0x1B0C0];
	[tilespmem:s5+$0x1B0E0] =	vst v3;
	v5 =	vmax.f32 v6, $0.0e+00  }
0x1f9: {  	v6 =	vmax.f32 v7, $0.0e+00;
	v3 =	vld [tilespmem:s7+$0x1B0D0];
	[tilespmem:s5+$0x1B0F0] =	vst v5;
	s5 =	smov.u32 s7  }
0x1fa: {  	s6 =	sadd.s32 $0x200, s6;
	[tilespmem:s5+$0x1B080] =	vst v6;
	v6 =	vmax.f32 v8, $0.0e+00;
	v5 =	vld [tilespmem:s5+$0x1B0E0]  }
0x1fb: {  	[tilespmem:s5+$0x1B090] =	vst v6;
	v4 =	vmax.f32 v4, $0.0e+00;
	v6 =	vld [tilespmem:s5+$0x1B0F0]  }
0x1fc: {  	[tilespmem:s5+$0x1B0A0] =	vst v4;
	v2 =	vmax.f32 v2, $0.0e+00  }
0x1fd: {  	[tilespmem:s5+$0x1B0B0] =	vst v2;
	v1 =	vmax.f32 v1, $0.0e+00  }
0x1fe: {  	[tilespmem:s5+$0x1B0C0] =	vst v1;
	v1 =	vmax.f32 v3, $0.0e+00  }
0x1ff: {  	[tilespmem:s5+$0x1B0D0] =	vst v1;
	v1 =	vmax.f32 v5, $0.0e+00  }
0x200: {  	[tilespmem:s5+$0x1B0E0] =	vst v1;
	v1 =	vmax.f32 v6, $0.0e+00  }
0x201: {  	[tilespmem:s5+$0x1B0F0] =	vst v1  }
0x202: {  	[hbm4b:s19+s0] =	stream.strided.scatter [tilespmem:s30], [sflag:$0x2], $0x2800, s25, s0, $0x38;
	[tilespmem:$0x1F080] =	vst v63  }
0x203: {  	_ =	swait.ge [sflag:s26], $0x2800  }
0x204: {  	[sflag:s26] =	ssyncset.done $0x0  }
0x205: {  	[sflag:s26] =	ssyncadd.s32 $0xFFFFD800  }
0x206: {  	[tilespmem:s30], [sflag:$0x2] =	stream.linear.gather [spmem:s12], $0x2800, $0x38;
	[tilespmem:$0x1F080] =	vst v63  }
0x207: {  	_ =	swait.ge [sflag:s26], $0x2800  }
0x208: {  	[sflag:s26] =	ssyncset.done $0x0  }
0x209: {  	s5 =	simm.s32 $0x0;
	[sflag:s26] =	ssyncadd.s32 $0xFFFFD800  }
0x20a: {  	v3 =	vld [tilespmem:s5+$0x1B080]  }
0x20b: {  	v5 =	vld [tilespmem:s5+$0x1B090]  }
0x20c: {  	v4 =	vld [tilespmem:s5+$0x1B0A0]  }
0x20d: {  	v2 =	vld [tilespmem:s5+$0x1B0B0]  }
0x20e: {  	v1 =	vld [tilespmem:s5+$0x1B0C0]  }
0x20f: {  	v6 =	vmax.f32 v3, $0.0e+00;
	v3 =	vld [tilespmem:s5+$0x1B0D0]  }
0x210: {  	s6 =	simm.s32 $0x200;
	[tilespmem:s5+$0x1B080] =	vst v6;
	v6 =	vmax.f32 v5, $0.0e+00;
	v5 =	vld [tilespmem:s5+$0x1B0E0]  }
.LBB2_16:
0x211: {  	s7 =	sshra.s32 s6, $0x2;
	p1 =	sne.s32 s6, $0x9E00;
	[tilespmem:s5+$0x1B090] =	vst v6;
	v4 =	vmax.f32 v4, $0.0e+00;
	v6 =	vld [tilespmem:s5+$0x1B0F0]  }
0x212: {  	v7 =	vld [tilespmem:s7+$0x1B080];
	[tilespmem:s5+$0x1B0A0] =	vst v4;
	v2 =	vmax.f32 v2, $0.0e+00  }
0x213: {  	v8 =	vld [tilespmem:s7+$0x1B090];
	[tilespmem:s5+$0x1B0B0] =	vst v2;
	v1 =	vmax.f32 v1, $0.0e+00  }
.Ltmp9:
0x214: {  	v4 =	vld [tilespmem:s7+$0x1B0A0];
	[tilespmem:s5+$0x1B0C0] =	vst v1;
	v1 =	vmax.f32 v3, $0.0e+00;
	(pc) =	sbr.rel @p1 .LBB2_16-.Ltmp9, $4  }
0x215: {  	v2 =	vld [tilespmem:s7+$0x1B0B0];
	[tilespmem:s5+$0x1B0D0] =	vst v1;
	v3 =	vmax.f32 v5, $0.0e+00  }
0x216: {  	v1 =	vld [tilespmem:s7+$0x1B0C0];
	[tilespmem:s5+$0x1B0E0] =	vst v3;
	v5 =	vmax.f32 v6, $0.0e+00  }
0x217: {  	v6 =	vmax.f32 v7, $0.0e+00;
	v3 =	vld [tilespmem:s7+$0x1B0D0];
	[tilespmem:s5+$0x1B0F0] =	vst v5;
	s5 =	smov.u32 s7  }
0x218: {  	s6 =	sadd.s32 $0x200, s6;
	[tilespmem:s5+$0x1B080] =	vst v6;
	v6 =	vmax.f32 v8, $0.0e+00;
	v5 =	vld [tilespmem:s5+$0x1B0E0]  }
0x219: {  	[tilespmem:s5+$0x1B090] =	vst v6;
	v4 =	vmax.f32 v4, $0.0e+00;
	v6 =	vld [tilespmem:s5+$0x1B0F0]  }
0x21a: {  	[tilespmem:s5+$0x1B0A0] =	vst v4;
	v2 =	vmax.f32 v2, $0.0e+00  }
0x21b: {  	[tilespmem:s5+$0x1B0B0] =	vst v2;
	v1 =	vmax.f32 v1, $0.0e+00  }
0x21c: {  	[tilespmem:s5+$0x1B0C0] =	vst v1;
	v1 =	vmax.f32 v3, $0.0e+00  }
0x21d: {  	[tilespmem:s5+$0x1B0D0] =	vst v1;
	v1 =	vmax.f32 v5, $0.0e+00  }
0x21e: {  	[tilespmem:s5+$0x1B0E0] =	vst v1;
	v1 =	vmax.f32 v6, $0.0e+00  }
0x21f: {  	[tilespmem:s5+$0x1B0F0] =	vst v1  }
0x220: {  	[hbm4b:s20+s0] =	stream.strided.scatter [tilespmem:s30], [sflag:$0x2], $0x2800, s25, s0, $0x38;
	[tilespmem:$0x1F080] =	vst v63  }
0x221: {  	_ =	swait.ge [sflag:s26], $0x2800  }
0x222: {  	[sflag:s26] =	ssyncset.done $0x0  }
0x223: {  	[sflag:s26] =	ssyncadd.s32 $0xFFFFD800  }
0x224: {  	[tilespmem:s30], [sflag:$0x2] =	stream.linear.gather [spmem:s13], $0x2800, $0x38;
	[tilespmem:$0x1F080] =	vst v63  }
0x225: {  	_ =	swait.ge [sflag:s26], $0x2800  }
0x226: {  	[sflag:s26] =	ssyncset.done $0x0  }
0x227: {  	s5 =	simm.s32 $0x0;
	[sflag:s26] =	ssyncadd.s32 $0xFFFFD800  }
0x228: {  	v3 =	vld [tilespmem:s5+$0x1B080]  }
0x229: {  	v5 =	vld [tilespmem:s5+$0x1B090]  }
0x22a: {  	v4 =	vld [tilespmem:s5+$0x1B0A0]  }
0x22b: {  	v2 =	vld [tilespmem:s5+$0x1B0B0]  }
0x22c: {  	v1 =	vld [tilespmem:s5+$0x1B0C0]  }
0x22d: {  	v6 =	vmax.f32 v3, $0.0e+00;
	v3 =	vld [tilespmem:s5+$0x1B0D0]  }
0x22e: {  	s6 =	simm.s32 $0x200;
	[tilespmem:s5+$0x1B080] =	vst v6;
	v6 =	vmax.f32 v5, $0.0e+00;
	v5 =	vld [tilespmem:s5+$0x1B0E0]  }
.LBB2_18:
0x22f: {  	s7 =	sshra.s32 s6, $0x2;
	p1 =	sne.s32 s6, $0x9E00;
	[tilespmem:s5+$0x1B090] =	vst v6;
	v4 =	vmax.f32 v4, $0.0e+00;
	v6 =	vld [tilespmem:s5+$0x1B0F0]  }
0x230: {  	v7 =	vld [tilespmem:s7+$0x1B080];
	[tilespmem:s5+$0x1B0A0] =	vst v4;
	v2 =	vmax.f32 v2, $0.0e+00  }
0x231: {  	v8 =	vld [tilespmem:s7+$0x1B090];
	[tilespmem:s5+$0x1B0B0] =	vst v2;
	v1 =	vmax.f32 v1, $0.0e+00  }
.Ltmp10:
0x232: {  	v4 =	vld [tilespmem:s7+$0x1B0A0];
	[tilespmem:s5+$0x1B0C0] =	vst v1;
	v1 =	vmax.f32 v3, $0.0e+00;
	(pc) =	sbr.rel @p1 .LBB2_18-.Ltmp10, $4  }
0x233: {  	v2 =	vld [tilespmem:s7+$0x1B0B0];
	[tilespmem:s5+$0x1B0D0] =	vst v1;
	v3 =	vmax.f32 v5, $0.0e+00  }
0x234: {  	v1 =	vld [tilespmem:s7+$0x1B0C0];
	[tilespmem:s5+$0x1B0E0] =	vst v3;
	v5 =	vmax.f32 v6, $0.0e+00  }
0x235: {  	v6 =	vmax.f32 v7, $0.0e+00;
	v3 =	vld [tilespmem:s7+$0x1B0D0];
	[tilespmem:s5+$0x1B0F0] =	vst v5;
	s5 =	smov.u32 s7  }
0x236: {  	s6 =	sadd.s32 $0x200, s6;
	[tilespmem:s5+$0x1B080] =	vst v6;
	v6 =	vmax.f32 v8, $0.0e+00;
	v5 =	vld [tilespmem:s5+$0x1B0E0]  }
0x237: {  	[tilespmem:s5+$0x1B090] =	vst v6;
	v4 =	vmax.f32 v4, $0.0e+00;
	v6 =	vld [tilespmem:s5+$0x1B0F0]  }
0x238: {  	[tilespmem:s5+$0x1B0A0] =	vst v4;
	v2 =	vmax.f32 v2, $0.0e+00  }
0x239: {  	[tilespmem:s5+$0x1B0B0] =	vst v2;
	v1 =	vmax.f32 v1, $0.0e+00  }
0x23a: {  	[tilespmem:s5+$0x1B0C0] =	vst v1;
	v1 =	vmax.f32 v3, $0.0e+00  }
0x23b: {  	[tilespmem:s5+$0x1B0D0] =	vst v1;
	v1 =	vmax.f32 v5, $0.0e+00  }
0x23c: {  	[tilespmem:s5+$0x1B0E0] =	vst v1;
	v1 =	vmax.f32 v6, $0.0e+00  }
0x23d: {  	[tilespmem:s5+$0x1B0F0] =	vst v1  }
0x23e: {  	[hbm4b:s21+s0] =	stream.strided.scatter [tilespmem:s30], [sflag:$0x2], $0x2800, s25, s0, $0x38;
	[tilespmem:$0x1F080] =	vst v63  }
0x23f: {  	_ =	swait.ge [sflag:s26], $0x2800  }
0x240: {  	[sflag:s26] =	ssyncset.done $0x0  }
0x241: {  	[sflag:s26] =	ssyncadd.s32 $0xFFFFD800  }
0x242: {  	[tilespmem:s30], [sflag:$0x2] =	stream.linear.gather [spmem:s14], $0x2800, $0x38;
	[tilespmem:$0x1F080] =	vst v63  }
0x243: {  	_ =	swait.ge [sflag:s26], $0x2800  }
0x244: {  	[sflag:s26] =	ssyncset.done $0x0  }
0x245: {  	s5 =	simm.s32 $0x0;
	[sflag:s26] =	ssyncadd.s32 $0xFFFFD800  }
0x246: {  	v3 =	vld [tilespmem:s5+$0x1B080]  }
0x247: {  	v5 =	vld [tilespmem:s5+$0x1B090]  }
0x248: {  	v4 =	vld [tilespmem:s5+$0x1B0A0]  }
0x249: {  	v2 =	vld [tilespmem:s5+$0x1B0B0]  }
0x24a: {  	v1 =	vld [tilespmem:s5+$0x1B0C0]  }
0x24b: {  	v6 =	vmax.f32 v3, $0.0e+00;
	v3 =	vld [tilespmem:s5+$0x1B0D0]  }
0x24c: {  	s6 =	simm.s32 $0x200;
	[tilespmem:s5+$0x1B080] =	vst v6;
	v6 =	vmax.f32 v5, $0.0e+00;
	v5 =	vld [tilespmem:s5+$0x1B0E0]  }
.LBB2_20:
0x24d: {  	s7 =	sshra.s32 s6, $0x2;
	p1 =	sne.s32 s6, $0x9E00;
	[tilespmem:s5+$0x1B090] =	vst v6;
	v4 =	vmax.f32 v4, $0.0e+00;
	v6 =	vld [tilespmem:s5+$0x1B0F0]  }
0x24e: {  	v7 =	vld [tilespmem:s7+$0x1B080];
	[tilespmem:s5+$0x1B0A0] =	vst v4;
	v2 =	vmax.f32 v2, $0.0e+00  }
0x24f: {  	v8 =	vld [tilespmem:s7+$0x1B090];
	[tilespmem:s5+$0x1B0B0] =	vst v2;
	v1 =	vmax.f32 v1, $0.0e+00  }
.Ltmp11:
0x250: {  	v4 =	vld [tilespmem:s7+$0x1B0A0];
	[tilespmem:s5+$0x1B0C0] =	vst v1;
	v1 =	vmax.f32 v3, $0.0e+00;
	(pc) =	sbr.rel @p1 .LBB2_20-.Ltmp11, $4  }
0x251: {  	v2 =	vld [tilespmem:s7+$0x1B0B0];
	[tilespmem:s5+$0x1B0D0] =	vst v1;
	v3 =	vmax.f32 v5, $0.0e+00  }
0x252: {  	v1 =	vld [tilespmem:s7+$0x1B0C0];
	[tilespmem:s5+$0x1B0E0] =	vst v3;
	v5 =	vmax.f32 v6, $0.0e+00  }
0x253: {  	v6 =	vmax.f32 v7, $0.0e+00;
	v3 =	vld [tilespmem:s7+$0x1B0D0];
	[tilespmem:s5+$0x1B0F0] =	vst v5;
	s5 =	smov.u32 s7  }
0x254: {  	s6 =	sadd.s32 $0x200, s6;
	[tilespmem:s5+$0x1B080] =	vst v6;
	v6 =	vmax.f32 v8, $0.0e+00;
	v5 =	vld [tilespmem:s5+$0x1B0E0]  }
0x255: {  	[tilespmem:s5+$0x1B090] =	vst v6;
	v4 =	vmax.f32 v4, $0.0e+00;
	v63 =	vld [tilespmem:s5+$0x1B0F0]  }
0x256: {  	[tilespmem:s5+$0x1B0A0] =	vst v4;
	v2 =	vmax.f32 v2, $0.0e+00  }
0x257: {  	[tilespmem:s5+$0x1B0B0] =	vst v2;
	v1 =	vmax.f32 v1, $0.0e+00  }
0x258: {  	[tilespmem:s5+$0x1B0C0] =	vst v1;
	v1 =	vmax.f32 v3, $0.0e+00  }
0x259: {  	[tilespmem:s5+$0x1B0D0] =	vst v1;
	v1 =	vmax.f32 v5, $0.0e+00  }
0x25a: {  	[tilespmem:s5+$0x1B0E0] =	vst v1;
	v1 =	vmax.f32 v63, $0.0e+00  }
.Ltmp12:
0x25b: {  	[tilespmem:s5+$0x1B0F0] =	vst v1;
	(pc) =	sbr.rel @p0 .LBB2_25-.Ltmp12, $4  }
0x25c: {  	[hbm4b:s22+s0] =	stream.strided.scatter [tilespmem:s30], [sflag:$0x2], $0x2800, s25, s0, $0x38;
	[tilespmem:$0x1F080] =	vst v63  }
0x25d: {  	_ =	swait.ge [sflag:s26], $0x2800  }
0x25e: {  	[sflag:s26] =	ssyncset.done $0x0  }
0x25f: {  	[sflag:s26] =	ssyncadd.s32 $0xFFFFD800  }
0x260: {  	[tilespmem:s30], [sflag:$0x2] =	stream.linear.gather [spmem:s15], $0x2800, $0x38;
	[tilespmem:$0x1F080] =	vst v63  }
0x261: {  	_ =	swait.ge [sflag:s26], $0x2800  }
0x262: {  	[sflag:s26] =	ssyncset.done $0x0  }
0x263: {  	s5 =	simm.s32 $0x0;
	[sflag:s26] =	ssyncadd.s32 $0xFFFFD800  }
0x264: {  	v3 =	vld [tilespmem:s5+$0x1B080]  }
0x265: {  	v5 =	vld [tilespmem:s5+$0x1B090]  }
0x266: {  	v4 =	vld [tilespmem:s5+$0x1B0A0]  }
0x267: {  	v2 =	vld [tilespmem:s5+$0x1B0B0]  }
0x268: {  	v1 =	vld [tilespmem:s5+$0x1B0C0]  }
0x269: {  	v6 =	vmax.f32 v3, $0.0e+00;
	v3 =	vld [tilespmem:s5+$0x1B0D0]  }
0x26a: {  	s6 =	simm.s32 $0x200;
	[tilespmem:s5+$0x1B080] =	vst v6;
	v6 =	vmax.f32 v5, $0.0e+00;
	v5 =	vld [tilespmem:s5+$0x1B0E0]  }
.LBB2_23:
0x26b: {  	s7 =	sshra.s32 s6, $0x2;
	p1 =	sne.s32 s6, $0x9E00;
	[tilespmem:s5+$0x1B090] =	vst v6;
	v4 =	vmax.f32 v4, $0.0e+00;
	v6 =	vld [tilespmem:s5+$0x1B0F0]  }
0x26c: {  	v7 =	vld [tilespmem:s7+$0x1B080];
	[tilespmem:s5+$0x1B0A0] =	vst v4;
	v2 =	vmax.f32 v2, $0.0e+00  }
0x26d: {  	v8 =	vld [tilespmem:s7+$0x1B090];
	[tilespmem:s5+$0x1B0B0] =	vst v2;
	v1 =	vmax.f32 v1, $0.0e+00  }
.Ltmp13:
0x26e: {  	v4 =	vld [tilespmem:s7+$0x1B0A0];
	[tilespmem:s5+$0x1B0C0] =	vst v1;
	v1 =	vmax.f32 v3, $0.0e+00;
	(pc) =	sbr.rel @p1 .LBB2_23-.Ltmp13, $4  }
0x26f: {  	v2 =	vld [tilespmem:s7+$0x1B0B0];
	[tilespmem:s5+$0x1B0D0] =	vst v1;
	v3 =	vmax.f32 v5, $0.0e+00  }
0x270: {  	v1 =	vld [tilespmem:s7+$0x1B0C0];
	[tilespmem:s5+$0x1B0E0] =	vst v3;
	v5 =	vmax.f32 v6, $0.0e+00  }
0x271: {  	v6 =	vmax.f32 v7, $0.0e+00;
	v3 =	vld [tilespmem:s7+$0x1B0D0];
	[tilespmem:s5+$0x1B0F0] =	vst v5;
	s5 =	smov.u32 s7  }
0x272: {  	s6 =	sadd.s32 $0x200, s6;
	[tilespmem:s5+$0x1B080] =	vst v6;
	v6 =	vmax.f32 v8, $0.0e+00;
	v5 =	vld [tilespmem:s5+$0x1B0E0]  }
0x273: {  	[tilespmem:s5+$0x1B090] =	vst v6;
	v4 =	vmax.f32 v4, $0.0e+00;
	v63 =	vld [tilespmem:s5+$0x1B0F0]  }
0x274: {  	[tilespmem:s5+$0x1B0A0] =	vst v4;
	v2 =	vmax.f32 v2, $0.0e+00  }
0x275: {  	[tilespmem:s5+$0x1B0B0] =	vst v2;
	v1 =	vmax.f32 v1, $0.0e+00  }
0x276: {  	[tilespmem:s5+$0x1B0C0] =	vst v1;
	v1 =	vmax.f32 v3, $0.0e+00  }
0x277: {  	[tilespmem:s5+$0x1B0D0] =	vst v1;
	v1 =	vmax.f32 v5, $0.0e+00  }
0x278: {  	[tilespmem:s5+$0x1B0E0] =	vst v1;
	v1 =	vmax.f32 v63, $0.0e+00  }
.Ltmp14:
0x279: {  	s29 =	rddreg [dreg:$0x7];
	[tilespmem:s5+$0x1B0F0] =	vst v1;
	(pc) =	sbr.rel .LBB2_25-.Ltmp14, $4  }
0x27a: {  	[hbm4b:s29+s0] =	stream.strided.scatter [tilespmem:s30], [sflag:$0x2], $0x2800, s25, s0, $0x38;
	[tilespmem:$0x1F080] =	vst v63  }
0x27b: {  	_ =	swait.ge [sflag:s26], $0x2800  }
0x27c: {  	[sflag:s26] =	ssyncset.done $0x0  }
0x27d: {  	[sflag:s26] =	ssyncadd.s32 $0xFFFFD800  }
.LBB2_26:
0x27e: {  	_ =	sfence.sel $0x180000  }
0x27f: {  	[bflag:$0x0] =	sbarrier.arrive $0xFFFF  }
0x280: {  	_ =	strace $0x90000047  }
0x281: {  	s0 =	stileid.u32;
	[bflag:$0x2] =	sbarrier.arrive $0xFFFF  }
0x282: {  	p0 =	sne.s32 s0, $0x0;
	s0 =	rddreg [dreg:$0x3]  }
0x283: {  	s0 =	sadd.s32 @!p0 $0x100000, s0  }
0x284: {  	[sflag:s0] =	ssyncadd.tile.s32 @!p0 $0x1;
	_ =	shalt  }
.Lfunc_end2:
_tile_overlayer_lowered:
.L_overlay_start_2:
0x285: {  	(tag) =	ssettag $0x2  }
0x286: {  	s0 =	rddreg [dreg:$0x0];
	s2 =	stileid.u32  }
0x287: {  	s1 =	rddreg [dreg:$0x1];
	p0 =	sne.s32 s2, $0x0  }
0x288: {  	s3 =	rddreg [dreg:$0x2];
	[bflag:$0x3] =	sbarrier.arrive $0xFFFF;
	s2 =	simm.s32 @!p0 $0x1C02  }
0x289: {  	[timem:s3], [sflag:s2] =	dma.local @!p0 [hbm:s0], s1  }
0x28a: {  	s0 =	simm.s32 @!p0 $0x2  }
0x28b: {  	_ =	swait.ge @!p0 [sflag:s0], s1  }
0x28c: {  	s1 =	ssub.s32 @!p0 $0x0, s1;
	[sflag:s0] =	ssyncset.done @!p0 $0x0  }
0x28d: {  	[sflag:s0] =	ssyncadd.s32 @!p0 s1  }
0x28e: {  	[bflag:$0x3] =	sbarrier.arrive $0xFFFF  }
0x28f: {  	_ =	shalt  }

</sc_bundles>
